<compile_context>
chip_gen: v7x
topology: tpu7x:2x2x1
jax: 0.10.2.dev20260603
libtpu: 0.0.44.dev20260713+nightly
codegen_flags: <defaults>
</compile_context>

<pallas_src>
import functools

import jax
import jax.numpy as jnp
from jax import lax
from jax.experimental import pallas as pl
from jax.experimental.pallas import tpu as pltpu
from jax.experimental.pallas import tpu_sc as plsc

_NC = 2
_NS = 16
_NW = _NC * _NS


@functools.lru_cache(maxsize=None)
def _make_proj(V1, D, V1p, L, BR=16384):
    grid = (V1p + BR - 1) // BR
    inv_l = 1.0 / L

    def body(tab_ref, w_ref, b_ref, q1_ref, p2_ref):
        q = lax.dot_general(
            w_ref[...], tab_ref[...],
            (((1,), (0,)), ((), ())),
            preferred_element_type=jnp.float32,
        )
        q1_ref[...] = q[0, :] * inv_l
        p2_ref[...] = q[1, :] + b_ref[...][0, 0]

    return pl.pallas_call(
        body,
        grid=(grid,),
        in_specs=[
            pl.BlockSpec((D, BR), lambda i: (0, i)),
            pl.BlockSpec((2, D), lambda i: (0, 0)),
            pl.BlockSpec((1, 1), lambda i: (0, 0)),
        ],
        out_specs=[
            pl.BlockSpec((BR,), lambda i: (i,)),
            pl.BlockSpec((BR,), lambda i: (i,)),
        ],
        out_shape=[
            jax.ShapeDtypeStruct((V1p,), jnp.float32),
            jax.ShapeDtypeStruct((V1p,), jnp.float32),
        ],
    )


@functools.lru_cache(maxsize=None)
def _make_sc(B, L, V1p):
    RW = B // _NW
    CH = 64
    NCH = RW // CH
    IDXN = CH * L
    G16 = CH // 16
    U = 8
    assert L % U == 0 and RW % CH == 0 and RW % 16 == 0

    mesh = plsc.VectorSubcoreMesh(core_axis_name="c", subcore_axis_name="s")

    def body(seq_hbm, tgt_hbm, q1_hbm, p2_hbm, out_hbm,
             q1_sp, idx0, idx1, val0, val1, tgti, tgtv, outv, s0, s1, st):
        c = lax.axis_index("c")
        s = lax.axis_index("s")
        wid = s * _NC + c
        rbase = wid * RW
        fbase = rbase * L

        @pl.when(s == 0)
        def _stage():
            pltpu.sync_copy(q1_hbm, q1_sp)

        pltpu.sync_copy(tgt_hbm.at[pl.ds(rbase, RW)], tgti)
        tcp = pltpu.async_copy(p2_hbm.at[tgti], tgtv, st)

        idx = (idx0, idx1)
        val = (val0, val1)
        sem = (s0, s1)
        pltpu.sync_copy(seq_hbm.at[pl.ds(fbase, IDXN)], idx0)
        plsc.subcore_barrier()
        cps = [pltpu.async_copy(q1_sp.at[idx0], val0, s0), None]

        iota16 = lax.broadcasted_iota(jnp.int32, (16,), 0)

        for g in range(NCH):
            cur, nxt = g % 2, (g + 1) % 2
            if g + 1 < NCH:
                pltpu.sync_copy(
                    seq_hbm.at[pl.ds(fbase + (g + 1) * IDXN, IDXN)], idx[nxt])
                cps[nxt] = pltpu.async_copy(q1_sp.at[idx[nxt]], val[nxt], sem[nxt])
            cps[cur].wait()
            vref = val[cur]
            for grp in range(G16):
                iv0 = iota16 * L + (grp * 16 * L)

                def red_body(_, carry, vref=vref):
                    acc, iv = carry
                    for _u in range(U):
                        acc = acc + plsc.load_gather(vref, [iv])
                        iv = iv + 1
                    return acc, iv

                acc, _ = lax.fori_loop(
                    0, L // U, red_body,
                    (jnp.zeros((16,), jnp.float32), iv0))
                outv[pl.ds(g * CH + grp * 16, 16)] = acc

        tcp.wait()
        for i in range(RW // 16):
            sl = pl.ds(i * 16, 16)
            outv[sl] = outv[sl] + tgtv[sl]
        pltpu.sync_copy(outv, out_hbm.at[pl.ds(rbase, RW)])

    return pl.kernel(
        body,
        out_type=jax.ShapeDtypeStruct((B,), jnp.float32),
        mesh=mesh,
        compiler_params=pltpu.CompilerParams(needs_layout_passes=False),
        scratch_types=[
            pltpu.VMEM_SHARED((V1p,), jnp.float32),
            pltpu.VMEM((IDXN,), jnp.int32),
            pltpu.VMEM((IDXN,), jnp.int32),
            pltpu.VMEM((IDXN,), jnp.float32),
            pltpu.VMEM((IDXN,), jnp.float32),
            pltpu.VMEM((RW,), jnp.int32),
            pltpu.VMEM((RW,), jnp.float32),
            pltpu.VMEM((RW,), jnp.float32),
            pltpu.SemaphoreType.DMA,
            pltpu.SemaphoreType.DMA,
            pltpu.SemaphoreType.DMA,
        ],
    )


def kernel(input_seq, target_item, table, W, b):
    B, L = input_seq.shape
    V1, D = table.shape
    V1p = (V1 + 127) // 128 * 128
    q1, p2 = _make_proj(V1, D, V1p, L)(
        jnp.transpose(table), W.reshape(2, D), b.reshape(1, 1))
    seq_flat = input_seq.astype(jnp.int32).reshape(B * L)
    out = _make_sc(B, L, V1p)(
        seq_flat, target_item.astype(jnp.int32), q1, p2)
    return out.reshape(B, 1)

# --- scband reference (transcript-rebuilt; emitter-appended) ---
"""Pipeline reference for scband-sequence-rec-30322469109937 (READ-ONLY COPY).

The authoritative reference and input builder live on the scoring server;
editing this copy changes nothing except your own understanding.
"""

import jax, jax.numpy as jnp
import numpy as np

B = 16384
L = 200
V = 1000000
D = 32


def setup_inputs(seed: int = 0) -> dict:
    key = jax.random.key(seed)
    k1, k2, k3, k4, k5 = jax.random.split(key, 5)
    input_seq = jax.random.randint(k1, (B, L), 0, V)
    target_item = jax.random.randint(k2, (B,), 0, V)
    # nn.Embedding(num_items + 1, embedding_dim, padding_idx=num_items)
    table = jax.random.normal(k3, (V + 1, D), dtype=jnp.float32)
    table = table.at[V].set(0.0)  # padding row zeroed like torch padding_idx
    # nn.Linear(embedding_dim * 2, 1)
    limit = 1.0 / np.sqrt(2 * D)
    W = jax.random.uniform(k4, (1, 2 * D), dtype=jnp.float32, minval=-limit, maxval=limit)
    b = jax.random.uniform(k5, (1,), dtype=jnp.float32, minval=-limit, maxval=limit)
    return {"input_seq": input_seq, "target_item": target_item, "table": table, "W": W, "b": b}


def reference(input_seq, target_item, table, W, b):
    padding_idx = table.shape[0] - 1
    input_seq = jnp.where(input_seq == -1, padding_idx, input_seq)
    target_item = jnp.where(target_item == -1, padding_idx, target_item)
    embedded_seq = jnp.take(table, input_seq, axis=0)           # [B, L, D] gather
    pooled_output = embedded_seq.mean(axis=1)                    # [B, D]
    embedded_target = jnp.take(table, target_item, axis=0)       # [B, D] gather
    combined = jnp.concatenate([pooled_output, embedded_target], axis=1)  # [B, 2D]
    output_ratings = combined @ W.T + b                          # [B, 1]
    return output_ratings

if __name__ == "__main__":
    import jax
    _d = setup_inputs()
    print(jax.jit(kernel)(*tuple(_d.values())))

</pallas_src>

<mosaic_0001>
#map = affine_map<(d0, d1) -> (0)>
module attributes {stable_mosaic.version = 14 : i64} {
  func.func @body(%arg0: i32, %arg1: i32, %arg2: memref<3276800xi32, #tpu.memory_space<hbm>>, %arg3: memref<16384xi32, #tpu.memory_space<hbm>>, %arg4: memref<1000064xf32, #tpu.memory_space<hbm>>, %arg5: memref<1000064xf32, #tpu.memory_space<hbm>>, %arg6: memref<16384xf32, #tpu.memory_space<hbm>>, %arg7: memref<1000064xf32, #tpu.memory_space<vmem_shared>>, %arg8: memref<12800xi32, #tpu.memory_space<vmem>>, %arg9: memref<12800xi32, #tpu.memory_space<vmem>>, %arg10: memref<12800xf32, #tpu.memory_space<vmem>>, %arg11: memref<12800xf32, #tpu.memory_space<vmem>>, %arg12: memref<512xi32, #tpu.memory_space<vmem>>, %arg13: memref<512xf32, #tpu.memory_space<vmem>>, %arg14: memref<512xf32, #tpu.memory_space<vmem>>, %arg15: memref<!tpu.dma_semaphore, #tpu.memory_space<semaphore_mem>>, %arg16: memref<!tpu.dma_semaphore, #tpu.memory_space<semaphore_mem>>, %arg17: memref<!tpu.dma_semaphore, #tpu.memory_space<semaphore_mem>>) attributes {dimension_semantics = [#tpu.dimension_semantics<core_parallel>, #tpu.dimension_semantics<subcore_parallel>], iteration_bounds = array<i64: 2, 16>, scalar_prefetch = 0 : i64, scratch_operands = 11 : i64, tpu.core_type = #tpu.core_type<sc_vector_subcore>, window_params = [{transform_indices = #map}, {transform_indices = #map}, {transform_indices = #map}, {transform_indices = #map}, {transform_indices = #map}]} {
    %mul3A = arith.constant 2 : i32
    %mul3A_0 = arith.muli %arg1, %mul3A : i32
    %add3A = arith.addi %mul3A_0, %arg0 : i32
    %mul3A_1 = arith.constant 512 : i32
    %mul3A_2 = arith.muli %add3A, %mul3A_1 : i32
    %mul3A_3 = arith.constant 200 : i32
    %mul3A_4 = arith.muli %mul3A_2, %mul3A_3 : i32
    %eq3A = arith.constant 0 : i32
    %eq3A_5 = arith.cmpi eq, %arg1, %eq3A : i32
    %convert_element_type3A = arith.extui %eq3A_5 : i1 to i32
    %cond3A = arith.constant 0 : i32
    %cond3A_6 = arith.cmpi ne, %convert_element_type3A, %cond3A : i32
    scf.if %cond3A_6 {
      "tpu.region"() ({
        %run_scoped3A = tpu.sem_alloc : memref<!tpu.dma_semaphore, #tpu.memory_space<semaphore_mem>>
        tpu.enqueue_dma source(%arg4 : memref<1000064xf32, #tpu.memory_space<hbm>>) target(%arg7 : memref<1000064xf32, #tpu.memory_space<vmem_shared>>) target_semaphore(%run_scoped3A : memref<!tpu.dma_semaphore, #tpu.memory_space<semaphore_mem>>)
        tpu.wait_dma2 semaphore(%run_scoped3A : memref<!tpu.dma_semaphore, #tpu.memory_space<semaphore_mem>>) src(%arg4 : memref<1000064xf32, #tpu.memory_space<hbm>>) dst(%arg7 : memref<1000064xf32, #tpu.memory_space<vmem_shared>>)
        tpu.yield
      }) : () -> ()
    } else {
    }
    "tpu.region"() ({
      %run_scoped3A = tpu.sem_alloc : memref<!tpu.dma_semaphore, #tpu.memory_space<semaphore_mem>>
      %dma_start3A_787 = tpu.memref_slice %arg3[%mul3A_2] : memref<16384xi32, #tpu.memory_space<hbm>> -> memref<512xi32, #tpu.memory_space<hbm>>
      %dma_start3A_788 = tpu.memref_slice %arg3[%mul3A_2] : memref<16384xi32, #tpu.memory_space<hbm>> -> memref<512xi32, #tpu.memory_space<hbm>>
      tpu.enqueue_dma source(%dma_start3A_788 : memref<512xi32, #tpu.memory_space<hbm>>) target(%arg12 : memref<512xi32, #tpu.memory_space<vmem>>) target_semaphore(%run_scoped3A : memref<!tpu.dma_semaphore, #tpu.memory_space<semaphore_mem>>)
      %dma_wait3A_789 = tpu.memref_slice %arg3[%mul3A_2] : memref<16384xi32, #tpu.memory_space<hbm>> -> memref<512xi32, #tpu.memory_space<hbm>>
      %dma_wait3A_790 = tpu.memref_slice %arg3[%mul3A_2] : memref<16384xi32, #tpu.memory_space<hbm>> -> memref<512xi32, #tpu.memory_space<hbm>>
      tpu.wait_dma2 semaphore(%run_scoped3A : memref<!tpu.dma_semaphore, #tpu.memory_space<semaphore_mem>>) src(%dma_wait3A_790 : memref<512xi32, #tpu.memory_space<hbm>>) dst(%arg12 : memref<512xi32, #tpu.memory_space<vmem>>)
      tpu.yield
    }) : () -> ()
    %dma_start3A = arith.constant 0 : i32
    %dma_start3A_7 = tpu.memref_slice %arg5[%dma_start3A] : memref<1000064xf32, #tpu.memory_space<hbm>> -> memref<1000064xf32, #tpu.memory_space<hbm>>
    tpu.enqueue_indirect_dma source(%dma_start3A_7 : memref<1000064xf32, #tpu.memory_space<hbm>>) target(%arg13 : memref<512xf32, #tpu.memory_space<vmem>>) offsets(%arg12 : memref<512xi32, #tpu.memory_space<vmem>>) semaphore(%arg17 : memref<!tpu.dma_semaphore, #tpu.memory_space<semaphore_mem>>)
    "tpu.region"() ({
      %run_scoped3A = tpu.sem_alloc : memref<!tpu.dma_semaphore, #tpu.memory_space<semaphore_mem>>
      %dma_start3A_787 = tpu.memref_slice %arg2[%mul3A_4] : memref<3276800xi32, #tpu.memory_space<hbm>> -> memref<12800xi32, #tpu.memory_space<hbm>>
      %dma_start3A_788 = tpu.memref_slice %arg2[%mul3A_4] : memref<3276800xi32, #tpu.memory_space<hbm>> -> memref<12800xi32, #tpu.memory_space<hbm>>
      tpu.enqueue_dma source(%dma_start3A_788 : memref<12800xi32, #tpu.memory_space<hbm>>) target(%arg8 : memref<12800xi32, #tpu.memory_space<vmem>>) target_semaphore(%run_scoped3A : memref<!tpu.dma_semaphore, #tpu.memory_space<semaphore_mem>>)
      %dma_wait3A_789 = tpu.memref_slice %arg2[%mul3A_4] : memref<3276800xi32, #tpu.memory_space<hbm>> -> memref<12800xi32, #tpu.memory_space<hbm>>
      %dma_wait3A_790 = tpu.memref_slice %arg2[%mul3A_4] : memref<3276800xi32, #tpu.memory_space<hbm>> -> memref<12800xi32, #tpu.memory_space<hbm>>
      tpu.wait_dma2 semaphore(%run_scoped3A : memref<!tpu.dma_semaphore, #tpu.memory_space<semaphore_mem>>) src(%dma_wait3A_790 : memref<12800xi32, #tpu.memory_space<hbm>>) dst(%arg8 : memref<12800xi32, #tpu.memory_space<vmem>>)
      tpu.yield
    }) : () -> ()
    %barrier3A = arith.constant 0 : index
    tpu.barrier barrier_id(%barrier3A)
    %dma_start3A_8 = arith.constant 0 : i32
    %dma_start3A_9 = tpu.memref_slice %arg7[%dma_start3A_8] : memref<1000064xf32, #tpu.memory_space<vmem_shared>> -> memref<1000064xf32, #tpu.memory_space<vmem_shared>>
    tpu.enqueue_indirect_dma source(%dma_start3A_9 : memref<1000064xf32, #tpu.memory_space<vmem_shared>>) target(%arg10 : memref<12800xf32, #tpu.memory_space<vmem>>) offsets(%arg8 : memref<12800xi32, #tpu.memory_space<vmem>>) semaphore(%arg15 : memref<!tpu.dma_semaphore, #tpu.memory_space<semaphore_mem>>)
    %iota3A = tpu.iota {dimensions = array<i32: 0>} : vector<16xi32>
    %add3A_10 = arith.constant 12800 : i32
    %add3A_11 = arith.addi %mul3A_4, %add3A_10 : i32
    "tpu.region"() ({
      %run_scoped3A = tpu.sem_alloc : memref<!tpu.dma_semaphore, #tpu.memory_space<semaphore_mem>>
      %dma_start3A_787 = tpu.memref_slice %arg2[%add3A_11] : memref<3276800xi32, #tpu.memory_space<hbm>> -> memref<12800xi32, #tpu.memory_space<hbm>>
      %dma_start3A_788 = tpu.memref_slice %arg2[%add3A_11] : memref<3276800xi32, #tpu.memory_space<hbm>> -> memref<12800xi32, #tpu.memory_space<hbm>>
      tpu.enqueue_dma source(%dma_start3A_788 : memref<12800xi32, #tpu.memory_space<hbm>>) target(%arg9 : memref<12800xi32, #tpu.memory_space<vmem>>) target_semaphore(%run_scoped3A : memref<!tpu.dma_semaphore, #tpu.memory_space<semaphore_mem>>)
      %dma_wait3A_789 = tpu.memref_slice %arg2[%add3A_11] : memref<3276800xi32, #tpu.memory_space<hbm>> -> memref<12800xi32, #tpu.memory_space<hbm>>
      %dma_wait3A_790 = tpu.memref_slice %arg2[%add3A_11] : memref<3276800xi32, #tpu.memory_space<hbm>> -> memref<12800xi32, #tpu.memory_space<hbm>>
      tpu.wait_dma2 semaphore(%run_scoped3A : memref<!tpu.dma_semaphore, #tpu.memory_space<semaphore_mem>>) src(%dma_wait3A_790 : memref<12800xi32, #tpu.memory_space<hbm>>) dst(%arg9 : memref<12800xi32, #tpu.memory_space<vmem>>)
      tpu.yield
    }) : () -> ()
    %dma_start3A_12 = arith.constant 0 : i32
    %dma_start3A_13 = tpu.memref_slice %arg7[%dma_start3A_12] : memref<1000064xf32, #tpu.memory_space<vmem_shared>> -> memref<1000064xf32, #tpu.memory_space<vmem_shared>>
    tpu.enqueue_indirect_dma source(%dma_start3A_13 : memref<1000064xf32, #tpu.memory_space<vmem_shared>>) target(%arg11 : memref<12800xf32, #tpu.memory_space<vmem>>) offsets(%arg9 : memref<12800xi32, #tpu.memory_space<vmem>>) semaphore(%arg16 : memref<!tpu.dma_semaphore, #tpu.memory_space<semaphore_mem>>)
    %dma_wait3A = arith.constant 0 : i32
    %dma_wait3A_14 = tpu.memref_slice %arg7[%dma_wait3A] : memref<1000064xf32, #tpu.memory_space<vmem_shared>> -> memref<1000064xf32, #tpu.memory_space<vmem_shared>>
    tpu.wait_indirect_dma semaphore(%arg15 : memref<!tpu.dma_semaphore, #tpu.memory_space<semaphore_mem>>) src(%dma_wait3A_14 : memref<1000064xf32, #tpu.memory_space<vmem_shared>>) dst(%arg10 : memref<12800xf32, #tpu.memory_space<vmem>>)
    %mul3A_15 = arith.constant 200 : i32
    %mul3A_16 = vector.broadcast %mul3A_15 : i32 to vector<16xi32>
    %mul3A_17 = arith.muli %iota3A, %mul3A_16 : vector<16xi32>
    %add3A_18 = arith.constant 0 : i32
    %add3A_19 = vector.broadcast %add3A_18 : i32 to vector<16xi32>
    %add3A_20 = arith.addi %mul3A_17, %add3A_19 : vector<16xi32>
    %broadcast_in_dim3A = arith.constant 0.000000e+00 : f32
    %broadcast_in_dim3A_21 = vector.broadcast %broadcast_in_dim3A : f32 to vector<16xf32>
    %scan3A = arith.constant 0 : i32
    %scan3A_22 = arith.constant 25 : i32
    %scan3A_23 = arith.addi %scan3A, %scan3A_22 : i32
    %scan3A_24 = arith.constant 1 : i32
    %scan3A_25:2 = scf.for %scan3A_787 = %scan3A to %scan3A_23 step %scan3A_24 iter_args(%scan3A_788 = %broadcast_in_dim3A_21, %scan3A_789 = %add3A_20) -> (vector<16xf32>, vector<16xi32>)  : i32 {
      %gather3A = tpu.vector_load_idx %arg10[%scan3A_789] : memref<12800xf32, #tpu.memory_space<vmem>>[vector<16xi32>], vector<16xf32>,
      %add3A_790 = arith.addf %scan3A_788, %gather3A : vector<16xf32>
      %add3A_791 = arith.constant 1 : i32
      %add3A_792 = vector.broadcast %add3A_791 : i32 to vector<16xi32>
      %add3A_793 = arith.addi %scan3A_789, %add3A_792 : vector<16xi32>
      %gather3A_794 = tpu.vector_load_idx %arg10[%add3A_793] : memref<12800xf32, #tpu.memory_space<vmem>>[vector<16xi32>], vector<16xf32>,
      %add3A_795 = arith.addf %add3A_790, %gather3A_794 : vector<16xf32>
      %add3A_796 = arith.constant 1 : i32
      %add3A_797 = vector.broadcast %add3A_796 : i32 to vector<16xi32>
      %add3A_798 = arith.addi %add3A_793, %add3A_797 : vector<16xi32>
      %gather3A_799 = tpu.vector_load_idx %arg10[%add3A_798] : memref<12800xf32, #tpu.memory_space<vmem>>[vector<16xi32>], vector<16xf32>,
      %add3A_800 = arith.addf %add3A_795, %gather3A_799 : vector<16xf32>
      %add3A_801 = arith.constant 1 : i32
      %add3A_802 = vector.broadcast %add3A_801 : i32 to vector<16xi32>
      %add3A_803 = arith.addi %add3A_798, %add3A_802 : vector<16xi32>
      %gather3A_804 = tpu.vector_load_idx %arg10[%add3A_803] : memref<12800xf32, #tpu.memory_space<vmem>>[vector<16xi32>], vector<16xf32>,
      %add3A_805 = arith.addf %add3A_800, %gather3A_804 : vector<16xf32>
      %add3A_806 = arith.constant 1 : i32
      %add3A_807 = vector.broadcast %add3A_806 : i32 to vector<16xi32>
      %add3A_808 = arith.addi %add3A_803, %add3A_807 : vector<16xi32>
      %gather3A_809 = tpu.vector_load_idx %arg10[%add3A_808] : memref<12800xf32, #tpu.memory_space<vmem>>[vector<16xi32>], vector<16xf32>,
      %add3A_810 = arith.addf %add3A_805, %gather3A_809 : vector<16xf32>
      %add3A_811 = arith.constant 1 : i32
      %add3A_812 = vector.broadcast %add3A_811 : i32 to vector<16xi32>
      %add3A_813 = arith.addi %add3A_808, %add3A_812 : vector<16xi32>
      %gather3A_814 = tpu.vector_load_idx %arg10[%add3A_813] : memref<12800xf32, #tpu.memory_space<vmem>>[vector<16xi32>], vector<16xf32>,
      %add3A_815 = arith.addf %add3A_810, %gather3A_814 : vector<16xf32>
      %add3A_816 = arith.constant 1 : i32
      %add3A_817 = vector.broadcast %add3A_816 : i32 to vector<16xi32>
      %add3A_818 = arith.addi %add3A_813, %add3A_817 : vector<16xi32>
      %gather3A_819 = tpu.vector_load_idx %arg10[%add3A_818] : memref<12800xf32, #tpu.memory_space<vmem>>[vector<16xi32>], vector<16xf32>,
      %add3A_820 = arith.addf %add3A_815, %gather3A_819 : vector<16xf32>
      %add3A_821 = arith.constant 1 : i32
      %add3A_822 = vector.broadcast %add3A_821 : i32 to vector<16xi32>
      %add3A_823 = arith.addi %add3A_818, %add3A_822 : vector<16xi32>
      %gather3A_824 = tpu.vector_load_idx %arg10[%add3A_823] : memref<12800xf32, #tpu.memory_space<vmem>>[vector<16xi32>], vector<16xf32>,
      %add3A_825 = arith.addf %add3A_820, %gather3A_824 : vector<16xf32>
      %add3A_826 = arith.constant 1 : i32
      %add3A_827 = vector.broadcast %add3A_826 : i32 to vector<16xi32>
      %add3A_828 = arith.addi %add3A_823, %add3A_827 : vector<16xi32>
      scf.yield %add3A_825, %add3A_828 : vector<16xf32>, vector<16xi32>
    }
    %scan3A_26 = arith.constant 25 : i32
    %swap3A = arith.constant 0 : index
    %swap3A_27 = tpu.vector_load %arg14[%swap3A] {strides = array<i32>} : memref<512xf32, #tpu.memory_space<vmem>>, vector<16xf32>,
    tpu.vector_store %arg14[%swap3A], %scan3A_25#0 {strides = array<i32>} : memref<512xf32, #tpu.memory_space<vmem>>, vector<16xf32>,
    %mul3A_28 = arith.constant 200 : i32
    %mul3A_29 = vector.broadcast %mul3A_28 : i32 to vector<16xi32>
    %mul3A_30 = arith.muli %iota3A, %mul3A_29 : vector<16xi32>
    %add3A_31 = arith.constant 3200 : i32
    %add3A_32 = vector.broadcast %add3A_31 : i32 to vector<16xi32>
    %add3A_33 = arith.addi %mul3A_30, %add3A_32 : vector<16xi32>
    %broadcast_in_dim3A_34 = arith.constant 0.000000e+00 : f32
    %broadcast_in_dim3A_35 = vector.broadcast %broadcast_in_dim3A_34 : f32 to vector<16xf32>
    %scan3A_36 = arith.constant 0 : i32
    %scan3A_37 = arith.constant 25 : i32
    %scan3A_38 = arith.addi %scan3A_36, %scan3A_37 : i32
    %scan3A_39 = arith.constant 1 : i32
    %scan3A_40:2 = scf.for %scan3A_787 = %scan3A_36 to %scan3A_38 step %scan3A_39 iter_args(%scan3A_788 = %broadcast_in_dim3A_35, %scan3A_789 = %add3A_33) -> (vector<16xf32>, vector<16xi32>)  : i32 {
      %gather3A = tpu.vector_load_idx %arg10[%scan3A_789] : memref<12800xf32, #tpu.memory_space<vmem>>[vector<16xi32>], vector<16xf32>,
      %add3A_790 = arith.addf %scan3A_788, %gather3A : vector<16xf32>
      %add3A_791 = arith.constant 1 : i32
      %add3A_792 = vector.broadcast %add3A_791 : i32 to vector<16xi32>
      %add3A_793 = arith.addi %scan3A_789, %add3A_792 : vector<16xi32>
      %gather3A_794 = tpu.vector_load_idx %arg10[%add3A_793] : memref<12800xf32, #tpu.memory_space<vmem>>[vector<16xi32>], vector<16xf32>,
      %add3A_795 = arith.addf %add3A_790, %gather3A_794 : vector<16xf32>
      %add3A_796 = arith.constant 1 : i32
      %add3A_797 = vector.broadcast %add3A_796 : i32 to vector<16xi32>
      %add3A_798 = arith.addi %add3A_793, %add3A_797 : vector<16xi32>
      %gather3A_799 = tpu.vector_load_idx %arg10[%add3A_798] : memref<12800xf32, #tpu.memory_space<vmem>>[vector<16xi32>], vector<16xf32>,
      %add3A_800 = arith.addf %add3A_795, %gather3A_799 : vector<16xf32>
      %add3A_801 = arith.constant 1 : i32
      %add3A_802 = vector.broadcast %add3A_801 : i32 to vector<16xi32>
      %add3A_803 = arith.addi %add3A_798, %add3A_802 : vector<16xi32>
      %gather3A_804 = tpu.vector_load_idx %arg10[%add3A_803] : memref<12800xf32, #tpu.memory_space<vmem>>[vector<16xi32>], vector<16xf32>,
      %add3A_805 = arith.addf %add3A_800, %gather3A_804 : vector<16xf32>
      %add3A_806 = arith.constant 1 : i32
      %add3A_807 = vector.broadcast %add3A_806 : i32 to vector<16xi32>
      %add3A_808 = arith.addi %add3A_803, %add3A_807 : vector<16xi32>
      %gather3A_809 = tpu.vector_load_idx %arg10[%add3A_808] : memref<12800xf32, #tpu.memory_space<vmem>>[vector<16xi32>], vector<16xf32>,
      %add3A_810 = arith.addf %add3A_805, %gather3A_809 : vector<16xf32>
      %add3A_811 = arith.constant 1 : i32
      %add3A_812 = vector.broadcast %add3A_811 : i32 to vector<16xi32>
      %add3A_813 = arith.addi %add3A_808, %add3A_812 : vector<16xi32>
      %gather3A_814 = tpu.vector_load_idx %arg10[%add3A_813] : memref<12800xf32, #tpu.memory_space<vmem>>[vector<16xi32>], vector<16xf32>,
      %add3A_815 = arith.addf %add3A_810, %gather3A_814 : vector<16xf32>
      %add3A_816 = arith.constant 1 : i32
      %add3A_817 = vector.broadcast %add3A_816 : i32 to vector<16xi32>
      %add3A_818 = arith.addi %add3A_813, %add3A_817 : vector<16xi32>
      %gather3A_819 = tpu.vector_load_idx %arg10[%add3A_818] : memref<12800xf32, #tpu.memory_space<vmem>>[vector<16xi32>], vector<16xf32>,
      %add3A_820 = arith.addf %add3A_815, %gather3A_819 : vector<16xf32>
      %add3A_821 = arith.constant 1 : i32
      %add3A_822 = vector.broadcast %add3A_821 : i32 to vector<16xi32>
      %add3A_823 = arith.addi %add3A_818, %add3A_822 : vector<16xi32>
      %gather3A_824 = tpu.vector_load_idx %arg10[%add3A_823] : memref<12800xf32, #tpu.memory_space<vmem>>[vector<16xi32>], vector<16xf32>,
      %add3A_825 = arith.addf %add3A_820, %gather3A_824 : vector<16xf32>
      %add3A_826 = arith.constant 1 : i32
      %add3A_827 = vector.broadcast %add3A_826 : i32 to vector<16xi32>
      %add3A_828 = arith.addi %add3A_823, %add3A_827 : vector<16xi32>
      scf.yield %add3A_825, %add3A_828 : vector<16xf32>, vector<16xi32>
    }
    %scan3A_41 = arith.constant 25 : i32
    %swap3A_42 = arith.constant 16 : index
    %swap3A_43 = tpu.vector_load %arg14[%swap3A_42] {strides = array<i32>} : memref<512xf32, #tpu.memory_space<vmem>>, vector<16xf32>,
    tpu.vector_store %arg14[%swap3A_42], %scan3A_40#0 {strides = array<i32>} : memref<512xf32, #tpu.memory_space<vmem>>, vector<16xf32>,
    %mul3A_44 = arith.constant 200 : i32
    %mul3A_45 = vector.broadcast %mul3A_44 : i32 to vector<16xi32>
    %mul3A_46 = arith.muli %iota3A, %mul3A_45 : vector<16xi32>
    %add3A_47 = arith.constant 6400 : i32
    %add3A_48 = vector.broadcast %add3A_47 : i32 to vector<16xi32>
    %add3A_49 = arith.addi %mul3A_46, %add3A_48 : vector<16xi32>
    %broadcast_in_dim3A_50 = arith.constant 0.000000e+00 : f32
    %broadcast_in_dim3A_51 = vector.broadcast %broadcast_in_dim3A_50 : f32 to vector<16xf32>
    %scan3A_52 = arith.constant 0 : i32
    %scan3A_53 = arith.constant 25 : i32
    %scan3A_54 = arith.addi %scan3A_52, %scan3A_53 : i32
    %scan3A_55 = arith.constant 1 : i32
    %scan3A_56:2 = scf.for %scan3A_787 = %scan3A_52 to %scan3A_54 step %scan3A_55 iter_args(%scan3A_788 = %broadcast_in_dim3A_51, %scan3A_789 = %add3A_49) -> (vector<16xf32>, vector<16xi32>)  : i32 {
      %gather3A = tpu.vector_load_idx %arg10[%scan3A_789] : memref<12800xf32, #tpu.memory_space<vmem>>[vector<16xi32>], vector<16xf32>,
      %add3A_790 = arith.addf %scan3A_788, %gather3A : vector<16xf32>
      %add3A_791 = arith.constant 1 : i32
      %add3A_792 = vector.broadcast %add3A_791 : i32 to vector<16xi32>
      %add3A_793 = arith.addi %scan3A_789, %add3A_792 : vector<16xi32>
      %gather3A_794 = tpu.vector_load_idx %arg10[%add3A_793] : memref<12800xf32, #tpu.memory_space<vmem>>[vector<16xi32>], vector<16xf32>,
      %add3A_795 = arith.addf %add3A_790, %gather3A_794 : vector<16xf32>
      %add3A_796 = arith.constant 1 : i32
      %add3A_797 = vector.broadcast %add3A_796 : i32 to vector<16xi32>
      %add3A_798 = arith.addi %add3A_793, %add3A_797 : vector<16xi32>
      %gather3A_799 = tpu.vector_load_idx %arg10[%add3A_798] : memref<12800xf32, #tpu.memory_space<vmem>>[vector<16xi32>], vector<16xf32>,
      %add3A_800 = arith.addf %add3A_795, %gather3A_799 : vector<16xf32>
      %add3A_801 = arith.constant 1 : i32
      %add3A_802 = vector.broadcast %add3A_801 : i32 to vector<16xi32>
      %add3A_803 = arith.addi %add3A_798, %add3A_802 : vector<16xi32>
      %gather3A_804 = tpu.vector_load_idx %arg10[%add3A_803] : memref<12800xf32, #tpu.memory_space<vmem>>[vector<16xi32>], vector<16xf32>,
      %add3A_805 = arith.addf %add3A_800, %gather3A_804 : vector<16xf32>
      %add3A_806 = arith.constant 1 : i32
      %add3A_807 = vector.broadcast %add3A_806 : i32 to vector<16xi32>
      %add3A_808 = arith.addi %add3A_803, %add3A_807 : vector<16xi32>
      %gather3A_809 = tpu.vector_load_idx %arg10[%add3A_808] : memref<12800xf32, #tpu.memory_space<vmem>>[vector<16xi32>], vector<16xf32>,
      %add3A_810 = arith.addf %add3A_805, %gather3A_809 : vector<16xf32>
      %add3A_811 = arith.constant 1 : i32
      %add3A_812 = vector.broadcast %add3A_811 : i32 to vector<16xi32>
      %add3A_813 = arith.addi %add3A_808, %add3A_812 : vector<16xi32>
      %gather3A_814 = tpu.vector_load_idx %arg10[%add3A_813] : memref<12800xf32, #tpu.memory_space<vmem>>[vector<16xi32>], vector<16xf32>,
      %add3A_815 = arith.addf %add3A_810, %gather3A_814 : vector<16xf32>
      %add3A_816 = arith.constant 1 : i32
      %add3A_817 = vector.broadcast %add3A_816 : i32 to vector<16xi32>
      %add3A_818 = arith.addi %add3A_813, %add3A_817 : vector<16xi32>
      %gather3A_819 = tpu.vector_load_idx %arg10[%add3A_818] : memref<12800xf32, #tpu.memory_space<vmem>>[vector<16xi32>], vector<16xf32>,
      %add3A_820 = arith.addf %add3A_815, %gather3A_819 : vector<16xf32>
      %add3A_821 = arith.constant 1 : i32
      %add3A_822 = vector.broadcast %add3A_821 : i32 to vector<16xi32>
      %add3A_823 = arith.addi %add3A_818, %add3A_822 : vector<16xi32>
      %gather3A_824 = tpu.vector_load_idx %arg10[%add3A_823] : memref<12800xf32, #tpu.memory_space<vmem>>[vector<16xi32>], vector<16xf32>,
      %add3A_825 = arith.addf %add3A_820, %gather3A_824 : vector<16xf32>
      %add3A_826 = arith.constant 1 : i32
      %add3A_827 = vector.broadcast %add3A_826 : i32 to vector<16xi32>
      %add3A_828 = arith.addi %add3A_823, %add3A_827 : vector<16xi32>
      scf.yield %add3A_825, %add3A_828 : vector<16xf32>, vector<16xi32>
    }
    %scan3A_57 = arith.constant 25 : i32
    %swap3A_58 = arith.constant 32 : index
    %swap3A_59 = tpu.vector_load %arg14[%swap3A_58] {strides = array<i32>} : memref<512xf32, #tpu.memory_space<vmem>>, vector<16xf32>,
    tpu.vector_store %arg14[%swap3A_58], %scan3A_56#0 {strides = array<i32>} : memref<512xf32, #tpu.memory_space<vmem>>, vector<16xf32>,
    %mul3A_60 = arith.constant 200 : i32
    %mul3A_61 = vector.broadcast %mul3A_60 : i32 to vector<16xi32>
    %mul3A_62 = arith.muli %iota3A, %mul3A_61 : vector<16xi32>
    %add3A_63 = arith.constant 9600 : i32
    %add3A_64 = vector.broadcast %add3A_63 : i32 to vector<16xi32>
    %add3A_65 = arith.addi %mul3A_62, %add3A_64 : vector<16xi32>
    %broadcast_in_dim3A_66 = arith.constant 0.000000e+00 : f32
    %broadcast_in_dim3A_67 = vector.broadcast %broadcast_in_dim3A_66 : f32 to vector<16xf32>
    %scan3A_68 = arith.constant 0 : i32
    %scan3A_69 = arith.constant 25 : i32
    %scan3A_70 = arith.addi %scan3A_68, %scan3A_69 : i32
    %scan3A_71 = arith.constant 1 : i32
    %scan3A_72:2 = scf.for %scan3A_787 = %scan3A_68 to %scan3A_70 step %scan3A_71 iter_args(%scan3A_788 = %broadcast_in_dim3A_67, %scan3A_789 = %add3A_65) -> (vector<16xf32>, vector<16xi32>)  : i32 {
      %gather3A = tpu.vector_load_idx %arg10[%scan3A_789] : memref<12800xf32, #tpu.memory_space<vmem>>[vector<16xi32>], vector<16xf32>,
      %add3A_790 = arith.addf %scan3A_788, %gather3A : vector<16xf32>
      %add3A_791 = arith.constant 1 : i32
      %add3A_792 = vector.broadcast %add3A_791 : i32 to vector<16xi32>
      %add3A_793 = arith.addi %scan3A_789, %add3A_792 : vector<16xi32>
      %gather3A_794 = tpu.vector_load_idx %arg10[%add3A_793] : memref<12800xf32, #tpu.memory_space<vmem>>[vector<16xi32>], vector<16xf32>,
      %add3A_795 = arith.addf %add3A_790, %gather3A_794 : vector<16xf32>
      %add3A_796 = arith.constant 1 : i32
      %add3A_797 = vector.broadcast %add3A_796 : i32 to vector<16xi32>
      %add3A_798 = arith.addi %add3A_793, %add3A_797 : vector<16xi32>
      %gather3A_799 = tpu.vector_load_idx %arg10[%add3A_798] : memref<12800xf32, #tpu.memory_space<vmem>>[vector<16xi32>], vector<16xf32>,
      %add3A_800 = arith.addf %add3A_795, %gather3A_799 : vector<16xf32>
      %add3A_801 = arith.constant 1 : i32
      %add3A_802 = vector.broadcast %add3A_801 : i32 to vector<16xi32>
      %add3A_803 = arith.addi %add3A_798, %add3A_802 : vector<16xi32>
      %gather3A_804 = tpu.vector_load_idx %arg10[%add3A_803] : memref<12800xf32, #tpu.memory_space<vmem>>[vector<16xi32>], vector<16xf32>,
      %add3A_805 = arith.addf %add3A_800, %gather3A_804 : vector<16xf32>
      %add3A_806 = arith.constant 1 : i32
      %add3A_807 = vector.broadcast %add3A_806 : i32 to vector<16xi32>
      %add3A_808 = arith.addi %add3A_803, %add3A_807 : vector<16xi32>
      %gather3A_809 = tpu.vector_load_idx %arg10[%add3A_808] : memref<12800xf32, #tpu.memory_space<vmem>>[vector<16xi32>], vector<16xf32>,
      %add3A_810 = arith.addf %add3A_805, %gather3A_809 : vector<16xf32>
      %add3A_811 = arith.constant 1 : i32
      %add3A_812 = vector.broadcast %add3A_811 : i32 to vector<16xi32>
      %add3A_813 = arith.addi %add3A_808, %add3A_812 : vector<16xi32>
      %gather3A_814 = tpu.vector_load_idx %arg10[%add3A_813] : memref<12800xf32, #tpu.memory_space<vmem>>[vector<16xi32>], vector<16xf32>,
      %add3A_815 = arith.addf %add3A_810, %gather3A_814 : vector<16xf32>
      %add3A_816 = arith.constant 1 : i32
      %add3A_817 = vector.broadcast %add3A_816 : i32 to vector<16xi32>
      %add3A_818 = arith.addi %add3A_813, %add3A_817 : vector<16xi32>
      %gather3A_819 = tpu.vector_load_idx %arg10[%add3A_818] : memref<12800xf32, #tpu.memory_space<vmem>>[vector<16xi32>], vector<16xf32>,
      %add3A_820 = arith.addf %add3A_815, %gather3A_819 : vector<16xf32>
      %add3A_821 = arith.constant 1 : i32
      %add3A_822 = vector.broadcast %add3A_821 : i32 to vector<16xi32>
      %add3A_823 = arith.addi %add3A_818, %add3A_822 : vector<16xi32>
      %gather3A_824 = tpu.vector_load_idx %arg10[%add3A_823] : memref<12800xf32, #tpu.memory_space<vmem>>[vector<16xi32>], vector<16xf32>,
      %add3A_825 = arith.addf %add3A_820, %gather3A_824 : vector<16xf32>
      %add3A_826 = arith.constant 1 : i32
      %add3A_827 = vector.broadcast %add3A_826 : i32 to vector<16xi32>
      %add3A_828 = arith.addi %add3A_823, %add3A_827 : vector<16xi32>
      scf.yield %add3A_825, %add3A_828 : vector<16xf32>, vector<16xi32>
    }
    %scan3A_73 = arith.constant 25 : i32
    %swap3A_74 = arith.constant 48 : index
    %swap3A_75 = tpu.vector_load %arg14[%swap3A_74] {strides = array<i32>} : memref<512xf32, #tpu.memory_space<vmem>>, vector<16xf32>,
    tpu.vector_store %arg14[%swap3A_74], %scan3A_72#0 {strides = array<i32>} : memref<512xf32, #tpu.memory_space<vmem>>, vector<16xf32>,
    %add3A_76 = arith.constant 25600 : i32
    %add3A_77 = arith.addi %mul3A_4, %add3A_76 : i32
    "tpu.region"() ({
      %run_scoped3A = tpu.sem_alloc : memref<!tpu.dma_semaphore, #tpu.memory_space<semaphore_mem>>
      %dma_start3A_787 = tpu.memref_slice %arg2[%add3A_77] : memref<3276800xi32, #tpu.memory_space<hbm>> -> memref<12800xi32, #tpu.memory_space<hbm>>
      %dma_start3A_788 = tpu.memref_slice %arg2[%add3A_77] : memref<3276800xi32, #tpu.memory_space<hbm>> -> memref<12800xi32, #tpu.memory_space<hbm>>
      tpu.enqueue_dma source(%dma_start3A_788 : memref<12800xi32, #tpu.memory_space<hbm>>) target(%arg8 : memref<12800xi32, #tpu.memory_space<vmem>>) target_semaphore(%run_scoped3A : memref<!tpu.dma_semaphore, #tpu.memory_space<semaphore_mem>>)
      %dma_wait3A_789 = tpu.memref_slice %arg2[%add3A_77] : memref<3276800xi32, #tpu.memory_space<hbm>> -> memref<12800xi32, #tpu.memory_space<hbm>>
      %dma_wait3A_790 = tpu.memref_slice %arg2[%add3A_77] : memref<3276800xi32, #tpu.memory_space<hbm>> -> memref<12800xi32, #tpu.memory_space<hbm>>
      tpu.wait_dma2 semaphore(%run_scoped3A : memref<!tpu.dma_semaphore, #tpu.memory_space<semaphore_mem>>) src(%dma_wait3A_790 : memref<12800xi32, #tpu.memory_space<hbm>>) dst(%arg8 : memref<12800xi32, #tpu.memory_space<vmem>>)
      tpu.yield
    }) : () -> ()
    %dma_start3A_78 = arith.constant 0 : i32
    %dma_start3A_79 = tpu.memref_slice %arg7[%dma_start3A_78] : memref<1000064xf32, #tpu.memory_space<vmem_shared>> -> memref<1000064xf32, #tpu.memory_space<vmem_shared>>
    tpu.enqueue_indirect_dma source(%dma_start3A_79 : memref<1000064xf32, #tpu.memory_space<vmem_shared>>) target(%arg10 : memref<12800xf32, #tpu.memory_space<vmem>>) offsets(%arg8 : memref<12800xi32, #tpu.memory_space<vmem>>) semaphore(%arg15 : memref<!tpu.dma_semaphore, #tpu.memory_space<semaphore_mem>>)
    %dma_wait3A_80 = arith.constant 0 : i32
    %dma_wait3A_81 = tpu.memref_slice %arg7[%dma_wait3A_80] : memref<1000064xf32, #tpu.memory_space<vmem_shared>> -> memref<1000064xf32, #tpu.memory_space<vmem_shared>>
    tpu.wait_indirect_dma semaphore(%arg16 : memref<!tpu.dma_semaphore, #tpu.memory_space<semaphore_mem>>) src(%dma_wait3A_81 : memref<1000064xf32, #tpu.memory_space<vmem_shared>>) dst(%arg11 : memref<12800xf32, #tpu.memory_space<vmem>>)
    %mul3A_82 = arith.constant 200 : i32
    %mul3A_83 = vector.broadcast %mul3A_82 : i32 to vector<16xi32>
    %mul3A_84 = arith.muli %iota3A, %mul3A_83 : vector<16xi32>
    %add3A_85 = arith.constant 0 : i32
    %add3A_86 = vector.broadcast %add3A_85 : i32 to vector<16xi32>
    %add3A_87 = arith.addi %mul3A_84, %add3A_86 : vector<16xi32>
    %broadcast_in_dim3A_88 = arith.constant 0.000000e+00 : f32
    %broadcast_in_dim3A_89 = vector.broadcast %broadcast_in_dim3A_88 : f32 to vector<16xf32>
    %scan3A_90 = arith.constant 0 : i32
    %scan3A_91 = arith.constant 25 : i32
    %scan3A_92 = arith.addi %scan3A_90, %scan3A_91 : i32
    %scan3A_93 = arith.constant 1 : i32
    %scan3A_94:2 = scf.for %scan3A_787 = %scan3A_90 to %scan3A_92 step %scan3A_93 iter_args(%scan3A_788 = %broadcast_in_dim3A_89, %scan3A_789 = %add3A_87) -> (vector<16xf32>, vector<16xi32>)  : i32 {
      %gather3A = tpu.vector_load_idx %arg11[%scan3A_789] : memref<12800xf32, #tpu.memory_space<vmem>>[vector<16xi32>], vector<16xf32>,
      %add3A_790 = arith.addf %scan3A_788, %gather3A : vector<16xf32>
      %add3A_791 = arith.constant 1 : i32
      %add3A_792 = vector.broadcast %add3A_791 : i32 to vector<16xi32>
      %add3A_793 = arith.addi %scan3A_789, %add3A_792 : vector<16xi32>
      %gather3A_794 = tpu.vector_load_idx %arg11[%add3A_793] : memref<12800xf32, #tpu.memory_space<vmem>>[vector<16xi32>], vector<16xf32>,
      %add3A_795 = arith.addf %add3A_790, %gather3A_794 : vector<16xf32>
      %add3A_796 = arith.constant 1 : i32
      %add3A_797 = vector.broadcast %add3A_796 : i32 to vector<16xi32>
      %add3A_798 = arith.addi %add3A_793, %add3A_797 : vector<16xi32>
      %gather3A_799 = tpu.vector_load_idx %arg11[%add3A_798] : memref<12800xf32, #tpu.memory_space<vmem>>[vector<16xi32>], vector<16xf32>,
      %add3A_800 = arith.addf %add3A_795, %gather3A_799 : vector<16xf32>
      %add3A_801 = arith.constant 1 : i32
      %add3A_802 = vector.broadcast %add3A_801 : i32 to vector<16xi32>
      %add3A_803 = arith.addi %add3A_798, %add3A_802 : vector<16xi32>
      %gather3A_804 = tpu.vector_load_idx %arg11[%add3A_803] : memref<12800xf32, #tpu.memory_space<vmem>>[vector<16xi32>], vector<16xf32>,
      %add3A_805 = arith.addf %add3A_800, %gather3A_804 : vector<16xf32>
      %add3A_806 = arith.constant 1 : i32
      %add3A_807 = vector.broadcast %add3A_806 : i32 to vector<16xi32>
      %add3A_808 = arith.addi %add3A_803, %add3A_807 : vector<16xi32>
      %gather3A_809 = tpu.vector_load_idx %arg11[%add3A_808] : memref<12800xf32, #tpu.memory_space<vmem>>[vector<16xi32>], vector<16xf32>,
      %add3A_810 = arith.addf %add3A_805, %gather3A_809 : vector<16xf32>
      %add3A_811 = arith.constant 1 : i32
      %add3A_812 = vector.broadcast %add3A_811 : i32 to vector<16xi32>
      %add3A_813 = arith.addi %add3A_808, %add3A_812 : vector<16xi32>
      %gather3A_814 = tpu.vector_load_idx %arg11[%add3A_813] : memref<12800xf32, #tpu.memory_space<vmem>>[vector<16xi32>], vector<16xf32>,
      %add3A_815 = arith.addf %add3A_810, %gather3A_814 : vector<16xf32>
      %add3A_816 = arith.constant 1 : i32
      %add3A_817 = vector.broadcast %add3A_816 : i32 to vector<16xi32>
      %add3A_818 = arith.addi %add3A_813, %add3A_817 : vector<16xi32>
      %gather3A_819 = tpu.vector_load_idx %arg11[%add3A_818] : memref<12800xf32, #tpu.memory_space<vmem>>[vector<16xi32>], vector<16xf32>,
      %add3A_820 = arith.addf %add3A_815, %gather3A_819 : vector<16xf32>
      %add3A_821 = arith.constant 1 : i32
      %add3A_822 = vector.broadcast %add3A_821 : i32 to vector<16xi32>
      %add3A_823 = arith.addi %add3A_818, %add3A_822 : vector<16xi32>
      %gather3A_824 = tpu.vector_load_idx %arg11[%add3A_823] : memref<12800xf32, #tpu.memory_space<vmem>>[vector<16xi32>], vector<16xf32>,
      %add3A_825 = arith.addf %add3A_820, %gather3A_824 : vector<16xf32>
      %add3A_826 = arith.constant 1 : i32
      %add3A_827 = vector.broadcast %add3A_826 : i32 to vector<16xi32>
      %add3A_828 = arith.addi %add3A_823, %add3A_827 : vector<16xi32>
      scf.yield %add3A_825, %add3A_828 : vector<16xf32>, vector<16xi32>
    }
    %scan3A_95 = arith.constant 25 : i32
    %swap3A_96 = arith.constant 64 : index
    %swap3A_97 = tpu.vector_load %arg14[%swap3A_96] {strides = array<i32>} : memref<512xf32, #tpu.memory_space<vmem>>, vector<16xf32>,
    tpu.vector_store %arg14[%swap3A_96], %scan3A_94#0 {strides = array<i32>} : memref<512xf32, #tpu.memory_space<vmem>>, vector<16xf32>,
    %mul3A_98 = arith.constant 200 : i32
    %mul3A_99 = vector.broadcast %mul3A_98 : i32 to vector<16xi32>
    %mul3A_100 = arith.muli %iota3A, %mul3A_99 : vector<16xi32>
    %add3A_101 = arith.constant 3200 : i32
    %add3A_102 = vector.broadcast %add3A_101 : i32 to vector<16xi32>
    %add3A_103 = arith.addi %mul3A_100, %add3A_102 : vector<16xi32>
    %broadcast_in_dim3A_104 = arith.constant 0.000000e+00 : f32
    %broadcast_in_dim3A_105 = vector.broadcast %broadcast_in_dim3A_104 : f32 to vector<16xf32>
    %scan3A_106 = arith.constant 0 : i32
    %scan3A_107 = arith.constant 25 : i32
    %scan3A_108 = arith.addi %scan3A_106, %scan3A_107 : i32
    %scan3A_109 = arith.constant 1 : i32
    %scan3A_110:2 = scf.for %scan3A_787 = %scan3A_106 to %scan3A_108 step %scan3A_109 iter_args(%scan3A_788 = %broadcast_in_dim3A_105, %scan3A_789 = %add3A_103) -> (vector<16xf32>, vector<16xi32>)  : i32 {
      %gather3A = tpu.vector_load_idx %arg11[%scan3A_789] : memref<12800xf32, #tpu.memory_space<vmem>>[vector<16xi32>], vector<16xf32>,
      %add3A_790 = arith.addf %scan3A_788, %gather3A : vector<16xf32>
      %add3A_791 = arith.constant 1 : i32
      %add3A_792 = vector.broadcast %add3A_791 : i32 to vector<16xi32>
      %add3A_793 = arith.addi %scan3A_789, %add3A_792 : vector<16xi32>
      %gather3A_794 = tpu.vector_load_idx %arg11[%add3A_793] : memref<12800xf32, #tpu.memory_space<vmem>>[vector<16xi32>], vector<16xf32>,
      %add3A_795 = arith.addf %add3A_790, %gather3A_794 : vector<16xf32>
      %add3A_796 = arith.constant 1 : i32
      %add3A_797 = vector.broadcast %add3A_796 : i32 to vector<16xi32>
      %add3A_798 = arith.addi %add3A_793, %add3A_797 : vector<16xi32>
      %gather3A_799 = tpu.vector_load_idx %arg11[%add3A_798] : memref<12800xf32, #tpu.memory_space<vmem>>[vector<16xi32>], vector<16xf32>,
      %add3A_800 = arith.addf %add3A_795, %gather3A_799 : vector<16xf32>
      %add3A_801 = arith.constant 1 : i32
      %add3A_802 = vector.broadcast %add3A_801 : i32 to vector<16xi32>
      %add3A_803 = arith.addi %add3A_798, %add3A_802 : vector<16xi32>
      %gather3A_804 = tpu.vector_load_idx %arg11[%add3A_803] : memref<12800xf32, #tpu.memory_space<vmem>>[vector<16xi32>], vector<16xf32>,
      %add3A_805 = arith.addf %add3A_800, %gather3A_804 : vector<16xf32>
      %add3A_806 = arith.constant 1 : i32
      %add3A_807 = vector.broadcast %add3A_806 : i32 to vector<16xi32>
      %add3A_808 = arith.addi %add3A_803, %add3A_807 : vector<16xi32>
      %gather3A_809 = tpu.vector_load_idx %arg11[%add3A_808] : memref<12800xf32, #tpu.memory_space<vmem>>[vector<16xi32>], vector<16xf32>,
      %add3A_810 = arith.addf %add3A_805, %gather3A_809 : vector<16xf32>
      %add3A_811 = arith.constant 1 : i32
      %add3A_812 = vector.broadcast %add3A_811 : i32 to vector<16xi32>
      %add3A_813 = arith.addi %add3A_808, %add3A_812 : vector<16xi32>
      %gather3A_814 = tpu.vector_load_idx %arg11[%add3A_813] : memref<12800xf32, #tpu.memory_space<vmem>>[vector<16xi32>], vector<16xf32>,
      %add3A_815 = arith.addf %add3A_810, %gather3A_814 : vector<16xf32>
      %add3A_816 = arith.constant 1 : i32
      %add3A_817 = vector.broadcast %add3A_816 : i32 to vector<16xi32>
      %add3A_818 = arith.addi %add3A_813, %add3A_817 : vector<16xi32>
      %gather3A_819 = tpu.vector_load_idx %arg11[%add3A_818] : memref<12800xf32, #tpu.memory_space<vmem>>[vector<16xi32>], vector<16xf32>,
      %add3A_820 = arith.addf %add3A_815, %gather3A_819 : vector<16xf32>
      %add3A_821 = arith.constant 1 : i32
      %add3A_822 = vector.broadcast %add3A_821 : i32 to vector<16xi32>
      %add3A_823 = arith.addi %add3A_818, %add3A_822 : vector<16xi32>
      %gather3A_824 = tpu.vector_load_idx %arg11[%add3A_823] : memref<12800xf32, #tpu.memory_space<vmem>>[vector<16xi32>], vector<16xf32>,
      %add3A_825 = arith.addf %add3A_820, %gather3A_824 : vector<16xf32>
      %add3A_826 = arith.constant 1 : i32
      %add3A_827 = vector.broadcast %add3A_826 : i32 to vector<16xi32>
      %add3A_828 = arith.addi %add3A_823, %add3A_827 : vector<16xi32>
      scf.yield %add3A_825, %add3A_828 : vector<16xf32>, vector<16xi32>
    }
    %scan3A_111 = arith.constant 25 : i32
    %swap3A_112 = arith.constant 80 : index
    %swap3A_113 = tpu.vector_load %arg14[%swap3A_112] {strides = array<i32>} : memref<512xf32, #tpu.memory_space<vmem>>, vector<16xf32>,
    tpu.vector_store %arg14[%swap3A_112], %scan3A_110#0 {strides = array<i32>} : memref<512xf32, #tpu.memory_space<vmem>>, vector<16xf32>,
    %mul3A_114 = arith.constant 200 : i32
    %mul3A_115 = vector.broadcast %mul3A_114 : i32 to vector<16xi32>
    %mul3A_116 = arith.muli %iota3A, %mul3A_115 : vector<16xi32>
    %add3A_117 = arith.constant 6400 : i32
    %add3A_118 = vector.broadcast %add3A_117 : i32 to vector<16xi32>
    %add3A_119 = arith.addi %mul3A_116, %add3A_118 : vector<16xi32>
    %broadcast_in_dim3A_120 = arith.constant 0.000000e+00 : f32
    %broadcast_in_dim3A_121 = vector.broadcast %broadcast_in_dim3A_120 : f32 to vector<16xf32>
    %scan3A_122 = arith.constant 0 : i32
    %scan3A_123 = arith.constant 25 : i32
    %scan3A_124 = arith.addi %scan3A_122, %scan3A_123 : i32
    %scan3A_125 = arith.constant 1 : i32
    %scan3A_126:2 = scf.for %scan3A_787 = %scan3A_122 to %scan3A_124 step %scan3A_125 iter_args(%scan3A_788 = %broadcast_in_dim3A_121, %scan3A_789 = %add3A_119) -> (vector<16xf32>, vector<16xi32>)  : i32 {
      %gather3A = tpu.vector_load_idx %arg11[%scan3A_789] : memref<12800xf32, #tpu.memory_space<vmem>>[vector<16xi32>], vector<16xf32>,
      %add3A_790 = arith.addf %scan3A_788, %gather3A : vector<16xf32>
      %add3A_791 = arith.constant 1 : i32
      %add3A_792 = vector.broadcast %add3A_791 : i32 to vector<16xi32>
      %add3A_793 = arith.addi %scan3A_789, %add3A_792 : vector<16xi32>
      %gather3A_794 = tpu.vector_load_idx %arg11[%add3A_793] : memref<12800xf32, #tpu.memory_space<vmem>>[vector<16xi32>], vector<16xf32>,
      %add3A_795 = arith.addf %add3A_790, %gather3A_794 : vector<16xf32>
      %add3A_796 = arith.constant 1 : i32
      %add3A_797 = vector.broadcast %add3A_796 : i32 to vector<16xi32>
      %add3A_798 = arith.addi %add3A_793, %add3A_797 : vector<16xi32>
      %gather3A_799 = tpu.vector_load_idx %arg11[%add3A_798] : memref<12800xf32, #tpu.memory_space<vmem>>[vector<16xi32>], vector<16xf32>,
      %add3A_800 = arith.addf %add3A_795, %gather3A_799 : vector<16xf32>
      %add3A_801 = arith.constant 1 : i32
      %add3A_802 = vector.broadcast %add3A_801 : i32 to vector<16xi32>
      %add3A_803 = arith.addi %add3A_798, %add3A_802 : vector<16xi32>
      %gather3A_804 = tpu.vector_load_idx %arg11[%add3A_803] : memref<12800xf32, #tpu.memory_space<vmem>>[vector<16xi32>], vector<16xf32>,
      %add3A_805 = arith.addf %add3A_800, %gather3A_804 : vector<16xf32>
      %add3A_806 = arith.constant 1 : i32
      %add3A_807 = vector.broadcast %add3A_806 : i32 to vector<16xi32>
      %add3A_808 = arith.addi %add3A_803, %add3A_807 : vector<16xi32>
      %gather3A_809 = tpu.vector_load_idx %arg11[%add3A_808] : memref<12800xf32, #tpu.memory_space<vmem>>[vector<16xi32>], vector<16xf32>,
      %add3A_810 = arith.addf %add3A_805, %gather3A_809 : vector<16xf32>
      %add3A_811 = arith.constant 1 : i32
      %add3A_812 = vector.broadcast %add3A_811 : i32 to vector<16xi32>
      %add3A_813 = arith.addi %add3A_808, %add3A_812 : vector<16xi32>
      %gather3A_814 = tpu.vector_load_idx %arg11[%add3A_813] : memref<12800xf32, #tpu.memory_space<vmem>>[vector<16xi32>], vector<16xf32>,
      %add3A_815 = arith.addf %add3A_810, %gather3A_814 : vector<16xf32>
      %add3A_816 = arith.constant 1 : i32
      %add3A_817 = vector.broadcast %add3A_816 : i32 to vector<16xi32>
      %add3A_818 = arith.addi %add3A_813, %add3A_817 : vector<16xi32>
      %gather3A_819 = tpu.vector_load_idx %arg11[%add3A_818] : memref<12800xf32, #tpu.memory_space<vmem>>[vector<16xi32>], vector<16xf32>,
      %add3A_820 = arith.addf %add3A_815, %gather3A_819 : vector<16xf32>
      %add3A_821 = arith.constant 1 : i32
      %add3A_822 = vector.broadcast %add3A_821 : i32 to vector<16xi32>
      %add3A_823 = arith.addi %add3A_818, %add3A_822 : vector<16xi32>
      %gather3A_824 = tpu.vector_load_idx %arg11[%add3A_823] : memref<12800xf32, #tpu.memory_space<vmem>>[vector<16xi32>], vector<16xf32>,
      %add3A_825 = arith.addf %add3A_820, %gather3A_824 : vector<16xf32>
      %add3A_826 = arith.constant 1 : i32
      %add3A_827 = vector.broadcast %add3A_826 : i32 to vector<16xi32>
      %add3A_828 = arith.addi %add3A_823, %add3A_827 : vector<16xi32>
      scf.yield %add3A_825, %add3A_828 : vector<16xf32>, vector<16xi32>
    }
    %scan3A_127 = arith.constant 25 : i32
    %swap3A_128 = arith.constant 96 : index
    %swap3A_129 = tpu.vector_load %arg14[%swap3A_128] {strides = array<i32>} : memref<512xf32, #tpu.memory_space<vmem>>, vector<16xf32>,
    tpu.vector_store %arg14[%swap3A_128], %scan3A_126#0 {strides = array<i32>} : memref<512xf32, #tpu.memory_space<vmem>>, vector<16xf32>,
    %mul3A_130 = arith.constant 200 : i32
    %mul3A_131 = vector.broadcast %mul3A_130 : i32 to vector<16xi32>
    %mul3A_132 = arith.muli %iota3A, %mul3A_131 : vector<16xi32>
    %add3A_133 = arith.constant 9600 : i32
    %add3A_134 = vector.broadcast %add3A_133 : i32 to vector<16xi32>
    %add3A_135 = arith.addi %mul3A_132, %add3A_134 : vector<16xi32>
    %broadcast_in_dim3A_136 = arith.constant 0.000000e+00 : f32
    %broadcast_in_dim3A_137 = vector.broadcast %broadcast_in_dim3A_136 : f32 to vector<16xf32>
    %scan3A_138 = arith.constant 0 : i32
    %scan3A_139 = arith.constant 25 : i32
    %scan3A_140 = arith.addi %scan3A_138, %scan3A_139 : i32
    %scan3A_141 = arith.constant 1 : i32
    %scan3A_142:2 = scf.for %scan3A_787 = %scan3A_138 to %scan3A_140 step %scan3A_141 iter_args(%scan3A_788 = %broadcast_in_dim3A_137, %scan3A_789 = %add3A_135) -> (vector<16xf32>, vector<16xi32>)  : i32 {
      %gather3A = tpu.vector_load_idx %arg11[%scan3A_789] : memref<12800xf32, #tpu.memory_space<vmem>>[vector<16xi32>], vector<16xf32>,
      %add3A_790 = arith.addf %scan3A_788, %gather3A : vector<16xf32>
      %add3A_791 = arith.constant 1 : i32
      %add3A_792 = vector.broadcast %add3A_791 : i32 to vector<16xi32>
      %add3A_793 = arith.addi %scan3A_789, %add3A_792 : vector<16xi32>
      %gather3A_794 = tpu.vector_load_idx %arg11[%add3A_793] : memref<12800xf32, #tpu.memory_space<vmem>>[vector<16xi32>], vector<16xf32>,
      %add3A_795 = arith.addf %add3A_790, %gather3A_794 : vector<16xf32>
      %add3A_796 = arith.constant 1 : i32
      %add3A_797 = vector.broadcast %add3A_796 : i32 to vector<16xi32>
      %add3A_798 = arith.addi %add3A_793, %add3A_797 : vector<16xi32>
      %gather3A_799 = tpu.vector_load_idx %arg11[%add3A_798] : memref<12800xf32, #tpu.memory_space<vmem>>[vector<16xi32>], vector<16xf32>,
      %add3A_800 = arith.addf %add3A_795, %gather3A_799 : vector<16xf32>
      %add3A_801 = arith.constant 1 : i32
      %add3A_802 = vector.broadcast %add3A_801 : i32 to vector<16xi32>
      %add3A_803 = arith.addi %add3A_798, %add3A_802 : vector<16xi32>
      %gather3A_804 = tpu.vector_load_idx %arg11[%add3A_803] : memref<12800xf32, #tpu.memory_space<vmem>>[vector<16xi32>], vector<16xf32>,
      %add3A_805 = arith.addf %add3A_800, %gather3A_804 : vector<16xf32>
      %add3A_806 = arith.constant 1 : i32
      %add3A_807 = vector.broadcast %add3A_806 : i32 to vector<16xi32>
      %add3A_808 = arith.addi %add3A_803, %add3A_807 : vector<16xi32>
      %gather3A_809 = tpu.vector_load_idx %arg11[%add3A_808] : memref<12800xf32, #tpu.memory_space<vmem>>[vector<16xi32>], vector<16xf32>,
      %add3A_810 = arith.addf %add3A_805, %gather3A_809 : vector<16xf32>
      %add3A_811 = arith.constant 1 : i32
      %add3A_812 = vector.broadcast %add3A_811 : i32 to vector<16xi32>
      %add3A_813 = arith.addi %add3A_808, %add3A_812 : vector<16xi32>
      %gather3A_814 = tpu.vector_load_idx %arg11[%add3A_813] : memref<12800xf32, #tpu.memory_space<vmem>>[vector<16xi32>], vector<16xf32>,
      %add3A_815 = arith.addf %add3A_810, %gather3A_814 : vector<16xf32>
      %add3A_816 = arith.constant 1 : i32
      %add3A_817 = vector.broadcast %add3A_816 : i32 to vector<16xi32>
      %add3A_818 = arith.addi %add3A_813, %add3A_817 : vector<16xi32>
      %gather3A_819 = tpu.vector_load_idx %arg11[%add3A_818] : memref<12800xf32, #tpu.memory_space<vmem>>[vector<16xi32>], vector<16xf32>,
      %add3A_820 = arith.addf %add3A_815, %gather3A_819 : vector<16xf32>
      %add3A_821 = arith.constant 1 : i32
      %add3A_822 = vector.broadcast %add3A_821 : i32 to vector<16xi32>
      %add3A_823 = arith.addi %add3A_818, %add3A_822 : vector<16xi32>
      %gather3A_824 = tpu.vector_load_idx %arg11[%add3A_823] : memref<12800xf32, #tpu.memory_space<vmem>>[vector<16xi32>], vector<16xf32>,
      %add3A_825 = arith.addf %add3A_820, %gather3A_824 : vector<16xf32>
      %add3A_826 = arith.constant 1 : i32
      %add3A_827 = vector.broadcast %add3A_826 : i32 to vector<16xi32>
      %add3A_828 = arith.addi %add3A_823, %add3A_827 : vector<16xi32>
      scf.yield %add3A_825, %add3A_828 : vector<16xf32>, vector<16xi32>
    }
    %scan3A_143 = arith.constant 25 : i32
    %swap3A_144 = arith.constant 112 : index
    %swap3A_145 = tpu.vector_load %arg14[%swap3A_144] {strides = array<i32>} : memref<512xf32, #tpu.memory_space<vmem>>, vector<16xf32>,
    tpu.vector_store %arg14[%swap3A_144], %scan3A_142#0 {strides = array<i32>} : memref<512xf32, #tpu.memory_space<vmem>>, vector<16xf32>,
    %add3A_146 = arith.constant 38400 : i32
    %add3A_147 = arith.addi %mul3A_4, %add3A_146 : i32
    "tpu.region"() ({
      %run_scoped3A = tpu.sem_alloc : memref<!tpu.dma_semaphore, #tpu.memory_space<semaphore_mem>>
      %dma_start3A_787 = tpu.memref_slice %arg2[%add3A_147] : memref<3276800xi32, #tpu.memory_space<hbm>> -> memref<12800xi32, #tpu.memory_space<hbm>>
      %dma_start3A_788 = tpu.memref_slice %arg2[%add3A_147] : memref<3276800xi32, #tpu.memory_space<hbm>> -> memref<12800xi32, #tpu.memory_space<hbm>>
      tpu.enqueue_dma source(%dma_start3A_788 : memref<12800xi32, #tpu.memory_space<hbm>>) target(%arg9 : memref<12800xi32, #tpu.memory_space<vmem>>) target_semaphore(%run_scoped3A : memref<!tpu.dma_semaphore, #tpu.memory_space<semaphore_mem>>)
      %dma_wait3A_789 = tpu.memref_slice %arg2[%add3A_147] : memref<3276800xi32, #tpu.memory_space<hbm>> -> memref<12800xi32, #tpu.memory_space<hbm>>
      %dma_wait3A_790 = tpu.memref_slice %arg2[%add3A_147] : memref<3276800xi32, #tpu.memory_space<hbm>> -> memref<12800xi32, #tpu.memory_space<hbm>>
      tpu.wait_dma2 semaphore(%run_scoped3A : memref<!tpu.dma_semaphore, #tpu.memory_space<semaphore_mem>>) src(%dma_wait3A_790 : memref<12800xi32, #tpu.memory_space<hbm>>) dst(%arg9 : memref<12800xi32, #tpu.memory_space<vmem>>)
      tpu.yield
    }) : () -> ()
    %dma_start3A_148 = arith.constant 0 : i32
    %dma_start3A_149 = tpu.memref_slice %arg7[%dma_start3A_148] : memref<1000064xf32, #tpu.memory_space<vmem_shared>> -> memref<1000064xf32, #tpu.memory_space<vmem_shared>>
    tpu.enqueue_indirect_dma source(%dma_start3A_149 : memref<1000064xf32, #tpu.memory_space<vmem_shared>>) target(%arg11 : memref<12800xf32, #tpu.memory_space<vmem>>) offsets(%arg9 : memref<12800xi32, #tpu.memory_space<vmem>>) semaphore(%arg16 : memref<!tpu.dma_semaphore, #tpu.memory_space<semaphore_mem>>)
    %dma_wait3A_150 = arith.constant 0 : i32
    %dma_wait3A_151 = tpu.memref_slice %arg7[%dma_wait3A_150] : memref<1000064xf32, #tpu.memory_space<vmem_shared>> -> memref<1000064xf32, #tpu.memory_space<vmem_shared>>
    tpu.wait_indirect_dma semaphore(%arg15 : memref<!tpu.dma_semaphore, #tpu.memory_space<semaphore_mem>>) src(%dma_wait3A_151 : memref<1000064xf32, #tpu.memory_space<vmem_shared>>) dst(%arg10 : memref<12800xf32, #tpu.memory_space<vmem>>)
    %mul3A_152 = arith.constant 200 : i32
    %mul3A_153 = vector.broadcast %mul3A_152 : i32 to vector<16xi32>
    %mul3A_154 = arith.muli %iota3A, %mul3A_153 : vector<16xi32>
    %add3A_155 = arith.constant 0 : i32
    %add3A_156 = vector.broadcast %add3A_155 : i32 to vector<16xi32>
    %add3A_157 = arith.addi %mul3A_154, %add3A_156 : vector<16xi32>
    %broadcast_in_dim3A_158 = arith.constant 0.000000e+00 : f32
    %broadcast_in_dim3A_159 = vector.broadcast %broadcast_in_dim3A_158 : f32 to vector<16xf32>
    %scan3A_160 = arith.constant 0 : i32
    %scan3A_161 = arith.constant 25 : i32
    %scan3A_162 = arith.addi %scan3A_160, %scan3A_161 : i32
    %scan3A_163 = arith.constant 1 : i32
    %scan3A_164:2 = scf.for %scan3A_787 = %scan3A_160 to %scan3A_162 step %scan3A_163 iter_args(%scan3A_788 = %broadcast_in_dim3A_159, %scan3A_789 = %add3A_157) -> (vector<16xf32>, vector<16xi32>)  : i32 {
      %gather3A = tpu.vector_load_idx %arg10[%scan3A_789] : memref<12800xf32, #tpu.memory_space<vmem>>[vector<16xi32>], vector<16xf32>,
      %add3A_790 = arith.addf %scan3A_788, %gather3A : vector<16xf32>
      %add3A_791 = arith.constant 1 : i32
      %add3A_792 = vector.broadcast %add3A_791 : i32 to vector<16xi32>
      %add3A_793 = arith.addi %scan3A_789, %add3A_792 : vector<16xi32>
      %gather3A_794 = tpu.vector_load_idx %arg10[%add3A_793] : memref<12800xf32, #tpu.memory_space<vmem>>[vector<16xi32>], vector<16xf32>,
      %add3A_795 = arith.addf %add3A_790, %gather3A_794 : vector<16xf32>
      %add3A_796 = arith.constant 1 : i32
      %add3A_797 = vector.broadcast %add3A_796 : i32 to vector<16xi32>
      %add3A_798 = arith.addi %add3A_793, %add3A_797 : vector<16xi32>
      %gather3A_799 = tpu.vector_load_idx %arg10[%add3A_798] : memref<12800xf32, #tpu.memory_space<vmem>>[vector<16xi32>], vector<16xf32>,
      %add3A_800 = arith.addf %add3A_795, %gather3A_799 : vector<16xf32>
      %add3A_801 = arith.constant 1 : i32
      %add3A_802 = vector.broadcast %add3A_801 : i32 to vector<16xi32>
      %add3A_803 = arith.addi %add3A_798, %add3A_802 : vector<16xi32>
      %gather3A_804 = tpu.vector_load_idx %arg10[%add3A_803] : memref<12800xf32, #tpu.memory_space<vmem>>[vector<16xi32>], vector<16xf32>,
      %add3A_805 = arith.addf %add3A_800, %gather3A_804 : vector<16xf32>
      %add3A_806 = arith.constant 1 : i32
      %add3A_807 = vector.broadcast %add3A_806 : i32 to vector<16xi32>
      %add3A_808 = arith.addi %add3A_803, %add3A_807 : vector<16xi32>
      %gather3A_809 = tpu.vector_load_idx %arg10[%add3A_808] : memref<12800xf32, #tpu.memory_space<vmem>>[vector<16xi32>], vector<16xf32>,
      %add3A_810 = arith.addf %add3A_805, %gather3A_809 : vector<16xf32>
      %add3A_811 = arith.constant 1 : i32
      %add3A_812 = vector.broadcast %add3A_811 : i32 to vector<16xi32>
      %add3A_813 = arith.addi %add3A_808, %add3A_812 : vector<16xi32>
      %gather3A_814 = tpu.vector_load_idx %arg10[%add3A_813] : memref<12800xf32, #tpu.memory_space<vmem>>[vector<16xi32>], vector<16xf32>,
      %add3A_815 = arith.addf %add3A_810, %gather3A_814 : vector<16xf32>
      %add3A_816 = arith.constant 1 : i32
      %add3A_817 = vector.broadcast %add3A_816 : i32 to vector<16xi32>
      %add3A_818 = arith.addi %add3A_813, %add3A_817 : vector<16xi32>
      %gather3A_819 = tpu.vector_load_idx %arg10[%add3A_818] : memref<12800xf32, #tpu.memory_space<vmem>>[vector<16xi32>], vector<16xf32>,
      %add3A_820 = arith.addf %add3A_815, %gather3A_819 : vector<16xf32>
      %add3A_821 = arith.constant 1 : i32
      %add3A_822 = vector.broadcast %add3A_821 : i32 to vector<16xi32>
      %add3A_823 = arith.addi %add3A_818, %add3A_822 : vector<16xi32>
      %gather3A_824 = tpu.vector_load_idx %arg10[%add3A_823] : memref<12800xf32, #tpu.memory_space<vmem>>[vector<16xi32>], vector<16xf32>,
      %add3A_825 = arith.addf %add3A_820, %gather3A_824 : vector<16xf32>
      %add3A_826 = arith.constant 1 : i32
      %add3A_827 = vector.broadcast %add3A_826 : i32 to vector<16xi32>
      %add3A_828 = arith.addi %add3A_823, %add3A_827 : vector<16xi32>
      scf.yield %add3A_825, %add3A_828 : vector<16xf32>, vector<16xi32>
    }
    %scan3A_165 = arith.constant 25 : i32
    %swap3A_166 = arith.constant 128 : index
    %swap3A_167 = tpu.vector_load %arg14[%swap3A_166] {strides = array<i32>} : memref<512xf32, #tpu.memory_space<vmem>>, vector<16xf32>,
    tpu.vector_store %arg14[%swap3A_166], %scan3A_164#0 {strides = array<i32>} : memref<512xf32, #tpu.memory_space<vmem>>, vector<16xf32>,
    %mul3A_168 = arith.constant 200 : i32
    %mul3A_169 = vector.broadcast %mul3A_168 : i32 to vector<16xi32>
    %mul3A_170 = arith.muli %iota3A, %mul3A_169 : vector<16xi32>
    %add3A_171 = arith.constant 3200 : i32
    %add3A_172 = vector.broadcast %add3A_171 : i32 to vector<16xi32>
    %add3A_173 = arith.addi %mul3A_170, %add3A_172 : vector<16xi32>
    %broadcast_in_dim3A_174 = arith.constant 0.000000e+00 : f32
    %broadcast_in_dim3A_175 = vector.broadcast %broadcast_in_dim3A_174 : f32 to vector<16xf32>
    %scan3A_176 = arith.constant 0 : i32
    %scan3A_177 = arith.constant 25 : i32
    %scan3A_178 = arith.addi %scan3A_176, %scan3A_177 : i32
    %scan3A_179 = arith.constant 1 : i32
    %scan3A_180:2 = scf.for %scan3A_787 = %scan3A_176 to %scan3A_178 step %scan3A_179 iter_args(%scan3A_788 = %broadcast_in_dim3A_175, %scan3A_789 = %add3A_173) -> (vector<16xf32>, vector<16xi32>)  : i32 {
      %gather3A = tpu.vector_load_idx %arg10[%scan3A_789] : memref<12800xf32, #tpu.memory_space<vmem>>[vector<16xi32>], vector<16xf32>,
      %add3A_790 = arith.addf %scan3A_788, %gather3A : vector<16xf32>
      %add3A_791 = arith.constant 1 : i32
      %add3A_792 = vector.broadcast %add3A_791 : i32 to vector<16xi32>
      %add3A_793 = arith.addi %scan3A_789, %add3A_792 : vector<16xi32>
      %gather3A_794 = tpu.vector_load_idx %arg10[%add3A_793] : memref<12800xf32, #tpu.memory_space<vmem>>[vector<16xi32>], vector<16xf32>,
      %add3A_795 = arith.addf %add3A_790, %gather3A_794 : vector<16xf32>
      %add3A_796 = arith.constant 1 : i32
      %add3A_797 = vector.broadcast %add3A_796 : i32 to vector<16xi32>
      %add3A_798 = arith.addi %add3A_793, %add3A_797 : vector<16xi32>
      %gather3A_799 = tpu.vector_load_idx %arg10[%add3A_798] : memref<12800xf32, #tpu.memory_space<vmem>>[vector<16xi32>], vector<16xf32>,
      %add3A_800 = arith.addf %add3A_795, %gather3A_799 : vector<16xf32>
      %add3A_801 = arith.constant 1 : i32
      %add3A_802 = vector.broadcast %add3A_801 : i32 to vector<16xi32>
      %add3A_803 = arith.addi %add3A_798, %add3A_802 : vector<16xi32>
      %gather3A_804 = tpu.vector_load_idx %arg10[%add3A_803] : memref<12800xf32, #tpu.memory_space<vmem>>[vector<16xi32>], vector<16xf32>,
      %add3A_805 = arith.addf %add3A_800, %gather3A_804 : vector<16xf32>
      %add3A_806 = arith.constant 1 : i32
      %add3A_807 = vector.broadcast %add3A_806 : i32 to vector<16xi32>
      %add3A_808 = arith.addi %add3A_803, %add3A_807 : vector<16xi32>
      %gather3A_809 = tpu.vector_load_idx %arg10[%add3A_808] : memref<12800xf32, #tpu.memory_space<vmem>>[vector<16xi32>], vector<16xf32>,
      %add3A_810 = arith.addf %add3A_805, %gather3A_809 : vector<16xf32>
      %add3A_811 = arith.constant 1 : i32
      %add3A_812 = vector.broadcast %add3A_811 : i32 to vector<16xi32>
      %add3A_813 = arith.addi %add3A_808, %add3A_812 : vector<16xi32>
      %gather3A_814 = tpu.vector_load_idx %arg10[%add3A_813] : memref<12800xf32, #tpu.memory_space<vmem>>[vector<16xi32>], vector<16xf32>,
      %add3A_815 = arith.addf %add3A_810, %gather3A_814 : vector<16xf32>
      %add3A_816 = arith.constant 1 : i32
      %add3A_817 = vector.broadcast %add3A_816 : i32 to vector<16xi32>
      %add3A_818 = arith.addi %add3A_813, %add3A_817 : vector<16xi32>
      %gather3A_819 = tpu.vector_load_idx %arg10[%add3A_818] : memref<12800xf32, #tpu.memory_space<vmem>>[vector<16xi32>], vector<16xf32>,
      %add3A_820 = arith.addf %add3A_815, %gather3A_819 : vector<16xf32>
      %add3A_821 = arith.constant 1 : i32
      %add3A_822 = vector.broadcast %add3A_821 : i32 to vector<16xi32>
      %add3A_823 = arith.addi %add3A_818, %add3A_822 : vector<16xi32>
      %gather3A_824 = tpu.vector_load_idx %arg10[%add3A_823] : memref<12800xf32, #tpu.memory_space<vmem>>[vector<16xi32>], vector<16xf32>,
      %add3A_825 = arith.addf %add3A_820, %gather3A_824 : vector<16xf32>
      %add3A_826 = arith.constant 1 : i32
      %add3A_827 = vector.broadcast %add3A_826 : i32 to vector<16xi32>
      %add3A_828 = arith.addi %add3A_823, %add3A_827 : vector<16xi32>
      scf.yield %add3A_825, %add3A_828 : vector<16xf32>, vector<16xi32>
    }
    %scan3A_181 = arith.constant 25 : i32
    %swap3A_182 = arith.constant 144 : index
    %swap3A_183 = tpu.vector_load %arg14[%swap3A_182] {strides = array<i32>} : memref<512xf32, #tpu.memory_space<vmem>>, vector<16xf32>,
    tpu.vector_store %arg14[%swap3A_182], %scan3A_180#0 {strides = array<i32>} : memref<512xf32, #tpu.memory_space<vmem>>, vector<16xf32>,
    %mul3A_184 = arith.constant 200 : i32
    %mul3A_185 = vector.broadcast %mul3A_184 : i32 to vector<16xi32>
    %mul3A_186 = arith.muli %iota3A, %mul3A_185 : vector<16xi32>
    %add3A_187 = arith.constant 6400 : i32
    %add3A_188 = vector.broadcast %add3A_187 : i32 to vector<16xi32>
    %add3A_189 = arith.addi %mul3A_186, %add3A_188 : vector<16xi32>
    %broadcast_in_dim3A_190 = arith.constant 0.000000e+00 : f32
    %broadcast_in_dim3A_191 = vector.broadcast %broadcast_in_dim3A_190 : f32 to vector<16xf32>
    %scan3A_192 = arith.constant 0 : i32
    %scan3A_193 = arith.constant 25 : i32
    %scan3A_194 = arith.addi %scan3A_192, %scan3A_193 : i32
    %scan3A_195 = arith.constant 1 : i32
    %scan3A_196:2 = scf.for %scan3A_787 = %scan3A_192 to %scan3A_194 step %scan3A_195 iter_args(%scan3A_788 = %broadcast_in_dim3A_191, %scan3A_789 = %add3A_189) -> (vector<16xf32>, vector<16xi32>)  : i32 {
      %gather3A = tpu.vector_load_idx %arg10[%scan3A_789] : memref<12800xf32, #tpu.memory_space<vmem>>[vector<16xi32>], vector<16xf32>,
      %add3A_790 = arith.addf %scan3A_788, %gather3A : vector<16xf32>
      %add3A_791 = arith.constant 1 : i32
      %add3A_792 = vector.broadcast %add3A_791 : i32 to vector<16xi32>
      %add3A_793 = arith.addi %scan3A_789, %add3A_792 : vector<16xi32>
      %gather3A_794 = tpu.vector_load_idx %arg10[%add3A_793] : memref<12800xf32, #tpu.memory_space<vmem>>[vector<16xi32>], vector<16xf32>,
      %add3A_795 = arith.addf %add3A_790, %gather3A_794 : vector<16xf32>
      %add3A_796 = arith.constant 1 : i32
      %add3A_797 = vector.broadcast %add3A_796 : i32 to vector<16xi32>
      %add3A_798 = arith.addi %add3A_793, %add3A_797 : vector<16xi32>
      %gather3A_799 = tpu.vector_load_idx %arg10[%add3A_798] : memref<12800xf32, #tpu.memory_space<vmem>>[vector<16xi32>], vector<16xf32>,
      %add3A_800 = arith.addf %add3A_795, %gather3A_799 : vector<16xf32>
      %add3A_801 = arith.constant 1 : i32
      %add3A_802 = vector.broadcast %add3A_801 : i32 to vector<16xi32>
      %add3A_803 = arith.addi %add3A_798, %add3A_802 : vector<16xi32>
      %gather3A_804 = tpu.vector_load_idx %arg10[%add3A_803] : memref<12800xf32, #tpu.memory_space<vmem>>[vector<16xi32>], vector<16xf32>,
      %add3A_805 = arith.addf %add3A_800, %gather3A_804 : vector<16xf32>
      %add3A_806 = arith.constant 1 : i32
      %add3A_807 = vector.broadcast %add3A_806 : i32 to vector<16xi32>
      %add3A_808 = arith.addi %add3A_803, %add3A_807 : vector<16xi32>
      %gather3A_809 = tpu.vector_load_idx %arg10[%add3A_808] : memref<12800xf32, #tpu.memory_space<vmem>>[vector<16xi32>], vector<16xf32>,
      %add3A_810 = arith.addf %add3A_805, %gather3A_809 : vector<16xf32>
      %add3A_811 = arith.constant 1 : i32
      %add3A_812 = vector.broadcast %add3A_811 : i32 to vector<16xi32>
      %add3A_813 = arith.addi %add3A_808, %add3A_812 : vector<16xi32>
      %gather3A_814 = tpu.vector_load_idx %arg10[%add3A_813] : memref<12800xf32, #tpu.memory_space<vmem>>[vector<16xi32>], vector<16xf32>,
      %add3A_815 = arith.addf %add3A_810, %gather3A_814 : vector<16xf32>
      %add3A_816 = arith.constant 1 : i32
      %add3A_817 = vector.broadcast %add3A_816 : i32 to vector<16xi32>
      %add3A_818 = arith.addi %add3A_813, %add3A_817 : vector<16xi32>
      %gather3A_819 = tpu.vector_load_idx %arg10[%add3A_818] : memref<12800xf32, #tpu.memory_space<vmem>>[vector<16xi32>], vector<16xf32>,
      %add3A_820 = arith.addf %add3A_815, %gather3A_819 : vector<16xf32>
      %add3A_821 = arith.constant 1 : i32
      %add3A_822 = vector.broadcast %add3A_821 : i32 to vector<16xi32>
      %add3A_823 = arith.addi %add3A_818, %add3A_822 : vector<16xi32>
      %gather3A_824 = tpu.vector_load_idx %arg10[%add3A_823] : memref<12800xf32, #tpu.memory_space<vmem>>[vector<16xi32>], vector<16xf32>,
      %add3A_825 = arith.addf %add3A_820, %gather3A_824 : vector<16xf32>
      %add3A_826 = arith.constant 1 : i32
      %add3A_827 = vector.broadcast %add3A_826 : i32 to vector<16xi32>
      %add3A_828 = arith.addi %add3A_823, %add3A_827 : vector<16xi32>
      scf.yield %add3A_825, %add3A_828 : vector<16xf32>, vector<16xi32>
    }
    %scan3A_197 = arith.constant 25 : i32
    %swap3A_198 = arith.constant 160 : index
    %swap3A_199 = tpu.vector_load %arg14[%swap3A_198] {strides = array<i32>} : memref<512xf32, #tpu.memory_space<vmem>>, vector<16xf32>,
    tpu.vector_store %arg14[%swap3A_198], %scan3A_196#0 {strides = array<i32>} : memref<512xf32, #tpu.memory_space<vmem>>, vector<16xf32>,
    %mul3A_200 = arith.constant 200 : i32
    %mul3A_201 = vector.broadcast %mul3A_200 : i32 to vector<16xi32>
    %mul3A_202 = arith.muli %iota3A, %mul3A_201 : vector<16xi32>
    %add3A_203 = arith.constant 9600 : i32
    %add3A_204 = vector.broadcast %add3A_203 : i32 to vector<16xi32>
    %add3A_205 = arith.addi %mul3A_202, %add3A_204 : vector<16xi32>
    %broadcast_in_dim3A_206 = arith.constant 0.000000e+00 : f32
    %broadcast_in_dim3A_207 = vector.broadcast %broadcast_in_dim3A_206 : f32 to vector<16xf32>
    %scan3A_208 = arith.constant 0 : i32
    %scan3A_209 = arith.constant 25 : i32
    %scan3A_210 = arith.addi %scan3A_208, %scan3A_209 : i32
    %scan3A_211 = arith.constant 1 : i32
    %scan3A_212:2 = scf.for %scan3A_787 = %scan3A_208 to %scan3A_210 step %scan3A_211 iter_args(%scan3A_788 = %broadcast_in_dim3A_207, %scan3A_789 = %add3A_205) -> (vector<16xf32>, vector<16xi32>)  : i32 {
      %gather3A = tpu.vector_load_idx %arg10[%scan3A_789] : memref<12800xf32, #tpu.memory_space<vmem>>[vector<16xi32>], vector<16xf32>,
      %add3A_790 = arith.addf %scan3A_788, %gather3A : vector<16xf32>
      %add3A_791 = arith.constant 1 : i32
      %add3A_792 = vector.broadcast %add3A_791 : i32 to vector<16xi32>
      %add3A_793 = arith.addi %scan3A_789, %add3A_792 : vector<16xi32>
      %gather3A_794 = tpu.vector_load_idx %arg10[%add3A_793] : memref<12800xf32, #tpu.memory_space<vmem>>[vector<16xi32>], vector<16xf32>,
      %add3A_795 = arith.addf %add3A_790, %gather3A_794 : vector<16xf32>
      %add3A_796 = arith.constant 1 : i32
      %add3A_797 = vector.broadcast %add3A_796 : i32 to vector<16xi32>
      %add3A_798 = arith.addi %add3A_793, %add3A_797 : vector<16xi32>
      %gather3A_799 = tpu.vector_load_idx %arg10[%add3A_798] : memref<12800xf32, #tpu.memory_space<vmem>>[vector<16xi32>], vector<16xf32>,
      %add3A_800 = arith.addf %add3A_795, %gather3A_799 : vector<16xf32>
      %add3A_801 = arith.constant 1 : i32
      %add3A_802 = vector.broadcast %add3A_801 : i32 to vector<16xi32>
      %add3A_803 = arith.addi %add3A_798, %add3A_802 : vector<16xi32>
      %gather3A_804 = tpu.vector_load_idx %arg10[%add3A_803] : memref<12800xf32, #tpu.memory_space<vmem>>[vector<16xi32>], vector<16xf32>,
      %add3A_805 = arith.addf %add3A_800, %gather3A_804 : vector<16xf32>
      %add3A_806 = arith.constant 1 : i32
      %add3A_807 = vector.broadcast %add3A_806 : i32 to vector<16xi32>
      %add3A_808 = arith.addi %add3A_803, %add3A_807 : vector<16xi32>
      %gather3A_809 = tpu.vector_load_idx %arg10[%add3A_808] : memref<12800xf32, #tpu.memory_space<vmem>>[vector<16xi32>], vector<16xf32>,
      %add3A_810 = arith.addf %add3A_805, %gather3A_809 : vector<16xf32>
      %add3A_811 = arith.constant 1 : i32
      %add3A_812 = vector.broadcast %add3A_811 : i32 to vector<16xi32>
      %add3A_813 = arith.addi %add3A_808, %add3A_812 : vector<16xi32>
      %gather3A_814 = tpu.vector_load_idx %arg10[%add3A_813] : memref<12800xf32, #tpu.memory_space<vmem>>[vector<16xi32>], vector<16xf32>,
      %add3A_815 = arith.addf %add3A_810, %gather3A_814 : vector<16xf32>
      %add3A_816 = arith.constant 1 : i32
      %add3A_817 = vector.broadcast %add3A_816 : i32 to vector<16xi32>
      %add3A_818 = arith.addi %add3A_813, %add3A_817 : vector<16xi32>
      %gather3A_819 = tpu.vector_load_idx %arg10[%add3A_818] : memref<12800xf32, #tpu.memory_space<vmem>>[vector<16xi32>], vector<16xf32>,
      %add3A_820 = arith.addf %add3A_815, %gather3A_819 : vector<16xf32>
      %add3A_821 = arith.constant 1 : i32
      %add3A_822 = vector.broadcast %add3A_821 : i32 to vector<16xi32>
      %add3A_823 = arith.addi %add3A_818, %add3A_822 : vector<16xi32>
      %gather3A_824 = tpu.vector_load_idx %arg10[%add3A_823] : memref<12800xf32, #tpu.memory_space<vmem>>[vector<16xi32>], vector<16xf32>,
      %add3A_825 = arith.addf %add3A_820, %gather3A_824 : vector<16xf32>
      %add3A_826 = arith.constant 1 : i32
      %add3A_827 = vector.broadcast %add3A_826 : i32 to vector<16xi32>
      %add3A_828 = arith.addi %add3A_823, %add3A_827 : vector<16xi32>
      scf.yield %add3A_825, %add3A_828 : vector<16xf32>, vector<16xi32>
    }
    %scan3A_213 = arith.constant 25 : i32
    %swap3A_214 = arith.constant 176 : index
    %swap3A_215 = tpu.vector_load %arg14[%swap3A_214] {strides = array<i32>} : memref<512xf32, #tpu.memory_space<vmem>>, vector<16xf32>,
    tpu.vector_store %arg14[%swap3A_214], %scan3A_212#0 {strides = array<i32>} : memref<512xf32, #tpu.memory_space<vmem>>, vector<16xf32>,
    %add3A_216 = arith.constant 51200 : i32
    %add3A_217 = arith.addi %mul3A_4, %add3A_216 : i32
    "tpu.region"() ({
      %run_scoped3A = tpu.sem_alloc : memref<!tpu.dma_semaphore, #tpu.memory_space<semaphore_mem>>
      %dma_start3A_787 = tpu.memref_slice %arg2[%add3A_217] : memref<3276800xi32, #tpu.memory_space<hbm>> -> memref<12800xi32, #tpu.memory_space<hbm>>
      %dma_start3A_788 = tpu.memref_slice %arg2[%add3A_217] : memref<3276800xi32, #tpu.memory_space<hbm>> -> memref<12800xi32, #tpu.memory_space<hbm>>
      tpu.enqueue_dma source(%dma_start3A_788 : memref<12800xi32, #tpu.memory_space<hbm>>) target(%arg8 : memref<12800xi32, #tpu.memory_space<vmem>>) target_semaphore(%run_scoped3A : memref<!tpu.dma_semaphore, #tpu.memory_space<semaphore_mem>>)
      %dma_wait3A_789 = tpu.memref_slice %arg2[%add3A_217] : memref<3276800xi32, #tpu.memory_space<hbm>> -> memref<12800xi32, #tpu.memory_space<hbm>>
      %dma_wait3A_790 = tpu.memref_slice %arg2[%add3A_217] : memref<3276800xi32, #tpu.memory_space<hbm>> -> memref<12800xi32, #tpu.memory_space<hbm>>
      tpu.wait_dma2 semaphore(%run_scoped3A : memref<!tpu.dma_semaphore, #tpu.memory_space<semaphore_mem>>) src(%dma_wait3A_790 : memref<12800xi32, #tpu.memory_space<hbm>>) dst(%arg8 : memref<12800xi32, #tpu.memory_space<vmem>>)
      tpu.yield
    }) : () -> ()
    %dma_start3A_218 = arith.constant 0 : i32
    %dma_start3A_219 = tpu.memref_slice %arg7[%dma_start3A_218] : memref<1000064xf32, #tpu.memory_space<vmem_shared>> -> memref<1000064xf32, #tpu.memory_space<vmem_shared>>
    tpu.enqueue_indirect_dma source(%dma_start3A_219 : memref<1000064xf32, #tpu.memory_space<vmem_shared>>) target(%arg10 : memref<12800xf32, #tpu.memory_space<vmem>>) offsets(%arg8 : memref<12800xi32, #tpu.memory_space<vmem>>) semaphore(%arg15 : memref<!tpu.dma_semaphore, #tpu.memory_space<semaphore_mem>>)
    %dma_wait3A_220 = arith.constant 0 : i32
    %dma_wait3A_221 = tpu.memref_slice %arg7[%dma_wait3A_220] : memref<1000064xf32, #tpu.memory_space<vmem_shared>> -> memref<1000064xf32, #tpu.memory_space<vmem_shared>>
    tpu.wait_indirect_dma semaphore(%arg16 : memref<!tpu.dma_semaphore, #tpu.memory_space<semaphore_mem>>) src(%dma_wait3A_221 : memref<1000064xf32, #tpu.memory_space<vmem_shared>>) dst(%arg11 : memref<12800xf32, #tpu.memory_space<vmem>>)
    %mul3A_222 = arith.constant 200 : i32
    %mul3A_223 = vector.broadcast %mul3A_222 : i32 to vector<16xi32>
    %mul3A_224 = arith.muli %iota3A, %mul3A_223 : vector<16xi32>
    %add3A_225 = arith.constant 0 : i32
    %add3A_226 = vector.broadcast %add3A_225 : i32 to vector<16xi32>
    %add3A_227 = arith.addi %mul3A_224, %add3A_226 : vector<16xi32>
    %broadcast_in_dim3A_228 = arith.constant 0.000000e+00 : f32
    %broadcast_in_dim3A_229 = vector.broadcast %broadcast_in_dim3A_228 : f32 to vector<16xf32>
    %scan3A_230 = arith.constant 0 : i32
    %scan3A_231 = arith.constant 25 : i32
    %scan3A_232 = arith.addi %scan3A_230, %scan3A_231 : i32
    %scan3A_233 = arith.constant 1 : i32
    %scan3A_234:2 = scf.for %scan3A_787 = %scan3A_230 to %scan3A_232 step %scan3A_233 iter_args(%scan3A_788 = %broadcast_in_dim3A_229, %scan3A_789 = %add3A_227) -> (vector<16xf32>, vector<16xi32>)  : i32 {
      %gather3A = tpu.vector_load_idx %arg11[%scan3A_789] : memref<12800xf32, #tpu.memory_space<vmem>>[vector<16xi32>], vector<16xf32>,
      %add3A_790 = arith.addf %scan3A_788, %gather3A : vector<16xf32>
      %add3A_791 = arith.constant 1 : i32
      %add3A_792 = vector.broadcast %add3A_791 : i32 to vector<16xi32>
      %add3A_793 = arith.addi %scan3A_789, %add3A_792 : vector<16xi32>
      %gather3A_794 = tpu.vector_load_idx %arg11[%add3A_793] : memref<12800xf32, #tpu.memory_space<vmem>>[vector<16xi32>], vector<16xf32>,
      %add3A_795 = arith.addf %add3A_790, %gather3A_794 : vector<16xf32>
      %add3A_796 = arith.constant 1 : i32
      %add3A_797 = vector.broadcast %add3A_796 : i32 to vector<16xi32>
      %add3A_798 = arith.addi %add3A_793, %add3A_797 : vector<16xi32>
      %gather3A_799 = tpu.vector_load_idx %arg11[%add3A_798] : memref<12800xf32, #tpu.memory_space<vmem>>[vector<16xi32>], vector<16xf32>,
      %add3A_800 = arith.addf %add3A_795, %gather3A_799 : vector<16xf32>
      %add3A_801 = arith.constant 1 : i32
      %add3A_802 = vector.broadcast %add3A_801 : i32 to vector<16xi32>
      %add3A_803 = arith.addi %add3A_798, %add3A_802 : vector<16xi32>
      %gather3A_804 = tpu.vector_load_idx %arg11[%add3A_803] : memref<12800xf32, #tpu.memory_space<vmem>>[vector<16xi32>], vector<16xf32>,
      %add3A_805 = arith.addf %add3A_800, %gather3A_804 : vector<16xf32>
      %add3A_806 = arith.constant 1 : i32
      %add3A_807 = vector.broadcast %add3A_806 : i32 to vector<16xi32>
      %add3A_808 = arith.addi %add3A_803, %add3A_807 : vector<16xi32>
      %gather3A_809 = tpu.vector_load_idx %arg11[%add3A_808] : memref<12800xf32, #tpu.memory_space<vmem>>[vector<16xi32>], vector<16xf32>,
      %add3A_810 = arith.addf %add3A_805, %gather3A_809 : vector<16xf32>
      %add3A_811 = arith.constant 1 : i32
      %add3A_812 = vector.broadcast %add3A_811 : i32 to vector<16xi32>
      %add3A_813 = arith.addi %add3A_808, %add3A_812 : vector<16xi32>
      %gather3A_814 = tpu.vector_load_idx %arg11[%add3A_813] : memref<12800xf32, #tpu.memory_space<vmem>>[vector<16xi32>], vector<16xf32>,
      %add3A_815 = arith.addf %add3A_810, %gather3A_814 : vector<16xf32>
      %add3A_816 = arith.constant 1 : i32
      %add3A_817 = vector.broadcast %add3A_816 : i32 to vector<16xi32>
      %add3A_818 = arith.addi %add3A_813, %add3A_817 : vector<16xi32>
      %gather3A_819 = tpu.vector_load_idx %arg11[%add3A_818] : memref<12800xf32, #tpu.memory_space<vmem>>[vector<16xi32>], vector<16xf32>,
      %add3A_820 = arith.addf %add3A_815, %gather3A_819 : vector<16xf32>
      %add3A_821 = arith.constant 1 : i32
      %add3A_822 = vector.broadcast %add3A_821 : i32 to vector<16xi32>
      %add3A_823 = arith.addi %add3A_818, %add3A_822 : vector<16xi32>
      %gather3A_824 = tpu.vector_load_idx %arg11[%add3A_823] : memref<12800xf32, #tpu.memory_space<vmem>>[vector<16xi32>], vector<16xf32>,
      %add3A_825 = arith.addf %add3A_820, %gather3A_824 : vector<16xf32>
      %add3A_826 = arith.constant 1 : i32
      %add3A_827 = vector.broadcast %add3A_826 : i32 to vector<16xi32>
      %add3A_828 = arith.addi %add3A_823, %add3A_827 : vector<16xi32>
      scf.yield %add3A_825, %add3A_828 : vector<16xf32>, vector<16xi32>
    }
    %scan3A_235 = arith.constant 25 : i32
    %swap3A_236 = arith.constant 192 : index
    %swap3A_237 = tpu.vector_load %arg14[%swap3A_236] {strides = array<i32>} : memref<512xf32, #tpu.memory_space<vmem>>, vector<16xf32>,
    tpu.vector_store %arg14[%swap3A_236], %scan3A_234#0 {strides = array<i32>} : memref<512xf32, #tpu.memory_space<vmem>>, vector<16xf32>,
    %mul3A_238 = arith.constant 200 : i32
    %mul3A_239 = vector.broadcast %mul3A_238 : i32 to vector<16xi32>
    %mul3A_240 = arith.muli %iota3A, %mul3A_239 : vector<16xi32>
    %add3A_241 = arith.constant 3200 : i32
    %add3A_242 = vector.broadcast %add3A_241 : i32 to vector<16xi32>
    %add3A_243 = arith.addi %mul3A_240, %add3A_242 : vector<16xi32>
    %broadcast_in_dim3A_244 = arith.constant 0.000000e+00 : f32
    %broadcast_in_dim3A_245 = vector.broadcast %broadcast_in_dim3A_244 : f32 to vector<16xf32>
    %scan3A_246 = arith.constant 0 : i32
    %scan3A_247 = arith.constant 25 : i32
    %scan3A_248 = arith.addi %scan3A_246, %scan3A_247 : i32
    %scan3A_249 = arith.constant 1 : i32
    %scan3A_250:2 = scf.for %scan3A_787 = %scan3A_246 to %scan3A_248 step %scan3A_249 iter_args(%scan3A_788 = %broadcast_in_dim3A_245, %scan3A_789 = %add3A_243) -> (vector<16xf32>, vector<16xi32>)  : i32 {
      %gather3A = tpu.vector_load_idx %arg11[%scan3A_789] : memref<12800xf32, #tpu.memory_space<vmem>>[vector<16xi32>], vector<16xf32>,
      %add3A_790 = arith.addf %scan3A_788, %gather3A : vector<16xf32>
      %add3A_791 = arith.constant 1 : i32
      %add3A_792 = vector.broadcast %add3A_791 : i32 to vector<16xi32>
      %add3A_793 = arith.addi %scan3A_789, %add3A_792 : vector<16xi32>
      %gather3A_794 = tpu.vector_load_idx %arg11[%add3A_793] : memref<12800xf32, #tpu.memory_space<vmem>>[vector<16xi32>], vector<16xf32>,
      %add3A_795 = arith.addf %add3A_790, %gather3A_794 : vector<16xf32>
      %add3A_796 = arith.constant 1 : i32
      %add3A_797 = vector.broadcast %add3A_796 : i32 to vector<16xi32>
      %add3A_798 = arith.addi %add3A_793, %add3A_797 : vector<16xi32>
      %gather3A_799 = tpu.vector_load_idx %arg11[%add3A_798] : memref<12800xf32, #tpu.memory_space<vmem>>[vector<16xi32>], vector<16xf32>,
      %add3A_800 = arith.addf %add3A_795, %gather3A_799 : vector<16xf32>
      %add3A_801 = arith.constant 1 : i32
      %add3A_802 = vector.broadcast %add3A_801 : i32 to vector<16xi32>
      %add3A_803 = arith.addi %add3A_798, %add3A_802 : vector<16xi32>
      %gather3A_804 = tpu.vector_load_idx %arg11[%add3A_803] : memref<12800xf32, #tpu.memory_space<vmem>>[vector<16xi32>], vector<16xf32>,
      %add3A_805 = arith.addf %add3A_800, %gather3A_804 : vector<16xf32>
      %add3A_806 = arith.constant 1 : i32
      %add3A_807 = vector.broadcast %add3A_806 : i32 to vector<16xi32>
      %add3A_808 = arith.addi %add3A_803, %add3A_807 : vector<16xi32>
      %gather3A_809 = tpu.vector_load_idx %arg11[%add3A_808] : memref<12800xf32, #tpu.memory_space<vmem>>[vector<16xi32>], vector<16xf32>,
      %add3A_810 = arith.addf %add3A_805, %gather3A_809 : vector<16xf32>
      %add3A_811 = arith.constant 1 : i32
      %add3A_812 = vector.broadcast %add3A_811 : i32 to vector<16xi32>
      %add3A_813 = arith.addi %add3A_808, %add3A_812 : vector<16xi32>
      %gather3A_814 = tpu.vector_load_idx %arg11[%add3A_813] : memref<12800xf32, #tpu.memory_space<vmem>>[vector<16xi32>], vector<16xf32>,
      %add3A_815 = arith.addf %add3A_810, %gather3A_814 : vector<16xf32>
      %add3A_816 = arith.constant 1 : i32
      %add3A_817 = vector.broadcast %add3A_816 : i32 to vector<16xi32>
      %add3A_818 = arith.addi %add3A_813, %add3A_817 : vector<16xi32>
      %gather3A_819 = tpu.vector_load_idx %arg11[%add3A_818] : memref<12800xf32, #tpu.memory_space<vmem>>[vector<16xi32>], vector<16xf32>,
      %add3A_820 = arith.addf %add3A_815, %gather3A_819 : vector<16xf32>
      %add3A_821 = arith.constant 1 : i32
      %add3A_822 = vector.broadcast %add3A_821 : i32 to vector<16xi32>
      %add3A_823 = arith.addi %add3A_818, %add3A_822 : vector<16xi32>
      %gather3A_824 = tpu.vector_load_idx %arg11[%add3A_823] : memref<12800xf32, #tpu.memory_space<vmem>>[vector<16xi32>], vector<16xf32>,
      %add3A_825 = arith.addf %add3A_820, %gather3A_824 : vector<16xf32>
      %add3A_826 = arith.constant 1 : i32
      %add3A_827 = vector.broadcast %add3A_826 : i32 to vector<16xi32>
      %add3A_828 = arith.addi %add3A_823, %add3A_827 : vector<16xi32>
      scf.yield %add3A_825, %add3A_828 : vector<16xf32>, vector<16xi32>
    }
    %scan3A_251 = arith.constant 25 : i32
    %swap3A_252 = arith.constant 208 : index
    %swap3A_253 = tpu.vector_load %arg14[%swap3A_252] {strides = array<i32>} : memref<512xf32, #tpu.memory_space<vmem>>, vector<16xf32>,
    tpu.vector_store %arg14[%swap3A_252], %scan3A_250#0 {strides = array<i32>} : memref<512xf32, #tpu.memory_space<vmem>>, vector<16xf32>,
    %mul3A_254 = arith.constant 200 : i32
    %mul3A_255 = vector.broadcast %mul3A_254 : i32 to vector<16xi32>
    %mul3A_256 = arith.muli %iota3A, %mul3A_255 : vector<16xi32>
    %add3A_257 = arith.constant 6400 : i32
    %add3A_258 = vector.broadcast %add3A_257 : i32 to vector<16xi32>
    %add3A_259 = arith.addi %mul3A_256, %add3A_258 : vector<16xi32>
    %broadcast_in_dim3A_260 = arith.constant 0.000000e+00 : f32
    %broadcast_in_dim3A_261 = vector.broadcast %broadcast_in_dim3A_260 : f32 to vector<16xf32>
    %scan3A_262 = arith.constant 0 : i32
    %scan3A_263 = arith.constant 25 : i32
    %scan3A_264 = arith.addi %scan3A_262, %scan3A_263 : i32
    %scan3A_265 = arith.constant 1 : i32
    %scan3A_266:2 = scf.for %scan3A_787 = %scan3A_262 to %scan3A_264 step %scan3A_265 iter_args(%scan3A_788 = %broadcast_in_dim3A_261, %scan3A_789 = %add3A_259) -> (vector<16xf32>, vector<16xi32>)  : i32 {
      %gather3A = tpu.vector_load_idx %arg11[%scan3A_789] : memref<12800xf32, #tpu.memory_space<vmem>>[vector<16xi32>], vector<16xf32>,
      %add3A_790 = arith.addf %scan3A_788, %gather3A : vector<16xf32>
      %add3A_791 = arith.constant 1 : i32
      %add3A_792 = vector.broadcast %add3A_791 : i32 to vector<16xi32>
      %add3A_793 = arith.addi %scan3A_789, %add3A_792 : vector<16xi32>
      %gather3A_794 = tpu.vector_load_idx %arg11[%add3A_793] : memref<12800xf32, #tpu.memory_space<vmem>>[vector<16xi32>], vector<16xf32>,
      %add3A_795 = arith.addf %add3A_790, %gather3A_794 : vector<16xf32>
      %add3A_796 = arith.constant 1 : i32
      %add3A_797 = vector.broadcast %add3A_796 : i32 to vector<16xi32>
      %add3A_798 = arith.addi %add3A_793, %add3A_797 : vector<16xi32>
      %gather3A_799 = tpu.vector_load_idx %arg11[%add3A_798] : memref<12800xf32, #tpu.memory_space<vmem>>[vector<16xi32>], vector<16xf32>,
      %add3A_800 = arith.addf %add3A_795, %gather3A_799 : vector<16xf32>
      %add3A_801 = arith.constant 1 : i32
      %add3A_802 = vector.broadcast %add3A_801 : i32 to vector<16xi32>
      %add3A_803 = arith.addi %add3A_798, %add3A_802 : vector<16xi32>
      %gather3A_804 = tpu.vector_load_idx %arg11[%add3A_803] : memref<12800xf32, #tpu.memory_space<vmem>>[vector<16xi32>], vector<16xf32>,
      %add3A_805 = arith.addf %add3A_800, %gather3A_804 : vector<16xf32>
      %add3A_806 = arith.constant 1 : i32
      %add3A_807 = vector.broadcast %add3A_806 : i32 to vector<16xi32>
      %add3A_808 = arith.addi %add3A_803, %add3A_807 : vector<16xi32>
      %gather3A_809 = tpu.vector_load_idx %arg11[%add3A_808] : memref<12800xf32, #tpu.memory_space<vmem>>[vector<16xi32>], vector<16xf32>,
      %add3A_810 = arith.addf %add3A_805, %gather3A_809 : vector<16xf32>
      %add3A_811 = arith.constant 1 : i32
      %add3A_812 = vector.broadcast %add3A_811 : i32 to vector<16xi32>
      %add3A_813 = arith.addi %add3A_808, %add3A_812 : vector<16xi32>
      %gather3A_814 = tpu.vector_load_idx %arg11[%add3A_813] : memref<12800xf32, #tpu.memory_space<vmem>>[vector<16xi32>], vector<16xf32>,
      %add3A_815 = arith.addf %add3A_810, %gather3A_814 : vector<16xf32>
      %add3A_816 = arith.constant 1 : i32
      %add3A_817 = vector.broadcast %add3A_816 : i32 to vector<16xi32>
      %add3A_818 = arith.addi %add3A_813, %add3A_817 : vector<16xi32>
      %gather3A_819 = tpu.vector_load_idx %arg11[%add3A_818] : memref<12800xf32, #tpu.memory_space<vmem>>[vector<16xi32>], vector<16xf32>,
      %add3A_820 = arith.addf %add3A_815, %gather3A_819 : vector<16xf32>
      %add3A_821 = arith.constant 1 : i32
      %add3A_822 = vector.broadcast %add3A_821 : i32 to vector<16xi32>
      %add3A_823 = arith.addi %add3A_818, %add3A_822 : vector<16xi32>
      %gather3A_824 = tpu.vector_load_idx %arg11[%add3A_823] : memref<12800xf32, #tpu.memory_space<vmem>>[vector<16xi32>], vector<16xf32>,
      %add3A_825 = arith.addf %add3A_820, %gather3A_824 : vector<16xf32>
      %add3A_826 = arith.constant 1 : i32
      %add3A_827 = vector.broadcast %add3A_826 : i32 to vector<16xi32>
      %add3A_828 = arith.addi %add3A_823, %add3A_827 : vector<16xi32>
      scf.yield %add3A_825, %add3A_828 : vector<16xf32>, vector<16xi32>
    }
    %scan3A_267 = arith.constant 25 : i32
    %swap3A_268 = arith.constant 224 : index
    %swap3A_269 = tpu.vector_load %arg14[%swap3A_268] {strides = array<i32>} : memref<512xf32, #tpu.memory_space<vmem>>, vector<16xf32>,
    tpu.vector_store %arg14[%swap3A_268], %scan3A_266#0 {strides = array<i32>} : memref<512xf32, #tpu.memory_space<vmem>>, vector<16xf32>,
    %mul3A_270 = arith.constant 200 : i32
    %mul3A_271 = vector.broadcast %mul3A_270 : i32 to vector<16xi32>
    %mul3A_272 = arith.muli %iota3A, %mul3A_271 : vector<16xi32>
    %add3A_273 = arith.constant 9600 : i32
    %add3A_274 = vector.broadcast %add3A_273 : i32 to vector<16xi32>
    %add3A_275 = arith.addi %mul3A_272, %add3A_274 : vector<16xi32>
    %broadcast_in_dim3A_276 = arith.constant 0.000000e+00 : f32
    %broadcast_in_dim3A_277 = vector.broadcast %broadcast_in_dim3A_276 : f32 to vector<16xf32>
    %scan3A_278 = arith.constant 0 : i32
    %scan3A_279 = arith.constant 25 : i32
    %scan3A_280 = arith.addi %scan3A_278, %scan3A_279 : i32
    %scan3A_281 = arith.constant 1 : i32
    %scan3A_282:2 = scf.for %scan3A_787 = %scan3A_278 to %scan3A_280 step %scan3A_281 iter_args(%scan3A_788 = %broadcast_in_dim3A_277, %scan3A_789 = %add3A_275) -> (vector<16xf32>, vector<16xi32>)  : i32 {
      %gather3A = tpu.vector_load_idx %arg11[%scan3A_789] : memref<12800xf32, #tpu.memory_space<vmem>>[vector<16xi32>], vector<16xf32>,
      %add3A_790 = arith.addf %scan3A_788, %gather3A : vector<16xf32>
      %add3A_791 = arith.constant 1 : i32
      %add3A_792 = vector.broadcast %add3A_791 : i32 to vector<16xi32>
      %add3A_793 = arith.addi %scan3A_789, %add3A_792 : vector<16xi32>
      %gather3A_794 = tpu.vector_load_idx %arg11[%add3A_793] : memref<12800xf32, #tpu.memory_space<vmem>>[vector<16xi32>], vector<16xf32>,
      %add3A_795 = arith.addf %add3A_790, %gather3A_794 : vector<16xf32>
      %add3A_796 = arith.constant 1 : i32
      %add3A_797 = vector.broadcast %add3A_796 : i32 to vector<16xi32>
      %add3A_798 = arith.addi %add3A_793, %add3A_797 : vector<16xi32>
      %gather3A_799 = tpu.vector_load_idx %arg11[%add3A_798] : memref<12800xf32, #tpu.memory_space<vmem>>[vector<16xi32>], vector<16xf32>,
      %add3A_800 = arith.addf %add3A_795, %gather3A_799 : vector<16xf32>
      %add3A_801 = arith.constant 1 : i32
      %add3A_802 = vector.broadcast %add3A_801 : i32 to vector<16xi32>
      %add3A_803 = arith.addi %add3A_798, %add3A_802 : vector<16xi32>
      %gather3A_804 = tpu.vector_load_idx %arg11[%add3A_803] : memref<12800xf32, #tpu.memory_space<vmem>>[vector<16xi32>], vector<16xf32>,
      %add3A_805 = arith.addf %add3A_800, %gather3A_804 : vector<16xf32>
      %add3A_806 = arith.constant 1 : i32
      %add3A_807 = vector.broadcast %add3A_806 : i32 to vector<16xi32>
      %add3A_808 = arith.addi %add3A_803, %add3A_807 : vector<16xi32>
      %gather3A_809 = tpu.vector_load_idx %arg11[%add3A_808] : memref<12800xf32, #tpu.memory_space<vmem>>[vector<16xi32>], vector<16xf32>,
      %add3A_810 = arith.addf %add3A_805, %gather3A_809 : vector<16xf32>
      %add3A_811 = arith.constant 1 : i32
      %add3A_812 = vector.broadcast %add3A_811 : i32 to vector<16xi32>
      %add3A_813 = arith.addi %add3A_808, %add3A_812 : vector<16xi32>
      %gather3A_814 = tpu.vector_load_idx %arg11[%add3A_813] : memref<12800xf32, #tpu.memory_space<vmem>>[vector<16xi32>], vector<16xf32>,
      %add3A_815 = arith.addf %add3A_810, %gather3A_814 : vector<16xf32>
      %add3A_816 = arith.constant 1 : i32
      %add3A_817 = vector.broadcast %add3A_816 : i32 to vector<16xi32>
      %add3A_818 = arith.addi %add3A_813, %add3A_817 : vector<16xi32>
      %gather3A_819 = tpu.vector_load_idx %arg11[%add3A_818] : memref<12800xf32, #tpu.memory_space<vmem>>[vector<16xi32>], vector<16xf32>,
      %add3A_820 = arith.addf %add3A_815, %gather3A_819 : vector<16xf32>
      %add3A_821 = arith.constant 1 : i32
      %add3A_822 = vector.broadcast %add3A_821 : i32 to vector<16xi32>
      %add3A_823 = arith.addi %add3A_818, %add3A_822 : vector<16xi32>
      %gather3A_824 = tpu.vector_load_idx %arg11[%add3A_823] : memref<12800xf32, #tpu.memory_space<vmem>>[vector<16xi32>], vector<16xf32>,
      %add3A_825 = arith.addf %add3A_820, %gather3A_824 : vector<16xf32>
      %add3A_826 = arith.constant 1 : i32
      %add3A_827 = vector.broadcast %add3A_826 : i32 to vector<16xi32>
      %add3A_828 = arith.addi %add3A_823, %add3A_827 : vector<16xi32>
      scf.yield %add3A_825, %add3A_828 : vector<16xf32>, vector<16xi32>
    }
    %scan3A_283 = arith.constant 25 : i32
    %swap3A_284 = arith.constant 240 : index
    %swap3A_285 = tpu.vector_load %arg14[%swap3A_284] {strides = array<i32>} : memref<512xf32, #tpu.memory_space<vmem>>, vector<16xf32>,
    tpu.vector_store %arg14[%swap3A_284], %scan3A_282#0 {strides = array<i32>} : memref<512xf32, #tpu.memory_space<vmem>>, vector<16xf32>,
    %add3A_286 = arith.constant 64000 : i32
    %add3A_287 = arith.addi %mul3A_4, %add3A_286 : i32
    "tpu.region"() ({
      %run_scoped3A = tpu.sem_alloc : memref<!tpu.dma_semaphore, #tpu.memory_space<semaphore_mem>>
      %dma_start3A_787 = tpu.memref_slice %arg2[%add3A_287] : memref<3276800xi32, #tpu.memory_space<hbm>> -> memref<12800xi32, #tpu.memory_space<hbm>>
      %dma_start3A_788 = tpu.memref_slice %arg2[%add3A_287] : memref<3276800xi32, #tpu.memory_space<hbm>> -> memref<12800xi32, #tpu.memory_space<hbm>>
      tpu.enqueue_dma source(%dma_start3A_788 : memref<12800xi32, #tpu.memory_space<hbm>>) target(%arg9 : memref<12800xi32, #tpu.memory_space<vmem>>) target_semaphore(%run_scoped3A : memref<!tpu.dma_semaphore, #tpu.memory_space<semaphore_mem>>)
      %dma_wait3A_789 = tpu.memref_slice %arg2[%add3A_287] : memref<3276800xi32, #tpu.memory_space<hbm>> -> memref<12800xi32, #tpu.memory_space<hbm>>
      %dma_wait3A_790 = tpu.memref_slice %arg2[%add3A_287] : memref<3276800xi32, #tpu.memory_space<hbm>> -> memref<12800xi32, #tpu.memory_space<hbm>>
      tpu.wait_dma2 semaphore(%run_scoped3A : memref<!tpu.dma_semaphore, #tpu.memory_space<semaphore_mem>>) src(%dma_wait3A_790 : memref<12800xi32, #tpu.memory_space<hbm>>) dst(%arg9 : memref<12800xi32, #tpu.memory_space<vmem>>)
      tpu.yield
    }) : () -> ()
    %dma_start3A_288 = arith.constant 0 : i32
    %dma_start3A_289 = tpu.memref_slice %arg7[%dma_start3A_288] : memref<1000064xf32, #tpu.memory_space<vmem_shared>> -> memref<1000064xf32, #tpu.memory_space<vmem_shared>>
    tpu.enqueue_indirect_dma source(%dma_start3A_289 : memref<1000064xf32, #tpu.memory_space<vmem_shared>>) target(%arg11 : memref<12800xf32, #tpu.memory_space<vmem>>) offsets(%arg9 : memref<12800xi32, #tpu.memory_space<vmem>>) semaphore(%arg16 : memref<!tpu.dma_semaphore, #tpu.memory_space<semaphore_mem>>)
    %dma_wait3A_290 = arith.constant 0 : i32
    %dma_wait3A_291 = tpu.memref_slice %arg7[%dma_wait3A_290] : memref<1000064xf32, #tpu.memory_space<vmem_shared>> -> memref<1000064xf32, #tpu.memory_space<vmem_shared>>
    tpu.wait_indirect_dma semaphore(%arg15 : memref<!tpu.dma_semaphore, #tpu.memory_space<semaphore_mem>>) src(%dma_wait3A_291 : memref<1000064xf32, #tpu.memory_space<vmem_shared>>) dst(%arg10 : memref<12800xf32, #tpu.memory_space<vmem>>)
    %mul3A_292 = arith.constant 200 : i32
    %mul3A_293 = vector.broadcast %mul3A_292 : i32 to vector<16xi32>
    %mul3A_294 = arith.muli %iota3A, %mul3A_293 : vector<16xi32>
    %add3A_295 = arith.constant 0 : i32
    %add3A_296 = vector.broadcast %add3A_295 : i32 to vector<16xi32>
    %add3A_297 = arith.addi %mul3A_294, %add3A_296 : vector<16xi32>
    %broadcast_in_dim3A_298 = arith.constant 0.000000e+00 : f32
    %broadcast_in_dim3A_299 = vector.broadcast %broadcast_in_dim3A_298 : f32 to vector<16xf32>
    %scan3A_300 = arith.constant 0 : i32
    %scan3A_301 = arith.constant 25 : i32
    %scan3A_302 = arith.addi %scan3A_300, %scan3A_301 : i32
    %scan3A_303 = arith.constant 1 : i32
    %scan3A_304:2 = scf.for %scan3A_787 = %scan3A_300 to %scan3A_302 step %scan3A_303 iter_args(%scan3A_788 = %broadcast_in_dim3A_299, %scan3A_789 = %add3A_297) -> (vector<16xf32>, vector<16xi32>)  : i32 {
      %gather3A = tpu.vector_load_idx %arg10[%scan3A_789] : memref<12800xf32, #tpu.memory_space<vmem>>[vector<16xi32>], vector<16xf32>,
      %add3A_790 = arith.addf %scan3A_788, %gather3A : vector<16xf32>
      %add3A_791 = arith.constant 1 : i32
      %add3A_792 = vector.broadcast %add3A_791 : i32 to vector<16xi32>
      %add3A_793 = arith.addi %scan3A_789, %add3A_792 : vector<16xi32>
      %gather3A_794 = tpu.vector_load_idx %arg10[%add3A_793] : memref<12800xf32, #tpu.memory_space<vmem>>[vector<16xi32>], vector<16xf32>,
      %add3A_795 = arith.addf %add3A_790, %gather3A_794 : vector<16xf32>
      %add3A_796 = arith.constant 1 : i32
      %add3A_797 = vector.broadcast %add3A_796 : i32 to vector<16xi32>
      %add3A_798 = arith.addi %add3A_793, %add3A_797 : vector<16xi32>
      %gather3A_799 = tpu.vector_load_idx %arg10[%add3A_798] : memref<12800xf32, #tpu.memory_space<vmem>>[vector<16xi32>], vector<16xf32>,
      %add3A_800 = arith.addf %add3A_795, %gather3A_799 : vector<16xf32>
      %add3A_801 = arith.constant 1 : i32
      %add3A_802 = vector.broadcast %add3A_801 : i32 to vector<16xi32>
      %add3A_803 = arith.addi %add3A_798, %add3A_802 : vector<16xi32>
      %gather3A_804 = tpu.vector_load_idx %arg10[%add3A_803] : memref<12800xf32, #tpu.memory_space<vmem>>[vector<16xi32>], vector<16xf32>,
      %add3A_805 = arith.addf %add3A_800, %gather3A_804 : vector<16xf32>
      %add3A_806 = arith.constant 1 : i32
      %add3A_807 = vector.broadcast %add3A_806 : i32 to vector<16xi32>
      %add3A_808 = arith.addi %add3A_803, %add3A_807 : vector<16xi32>
      %gather3A_809 = tpu.vector_load_idx %arg10[%add3A_808] : memref<12800xf32, #tpu.memory_space<vmem>>[vector<16xi32>], vector<16xf32>,
      %add3A_810 = arith.addf %add3A_805, %gather3A_809 : vector<16xf32>
      %add3A_811 = arith.constant 1 : i32
      %add3A_812 = vector.broadcast %add3A_811 : i32 to vector<16xi32>
      %add3A_813 = arith.addi %add3A_808, %add3A_812 : vector<16xi32>
      %gather3A_814 = tpu.vector_load_idx %arg10[%add3A_813] : memref<12800xf32, #tpu.memory_space<vmem>>[vector<16xi32>], vector<16xf32>,
      %add3A_815 = arith.addf %add3A_810, %gather3A_814 : vector<16xf32>
      %add3A_816 = arith.constant 1 : i32
      %add3A_817 = vector.broadcast %add3A_816 : i32 to vector<16xi32>
      %add3A_818 = arith.addi %add3A_813, %add3A_817 : vector<16xi32>
      %gather3A_819 = tpu.vector_load_idx %arg10[%add3A_818] : memref<12800xf32, #tpu.memory_space<vmem>>[vector<16xi32>], vector<16xf32>,
      %add3A_820 = arith.addf %add3A_815, %gather3A_819 : vector<16xf32>
      %add3A_821 = arith.constant 1 : i32
      %add3A_822 = vector.broadcast %add3A_821 : i32 to vector<16xi32>
      %add3A_823 = arith.addi %add3A_818, %add3A_822 : vector<16xi32>
      %gather3A_824 = tpu.vector_load_idx %arg10[%add3A_823] : memref<12800xf32, #tpu.memory_space<vmem>>[vector<16xi32>], vector<16xf32>,
      %add3A_825 = arith.addf %add3A_820, %gather3A_824 : vector<16xf32>
      %add3A_826 = arith.constant 1 : i32
      %add3A_827 = vector.broadcast %add3A_826 : i32 to vector<16xi32>
      %add3A_828 = arith.addi %add3A_823, %add3A_827 : vector<16xi32>
      scf.yield %add3A_825, %add3A_828 : vector<16xf32>, vector<16xi32>
    }
    %scan3A_305 = arith.constant 25 : i32
    %swap3A_306 = arith.constant 256 : index
    %swap3A_307 = tpu.vector_load %arg14[%swap3A_306] {strides = array<i32>} : memref<512xf32, #tpu.memory_space<vmem>>, vector<16xf32>,
    tpu.vector_store %arg14[%swap3A_306], %scan3A_304#0 {strides = array<i32>} : memref<512xf32, #tpu.memory_space<vmem>>, vector<16xf32>,
    %mul3A_308 = arith.constant 200 : i32
    %mul3A_309 = vector.broadcast %mul3A_308 : i32 to vector<16xi32>
    %mul3A_310 = arith.muli %iota3A, %mul3A_309 : vector<16xi32>
    %add3A_311 = arith.constant 3200 : i32
    %add3A_312 = vector.broadcast %add3A_311 : i32 to vector<16xi32>
    %add3A_313 = arith.addi %mul3A_310, %add3A_312 : vector<16xi32>
    %broadcast_in_dim3A_314 = arith.constant 0.000000e+00 : f32
    %broadcast_in_dim3A_315 = vector.broadcast %broadcast_in_dim3A_314 : f32 to vector<16xf32>
    %scan3A_316 = arith.constant 0 : i32
    %scan3A_317 = arith.constant 25 : i32
    %scan3A_318 = arith.addi %scan3A_316, %scan3A_317 : i32
    %scan3A_319 = arith.constant 1 : i32
    %scan3A_320:2 = scf.for %scan3A_787 = %scan3A_316 to %scan3A_318 step %scan3A_319 iter_args(%scan3A_788 = %broadcast_in_dim3A_315, %scan3A_789 = %add3A_313) -> (vector<16xf32>, vector<16xi32>)  : i32 {
      %gather3A = tpu.vector_load_idx %arg10[%scan3A_789] : memref<12800xf32, #tpu.memory_space<vmem>>[vector<16xi32>], vector<16xf32>,
      %add3A_790 = arith.addf %scan3A_788, %gather3A : vector<16xf32>
      %add3A_791 = arith.constant 1 : i32
      %add3A_792 = vector.broadcast %add3A_791 : i32 to vector<16xi32>
      %add3A_793 = arith.addi %scan3A_789, %add3A_792 : vector<16xi32>
      %gather3A_794 = tpu.vector_load_idx %arg10[%add3A_793] : memref<12800xf32, #tpu.memory_space<vmem>>[vector<16xi32>], vector<16xf32>,
      %add3A_795 = arith.addf %add3A_790, %gather3A_794 : vector<16xf32>
      %add3A_796 = arith.constant 1 : i32
      %add3A_797 = vector.broadcast %add3A_796 : i32 to vector<16xi32>
      %add3A_798 = arith.addi %add3A_793, %add3A_797 : vector<16xi32>
      %gather3A_799 = tpu.vector_load_idx %arg10[%add3A_798] : memref<12800xf32, #tpu.memory_space<vmem>>[vector<16xi32>], vector<16xf32>,
      %add3A_800 = arith.addf %add3A_795, %gather3A_799 : vector<16xf32>
      %add3A_801 = arith.constant 1 : i32
      %add3A_802 = vector.broadcast %add3A_801 : i32 to vector<16xi32>
      %add3A_803 = arith.addi %add3A_798, %add3A_802 : vector<16xi32>
      %gather3A_804 = tpu.vector_load_idx %arg10[%add3A_803] : memref<12800xf32, #tpu.memory_space<vmem>>[vector<16xi32>], vector<16xf32>,
      %add3A_805 = arith.addf %add3A_800, %gather3A_804 : vector<16xf32>
      %add3A_806 = arith.constant 1 : i32
      %add3A_807 = vector.broadcast %add3A_806 : i32 to vector<16xi32>
      %add3A_808 = arith.addi %add3A_803, %add3A_807 : vector<16xi32>
      %gather3A_809 = tpu.vector_load_idx %arg10[%add3A_808] : memref<12800xf32, #tpu.memory_space<vmem>>[vector<16xi32>], vector<16xf32>,
      %add3A_810 = arith.addf %add3A_805, %gather3A_809 : vector<16xf32>
      %add3A_811 = arith.constant 1 : i32
      %add3A_812 = vector.broadcast %add3A_811 : i32 to vector<16xi32>
      %add3A_813 = arith.addi %add3A_808, %add3A_812 : vector<16xi32>
      %gather3A_814 = tpu.vector_load_idx %arg10[%add3A_813] : memref<12800xf32, #tpu.memory_space<vmem>>[vector<16xi32>], vector<16xf32>,
      %add3A_815 = arith.addf %add3A_810, %gather3A_814 : vector<16xf32>
      %add3A_816 = arith.constant 1 : i32
      %add3A_817 = vector.broadcast %add3A_816 : i32 to vector<16xi32>
      %add3A_818 = arith.addi %add3A_813, %add3A_817 : vector<16xi32>
      %gather3A_819 = tpu.vector_load_idx %arg10[%add3A_818] : memref<12800xf32, #tpu.memory_space<vmem>>[vector<16xi32>], vector<16xf32>,
      %add3A_820 = arith.addf %add3A_815, %gather3A_819 : vector<16xf32>
      %add3A_821 = arith.constant 1 : i32
      %add3A_822 = vector.broadcast %add3A_821 : i32 to vector<16xi32>
      %add3A_823 = arith.addi %add3A_818, %add3A_822 : vector<16xi32>
      %gather3A_824 = tpu.vector_load_idx %arg10[%add3A_823] : memref<12800xf32, #tpu.memory_space<vmem>>[vector<16xi32>], vector<16xf32>,
      %add3A_825 = arith.addf %add3A_820, %gather3A_824 : vector<16xf32>
      %add3A_826 = arith.constant 1 : i32
      %add3A_827 = vector.broadcast %add3A_826 : i32 to vector<16xi32>
      %add3A_828 = arith.addi %add3A_823, %add3A_827 : vector<16xi32>
      scf.yield %add3A_825, %add3A_828 : vector<16xf32>, vector<16xi32>
    }
    %scan3A_321 = arith.constant 25 : i32
    %swap3A_322 = arith.constant 272 : index
    %swap3A_323 = tpu.vector_load %arg14[%swap3A_322] {strides = array<i32>} : memref<512xf32, #tpu.memory_space<vmem>>, vector<16xf32>,
    tpu.vector_store %arg14[%swap3A_322], %scan3A_320#0 {strides = array<i32>} : memref<512xf32, #tpu.memory_space<vmem>>, vector<16xf32>,
    %mul3A_324 = arith.constant 200 : i32
    %mul3A_325 = vector.broadcast %mul3A_324 : i32 to vector<16xi32>
    %mul3A_326 = arith.muli %iota3A, %mul3A_325 : vector<16xi32>
    %add3A_327 = arith.constant 6400 : i32
    %add3A_328 = vector.broadcast %add3A_327 : i32 to vector<16xi32>
    %add3A_329 = arith.addi %mul3A_326, %add3A_328 : vector<16xi32>
    %broadcast_in_dim3A_330 = arith.constant 0.000000e+00 : f32
    %broadcast_in_dim3A_331 = vector.broadcast %broadcast_in_dim3A_330 : f32 to vector<16xf32>
    %scan3A_332 = arith.constant 0 : i32
    %scan3A_333 = arith.constant 25 : i32
    %scan3A_334 = arith.addi %scan3A_332, %scan3A_333 : i32
    %scan3A_335 = arith.constant 1 : i32
    %scan3A_336:2 = scf.for %scan3A_787 = %scan3A_332 to %scan3A_334 step %scan3A_335 iter_args(%scan3A_788 = %broadcast_in_dim3A_331, %scan3A_789 = %add3A_329) -> (vector<16xf32>, vector<16xi32>)  : i32 {
      %gather3A = tpu.vector_load_idx %arg10[%scan3A_789] : memref<12800xf32, #tpu.memory_space<vmem>>[vector<16xi32>], vector<16xf32>,
      %add3A_790 = arith.addf %scan3A_788, %gather3A : vector<16xf32>
      %add3A_791 = arith.constant 1 : i32
      %add3A_792 = vector.broadcast %add3A_791 : i32 to vector<16xi32>
      %add3A_793 = arith.addi %scan3A_789, %add3A_792 : vector<16xi32>
      %gather3A_794 = tpu.vector_load_idx %arg10[%add3A_793] : memref<12800xf32, #tpu.memory_space<vmem>>[vector<16xi32>], vector<16xf32>,
      %add3A_795 = arith.addf %add3A_790, %gather3A_794 : vector<16xf32>
      %add3A_796 = arith.constant 1 : i32
      %add3A_797 = vector.broadcast %add3A_796 : i32 to vector<16xi32>
      %add3A_798 = arith.addi %add3A_793, %add3A_797 : vector<16xi32>
      %gather3A_799 = tpu.vector_load_idx %arg10[%add3A_798] : memref<12800xf32, #tpu.memory_space<vmem>>[vector<16xi32>], vector<16xf32>,
      %add3A_800 = arith.addf %add3A_795, %gather3A_799 : vector<16xf32>
      %add3A_801 = arith.constant 1 : i32
      %add3A_802 = vector.broadcast %add3A_801 : i32 to vector<16xi32>
      %add3A_803 = arith.addi %add3A_798, %add3A_802 : vector<16xi32>
      %gather3A_804 = tpu.vector_load_idx %arg10[%add3A_803] : memref<12800xf32, #tpu.memory_space<vmem>>[vector<16xi32>], vector<16xf32>,
      %add3A_805 = arith.addf %add3A_800, %gather3A_804 : vector<16xf32>
      %add3A_806 = arith.constant 1 : i32
      %add3A_807 = vector.broadcast %add3A_806 : i32 to vector<16xi32>
      %add3A_808 = arith.addi %add3A_803, %add3A_807 : vector<16xi32>
      %gather3A_809 = tpu.vector_load_idx %arg10[%add3A_808] : memref<12800xf32, #tpu.memory_space<vmem>>[vector<16xi32>], vector<16xf32>,
      %add3A_810 = arith.addf %add3A_805, %gather3A_809 : vector<16xf32>
      %add3A_811 = arith.constant 1 : i32
      %add3A_812 = vector.broadcast %add3A_811 : i32 to vector<16xi32>
      %add3A_813 = arith.addi %add3A_808, %add3A_812 : vector<16xi32>
      %gather3A_814 = tpu.vector_load_idx %arg10[%add3A_813] : memref<12800xf32, #tpu.memory_space<vmem>>[vector<16xi32>], vector<16xf32>,
      %add3A_815 = arith.addf %add3A_810, %gather3A_814 : vector<16xf32>
      %add3A_816 = arith.constant 1 : i32
      %add3A_817 = vector.broadcast %add3A_816 : i32 to vector<16xi32>
      %add3A_818 = arith.addi %add3A_813, %add3A_817 : vector<16xi32>
      %gather3A_819 = tpu.vector_load_idx %arg10[%add3A_818] : memref<12800xf32, #tpu.memory_space<vmem>>[vector<16xi32>], vector<16xf32>,
      %add3A_820 = arith.addf %add3A_815, %gather3A_819 : vector<16xf32>
      %add3A_821 = arith.constant 1 : i32
      %add3A_822 = vector.broadcast %add3A_821 : i32 to vector<16xi32>
      %add3A_823 = arith.addi %add3A_818, %add3A_822 : vector<16xi32>
      %gather3A_824 = tpu.vector_load_idx %arg10[%add3A_823] : memref<12800xf32, #tpu.memory_space<vmem>>[vector<16xi32>], vector<16xf32>,
      %add3A_825 = arith.addf %add3A_820, %gather3A_824 : vector<16xf32>
      %add3A_826 = arith.constant 1 : i32
      %add3A_827 = vector.broadcast %add3A_826 : i32 to vector<16xi32>
      %add3A_828 = arith.addi %add3A_823, %add3A_827 : vector<16xi32>
      scf.yield %add3A_825, %add3A_828 : vector<16xf32>, vector<16xi32>
    }
    %scan3A_337 = arith.constant 25 : i32
    %swap3A_338 = arith.constant 288 : index
    %swap3A_339 = tpu.vector_load %arg14[%swap3A_338] {strides = array<i32>} : memref<512xf32, #tpu.memory_space<vmem>>, vector<16xf32>,
    tpu.vector_store %arg14[%swap3A_338], %scan3A_336#0 {strides = array<i32>} : memref<512xf32, #tpu.memory_space<vmem>>, vector<16xf32>,
    %mul3A_340 = arith.constant 200 : i32
    %mul3A_341 = vector.broadcast %mul3A_340 : i32 to vector<16xi32>
    %mul3A_342 = arith.muli %iota3A, %mul3A_341 : vector<16xi32>
    %add3A_343 = arith.constant 9600 : i32
    %add3A_344 = vector.broadcast %add3A_343 : i32 to vector<16xi32>
    %add3A_345 = arith.addi %mul3A_342, %add3A_344 : vector<16xi32>
    %broadcast_in_dim3A_346 = arith.constant 0.000000e+00 : f32
    %broadcast_in_dim3A_347 = vector.broadcast %broadcast_in_dim3A_346 : f32 to vector<16xf32>
    %scan3A_348 = arith.constant 0 : i32
    %scan3A_349 = arith.constant 25 : i32
    %scan3A_350 = arith.addi %scan3A_348, %scan3A_349 : i32
    %scan3A_351 = arith.constant 1 : i32
    %scan3A_352:2 = scf.for %scan3A_787 = %scan3A_348 to %scan3A_350 step %scan3A_351 iter_args(%scan3A_788 = %broadcast_in_dim3A_347, %scan3A_789 = %add3A_345) -> (vector<16xf32>, vector<16xi32>)  : i32 {
      %gather3A = tpu.vector_load_idx %arg10[%scan3A_789] : memref<12800xf32, #tpu.memory_space<vmem>>[vector<16xi32>], vector<16xf32>,
      %add3A_790 = arith.addf %scan3A_788, %gather3A : vector<16xf32>
      %add3A_791 = arith.constant 1 : i32
      %add3A_792 = vector.broadcast %add3A_791 : i32 to vector<16xi32>
      %add3A_793 = arith.addi %scan3A_789, %add3A_792 : vector<16xi32>
      %gather3A_794 = tpu.vector_load_idx %arg10[%add3A_793] : memref<12800xf32, #tpu.memory_space<vmem>>[vector<16xi32>], vector<16xf32>,
      %add3A_795 = arith.addf %add3A_790, %gather3A_794 : vector<16xf32>
      %add3A_796 = arith.constant 1 : i32
      %add3A_797 = vector.broadcast %add3A_796 : i32 to vector<16xi32>
      %add3A_798 = arith.addi %add3A_793, %add3A_797 : vector<16xi32>
      %gather3A_799 = tpu.vector_load_idx %arg10[%add3A_798] : memref<12800xf32, #tpu.memory_space<vmem>>[vector<16xi32>], vector<16xf32>,
      %add3A_800 = arith.addf %add3A_795, %gather3A_799 : vector<16xf32>
      %add3A_801 = arith.constant 1 : i32
      %add3A_802 = vector.broadcast %add3A_801 : i32 to vector<16xi32>
      %add3A_803 = arith.addi %add3A_798, %add3A_802 : vector<16xi32>
      %gather3A_804 = tpu.vector_load_idx %arg10[%add3A_803] : memref<12800xf32, #tpu.memory_space<vmem>>[vector<16xi32>], vector<16xf32>,
      %add3A_805 = arith.addf %add3A_800, %gather3A_804 : vector<16xf32>
      %add3A_806 = arith.constant 1 : i32
      %add3A_807 = vector.broadcast %add3A_806 : i32 to vector<16xi32>
      %add3A_808 = arith.addi %add3A_803, %add3A_807 : vector<16xi32>
      %gather3A_809 = tpu.vector_load_idx %arg10[%add3A_808] : memref<12800xf32, #tpu.memory_space<vmem>>[vector<16xi32>], vector<16xf32>,
      %add3A_810 = arith.addf %add3A_805, %gather3A_809 : vector<16xf32>
      %add3A_811 = arith.constant 1 : i32
      %add3A_812 = vector.broadcast %add3A_811 : i32 to vector<16xi32>
      %add3A_813 = arith.addi %add3A_808, %add3A_812 : vector<16xi32>
      %gather3A_814 = tpu.vector_load_idx %arg10[%add3A_813] : memref<12800xf32, #tpu.memory_space<vmem>>[vector<16xi32>], vector<16xf32>,
      %add3A_815 = arith.addf %add3A_810, %gather3A_814 : vector<16xf32>
      %add3A_816 = arith.constant 1 : i32
      %add3A_817 = vector.broadcast %add3A_816 : i32 to vector<16xi32>
      %add3A_818 = arith.addi %add3A_813, %add3A_817 : vector<16xi32>
      %gather3A_819 = tpu.vector_load_idx %arg10[%add3A_818] : memref<12800xf32, #tpu.memory_space<vmem>>[vector<16xi32>], vector<16xf32>,
      %add3A_820 = arith.addf %add3A_815, %gather3A_819 : vector<16xf32>
      %add3A_821 = arith.constant 1 : i32
      %add3A_822 = vector.broadcast %add3A_821 : i32 to vector<16xi32>
      %add3A_823 = arith.addi %add3A_818, %add3A_822 : vector<16xi32>
      %gather3A_824 = tpu.vector_load_idx %arg10[%add3A_823] : memref<12800xf32, #tpu.memory_space<vmem>>[vector<16xi32>], vector<16xf32>,
      %add3A_825 = arith.addf %add3A_820, %gather3A_824 : vector<16xf32>
      %add3A_826 = arith.constant 1 : i32
      %add3A_827 = vector.broadcast %add3A_826 : i32 to vector<16xi32>
      %add3A_828 = arith.addi %add3A_823, %add3A_827 : vector<16xi32>
      scf.yield %add3A_825, %add3A_828 : vector<16xf32>, vector<16xi32>
    }
    %scan3A_353 = arith.constant 25 : i32
    %swap3A_354 = arith.constant 304 : index
    %swap3A_355 = tpu.vector_load %arg14[%swap3A_354] {strides = array<i32>} : memref<512xf32, #tpu.memory_space<vmem>>, vector<16xf32>,
    tpu.vector_store %arg14[%swap3A_354], %scan3A_352#0 {strides = array<i32>} : memref<512xf32, #tpu.memory_space<vmem>>, vector<16xf32>,
    %add3A_356 = arith.constant 76800 : i32
    %add3A_357 = arith.addi %mul3A_4, %add3A_356 : i32
    "tpu.region"() ({
      %run_scoped3A = tpu.sem_alloc : memref<!tpu.dma_semaphore, #tpu.memory_space<semaphore_mem>>
      %dma_start3A_787 = tpu.memref_slice %arg2[%add3A_357] : memref<3276800xi32, #tpu.memory_space<hbm>> -> memref<12800xi32, #tpu.memory_space<hbm>>
      %dma_start3A_788 = tpu.memref_slice %arg2[%add3A_357] : memref<3276800xi32, #tpu.memory_space<hbm>> -> memref<12800xi32, #tpu.memory_space<hbm>>
      tpu.enqueue_dma source(%dma_start3A_788 : memref<12800xi32, #tpu.memory_space<hbm>>) target(%arg8 : memref<12800xi32, #tpu.memory_space<vmem>>) target_semaphore(%run_scoped3A : memref<!tpu.dma_semaphore, #tpu.memory_space<semaphore_mem>>)
      %dma_wait3A_789 = tpu.memref_slice %arg2[%add3A_357] : memref<3276800xi32, #tpu.memory_space<hbm>> -> memref<12800xi32, #tpu.memory_space<hbm>>
      %dma_wait3A_790 = tpu.memref_slice %arg2[%add3A_357] : memref<3276800xi32, #tpu.memory_space<hbm>> -> memref<12800xi32, #tpu.memory_space<hbm>>
      tpu.wait_dma2 semaphore(%run_scoped3A : memref<!tpu.dma_semaphore, #tpu.memory_space<semaphore_mem>>) src(%dma_wait3A_790 : memref<12800xi32, #tpu.memory_space<hbm>>) dst(%arg8 : memref<12800xi32, #tpu.memory_space<vmem>>)
      tpu.yield
    }) : () -> ()
    %dma_start3A_358 = arith.constant 0 : i32
    %dma_start3A_359 = tpu.memref_slice %arg7[%dma_start3A_358] : memref<1000064xf32, #tpu.memory_space<vmem_shared>> -> memref<1000064xf32, #tpu.memory_space<vmem_shared>>
    tpu.enqueue_indirect_dma source(%dma_start3A_359 : memref<1000064xf32, #tpu.memory_space<vmem_shared>>) target(%arg10 : memref<12800xf32, #tpu.memory_space<vmem>>) offsets(%arg8 : memref<12800xi32, #tpu.memory_space<vmem>>) semaphore(%arg15 : memref<!tpu.dma_semaphore, #tpu.memory_space<semaphore_mem>>)
    %dma_wait3A_360 = arith.constant 0 : i32
    %dma_wait3A_361 = tpu.memref_slice %arg7[%dma_wait3A_360] : memref<1000064xf32, #tpu.memory_space<vmem_shared>> -> memref<1000064xf32, #tpu.memory_space<vmem_shared>>
    tpu.wait_indirect_dma semaphore(%arg16 : memref<!tpu.dma_semaphore, #tpu.memory_space<semaphore_mem>>) src(%dma_wait3A_361 : memref<1000064xf32, #tpu.memory_space<vmem_shared>>) dst(%arg11 : memref<12800xf32, #tpu.memory_space<vmem>>)
    %mul3A_362 = arith.constant 200 : i32
    %mul3A_363 = vector.broadcast %mul3A_362 : i32 to vector<16xi32>
    %mul3A_364 = arith.muli %iota3A, %mul3A_363 : vector<16xi32>
    %add3A_365 = arith.constant 0 : i32
    %add3A_366 = vector.broadcast %add3A_365 : i32 to vector<16xi32>
    %add3A_367 = arith.addi %mul3A_364, %add3A_366 : vector<16xi32>
    %broadcast_in_dim3A_368 = arith.constant 0.000000e+00 : f32
    %broadcast_in_dim3A_369 = vector.broadcast %broadcast_in_dim3A_368 : f32 to vector<16xf32>
    %scan3A_370 = arith.constant 0 : i32
    %scan3A_371 = arith.constant 25 : i32
    %scan3A_372 = arith.addi %scan3A_370, %scan3A_371 : i32
    %scan3A_373 = arith.constant 1 : i32
    %scan3A_374:2 = scf.for %scan3A_787 = %scan3A_370 to %scan3A_372 step %scan3A_373 iter_args(%scan3A_788 = %broadcast_in_dim3A_369, %scan3A_789 = %add3A_367) -> (vector<16xf32>, vector<16xi32>)  : i32 {
      %gather3A = tpu.vector_load_idx %arg11[%scan3A_789] : memref<12800xf32, #tpu.memory_space<vmem>>[vector<16xi32>], vector<16xf32>,
      %add3A_790 = arith.addf %scan3A_788, %gather3A : vector<16xf32>
      %add3A_791 = arith.constant 1 : i32
      %add3A_792 = vector.broadcast %add3A_791 : i32 to vector<16xi32>
      %add3A_793 = arith.addi %scan3A_789, %add3A_792 : vector<16xi32>
      %gather3A_794 = tpu.vector_load_idx %arg11[%add3A_793] : memref<12800xf32, #tpu.memory_space<vmem>>[vector<16xi32>], vector<16xf32>,
      %add3A_795 = arith.addf %add3A_790, %gather3A_794 : vector<16xf32>
      %add3A_796 = arith.constant 1 : i32
      %add3A_797 = vector.broadcast %add3A_796 : i32 to vector<16xi32>
      %add3A_798 = arith.addi %add3A_793, %add3A_797 : vector<16xi32>
      %gather3A_799 = tpu.vector_load_idx %arg11[%add3A_798] : memref<12800xf32, #tpu.memory_space<vmem>>[vector<16xi32>], vector<16xf32>,
      %add3A_800 = arith.addf %add3A_795, %gather3A_799 : vector<16xf32>
      %add3A_801 = arith.constant 1 : i32
      %add3A_802 = vector.broadcast %add3A_801 : i32 to vector<16xi32>
      %add3A_803 = arith.addi %add3A_798, %add3A_802 : vector<16xi32>
      %gather3A_804 = tpu.vector_load_idx %arg11[%add3A_803] : memref<12800xf32, #tpu.memory_space<vmem>>[vector<16xi32>], vector<16xf32>,
      %add3A_805 = arith.addf %add3A_800, %gather3A_804 : vector<16xf32>
      %add3A_806 = arith.constant 1 : i32
      %add3A_807 = vector.broadcast %add3A_806 : i32 to vector<16xi32>
      %add3A_808 = arith.addi %add3A_803, %add3A_807 : vector<16xi32>
      %gather3A_809 = tpu.vector_load_idx %arg11[%add3A_808] : memref<12800xf32, #tpu.memory_space<vmem>>[vector<16xi32>], vector<16xf32>,
      %add3A_810 = arith.addf %add3A_805, %gather3A_809 : vector<16xf32>
      %add3A_811 = arith.constant 1 : i32
      %add3A_812 = vector.broadcast %add3A_811 : i32 to vector<16xi32>
      %add3A_813 = arith.addi %add3A_808, %add3A_812 : vector<16xi32>
      %gather3A_814 = tpu.vector_load_idx %arg11[%add3A_813] : memref<12800xf32, #tpu.memory_space<vmem>>[vector<16xi32>], vector<16xf32>,
      %add3A_815 = arith.addf %add3A_810, %gather3A_814 : vector<16xf32>
      %add3A_816 = arith.constant 1 : i32
      %add3A_817 = vector.broadcast %add3A_816 : i32 to vector<16xi32>
      %add3A_818 = arith.addi %add3A_813, %add3A_817 : vector<16xi32>
      %gather3A_819 = tpu.vector_load_idx %arg11[%add3A_818] : memref<12800xf32, #tpu.memory_space<vmem>>[vector<16xi32>], vector<16xf32>,
      %add3A_820 = arith.addf %add3A_815, %gather3A_819 : vector<16xf32>
      %add3A_821 = arith.constant 1 : i32
      %add3A_822 = vector.broadcast %add3A_821 : i32 to vector<16xi32>
      %add3A_823 = arith.addi %add3A_818, %add3A_822 : vector<16xi32>
      %gather3A_824 = tpu.vector_load_idx %arg11[%add3A_823] : memref<12800xf32, #tpu.memory_space<vmem>>[vector<16xi32>], vector<16xf32>,
      %add3A_825 = arith.addf %add3A_820, %gather3A_824 : vector<16xf32>
      %add3A_826 = arith.constant 1 : i32
      %add3A_827 = vector.broadcast %add3A_826 : i32 to vector<16xi32>
      %add3A_828 = arith.addi %add3A_823, %add3A_827 : vector<16xi32>
      scf.yield %add3A_825, %add3A_828 : vector<16xf32>, vector<16xi32>
    }
    %scan3A_375 = arith.constant 25 : i32
    %swap3A_376 = arith.constant 320 : index
    %swap3A_377 = tpu.vector_load %arg14[%swap3A_376] {strides = array<i32>} : memref<512xf32, #tpu.memory_space<vmem>>, vector<16xf32>,
    tpu.vector_store %arg14[%swap3A_376], %scan3A_374#0 {strides = array<i32>} : memref<512xf32, #tpu.memory_space<vmem>>, vector<16xf32>,
    %mul3A_378 = arith.constant 200 : i32
    %mul3A_379 = vector.broadcast %mul3A_378 : i32 to vector<16xi32>
    %mul3A_380 = arith.muli %iota3A, %mul3A_379 : vector<16xi32>
    %add3A_381 = arith.constant 3200 : i32
    %add3A_382 = vector.broadcast %add3A_381 : i32 to vector<16xi32>
    %add3A_383 = arith.addi %mul3A_380, %add3A_382 : vector<16xi32>
    %broadcast_in_dim3A_384 = arith.constant 0.000000e+00 : f32
    %broadcast_in_dim3A_385 = vector.broadcast %broadcast_in_dim3A_384 : f32 to vector<16xf32>
    %scan3A_386 = arith.constant 0 : i32
    %scan3A_387 = arith.constant 25 : i32
    %scan3A_388 = arith.addi %scan3A_386, %scan3A_387 : i32
    %scan3A_389 = arith.constant 1 : i32
    %scan3A_390:2 = scf.for %scan3A_787 = %scan3A_386 to %scan3A_388 step %scan3A_389 iter_args(%scan3A_788 = %broadcast_in_dim3A_385, %scan3A_789 = %add3A_383) -> (vector<16xf32>, vector<16xi32>)  : i32 {
      %gather3A = tpu.vector_load_idx %arg11[%scan3A_789] : memref<12800xf32, #tpu.memory_space<vmem>>[vector<16xi32>], vector<16xf32>,
      %add3A_790 = arith.addf %scan3A_788, %gather3A : vector<16xf32>
      %add3A_791 = arith.constant 1 : i32
      %add3A_792 = vector.broadcast %add3A_791 : i32 to vector<16xi32>
      %add3A_793 = arith.addi %scan3A_789, %add3A_792 : vector<16xi32>
      %gather3A_794 = tpu.vector_load_idx %arg11[%add3A_793] : memref<12800xf32, #tpu.memory_space<vmem>>[vector<16xi32>], vector<16xf32>,
      %add3A_795 = arith.addf %add3A_790, %gather3A_794 : vector<16xf32>
      %add3A_796 = arith.constant 1 : i32
      %add3A_797 = vector.broadcast %add3A_796 : i32 to vector<16xi32>
      %add3A_798 = arith.addi %add3A_793, %add3A_797 : vector<16xi32>
      %gather3A_799 = tpu.vector_load_idx %arg11[%add3A_798] : memref<12800xf32, #tpu.memory_space<vmem>>[vector<16xi32>], vector<16xf32>,
      %add3A_800 = arith.addf %add3A_795, %gather3A_799 : vector<16xf32>
      %add3A_801 = arith.constant 1 : i32
      %add3A_802 = vector.broadcast %add3A_801 : i32 to vector<16xi32>
      %add3A_803 = arith.addi %add3A_798, %add3A_802 : vector<16xi32>
      %gather3A_804 = tpu.vector_load_idx %arg11[%add3A_803] : memref<12800xf32, #tpu.memory_space<vmem>>[vector<16xi32>], vector<16xf32>,
      %add3A_805 = arith.addf %add3A_800, %gather3A_804 : vector<16xf32>
      %add3A_806 = arith.constant 1 : i32
      %add3A_807 = vector.broadcast %add3A_806 : i32 to vector<16xi32>
      %add3A_808 = arith.addi %add3A_803, %add3A_807 : vector<16xi32>
      %gather3A_809 = tpu.vector_load_idx %arg11[%add3A_808] : memref<12800xf32, #tpu.memory_space<vmem>>[vector<16xi32>], vector<16xf32>,
      %add3A_810 = arith.addf %add3A_805, %gather3A_809 : vector<16xf32>
      %add3A_811 = arith.constant 1 : i32
      %add3A_812 = vector.broadcast %add3A_811 : i32 to vector<16xi32>
      %add3A_813 = arith.addi %add3A_808, %add3A_812 : vector<16xi32>
      %gather3A_814 = tpu.vector_load_idx %arg11[%add3A_813] : memref<12800xf32, #tpu.memory_space<vmem>>[vector<16xi32>], vector<16xf32>,
      %add3A_815 = arith.addf %add3A_810, %gather3A_814 : vector<16xf32>
      %add3A_816 = arith.constant 1 : i32
      %add3A_817 = vector.broadcast %add3A_816 : i32 to vector<16xi32>
      %add3A_818 = arith.addi %add3A_813, %add3A_817 : vector<16xi32>
      %gather3A_819 = tpu.vector_load_idx %arg11[%add3A_818] : memref<12800xf32, #tpu.memory_space<vmem>>[vector<16xi32>], vector<16xf32>,
      %add3A_820 = arith.addf %add3A_815, %gather3A_819 : vector<16xf32>
      %add3A_821 = arith.constant 1 : i32
      %add3A_822 = vector.broadcast %add3A_821 : i32 to vector<16xi32>
      %add3A_823 = arith.addi %add3A_818, %add3A_822 : vector<16xi32>
      %gather3A_824 = tpu.vector_load_idx %arg11[%add3A_823] : memref<12800xf32, #tpu.memory_space<vmem>>[vector<16xi32>], vector<16xf32>,
      %add3A_825 = arith.addf %add3A_820, %gather3A_824 : vector<16xf32>
      %add3A_826 = arith.constant 1 : i32
      %add3A_827 = vector.broadcast %add3A_826 : i32 to vector<16xi32>
      %add3A_828 = arith.addi %add3A_823, %add3A_827 : vector<16xi32>
      scf.yield %add3A_825, %add3A_828 : vector<16xf32>, vector<16xi32>
    }
    %scan3A_391 = arith.constant 25 : i32
    %swap3A_392 = arith.constant 336 : index
    %swap3A_393 = tpu.vector_load %arg14[%swap3A_392] {strides = array<i32>} : memref<512xf32, #tpu.memory_space<vmem>>, vector<16xf32>,
    tpu.vector_store %arg14[%swap3A_392], %scan3A_390#0 {strides = array<i32>} : memref<512xf32, #tpu.memory_space<vmem>>, vector<16xf32>,
    %mul3A_394 = arith.constant 200 : i32
    %mul3A_395 = vector.broadcast %mul3A_394 : i32 to vector<16xi32>
    %mul3A_396 = arith.muli %iota3A, %mul3A_395 : vector<16xi32>
    %add3A_397 = arith.constant 6400 : i32
    %add3A_398 = vector.broadcast %add3A_397 : i32 to vector<16xi32>
    %add3A_399 = arith.addi %mul3A_396, %add3A_398 : vector<16xi32>
    %broadcast_in_dim3A_400 = arith.constant 0.000000e+00 : f32
    %broadcast_in_dim3A_401 = vector.broadcast %broadcast_in_dim3A_400 : f32 to vector<16xf32>
    %scan3A_402 = arith.constant 0 : i32
    %scan3A_403 = arith.constant 25 : i32
    %scan3A_404 = arith.addi %scan3A_402, %scan3A_403 : i32
    %scan3A_405 = arith.constant 1 : i32
    %scan3A_406:2 = scf.for %scan3A_787 = %scan3A_402 to %scan3A_404 step %scan3A_405 iter_args(%scan3A_788 = %broadcast_in_dim3A_401, %scan3A_789 = %add3A_399) -> (vector<16xf32>, vector<16xi32>)  : i32 {
      %gather3A = tpu.vector_load_idx %arg11[%scan3A_789] : memref<12800xf32, #tpu.memory_space<vmem>>[vector<16xi32>], vector<16xf32>,
      %add3A_790 = arith.addf %scan3A_788, %gather3A : vector<16xf32>
      %add3A_791 = arith.constant 1 : i32
      %add3A_792 = vector.broadcast %add3A_791 : i32 to vector<16xi32>
      %add3A_793 = arith.addi %scan3A_789, %add3A_792 : vector<16xi32>
      %gather3A_794 = tpu.vector_load_idx %arg11[%add3A_793] : memref<12800xf32, #tpu.memory_space<vmem>>[vector<16xi32>], vector<16xf32>,
      %add3A_795 = arith.addf %add3A_790, %gather3A_794 : vector<16xf32>
      %add3A_796 = arith.constant 1 : i32
      %add3A_797 = vector.broadcast %add3A_796 : i32 to vector<16xi32>
      %add3A_798 = arith.addi %add3A_793, %add3A_797 : vector<16xi32>
      %gather3A_799 = tpu.vector_load_idx %arg11[%add3A_798] : memref<12800xf32, #tpu.memory_space<vmem>>[vector<16xi32>], vector<16xf32>,
      %add3A_800 = arith.addf %add3A_795, %gather3A_799 : vector<16xf32>
      %add3A_801 = arith.constant 1 : i32
      %add3A_802 = vector.broadcast %add3A_801 : i32 to vector<16xi32>
      %add3A_803 = arith.addi %add3A_798, %add3A_802 : vector<16xi32>
      %gather3A_804 = tpu.vector_load_idx %arg11[%add3A_803] : memref<12800xf32, #tpu.memory_space<vmem>>[vector<16xi32>], vector<16xf32>,
      %add3A_805 = arith.addf %add3A_800, %gather3A_804 : vector<16xf32>
      %add3A_806 = arith.constant 1 : i32
      %add3A_807 = vector.broadcast %add3A_806 : i32 to vector<16xi32>
      %add3A_808 = arith.addi %add3A_803, %add3A_807 : vector<16xi32>
      %gather3A_809 = tpu.vector_load_idx %arg11[%add3A_808] : memref<12800xf32, #tpu.memory_space<vmem>>[vector<16xi32>], vector<16xf32>,
      %add3A_810 = arith.addf %add3A_805, %gather3A_809 : vector<16xf32>
      %add3A_811 = arith.constant 1 : i32
      %add3A_812 = vector.broadcast %add3A_811 : i32 to vector<16xi32>
      %add3A_813 = arith.addi %add3A_808, %add3A_812 : vector<16xi32>
      %gather3A_814 = tpu.vector_load_idx %arg11[%add3A_813] : memref<12800xf32, #tpu.memory_space<vmem>>[vector<16xi32>], vector<16xf32>,
      %add3A_815 = arith.addf %add3A_810, %gather3A_814 : vector<16xf32>
      %add3A_816 = arith.constant 1 : i32
      %add3A_817 = vector.broadcast %add3A_816 : i32 to vector<16xi32>
      %add3A_818 = arith.addi %add3A_813, %add3A_817 : vector<16xi32>
      %gather3A_819 = tpu.vector_load_idx %arg11[%add3A_818] : memref<12800xf32, #tpu.memory_space<vmem>>[vector<16xi32>], vector<16xf32>,
      %add3A_820 = arith.addf %add3A_815, %gather3A_819 : vector<16xf32>
      %add3A_821 = arith.constant 1 : i32
      %add3A_822 = vector.broadcast %add3A_821 : i32 to vector<16xi32>
      %add3A_823 = arith.addi %add3A_818, %add3A_822 : vector<16xi32>
      %gather3A_824 = tpu.vector_load_idx %arg11[%add3A_823] : memref<12800xf32, #tpu.memory_space<vmem>>[vector<16xi32>], vector<16xf32>,
      %add3A_825 = arith.addf %add3A_820, %gather3A_824 : vector<16xf32>
      %add3A_826 = arith.constant 1 : i32
      %add3A_827 = vector.broadcast %add3A_826 : i32 to vector<16xi32>
      %add3A_828 = arith.addi %add3A_823, %add3A_827 : vector<16xi32>
      scf.yield %add3A_825, %add3A_828 : vector<16xf32>, vector<16xi32>
    }
    %scan3A_407 = arith.constant 25 : i32
    %swap3A_408 = arith.constant 352 : index
    %swap3A_409 = tpu.vector_load %arg14[%swap3A_408] {strides = array<i32>} : memref<512xf32, #tpu.memory_space<vmem>>, vector<16xf32>,
    tpu.vector_store %arg14[%swap3A_408], %scan3A_406#0 {strides = array<i32>} : memref<512xf32, #tpu.memory_space<vmem>>, vector<16xf32>,
    %mul3A_410 = arith.constant 200 : i32
    %mul3A_411 = vector.broadcast %mul3A_410 : i32 to vector<16xi32>
    %mul3A_412 = arith.muli %iota3A, %mul3A_411 : vector<16xi32>
    %add3A_413 = arith.constant 9600 : i32
    %add3A_414 = vector.broadcast %add3A_413 : i32 to vector<16xi32>
    %add3A_415 = arith.addi %mul3A_412, %add3A_414 : vector<16xi32>
    %broadcast_in_dim3A_416 = arith.constant 0.000000e+00 : f32
    %broadcast_in_dim3A_417 = vector.broadcast %broadcast_in_dim3A_416 : f32 to vector<16xf32>
    %scan3A_418 = arith.constant 0 : i32
    %scan3A_419 = arith.constant 25 : i32
    %scan3A_420 = arith.addi %scan3A_418, %scan3A_419 : i32
    %scan3A_421 = arith.constant 1 : i32
    %scan3A_422:2 = scf.for %scan3A_787 = %scan3A_418 to %scan3A_420 step %scan3A_421 iter_args(%scan3A_788 = %broadcast_in_dim3A_417, %scan3A_789 = %add3A_415) -> (vector<16xf32>, vector<16xi32>)  : i32 {
      %gather3A = tpu.vector_load_idx %arg11[%scan3A_789] : memref<12800xf32, #tpu.memory_space<vmem>>[vector<16xi32>], vector<16xf32>,
      %add3A_790 = arith.addf %scan3A_788, %gather3A : vector<16xf32>
      %add3A_791 = arith.constant 1 : i32
      %add3A_792 = vector.broadcast %add3A_791 : i32 to vector<16xi32>
      %add3A_793 = arith.addi %scan3A_789, %add3A_792 : vector<16xi32>
      %gather3A_794 = tpu.vector_load_idx %arg11[%add3A_793] : memref<12800xf32, #tpu.memory_space<vmem>>[vector<16xi32>], vector<16xf32>,
      %add3A_795 = arith.addf %add3A_790, %gather3A_794 : vector<16xf32>
      %add3A_796 = arith.constant 1 : i32
      %add3A_797 = vector.broadcast %add3A_796 : i32 to vector<16xi32>
      %add3A_798 = arith.addi %add3A_793, %add3A_797 : vector<16xi32>
      %gather3A_799 = tpu.vector_load_idx %arg11[%add3A_798] : memref<12800xf32, #tpu.memory_space<vmem>>[vector<16xi32>], vector<16xf32>,
      %add3A_800 = arith.addf %add3A_795, %gather3A_799 : vector<16xf32>
      %add3A_801 = arith.constant 1 : i32
      %add3A_802 = vector.broadcast %add3A_801 : i32 to vector<16xi32>
      %add3A_803 = arith.addi %add3A_798, %add3A_802 : vector<16xi32>
      %gather3A_804 = tpu.vector_load_idx %arg11[%add3A_803] : memref<12800xf32, #tpu.memory_space<vmem>>[vector<16xi32>], vector<16xf32>,
      %add3A_805 = arith.addf %add3A_800, %gather3A_804 : vector<16xf32>
      %add3A_806 = arith.constant 1 : i32
      %add3A_807 = vector.broadcast %add3A_806 : i32 to vector<16xi32>
      %add3A_808 = arith.addi %add3A_803, %add3A_807 : vector<16xi32>
      %gather3A_809 = tpu.vector_load_idx %arg11[%add3A_808] : memref<12800xf32, #tpu.memory_space<vmem>>[vector<16xi32>], vector<16xf32>,
      %add3A_810 = arith.addf %add3A_805, %gather3A_809 : vector<16xf32>
      %add3A_811 = arith.constant 1 : i32
      %add3A_812 = vector.broadcast %add3A_811 : i32 to vector<16xi32>
      %add3A_813 = arith.addi %add3A_808, %add3A_812 : vector<16xi32>
      %gather3A_814 = tpu.vector_load_idx %arg11[%add3A_813] : memref<12800xf32, #tpu.memory_space<vmem>>[vector<16xi32>], vector<16xf32>,
      %add3A_815 = arith.addf %add3A_810, %gather3A_814 : vector<16xf32>
      %add3A_816 = arith.constant 1 : i32
      %add3A_817 = vector.broadcast %add3A_816 : i32 to vector<16xi32>
      %add3A_818 = arith.addi %add3A_813, %add3A_817 : vector<16xi32>
      %gather3A_819 = tpu.vector_load_idx %arg11[%add3A_818] : memref<12800xf32, #tpu.memory_space<vmem>>[vector<16xi32>], vector<16xf32>,
      %add3A_820 = arith.addf %add3A_815, %gather3A_819 : vector<16xf32>
      %add3A_821 = arith.constant 1 : i32
      %add3A_822 = vector.broadcast %add3A_821 : i32 to vector<16xi32>
      %add3A_823 = arith.addi %add3A_818, %add3A_822 : vector<16xi32>
      %gather3A_824 = tpu.vector_load_idx %arg11[%add3A_823] : memref<12800xf32, #tpu.memory_space<vmem>>[vector<16xi32>], vector<16xf32>,
      %add3A_825 = arith.addf %add3A_820, %gather3A_824 : vector<16xf32>
      %add3A_826 = arith.constant 1 : i32
      %add3A_827 = vector.broadcast %add3A_826 : i32 to vector<16xi32>
      %add3A_828 = arith.addi %add3A_823, %add3A_827 : vector<16xi32>
      scf.yield %add3A_825, %add3A_828 : vector<16xf32>, vector<16xi32>
    }
    %scan3A_423 = arith.constant 25 : i32
    %swap3A_424 = arith.constant 368 : index
    %swap3A_425 = tpu.vector_load %arg14[%swap3A_424] {strides = array<i32>} : memref<512xf32, #tpu.memory_space<vmem>>, vector<16xf32>,
    tpu.vector_store %arg14[%swap3A_424], %scan3A_422#0 {strides = array<i32>} : memref<512xf32, #tpu.memory_space<vmem>>, vector<16xf32>,
    %add3A_426 = arith.constant 89600 : i32
    %add3A_427 = arith.addi %mul3A_4, %add3A_426 : i32
    "tpu.region"() ({
      %run_scoped3A = tpu.sem_alloc : memref<!tpu.dma_semaphore, #tpu.memory_space<semaphore_mem>>
      %dma_start3A_787 = tpu.memref_slice %arg2[%add3A_427] : memref<3276800xi32, #tpu.memory_space<hbm>> -> memref<12800xi32, #tpu.memory_space<hbm>>
      %dma_start3A_788 = tpu.memref_slice %arg2[%add3A_427] : memref<3276800xi32, #tpu.memory_space<hbm>> -> memref<12800xi32, #tpu.memory_space<hbm>>
      tpu.enqueue_dma source(%dma_start3A_788 : memref<12800xi32, #tpu.memory_space<hbm>>) target(%arg9 : memref<12800xi32, #tpu.memory_space<vmem>>) target_semaphore(%run_scoped3A : memref<!tpu.dma_semaphore, #tpu.memory_space<semaphore_mem>>)
      %dma_wait3A_789 = tpu.memref_slice %arg2[%add3A_427] : memref<3276800xi32, #tpu.memory_space<hbm>> -> memref<12800xi32, #tpu.memory_space<hbm>>
      %dma_wait3A_790 = tpu.memref_slice %arg2[%add3A_427] : memref<3276800xi32, #tpu.memory_space<hbm>> -> memref<12800xi32, #tpu.memory_space<hbm>>
      tpu.wait_dma2 semaphore(%run_scoped3A : memref<!tpu.dma_semaphore, #tpu.memory_space<semaphore_mem>>) src(%dma_wait3A_790 : memref<12800xi32, #tpu.memory_space<hbm>>) dst(%arg9 : memref<12800xi32, #tpu.memory_space<vmem>>)
      tpu.yield
    }) : () -> ()
    %dma_start3A_428 = arith.constant 0 : i32
    %dma_start3A_429 = tpu.memref_slice %arg7[%dma_start3A_428] : memref<1000064xf32, #tpu.memory_space<vmem_shared>> -> memref<1000064xf32, #tpu.memory_space<vmem_shared>>
    tpu.enqueue_indirect_dma source(%dma_start3A_429 : memref<1000064xf32, #tpu.memory_space<vmem_shared>>) target(%arg11 : memref<12800xf32, #tpu.memory_space<vmem>>) offsets(%arg9 : memref<12800xi32, #tpu.memory_space<vmem>>) semaphore(%arg16 : memref<!tpu.dma_semaphore, #tpu.memory_space<semaphore_mem>>)
    %dma_wait3A_430 = arith.constant 0 : i32
    %dma_wait3A_431 = tpu.memref_slice %arg7[%dma_wait3A_430] : memref<1000064xf32, #tpu.memory_space<vmem_shared>> -> memref<1000064xf32, #tpu.memory_space<vmem_shared>>
    tpu.wait_indirect_dma semaphore(%arg15 : memref<!tpu.dma_semaphore, #tpu.memory_space<semaphore_mem>>) src(%dma_wait3A_431 : memref<1000064xf32, #tpu.memory_space<vmem_shared>>) dst(%arg10 : memref<12800xf32, #tpu.memory_space<vmem>>)
    %mul3A_432 = arith.constant 200 : i32
    %mul3A_433 = vector.broadcast %mul3A_432 : i32 to vector<16xi32>
    %mul3A_434 = arith.muli %iota3A, %mul3A_433 : vector<16xi32>
    %add3A_435 = arith.constant 0 : i32
    %add3A_436 = vector.broadcast %add3A_435 : i32 to vector<16xi32>
    %add3A_437 = arith.addi %mul3A_434, %add3A_436 : vector<16xi32>
    %broadcast_in_dim3A_438 = arith.constant 0.000000e+00 : f32
    %broadcast_in_dim3A_439 = vector.broadcast %broadcast_in_dim3A_438 : f32 to vector<16xf32>
    %scan3A_440 = arith.constant 0 : i32
    %scan3A_441 = arith.constant 25 : i32
    %scan3A_442 = arith.addi %scan3A_440, %scan3A_441 : i32
    %scan3A_443 = arith.constant 1 : i32
    %scan3A_444:2 = scf.for %scan3A_787 = %scan3A_440 to %scan3A_442 step %scan3A_443 iter_args(%scan3A_788 = %broadcast_in_dim3A_439, %scan3A_789 = %add3A_437) -> (vector<16xf32>, vector<16xi32>)  : i32 {
      %gather3A = tpu.vector_load_idx %arg10[%scan3A_789] : memref<12800xf32, #tpu.memory_space<vmem>>[vector<16xi32>], vector<16xf32>,
      %add3A_790 = arith.addf %scan3A_788, %gather3A : vector<16xf32>
      %add3A_791 = arith.constant 1 : i32
      %add3A_792 = vector.broadcast %add3A_791 : i32 to vector<16xi32>
      %add3A_793 = arith.addi %scan3A_789, %add3A_792 : vector<16xi32>
      %gather3A_794 = tpu.vector_load_idx %arg10[%add3A_793] : memref<12800xf32, #tpu.memory_space<vmem>>[vector<16xi32>], vector<16xf32>,
      %add3A_795 = arith.addf %add3A_790, %gather3A_794 : vector<16xf32>
      %add3A_796 = arith.constant 1 : i32
      %add3A_797 = vector.broadcast %add3A_796 : i32 to vector<16xi32>
      %add3A_798 = arith.addi %add3A_793, %add3A_797 : vector<16xi32>
      %gather3A_799 = tpu.vector_load_idx %arg10[%add3A_798] : memref<12800xf32, #tpu.memory_space<vmem>>[vector<16xi32>], vector<16xf32>,
      %add3A_800 = arith.addf %add3A_795, %gather3A_799 : vector<16xf32>
      %add3A_801 = arith.constant 1 : i32
      %add3A_802 = vector.broadcast %add3A_801 : i32 to vector<16xi32>
      %add3A_803 = arith.addi %add3A_798, %add3A_802 : vector<16xi32>
      %gather3A_804 = tpu.vector_load_idx %arg10[%add3A_803] : memref<12800xf32, #tpu.memory_space<vmem>>[vector<16xi32>], vector<16xf32>,
      %add3A_805 = arith.addf %add3A_800, %gather3A_804 : vector<16xf32>
      %add3A_806 = arith.constant 1 : i32
      %add3A_807 = vector.broadcast %add3A_806 : i32 to vector<16xi32>
      %add3A_808 = arith.addi %add3A_803, %add3A_807 : vector<16xi32>
      %gather3A_809 = tpu.vector_load_idx %arg10[%add3A_808] : memref<12800xf32, #tpu.memory_space<vmem>>[vector<16xi32>], vector<16xf32>,
      %add3A_810 = arith.addf %add3A_805, %gather3A_809 : vector<16xf32>
      %add3A_811 = arith.constant 1 : i32
      %add3A_812 = vector.broadcast %add3A_811 : i32 to vector<16xi32>
      %add3A_813 = arith.addi %add3A_808, %add3A_812 : vector<16xi32>
      %gather3A_814 = tpu.vector_load_idx %arg10[%add3A_813] : memref<12800xf32, #tpu.memory_space<vmem>>[vector<16xi32>], vector<16xf32>,
      %add3A_815 = arith.addf %add3A_810, %gather3A_814 : vector<16xf32>
      %add3A_816 = arith.constant 1 : i32
      %add3A_817 = vector.broadcast %add3A_816 : i32 to vector<16xi32>
      %add3A_818 = arith.addi %add3A_813, %add3A_817 : vector<16xi32>
      %gather3A_819 = tpu.vector_load_idx %arg10[%add3A_818] : memref<12800xf32, #tpu.memory_space<vmem>>[vector<16xi32>], vector<16xf32>,
      %add3A_820 = arith.addf %add3A_815, %gather3A_819 : vector<16xf32>
      %add3A_821 = arith.constant 1 : i32
      %add3A_822 = vector.broadcast %add3A_821 : i32 to vector<16xi32>
      %add3A_823 = arith.addi %add3A_818, %add3A_822 : vector<16xi32>
      %gather3A_824 = tpu.vector_load_idx %arg10[%add3A_823] : memref<12800xf32, #tpu.memory_space<vmem>>[vector<16xi32>], vector<16xf32>,
      %add3A_825 = arith.addf %add3A_820, %gather3A_824 : vector<16xf32>
      %add3A_826 = arith.constant 1 : i32
      %add3A_827 = vector.broadcast %add3A_826 : i32 to vector<16xi32>
      %add3A_828 = arith.addi %add3A_823, %add3A_827 : vector<16xi32>
      scf.yield %add3A_825, %add3A_828 : vector<16xf32>, vector<16xi32>
    }
    %scan3A_445 = arith.constant 25 : i32
    %swap3A_446 = arith.constant 384 : index
    %swap3A_447 = tpu.vector_load %arg14[%swap3A_446] {strides = array<i32>} : memref<512xf32, #tpu.memory_space<vmem>>, vector<16xf32>,
    tpu.vector_store %arg14[%swap3A_446], %scan3A_444#0 {strides = array<i32>} : memref<512xf32, #tpu.memory_space<vmem>>, vector<16xf32>,
    %mul3A_448 = arith.constant 200 : i32
    %mul3A_449 = vector.broadcast %mul3A_448 : i32 to vector<16xi32>
    %mul3A_450 = arith.muli %iota3A, %mul3A_449 : vector<16xi32>
    %add3A_451 = arith.constant 3200 : i32
    %add3A_452 = vector.broadcast %add3A_451 : i32 to vector<16xi32>
    %add3A_453 = arith.addi %mul3A_450, %add3A_452 : vector<16xi32>
    %broadcast_in_dim3A_454 = arith.constant 0.000000e+00 : f32
    %broadcast_in_dim3A_455 = vector.broadcast %broadcast_in_dim3A_454 : f32 to vector<16xf32>
    %scan3A_456 = arith.constant 0 : i32
    %scan3A_457 = arith.constant 25 : i32
    %scan3A_458 = arith.addi %scan3A_456, %scan3A_457 : i32
    %scan3A_459 = arith.constant 1 : i32
    %scan3A_460:2 = scf.for %scan3A_787 = %scan3A_456 to %scan3A_458 step %scan3A_459 iter_args(%scan3A_788 = %broadcast_in_dim3A_455, %scan3A_789 = %add3A_453) -> (vector<16xf32>, vector<16xi32>)  : i32 {
      %gather3A = tpu.vector_load_idx %arg10[%scan3A_789] : memref<12800xf32, #tpu.memory_space<vmem>>[vector<16xi32>], vector<16xf32>,
      %add3A_790 = arith.addf %scan3A_788, %gather3A : vector<16xf32>
      %add3A_791 = arith.constant 1 : i32
      %add3A_792 = vector.broadcast %add3A_791 : i32 to vector<16xi32>
      %add3A_793 = arith.addi %scan3A_789, %add3A_792 : vector<16xi32>
      %gather3A_794 = tpu.vector_load_idx %arg10[%add3A_793] : memref<12800xf32, #tpu.memory_space<vmem>>[vector<16xi32>], vector<16xf32>,
      %add3A_795 = arith.addf %add3A_790, %gather3A_794 : vector<16xf32>
      %add3A_796 = arith.constant 1 : i32
      %add3A_797 = vector.broadcast %add3A_796 : i32 to vector<16xi32>
      %add3A_798 = arith.addi %add3A_793, %add3A_797 : vector<16xi32>
      %gather3A_799 = tpu.vector_load_idx %arg10[%add3A_798] : memref<12800xf32, #tpu.memory_space<vmem>>[vector<16xi32>], vector<16xf32>,
      %add3A_800 = arith.addf %add3A_795, %gather3A_799 : vector<16xf32>
      %add3A_801 = arith.constant 1 : i32
      %add3A_802 = vector.broadcast %add3A_801 : i32 to vector<16xi32>
      %add3A_803 = arith.addi %add3A_798, %add3A_802 : vector<16xi32>
      %gather3A_804 = tpu.vector_load_idx %arg10[%add3A_803] : memref<12800xf32, #tpu.memory_space<vmem>>[vector<16xi32>], vector<16xf32>,
      %add3A_805 = arith.addf %add3A_800, %gather3A_804 : vector<16xf32>
      %add3A_806 = arith.constant 1 : i32
      %add3A_807 = vector.broadcast %add3A_806 : i32 to vector<16xi32>
      %add3A_808 = arith.addi %add3A_803, %add3A_807 : vector<16xi32>
      %gather3A_809 = tpu.vector_load_idx %arg10[%add3A_808] : memref<12800xf32, #tpu.memory_space<vmem>>[vector<16xi32>], vector<16xf32>,
      %add3A_810 = arith.addf %add3A_805, %gather3A_809 : vector<16xf32>
      %add3A_811 = arith.constant 1 : i32
      %add3A_812 = vector.broadcast %add3A_811 : i32 to vector<16xi32>
      %add3A_813 = arith.addi %add3A_808, %add3A_812 : vector<16xi32>
      %gather3A_814 = tpu.vector_load_idx %arg10[%add3A_813] : memref<12800xf32, #tpu.memory_space<vmem>>[vector<16xi32>], vector<16xf32>,
      %add3A_815 = arith.addf %add3A_810, %gather3A_814 : vector<16xf32>
      %add3A_816 = arith.constant 1 : i32
      %add3A_817 = vector.broadcast %add3A_816 : i32 to vector<16xi32>
      %add3A_818 = arith.addi %add3A_813, %add3A_817 : vector<16xi32>
      %gather3A_819 = tpu.vector_load_idx %arg10[%add3A_818] : memref<12800xf32, #tpu.memory_space<vmem>>[vector<16xi32>], vector<16xf32>,
      %add3A_820 = arith.addf %add3A_815, %gather3A_819 : vector<16xf32>
      %add3A_821 = arith.constant 1 : i32
      %add3A_822 = vector.broadcast %add3A_821 : i32 to vector<16xi32>
      %add3A_823 = arith.addi %add3A_818, %add3A_822 : vector<16xi32>
      %gather3A_824 = tpu.vector_load_idx %arg10[%add3A_823] : memref<12800xf32, #tpu.memory_space<vmem>>[vector<16xi32>], vector<16xf32>,
      %add3A_825 = arith.addf %add3A_820, %gather3A_824 : vector<16xf32>
      %add3A_826 = arith.constant 1 : i32
      %add3A_827 = vector.broadcast %add3A_826 : i32 to vector<16xi32>
      %add3A_828 = arith.addi %add3A_823, %add3A_827 : vector<16xi32>
      scf.yield %add3A_825, %add3A_828 : vector<16xf32>, vector<16xi32>
    }
    %scan3A_461 = arith.constant 25 : i32
    %swap3A_462 = arith.constant 400 : index
    %swap3A_463 = tpu.vector_load %arg14[%swap3A_462] {strides = array<i32>} : memref<512xf32, #tpu.memory_space<vmem>>, vector<16xf32>,
    tpu.vector_store %arg14[%swap3A_462], %scan3A_460#0 {strides = array<i32>} : memref<512xf32, #tpu.memory_space<vmem>>, vector<16xf32>,
    %mul3A_464 = arith.constant 200 : i32
    %mul3A_465 = vector.broadcast %mul3A_464 : i32 to vector<16xi32>
    %mul3A_466 = arith.muli %iota3A, %mul3A_465 : vector<16xi32>
    %add3A_467 = arith.constant 6400 : i32
    %add3A_468 = vector.broadcast %add3A_467 : i32 to vector<16xi32>
    %add3A_469 = arith.addi %mul3A_466, %add3A_468 : vector<16xi32>
    %broadcast_in_dim3A_470 = arith.constant 0.000000e+00 : f32
    %broadcast_in_dim3A_471 = vector.broadcast %broadcast_in_dim3A_470 : f32 to vector<16xf32>
    %scan3A_472 = arith.constant 0 : i32
    %scan3A_473 = arith.constant 25 : i32
    %scan3A_474 = arith.addi %scan3A_472, %scan3A_473 : i32
    %scan3A_475 = arith.constant 1 : i32
    %scan3A_476:2 = scf.for %scan3A_787 = %scan3A_472 to %scan3A_474 step %scan3A_475 iter_args(%scan3A_788 = %broadcast_in_dim3A_471, %scan3A_789 = %add3A_469) -> (vector<16xf32>, vector<16xi32>)  : i32 {
      %gather3A = tpu.vector_load_idx %arg10[%scan3A_789] : memref<12800xf32, #tpu.memory_space<vmem>>[vector<16xi32>], vector<16xf32>,
      %add3A_790 = arith.addf %scan3A_788, %gather3A : vector<16xf32>
      %add3A_791 = arith.constant 1 : i32
      %add3A_792 = vector.broadcast %add3A_791 : i32 to vector<16xi32>
      %add3A_793 = arith.addi %scan3A_789, %add3A_792 : vector<16xi32>
      %gather3A_794 = tpu.vector_load_idx %arg10[%add3A_793] : memref<12800xf32, #tpu.memory_space<vmem>>[vector<16xi32>], vector<16xf32>,
      %add3A_795 = arith.addf %add3A_790, %gather3A_794 : vector<16xf32>
      %add3A_796 = arith.constant 1 : i32
      %add3A_797 = vector.broadcast %add3A_796 : i32 to vector<16xi32>
      %add3A_798 = arith.addi %add3A_793, %add3A_797 : vector<16xi32>
      %gather3A_799 = tpu.vector_load_idx %arg10[%add3A_798] : memref<12800xf32, #tpu.memory_space<vmem>>[vector<16xi32>], vector<16xf32>,
      %add3A_800 = arith.addf %add3A_795, %gather3A_799 : vector<16xf32>
      %add3A_801 = arith.constant 1 : i32
      %add3A_802 = vector.broadcast %add3A_801 : i32 to vector<16xi32>
      %add3A_803 = arith.addi %add3A_798, %add3A_802 : vector<16xi32>
      %gather3A_804 = tpu.vector_load_idx %arg10[%add3A_803] : memref<12800xf32, #tpu.memory_space<vmem>>[vector<16xi32>], vector<16xf32>,
      %add3A_805 = arith.addf %add3A_800, %gather3A_804 : vector<16xf32>
      %add3A_806 = arith.constant 1 : i32
      %add3A_807 = vector.broadcast %add3A_806 : i32 to vector<16xi32>
      %add3A_808 = arith.addi %add3A_803, %add3A_807 : vector<16xi32>
      %gather3A_809 = tpu.vector_load_idx %arg10[%add3A_808] : memref<12800xf32, #tpu.memory_space<vmem>>[vector<16xi32>], vector<16xf32>,
      %add3A_810 = arith.addf %add3A_805, %gather3A_809 : vector<16xf32>
      %add3A_811 = arith.constant 1 : i32
      %add3A_812 = vector.broadcast %add3A_811 : i32 to vector<16xi32>
      %add3A_813 = arith.addi %add3A_808, %add3A_812 : vector<16xi32>
      %gather3A_814 = tpu.vector_load_idx %arg10[%add3A_813] : memref<12800xf32, #tpu.memory_space<vmem>>[vector<16xi32>], vector<16xf32>,
      %add3A_815 = arith.addf %add3A_810, %gather3A_814 : vector<16xf32>
      %add3A_816 = arith.constant 1 : i32
      %add3A_817 = vector.broadcast %add3A_816 : i32 to vector<16xi32>
      %add3A_818 = arith.addi %add3A_813, %add3A_817 : vector<16xi32>
      %gather3A_819 = tpu.vector_load_idx %arg10[%add3A_818] : memref<12800xf32, #tpu.memory_space<vmem>>[vector<16xi32>], vector<16xf32>,
      %add3A_820 = arith.addf %add3A_815, %gather3A_819 : vector<16xf32>
      %add3A_821 = arith.constant 1 : i32
      %add3A_822 = vector.broadcast %add3A_821 : i32 to vector<16xi32>
      %add3A_823 = arith.addi %add3A_818, %add3A_822 : vector<16xi32>
      %gather3A_824 = tpu.vector_load_idx %arg10[%add3A_823] : memref<12800xf32, #tpu.memory_space<vmem>>[vector<16xi32>], vector<16xf32>,
      %add3A_825 = arith.addf %add3A_820, %gather3A_824 : vector<16xf32>
      %add3A_826 = arith.constant 1 : i32
      %add3A_827 = vector.broadcast %add3A_826 : i32 to vector<16xi32>
      %add3A_828 = arith.addi %add3A_823, %add3A_827 : vector<16xi32>
      scf.yield %add3A_825, %add3A_828 : vector<16xf32>, vector<16xi32>
    }
    %scan3A_477 = arith.constant 25 : i32
    %swap3A_478 = arith.constant 416 : index
    %swap3A_479 = tpu.vector_load %arg14[%swap3A_478] {strides = array<i32>} : memref<512xf32, #tpu.memory_space<vmem>>, vector<16xf32>,
    tpu.vector_store %arg14[%swap3A_478], %scan3A_476#0 {strides = array<i32>} : memref<512xf32, #tpu.memory_space<vmem>>, vector<16xf32>,
    %mul3A_480 = arith.constant 200 : i32
    %mul3A_481 = vector.broadcast %mul3A_480 : i32 to vector<16xi32>
    %mul3A_482 = arith.muli %iota3A, %mul3A_481 : vector<16xi32>
    %add3A_483 = arith.constant 9600 : i32
    %add3A_484 = vector.broadcast %add3A_483 : i32 to vector<16xi32>
    %add3A_485 = arith.addi %mul3A_482, %add3A_484 : vector<16xi32>
    %broadcast_in_dim3A_486 = arith.constant 0.000000e+00 : f32
    %broadcast_in_dim3A_487 = vector.broadcast %broadcast_in_dim3A_486 : f32 to vector<16xf32>
    %scan3A_488 = arith.constant 0 : i32
    %scan3A_489 = arith.constant 25 : i32
    %scan3A_490 = arith.addi %scan3A_488, %scan3A_489 : i32
    %scan3A_491 = arith.constant 1 : i32
    %scan3A_492:2 = scf.for %scan3A_787 = %scan3A_488 to %scan3A_490 step %scan3A_491 iter_args(%scan3A_788 = %broadcast_in_dim3A_487, %scan3A_789 = %add3A_485) -> (vector<16xf32>, vector<16xi32>)  : i32 {
      %gather3A = tpu.vector_load_idx %arg10[%scan3A_789] : memref<12800xf32, #tpu.memory_space<vmem>>[vector<16xi32>], vector<16xf32>,
      %add3A_790 = arith.addf %scan3A_788, %gather3A : vector<16xf32>
      %add3A_791 = arith.constant 1 : i32
      %add3A_792 = vector.broadcast %add3A_791 : i32 to vector<16xi32>
      %add3A_793 = arith.addi %scan3A_789, %add3A_792 : vector<16xi32>
      %gather3A_794 = tpu.vector_load_idx %arg10[%add3A_793] : memref<12800xf32, #tpu.memory_space<vmem>>[vector<16xi32>], vector<16xf32>,
      %add3A_795 = arith.addf %add3A_790, %gather3A_794 : vector<16xf32>
      %add3A_796 = arith.constant 1 : i32
      %add3A_797 = vector.broadcast %add3A_796 : i32 to vector<16xi32>
      %add3A_798 = arith.addi %add3A_793, %add3A_797 : vector<16xi32>
      %gather3A_799 = tpu.vector_load_idx %arg10[%add3A_798] : memref<12800xf32, #tpu.memory_space<vmem>>[vector<16xi32>], vector<16xf32>,
      %add3A_800 = arith.addf %add3A_795, %gather3A_799 : vector<16xf32>
      %add3A_801 = arith.constant 1 : i32
      %add3A_802 = vector.broadcast %add3A_801 : i32 to vector<16xi32>
      %add3A_803 = arith.addi %add3A_798, %add3A_802 : vector<16xi32>
      %gather3A_804 = tpu.vector_load_idx %arg10[%add3A_803] : memref<12800xf32, #tpu.memory_space<vmem>>[vector<16xi32>], vector<16xf32>,
      %add3A_805 = arith.addf %add3A_800, %gather3A_804 : vector<16xf32>
      %add3A_806 = arith.constant 1 : i32
      %add3A_807 = vector.broadcast %add3A_806 : i32 to vector<16xi32>
      %add3A_808 = arith.addi %add3A_803, %add3A_807 : vector<16xi32>
      %gather3A_809 = tpu.vector_load_idx %arg10[%add3A_808] : memref<12800xf32, #tpu.memory_space<vmem>>[vector<16xi32>], vector<16xf32>,
      %add3A_810 = arith.addf %add3A_805, %gather3A_809 : vector<16xf32>
      %add3A_811 = arith.constant 1 : i32
      %add3A_812 = vector.broadcast %add3A_811 : i32 to vector<16xi32>
      %add3A_813 = arith.addi %add3A_808, %add3A_812 : vector<16xi32>
      %gather3A_814 = tpu.vector_load_idx %arg10[%add3A_813] : memref<12800xf32, #tpu.memory_space<vmem>>[vector<16xi32>], vector<16xf32>,
      %add3A_815 = arith.addf %add3A_810, %gather3A_814 : vector<16xf32>
      %add3A_816 = arith.constant 1 : i32
      %add3A_817 = vector.broadcast %add3A_816 : i32 to vector<16xi32>
      %add3A_818 = arith.addi %add3A_813, %add3A_817 : vector<16xi32>
      %gather3A_819 = tpu.vector_load_idx %arg10[%add3A_818] : memref<12800xf32, #tpu.memory_space<vmem>>[vector<16xi32>], vector<16xf32>,
      %add3A_820 = arith.addf %add3A_815, %gather3A_819 : vector<16xf32>
      %add3A_821 = arith.constant 1 : i32
      %add3A_822 = vector.broadcast %add3A_821 : i32 to vector<16xi32>
      %add3A_823 = arith.addi %add3A_818, %add3A_822 : vector<16xi32>
      %gather3A_824 = tpu.vector_load_idx %arg10[%add3A_823] : memref<12800xf32, #tpu.memory_space<vmem>>[vector<16xi32>], vector<16xf32>,
      %add3A_825 = arith.addf %add3A_820, %gather3A_824 : vector<16xf32>
      %add3A_826 = arith.constant 1 : i32
      %add3A_827 = vector.broadcast %add3A_826 : i32 to vector<16xi32>
      %add3A_828 = arith.addi %add3A_823, %add3A_827 : vector<16xi32>
      scf.yield %add3A_825, %add3A_828 : vector<16xf32>, vector<16xi32>
    }
    %scan3A_493 = arith.constant 25 : i32
    %swap3A_494 = arith.constant 432 : index
    %swap3A_495 = tpu.vector_load %arg14[%swap3A_494] {strides = array<i32>} : memref<512xf32, #tpu.memory_space<vmem>>, vector<16xf32>,
    tpu.vector_store %arg14[%swap3A_494], %scan3A_492#0 {strides = array<i32>} : memref<512xf32, #tpu.memory_space<vmem>>, vector<16xf32>,
    %dma_wait3A_496 = arith.constant 0 : i32
    %dma_wait3A_497 = tpu.memref_slice %arg7[%dma_wait3A_496] : memref<1000064xf32, #tpu.memory_space<vmem_shared>> -> memref<1000064xf32, #tpu.memory_space<vmem_shared>>
    tpu.wait_indirect_dma semaphore(%arg16 : memref<!tpu.dma_semaphore, #tpu.memory_space<semaphore_mem>>) src(%dma_wait3A_497 : memref<1000064xf32, #tpu.memory_space<vmem_shared>>) dst(%arg11 : memref<12800xf32, #tpu.memory_space<vmem>>)
    %mul3A_498 = arith.constant 200 : i32
    %mul3A_499 = vector.broadcast %mul3A_498 : i32 to vector<16xi32>
    %mul3A_500 = arith.muli %iota3A, %mul3A_499 : vector<16xi32>
    %add3A_501 = arith.constant 0 : i32
    %add3A_502 = vector.broadcast %add3A_501 : i32 to vector<16xi32>
    %add3A_503 = arith.addi %mul3A_500, %add3A_502 : vector<16xi32>
    %broadcast_in_dim3A_504 = arith.constant 0.000000e+00 : f32
    %broadcast_in_dim3A_505 = vector.broadcast %broadcast_in_dim3A_504 : f32 to vector<16xf32>
    %scan3A_506 = arith.constant 0 : i32
    %scan3A_507 = arith.constant 25 : i32
    %scan3A_508 = arith.addi %scan3A_506, %scan3A_507 : i32
    %scan3A_509 = arith.constant 1 : i32
    %scan3A_510:2 = scf.for %scan3A_787 = %scan3A_506 to %scan3A_508 step %scan3A_509 iter_args(%scan3A_788 = %broadcast_in_dim3A_505, %scan3A_789 = %add3A_503) -> (vector<16xf32>, vector<16xi32>)  : i32 {
      %gather3A = tpu.vector_load_idx %arg11[%scan3A_789] : memref<12800xf32, #tpu.memory_space<vmem>>[vector<16xi32>], vector<16xf32>,
      %add3A_790 = arith.addf %scan3A_788, %gather3A : vector<16xf32>
      %add3A_791 = arith.constant 1 : i32
      %add3A_792 = vector.broadcast %add3A_791 : i32 to vector<16xi32>
      %add3A_793 = arith.addi %scan3A_789, %add3A_792 : vector<16xi32>
      %gather3A_794 = tpu.vector_load_idx %arg11[%add3A_793] : memref<12800xf32, #tpu.memory_space<vmem>>[vector<16xi32>], vector<16xf32>,
      %add3A_795 = arith.addf %add3A_790, %gather3A_794 : vector<16xf32>
      %add3A_796 = arith.constant 1 : i32
      %add3A_797 = vector.broadcast %add3A_796 : i32 to vector<16xi32>
      %add3A_798 = arith.addi %add3A_793, %add3A_797 : vector<16xi32>
      %gather3A_799 = tpu.vector_load_idx %arg11[%add3A_798] : memref<12800xf32, #tpu.memory_space<vmem>>[vector<16xi32>], vector<16xf32>,
      %add3A_800 = arith.addf %add3A_795, %gather3A_799 : vector<16xf32>
      %add3A_801 = arith.constant 1 : i32
      %add3A_802 = vector.broadcast %add3A_801 : i32 to vector<16xi32>
      %add3A_803 = arith.addi %add3A_798, %add3A_802 : vector<16xi32>
      %gather3A_804 = tpu.vector_load_idx %arg11[%add3A_803] : memref<12800xf32, #tpu.memory_space<vmem>>[vector<16xi32>], vector<16xf32>,
      %add3A_805 = arith.addf %add3A_800, %gather3A_804 : vector<16xf32>
      %add3A_806 = arith.constant 1 : i32
      %add3A_807 = vector.broadcast %add3A_806 : i32 to vector<16xi32>
      %add3A_808 = arith.addi %add3A_803, %add3A_807 : vector<16xi32>
      %gather3A_809 = tpu.vector_load_idx %arg11[%add3A_808] : memref<12800xf32, #tpu.memory_space<vmem>>[vector<16xi32>], vector<16xf32>,
      %add3A_810 = arith.addf %add3A_805, %gather3A_809 : vector<16xf32>
      %add3A_811 = arith.constant 1 : i32
      %add3A_812 = vector.broadcast %add3A_811 : i32 to vector<16xi32>
      %add3A_813 = arith.addi %add3A_808, %add3A_812 : vector<16xi32>
      %gather3A_814 = tpu.vector_load_idx %arg11[%add3A_813] : memref<12800xf32, #tpu.memory_space<vmem>>[vector<16xi32>], vector<16xf32>,
      %add3A_815 = arith.addf %add3A_810, %gather3A_814 : vector<16xf32>
      %add3A_816 = arith.constant 1 : i32
      %add3A_817 = vector.broadcast %add3A_816 : i32 to vector<16xi32>
      %add3A_818 = arith.addi %add3A_813, %add3A_817 : vector<16xi32>
      %gather3A_819 = tpu.vector_load_idx %arg11[%add3A_818] : memref<12800xf32, #tpu.memory_space<vmem>>[vector<16xi32>], vector<16xf32>,
      %add3A_820 = arith.addf %add3A_815, %gather3A_819 : vector<16xf32>
      %add3A_821 = arith.constant 1 : i32
      %add3A_822 = vector.broadcast %add3A_821 : i32 to vector<16xi32>
      %add3A_823 = arith.addi %add3A_818, %add3A_822 : vector<16xi32>
      %gather3A_824 = tpu.vector_load_idx %arg11[%add3A_823] : memref<12800xf32, #tpu.memory_space<vmem>>[vector<16xi32>], vector<16xf32>,
      %add3A_825 = arith.addf %add3A_820, %gather3A_824 : vector<16xf32>
      %add3A_826 = arith.constant 1 : i32
      %add3A_827 = vector.broadcast %add3A_826 : i32 to vector<16xi32>
      %add3A_828 = arith.addi %add3A_823, %add3A_827 : vector<16xi32>
      scf.yield %add3A_825, %add3A_828 : vector<16xf32>, vector<16xi32>
    }
    %scan3A_511 = arith.constant 25 : i32
    %swap3A_512 = arith.constant 448 : index
    %swap3A_513 = tpu.vector_load %arg14[%swap3A_512] {strides = array<i32>} : memref<512xf32, #tpu.memory_space<vmem>>, vector<16xf32>,
    tpu.vector_store %arg14[%swap3A_512], %scan3A_510#0 {strides = array<i32>} : memref<512xf32, #tpu.memory_space<vmem>>, vector<16xf32>,
    %mul3A_514 = arith.constant 200 : i32
    %mul3A_515 = vector.broadcast %mul3A_514 : i32 to vector<16xi32>
    %mul3A_516 = arith.muli %iota3A, %mul3A_515 : vector<16xi32>
    %add3A_517 = arith.constant 3200 : i32
    %add3A_518 = vector.broadcast %add3A_517 : i32 to vector<16xi32>
    %add3A_519 = arith.addi %mul3A_516, %add3A_518 : vector<16xi32>
    %broadcast_in_dim3A_520 = arith.constant 0.000000e+00 : f32
    %broadcast_in_dim3A_521 = vector.broadcast %broadcast_in_dim3A_520 : f32 to vector<16xf32>
    %scan3A_522 = arith.constant 0 : i32
    %scan3A_523 = arith.constant 25 : i32
    %scan3A_524 = arith.addi %scan3A_522, %scan3A_523 : i32
    %scan3A_525 = arith.constant 1 : i32
    %scan3A_526:2 = scf.for %scan3A_787 = %scan3A_522 to %scan3A_524 step %scan3A_525 iter_args(%scan3A_788 = %broadcast_in_dim3A_521, %scan3A_789 = %add3A_519) -> (vector<16xf32>, vector<16xi32>)  : i32 {
      %gather3A = tpu.vector_load_idx %arg11[%scan3A_789] : memref<12800xf32, #tpu.memory_space<vmem>>[vector<16xi32>], vector<16xf32>,
      %add3A_790 = arith.addf %scan3A_788, %gather3A : vector<16xf32>
      %add3A_791 = arith.constant 1 : i32
      %add3A_792 = vector.broadcast %add3A_791 : i32 to vector<16xi32>
      %add3A_793 = arith.addi %scan3A_789, %add3A_792 : vector<16xi32>
      %gather3A_794 = tpu.vector_load_idx %arg11[%add3A_793] : memref<12800xf32, #tpu.memory_space<vmem>>[vector<16xi32>], vector<16xf32>,
      %add3A_795 = arith.addf %add3A_790, %gather3A_794 : vector<16xf32>
      %add3A_796 = arith.constant 1 : i32
      %add3A_797 = vector.broadcast %add3A_796 : i32 to vector<16xi32>
      %add3A_798 = arith.addi %add3A_793, %add3A_797 : vector<16xi32>
      %gather3A_799 = tpu.vector_load_idx %arg11[%add3A_798] : memref<12800xf32, #tpu.memory_space<vmem>>[vector<16xi32>], vector<16xf32>,
      %add3A_800 = arith.addf %add3A_795, %gather3A_799 : vector<16xf32>
      %add3A_801 = arith.constant 1 : i32
      %add3A_802 = vector.broadcast %add3A_801 : i32 to vector<16xi32>
      %add3A_803 = arith.addi %add3A_798, %add3A_802 : vector<16xi32>
      %gather3A_804 = tpu.vector_load_idx %arg11[%add3A_803] : memref<12800xf32, #tpu.memory_space<vmem>>[vector<16xi32>], vector<16xf32>,
      %add3A_805 = arith.addf %add3A_800, %gather3A_804 : vector<16xf32>
      %add3A_806 = arith.constant 1 : i32
      %add3A_807 = vector.broadcast %add3A_806 : i32 to vector<16xi32>
      %add3A_808 = arith.addi %add3A_803, %add3A_807 : vector<16xi32>
      %gather3A_809 = tpu.vector_load_idx %arg11[%add3A_808] : memref<12800xf32, #tpu.memory_space<vmem>>[vector<16xi32>], vector<16xf32>,
      %add3A_810 = arith.addf %add3A_805, %gather3A_809 : vector<16xf32>
      %add3A_811 = arith.constant 1 : i32
      %add3A_812 = vector.broadcast %add3A_811 : i32 to vector<16xi32>
      %add3A_813 = arith.addi %add3A_808, %add3A_812 : vector<16xi32>
      %gather3A_814 = tpu.vector_load_idx %arg11[%add3A_813] : memref<12800xf32, #tpu.memory_space<vmem>>[vector<16xi32>], vector<16xf32>,
      %add3A_815 = arith.addf %add3A_810, %gather3A_814 : vector<16xf32>
      %add3A_816 = arith.constant 1 : i32
      %add3A_817 = vector.broadcast %add3A_816 : i32 to vector<16xi32>
      %add3A_818 = arith.addi %add3A_813, %add3A_817 : vector<16xi32>
      %gather3A_819 = tpu.vector_load_idx %arg11[%add3A_818] : memref<12800xf32, #tpu.memory_space<vmem>>[vector<16xi32>], vector<16xf32>,
      %add3A_820 = arith.addf %add3A_815, %gather3A_819 : vector<16xf32>
      %add3A_821 = arith.constant 1 : i32
      %add3A_822 = vector.broadcast %add3A_821 : i32 to vector<16xi32>
      %add3A_823 = arith.addi %add3A_818, %add3A_822 : vector<16xi32>
      %gather3A_824 = tpu.vector_load_idx %arg11[%add3A_823] : memref<12800xf32, #tpu.memory_space<vmem>>[vector<16xi32>], vector<16xf32>,
      %add3A_825 = arith.addf %add3A_820, %gather3A_824 : vector<16xf32>
      %add3A_826 = arith.constant 1 : i32
      %add3A_827 = vector.broadcast %add3A_826 : i32 to vector<16xi32>
      %add3A_828 = arith.addi %add3A_823, %add3A_827 : vector<16xi32>
      scf.yield %add3A_825, %add3A_828 : vector<16xf32>, vector<16xi32>
    }
    %scan3A_527 = arith.constant 25 : i32
    %swap3A_528 = arith.constant 464 : index
    %swap3A_529 = tpu.vector_load %arg14[%swap3A_528] {strides = array<i32>} : memref<512xf32, #tpu.memory_space<vmem>>, vector<16xf32>,
    tpu.vector_store %arg14[%swap3A_528], %scan3A_526#0 {strides = array<i32>} : memref<512xf32, #tpu.memory_space<vmem>>, vector<16xf32>,
    %mul3A_530 = arith.constant 200 : i32
    %mul3A_531 = vector.broadcast %mul3A_530 : i32 to vector<16xi32>
    %mul3A_532 = arith.muli %iota3A, %mul3A_531 : vector<16xi32>
    %add3A_533 = arith.constant 6400 : i32
    %add3A_534 = vector.broadcast %add3A_533 : i32 to vector<16xi32>
    %add3A_535 = arith.addi %mul3A_532, %add3A_534 : vector<16xi32>
    %broadcast_in_dim3A_536 = arith.constant 0.000000e+00 : f32
    %broadcast_in_dim3A_537 = vector.broadcast %broadcast_in_dim3A_536 : f32 to vector<16xf32>
    %scan3A_538 = arith.constant 0 : i32
    %scan3A_539 = arith.constant 25 : i32
    %scan3A_540 = arith.addi %scan3A_538, %scan3A_539 : i32
    %scan3A_541 = arith.constant 1 : i32
    %scan3A_542:2 = scf.for %scan3A_787 = %scan3A_538 to %scan3A_540 step %scan3A_541 iter_args(%scan3A_788 = %broadcast_in_dim3A_537, %scan3A_789 = %add3A_535) -> (vector<16xf32>, vector<16xi32>)  : i32 {
      %gather3A = tpu.vector_load_idx %arg11[%scan3A_789] : memref<12800xf32, #tpu.memory_space<vmem>>[vector<16xi32>], vector<16xf32>,
      %add3A_790 = arith.addf %scan3A_788, %gather3A : vector<16xf32>
      %add3A_791 = arith.constant 1 : i32
      %add3A_792 = vector.broadcast %add3A_791 : i32 to vector<16xi32>
      %add3A_793 = arith.addi %scan3A_789, %add3A_792 : vector<16xi32>
      %gather3A_794 = tpu.vector_load_idx %arg11[%add3A_793] : memref<12800xf32, #tpu.memory_space<vmem>>[vector<16xi32>], vector<16xf32>,
      %add3A_795 = arith.addf %add3A_790, %gather3A_794 : vector<16xf32>
      %add3A_796 = arith.constant 1 : i32
      %add3A_797 = vector.broadcast %add3A_796 : i32 to vector<16xi32>
      %add3A_798 = arith.addi %add3A_793, %add3A_797 : vector<16xi32>
      %gather3A_799 = tpu.vector_load_idx %arg11[%add3A_798] : memref<12800xf32, #tpu.memory_space<vmem>>[vector<16xi32>], vector<16xf32>,
      %add3A_800 = arith.addf %add3A_795, %gather3A_799 : vector<16xf32>
      %add3A_801 = arith.constant 1 : i32
      %add3A_802 = vector.broadcast %add3A_801 : i32 to vector<16xi32>
      %add3A_803 = arith.addi %add3A_798, %add3A_802 : vector<16xi32>
      %gather3A_804 = tpu.vector_load_idx %arg11[%add3A_803] : memref<12800xf32, #tpu.memory_space<vmem>>[vector<16xi32>], vector<16xf32>,
      %add3A_805 = arith.addf %add3A_800, %gather3A_804 : vector<16xf32>
      %add3A_806 = arith.constant 1 : i32
      %add3A_807 = vector.broadcast %add3A_806 : i32 to vector<16xi32>
      %add3A_808 = arith.addi %add3A_803, %add3A_807 : vector<16xi32>
      %gather3A_809 = tpu.vector_load_idx %arg11[%add3A_808] : memref<12800xf32, #tpu.memory_space<vmem>>[vector<16xi32>], vector<16xf32>,
      %add3A_810 = arith.addf %add3A_805, %gather3A_809 : vector<16xf32>
      %add3A_811 = arith.constant 1 : i32
      %add3A_812 = vector.broadcast %add3A_811 : i32 to vector<16xi32>
      %add3A_813 = arith.addi %add3A_808, %add3A_812 : vector<16xi32>
      %gather3A_814 = tpu.vector_load_idx %arg11[%add3A_813] : memref<12800xf32, #tpu.memory_space<vmem>>[vector<16xi32>], vector<16xf32>,
      %add3A_815 = arith.addf %add3A_810, %gather3A_814 : vector<16xf32>
      %add3A_816 = arith.constant 1 : i32
      %add3A_817 = vector.broadcast %add3A_816 : i32 to vector<16xi32>
      %add3A_818 = arith.addi %add3A_813, %add3A_817 : vector<16xi32>
      %gather3A_819 = tpu.vector_load_idx %arg11[%add3A_818] : memref<12800xf32, #tpu.memory_space<vmem>>[vector<16xi32>], vector<16xf32>,
      %add3A_820 = arith.addf %add3A_815, %gather3A_819 : vector<16xf32>
      %add3A_821 = arith.constant 1 : i32
      %add3A_822 = vector.broadcast %add3A_821 : i32 to vector<16xi32>
      %add3A_823 = arith.addi %add3A_818, %add3A_822 : vector<16xi32>
      %gather3A_824 = tpu.vector_load_idx %arg11[%add3A_823] : memref<12800xf32, #tpu.memory_space<vmem>>[vector<16xi32>], vector<16xf32>,
      %add3A_825 = arith.addf %add3A_820, %gather3A_824 : vector<16xf32>
      %add3A_826 = arith.constant 1 : i32
      %add3A_827 = vector.broadcast %add3A_826 : i32 to vector<16xi32>
      %add3A_828 = arith.addi %add3A_823, %add3A_827 : vector<16xi32>
      scf.yield %add3A_825, %add3A_828 : vector<16xf32>, vector<16xi32>
    }
    %scan3A_543 = arith.constant 25 : i32
    %swap3A_544 = arith.constant 480 : index
    %swap3A_545 = tpu.vector_load %arg14[%swap3A_544] {strides = array<i32>} : memref<512xf32, #tpu.memory_space<vmem>>, vector<16xf32>,
    tpu.vector_store %arg14[%swap3A_544], %scan3A_542#0 {strides = array<i32>} : memref<512xf32, #tpu.memory_space<vmem>>, vector<16xf32>,
    %mul3A_546 = arith.constant 200 : i32
    %mul3A_547 = vector.broadcast %mul3A_546 : i32 to vector<16xi32>
    %mul3A_548 = arith.muli %iota3A, %mul3A_547 : vector<16xi32>
    %add3A_549 = arith.constant 9600 : i32
    %add3A_550 = vector.broadcast %add3A_549 : i32 to vector<16xi32>
    %add3A_551 = arith.addi %mul3A_548, %add3A_550 : vector<16xi32>
    %broadcast_in_dim3A_552 = arith.constant 0.000000e+00 : f32
    %broadcast_in_dim3A_553 = vector.broadcast %broadcast_in_dim3A_552 : f32 to vector<16xf32>
    %scan3A_554 = arith.constant 0 : i32
    %scan3A_555 = arith.constant 25 : i32
    %scan3A_556 = arith.addi %scan3A_554, %scan3A_555 : i32
    %scan3A_557 = arith.constant 1 : i32
    %scan3A_558:2 = scf.for %scan3A_787 = %scan3A_554 to %scan3A_556 step %scan3A_557 iter_args(%scan3A_788 = %broadcast_in_dim3A_553, %scan3A_789 = %add3A_551) -> (vector<16xf32>, vector<16xi32>)  : i32 {
      %gather3A = tpu.vector_load_idx %arg11[%scan3A_789] : memref<12800xf32, #tpu.memory_space<vmem>>[vector<16xi32>], vector<16xf32>,
      %add3A_790 = arith.addf %scan3A_788, %gather3A : vector<16xf32>
      %add3A_791 = arith.constant 1 : i32
      %add3A_792 = vector.broadcast %add3A_791 : i32 to vector<16xi32>
      %add3A_793 = arith.addi %scan3A_789, %add3A_792 : vector<16xi32>
      %gather3A_794 = tpu.vector_load_idx %arg11[%add3A_793] : memref<12800xf32, #tpu.memory_space<vmem>>[vector<16xi32>], vector<16xf32>,
      %add3A_795 = arith.addf %add3A_790, %gather3A_794 : vector<16xf32>
      %add3A_796 = arith.constant 1 : i32
      %add3A_797 = vector.broadcast %add3A_796 : i32 to vector<16xi32>
      %add3A_798 = arith.addi %add3A_793, %add3A_797 : vector<16xi32>
      %gather3A_799 = tpu.vector_load_idx %arg11[%add3A_798] : memref<12800xf32, #tpu.memory_space<vmem>>[vector<16xi32>], vector<16xf32>,
      %add3A_800 = arith.addf %add3A_795, %gather3A_799 : vector<16xf32>
      %add3A_801 = arith.constant 1 : i32
      %add3A_802 = vector.broadcast %add3A_801 : i32 to vector<16xi32>
      %add3A_803 = arith.addi %add3A_798, %add3A_802 : vector<16xi32>
      %gather3A_804 = tpu.vector_load_idx %arg11[%add3A_803] : memref<12800xf32, #tpu.memory_space<vmem>>[vector<16xi32>], vector<16xf32>,
      %add3A_805 = arith.addf %add3A_800, %gather3A_804 : vector<16xf32>
      %add3A_806 = arith.constant 1 : i32
      %add3A_807 = vector.broadcast %add3A_806 : i32 to vector<16xi32>
      %add3A_808 = arith.addi %add3A_803, %add3A_807 : vector<16xi32>
      %gather3A_809 = tpu.vector_load_idx %arg11[%add3A_808] : memref<12800xf32, #tpu.memory_space<vmem>>[vector<16xi32>], vector<16xf32>,
      %add3A_810 = arith.addf %add3A_805, %gather3A_809 : vector<16xf32>
      %add3A_811 = arith.constant 1 : i32
      %add3A_812 = vector.broadcast %add3A_811 : i32 to vector<16xi32>
      %add3A_813 = arith.addi %add3A_808, %add3A_812 : vector<16xi32>
      %gather3A_814 = tpu.vector_load_idx %arg11[%add3A_813] : memref<12800xf32, #tpu.memory_space<vmem>>[vector<16xi32>], vector<16xf32>,
      %add3A_815 = arith.addf %add3A_810, %gather3A_814 : vector<16xf32>
      %add3A_816 = arith.constant 1 : i32
      %add3A_817 = vector.broadcast %add3A_816 : i32 to vector<16xi32>
      %add3A_818 = arith.addi %add3A_813, %add3A_817 : vector<16xi32>
      %gather3A_819 = tpu.vector_load_idx %arg11[%add3A_818] : memref<12800xf32, #tpu.memory_space<vmem>>[vector<16xi32>], vector<16xf32>,
      %add3A_820 = arith.addf %add3A_815, %gather3A_819 : vector<16xf32>
      %add3A_821 = arith.constant 1 : i32
      %add3A_822 = vector.broadcast %add3A_821 : i32 to vector<16xi32>
      %add3A_823 = arith.addi %add3A_818, %add3A_822 : vector<16xi32>
      %gather3A_824 = tpu.vector_load_idx %arg11[%add3A_823] : memref<12800xf32, #tpu.memory_space<vmem>>[vector<16xi32>], vector<16xf32>,
      %add3A_825 = arith.addf %add3A_820, %gather3A_824 : vector<16xf32>
      %add3A_826 = arith.constant 1 : i32
      %add3A_827 = vector.broadcast %add3A_826 : i32 to vector<16xi32>
      %add3A_828 = arith.addi %add3A_823, %add3A_827 : vector<16xi32>
      scf.yield %add3A_825, %add3A_828 : vector<16xf32>, vector<16xi32>
    }
    %scan3A_559 = arith.constant 25 : i32
    %swap3A_560 = arith.constant 496 : index
    %swap3A_561 = tpu.vector_load %arg14[%swap3A_560] {strides = array<i32>} : memref<512xf32, #tpu.memory_space<vmem>>, vector<16xf32>,
    tpu.vector_store %arg14[%swap3A_560], %scan3A_558#0 {strides = array<i32>} : memref<512xf32, #tpu.memory_space<vmem>>, vector<16xf32>,
    %dma_wait3A_562 = arith.constant 0 : i32
    %dma_wait3A_563 = tpu.memref_slice %arg5[%dma_wait3A_562] : memref<1000064xf32, #tpu.memory_space<hbm>> -> memref<1000064xf32, #tpu.memory_space<hbm>>
    tpu.wait_indirect_dma semaphore(%arg17 : memref<!tpu.dma_semaphore, #tpu.memory_space<semaphore_mem>>) src(%dma_wait3A_563 : memref<1000064xf32, #tpu.memory_space<hbm>>) dst(%arg13 : memref<512xf32, #tpu.memory_space<vmem>>)
    %get3A = arith.constant 0 : index
    %get3A_564 = tpu.vector_load %arg14[%get3A] {strides = array<i32>} : memref<512xf32, #tpu.memory_space<vmem>>, vector<16xf32>,
    %get3A_565 = arith.constant 0 : index
    %get3A_566 = tpu.vector_load %arg13[%get3A_565] {strides = array<i32>} : memref<512xf32, #tpu.memory_space<vmem>>, vector<16xf32>,
    %add3A_567 = arith.addf %get3A_564, %get3A_566 : vector<16xf32>
    %swap3A_568 = arith.constant 0 : index
    %swap3A_569 = tpu.vector_load %arg14[%swap3A_568] {strides = array<i32>} : memref<512xf32, #tpu.memory_space<vmem>>, vector<16xf32>,
    tpu.vector_store %arg14[%swap3A_568], %add3A_567 {strides = array<i32>} : memref<512xf32, #tpu.memory_space<vmem>>, vector<16xf32>,
    %get3A_570 = arith.constant 16 : index
    %get3A_571 = tpu.vector_load %arg14[%get3A_570] {strides = array<i32>} : memref<512xf32, #tpu.memory_space<vmem>>, vector<16xf32>,
    %get3A_572 = arith.constant 16 : index
    %get3A_573 = tpu.vector_load %arg13[%get3A_572] {strides = array<i32>} : memref<512xf32, #tpu.memory_space<vmem>>, vector<16xf32>,
    %add3A_574 = arith.addf %get3A_571, %get3A_573 : vector<16xf32>
    %swap3A_575 = arith.constant 16 : index
    %swap3A_576 = tpu.vector_load %arg14[%swap3A_575] {strides = array<i32>} : memref<512xf32, #tpu.memory_space<vmem>>, vector<16xf32>,
    tpu.vector_store %arg14[%swap3A_575], %add3A_574 {strides = array<i32>} : memref<512xf32, #tpu.memory_space<vmem>>, vector<16xf32>,
    %get3A_577 = arith.constant 32 : index
    %get3A_578 = tpu.vector_load %arg14[%get3A_577] {strides = array<i32>} : memref<512xf32, #tpu.memory_space<vmem>>, vector<16xf32>,
    %get3A_579 = arith.constant 32 : index
    %get3A_580 = tpu.vector_load %arg13[%get3A_579] {strides = array<i32>} : memref<512xf32, #tpu.memory_space<vmem>>, vector<16xf32>,
    %add3A_581 = arith.addf %get3A_578, %get3A_580 : vector<16xf32>
    %swap3A_582 = arith.constant 32 : index
    %swap3A_583 = tpu.vector_load %arg14[%swap3A_582] {strides = array<i32>} : memref<512xf32, #tpu.memory_space<vmem>>, vector<16xf32>,
    tpu.vector_store %arg14[%swap3A_582], %add3A_581 {strides = array<i32>} : memref<512xf32, #tpu.memory_space<vmem>>, vector<16xf32>,
    %get3A_584 = arith.constant 48 : index
    %get3A_585 = tpu.vector_load %arg14[%get3A_584] {strides = array<i32>} : memref<512xf32, #tpu.memory_space<vmem>>, vector<16xf32>,
    %get3A_586 = arith.constant 48 : index
    %get3A_587 = tpu.vector_load %arg13[%get3A_586] {strides = array<i32>} : memref<512xf32, #tpu.memory_space<vmem>>, vector<16xf32>,
    %add3A_588 = arith.addf %get3A_585, %get3A_587 : vector<16xf32>
    %swap3A_589 = arith.constant 48 : index
    %swap3A_590 = tpu.vector_load %arg14[%swap3A_589] {strides = array<i32>} : memref<512xf32, #tpu.memory_space<vmem>>, vector<16xf32>,
    tpu.vector_store %arg14[%swap3A_589], %add3A_588 {strides = array<i32>} : memref<512xf32, #tpu.memory_space<vmem>>, vector<16xf32>,
    %get3A_591 = arith.constant 64 : index
    %get3A_592 = tpu.vector_load %arg14[%get3A_591] {strides = array<i32>} : memref<512xf32, #tpu.memory_space<vmem>>, vector<16xf32>,
    %get3A_593 = arith.constant 64 : index
    %get3A_594 = tpu.vector_load %arg13[%get3A_593] {strides = array<i32>} : memref<512xf32, #tpu.memory_space<vmem>>, vector<16xf32>,
    %add3A_595 = arith.addf %get3A_592, %get3A_594 : vector<16xf32>
    %swap3A_596 = arith.constant 64 : index
    %swap3A_597 = tpu.vector_load %arg14[%swap3A_596] {strides = array<i32>} : memref<512xf32, #tpu.memory_space<vmem>>, vector<16xf32>,
    tpu.vector_store %arg14[%swap3A_596], %add3A_595 {strides = array<i32>} : memref<512xf32, #tpu.memory_space<vmem>>, vector<16xf32>,
    %get3A_598 = arith.constant 80 : index
    %get3A_599 = tpu.vector_load %arg14[%get3A_598] {strides = array<i32>} : memref<512xf32, #tpu.memory_space<vmem>>, vector<16xf32>,
    %get3A_600 = arith.constant 80 : index
    %get3A_601 = tpu.vector_load %arg13[%get3A_600] {strides = array<i32>} : memref<512xf32, #tpu.memory_space<vmem>>, vector<16xf32>,
    %add3A_602 = arith.addf %get3A_599, %get3A_601 : vector<16xf32>
    %swap3A_603 = arith.constant 80 : index
    %swap3A_604 = tpu.vector_load %arg14[%swap3A_603] {strides = array<i32>} : memref<512xf32, #tpu.memory_space<vmem>>, vector<16xf32>,
    tpu.vector_store %arg14[%swap3A_603], %add3A_602 {strides = array<i32>} : memref<512xf32, #tpu.memory_space<vmem>>, vector<16xf32>,
    %get3A_605 = arith.constant 96 : index
    %get3A_606 = tpu.vector_load %arg14[%get3A_605] {strides = array<i32>} : memref<512xf32, #tpu.memory_space<vmem>>, vector<16xf32>,
    %get3A_607 = arith.constant 96 : index
    %get3A_608 = tpu.vector_load %arg13[%get3A_607] {strides = array<i32>} : memref<512xf32, #tpu.memory_space<vmem>>, vector<16xf32>,
    %add3A_609 = arith.addf %get3A_606, %get3A_608 : vector<16xf32>
    %swap3A_610 = arith.constant 96 : index
    %swap3A_611 = tpu.vector_load %arg14[%swap3A_610] {strides = array<i32>} : memref<512xf32, #tpu.memory_space<vmem>>, vector<16xf32>,
    tpu.vector_store %arg14[%swap3A_610], %add3A_609 {strides = array<i32>} : memref<512xf32, #tpu.memory_space<vmem>>, vector<16xf32>,
    %get3A_612 = arith.constant 112 : index
    %get3A_613 = tpu.vector_load %arg14[%get3A_612] {strides = array<i32>} : memref<512xf32, #tpu.memory_space<vmem>>, vector<16xf32>,
    %get3A_614 = arith.constant 112 : index
    %get3A_615 = tpu.vector_load %arg13[%get3A_614] {strides = array<i32>} : memref<512xf32, #tpu.memory_space<vmem>>, vector<16xf32>,
    %add3A_616 = arith.addf %get3A_613, %get3A_615 : vector<16xf32>
    %swap3A_617 = arith.constant 112 : index
    %swap3A_618 = tpu.vector_load %arg14[%swap3A_617] {strides = array<i32>} : memref<512xf32, #tpu.memory_space<vmem>>, vector<16xf32>,
    tpu.vector_store %arg14[%swap3A_617], %add3A_616 {strides = array<i32>} : memref<512xf32, #tpu.memory_space<vmem>>, vector<16xf32>,
    %get3A_619 = arith.constant 128 : index
    %get3A_620 = tpu.vector_load %arg14[%get3A_619] {strides = array<i32>} : memref<512xf32, #tpu.memory_space<vmem>>, vector<16xf32>,
    %get3A_621 = arith.constant 128 : index
    %get3A_622 = tpu.vector_load %arg13[%get3A_621] {strides = array<i32>} : memref<512xf32, #tpu.memory_space<vmem>>, vector<16xf32>,
    %add3A_623 = arith.addf %get3A_620, %get3A_622 : vector<16xf32>
    %swap3A_624 = arith.constant 128 : index
    %swap3A_625 = tpu.vector_load %arg14[%swap3A_624] {strides = array<i32>} : memref<512xf32, #tpu.memory_space<vmem>>, vector<16xf32>,
    tpu.vector_store %arg14[%swap3A_624], %add3A_623 {strides = array<i32>} : memref<512xf32, #tpu.memory_space<vmem>>, vector<16xf32>,
    %get3A_626 = arith.constant 144 : index
    %get3A_627 = tpu.vector_load %arg14[%get3A_626] {strides = array<i32>} : memref<512xf32, #tpu.memory_space<vmem>>, vector<16xf32>,
    %get3A_628 = arith.constant 144 : index
    %get3A_629 = tpu.vector_load %arg13[%get3A_628] {strides = array<i32>} : memref<512xf32, #tpu.memory_space<vmem>>, vector<16xf32>,
    %add3A_630 = arith.addf %get3A_627, %get3A_629 : vector<16xf32>
    %swap3A_631 = arith.constant 144 : index
    %swap3A_632 = tpu.vector_load %arg14[%swap3A_631] {strides = array<i32>} : memref<512xf32, #tpu.memory_space<vmem>>, vector<16xf32>,
    tpu.vector_store %arg14[%swap3A_631], %add3A_630 {strides = array<i32>} : memref<512xf32, #tpu.memory_space<vmem>>, vector<16xf32>,
    %get3A_633 = arith.constant 160 : index
    %get3A_634 = tpu.vector_load %arg14[%get3A_633] {strides = array<i32>} : memref<512xf32, #tpu.memory_space<vmem>>, vector<16xf32>,
    %get3A_635 = arith.constant 160 : index
    %get3A_636 = tpu.vector_load %arg13[%get3A_635] {strides = array<i32>} : memref<512xf32, #tpu.memory_space<vmem>>, vector<16xf32>,
    %add3A_637 = arith.addf %get3A_634, %get3A_636 : vector<16xf32>
    %swap3A_638 = arith.constant 160 : index
    %swap3A_639 = tpu.vector_load %arg14[%swap3A_638] {strides = array<i32>} : memref<512xf32, #tpu.memory_space<vmem>>, vector<16xf32>,
    tpu.vector_store %arg14[%swap3A_638], %add3A_637 {strides = array<i32>} : memref<512xf32, #tpu.memory_space<vmem>>, vector<16xf32>,
    %get3A_640 = arith.constant 176 : index
    %get3A_641 = tpu.vector_load %arg14[%get3A_640] {strides = array<i32>} : memref<512xf32, #tpu.memory_space<vmem>>, vector<16xf32>,
    %get3A_642 = arith.constant 176 : index
    %get3A_643 = tpu.vector_load %arg13[%get3A_642] {strides = array<i32>} : memref<512xf32, #tpu.memory_space<vmem>>, vector<16xf32>,
    %add3A_644 = arith.addf %get3A_641, %get3A_643 : vector<16xf32>
    %swap3A_645 = arith.constant 176 : index
    %swap3A_646 = tpu.vector_load %arg14[%swap3A_645] {strides = array<i32>} : memref<512xf32, #tpu.memory_space<vmem>>, vector<16xf32>,
    tpu.vector_store %arg14[%swap3A_645], %add3A_644 {strides = array<i32>} : memref<512xf32, #tpu.memory_space<vmem>>, vector<16xf32>,
    %get3A_647 = arith.constant 192 : index
    %get3A_648 = tpu.vector_load %arg14[%get3A_647] {strides = array<i32>} : memref<512xf32, #tpu.memory_space<vmem>>, vector<16xf32>,
    %get3A_649 = arith.constant 192 : index
    %get3A_650 = tpu.vector_load %arg13[%get3A_649] {strides = array<i32>} : memref<512xf32, #tpu.memory_space<vmem>>, vector<16xf32>,
    %add3A_651 = arith.addf %get3A_648, %get3A_650 : vector<16xf32>
    %swap3A_652 = arith.constant 192 : index
    %swap3A_653 = tpu.vector_load %arg14[%swap3A_652] {strides = array<i32>} : memref<512xf32, #tpu.memory_space<vmem>>, vector<16xf32>,
    tpu.vector_store %arg14[%swap3A_652], %add3A_651 {strides = array<i32>} : memref<512xf32, #tpu.memory_space<vmem>>, vector<16xf32>,
    %get3A_654 = arith.constant 208 : index
    %get3A_655 = tpu.vector_load %arg14[%get3A_654] {strides = array<i32>} : memref<512xf32, #tpu.memory_space<vmem>>, vector<16xf32>,
    %get3A_656 = arith.constant 208 : index
    %get3A_657 = tpu.vector_load %arg13[%get3A_656] {strides = array<i32>} : memref<512xf32, #tpu.memory_space<vmem>>, vector<16xf32>,
    %add3A_658 = arith.addf %get3A_655, %get3A_657 : vector<16xf32>
    %swap3A_659 = arith.constant 208 : index
    %swap3A_660 = tpu.vector_load %arg14[%swap3A_659] {strides = array<i32>} : memref<512xf32, #tpu.memory_space<vmem>>, vector<16xf32>,
    tpu.vector_store %arg14[%swap3A_659], %add3A_658 {strides = array<i32>} : memref<512xf32, #tpu.memory_space<vmem>>, vector<16xf32>,
    %get3A_661 = arith.constant 224 : index
    %get3A_662 = tpu.vector_load %arg14[%get3A_661] {strides = array<i32>} : memref<512xf32, #tpu.memory_space<vmem>>, vector<16xf32>,
    %get3A_663 = arith.constant 224 : index
    %get3A_664 = tpu.vector_load %arg13[%get3A_663] {strides = array<i32>} : memref<512xf32, #tpu.memory_space<vmem>>, vector<16xf32>,
    %add3A_665 = arith.addf %get3A_662, %get3A_664 : vector<16xf32>
    %swap3A_666 = arith.constant 224 : index
    %swap3A_667 = tpu.vector_load %arg14[%swap3A_666] {strides = array<i32>} : memref<512xf32, #tpu.memory_space<vmem>>, vector<16xf32>,
    tpu.vector_store %arg14[%swap3A_666], %add3A_665 {strides = array<i32>} : memref<512xf32, #tpu.memory_space<vmem>>, vector<16xf32>,
    %get3A_668 = arith.constant 240 : index
    %get3A_669 = tpu.vector_load %arg14[%get3A_668] {strides = array<i32>} : memref<512xf32, #tpu.memory_space<vmem>>, vector<16xf32>,
    %get3A_670 = arith.constant 240 : index
    %get3A_671 = tpu.vector_load %arg13[%get3A_670] {strides = array<i32>} : memref<512xf32, #tpu.memory_space<vmem>>, vector<16xf32>,
    %add3A_672 = arith.addf %get3A_669, %get3A_671 : vector<16xf32>
    %swap3A_673 = arith.constant 240 : index
    %swap3A_674 = tpu.vector_load %arg14[%swap3A_673] {strides = array<i32>} : memref<512xf32, #tpu.memory_space<vmem>>, vector<16xf32>,
    tpu.vector_store %arg14[%swap3A_673], %add3A_672 {strides = array<i32>} : memref<512xf32, #tpu.memory_space<vmem>>, vector<16xf32>,
    %get3A_675 = arith.constant 256 : index
    %get3A_676 = tpu.vector_load %arg14[%get3A_675] {strides = array<i32>} : memref<512xf32, #tpu.memory_space<vmem>>, vector<16xf32>,
    %get3A_677 = arith.constant 256 : index
    %get3A_678 = tpu.vector_load %arg13[%get3A_677] {strides = array<i32>} : memref<512xf32, #tpu.memory_space<vmem>>, vector<16xf32>,
    %add3A_679 = arith.addf %get3A_676, %get3A_678 : vector<16xf32>
    %swap3A_680 = arith.constant 256 : index
    %swap3A_681 = tpu.vector_load %arg14[%swap3A_680] {strides = array<i32>} : memref<512xf32, #tpu.memory_space<vmem>>, vector<16xf32>,
    tpu.vector_store %arg14[%swap3A_680], %add3A_679 {strides = array<i32>} : memref<512xf32, #tpu.memory_space<vmem>>, vector<16xf32>,
    %get3A_682 = arith.constant 272 : index
    %get3A_683 = tpu.vector_load %arg14[%get3A_682] {strides = array<i32>} : memref<512xf32, #tpu.memory_space<vmem>>, vector<16xf32>,
    %get3A_684 = arith.constant 272 : index
    %get3A_685 = tpu.vector_load %arg13[%get3A_684] {strides = array<i32>} : memref<512xf32, #tpu.memory_space<vmem>>, vector<16xf32>,
    %add3A_686 = arith.addf %get3A_683, %get3A_685 : vector<16xf32>
    %swap3A_687 = arith.constant 272 : index
    %swap3A_688 = tpu.vector_load %arg14[%swap3A_687] {strides = array<i32>} : memref<512xf32, #tpu.memory_space<vmem>>, vector<16xf32>,
    tpu.vector_store %arg14[%swap3A_687], %add3A_686 {strides = array<i32>} : memref<512xf32, #tpu.memory_space<vmem>>, vector<16xf32>,
    %get3A_689 = arith.constant 288 : index
    %get3A_690 = tpu.vector_load %arg14[%get3A_689] {strides = array<i32>} : memref<512xf32, #tpu.memory_space<vmem>>, vector<16xf32>,
    %get3A_691 = arith.constant 288 : index
    %get3A_692 = tpu.vector_load %arg13[%get3A_691] {strides = array<i32>} : memref<512xf32, #tpu.memory_space<vmem>>, vector<16xf32>,
    %add3A_693 = arith.addf %get3A_690, %get3A_692 : vector<16xf32>
    %swap3A_694 = arith.constant 288 : index
    %swap3A_695 = tpu.vector_load %arg14[%swap3A_694] {strides = array<i32>} : memref<512xf32, #tpu.memory_space<vmem>>, vector<16xf32>,
    tpu.vector_store %arg14[%swap3A_694], %add3A_693 {strides = array<i32>} : memref<512xf32, #tpu.memory_space<vmem>>, vector<16xf32>,
    %get3A_696 = arith.constant 304 : index
    %get3A_697 = tpu.vector_load %arg14[%get3A_696] {strides = array<i32>} : memref<512xf32, #tpu.memory_space<vmem>>, vector<16xf32>,
    %get3A_698 = arith.constant 304 : index
    %get3A_699 = tpu.vector_load %arg13[%get3A_698] {strides = array<i32>} : memref<512xf32, #tpu.memory_space<vmem>>, vector<16xf32>,
    %add3A_700 = arith.addf %get3A_697, %get3A_699 : vector<16xf32>
    %swap3A_701 = arith.constant 304 : index
    %swap3A_702 = tpu.vector_load %arg14[%swap3A_701] {strides = array<i32>} : memref<512xf32, #tpu.memory_space<vmem>>, vector<16xf32>,
    tpu.vector_store %arg14[%swap3A_701], %add3A_700 {strides = array<i32>} : memref<512xf32, #tpu.memory_space<vmem>>, vector<16xf32>,
    %get3A_703 = arith.constant 320 : index
    %get3A_704 = tpu.vector_load %arg14[%get3A_703] {strides = array<i32>} : memref<512xf32, #tpu.memory_space<vmem>>, vector<16xf32>,
    %get3A_705 = arith.constant 320 : index
    %get3A_706 = tpu.vector_load %arg13[%get3A_705] {strides = array<i32>} : memref<512xf32, #tpu.memory_space<vmem>>, vector<16xf32>,
    %add3A_707 = arith.addf %get3A_704, %get3A_706 : vector<16xf32>
    %swap3A_708 = arith.constant 320 : index
    %swap3A_709 = tpu.vector_load %arg14[%swap3A_708] {strides = array<i32>} : memref<512xf32, #tpu.memory_space<vmem>>, vector<16xf32>,
    tpu.vector_store %arg14[%swap3A_708], %add3A_707 {strides = array<i32>} : memref<512xf32, #tpu.memory_space<vmem>>, vector<16xf32>,
    %get3A_710 = arith.constant 336 : index
    %get3A_711 = tpu.vector_load %arg14[%get3A_710] {strides = array<i32>} : memref<512xf32, #tpu.memory_space<vmem>>, vector<16xf32>,
    %get3A_712 = arith.constant 336 : index
    %get3A_713 = tpu.vector_load %arg13[%get3A_712] {strides = array<i32>} : memref<512xf32, #tpu.memory_space<vmem>>, vector<16xf32>,
    %add3A_714 = arith.addf %get3A_711, %get3A_713 : vector<16xf32>
    %swap3A_715 = arith.constant 336 : index
    %swap3A_716 = tpu.vector_load %arg14[%swap3A_715] {strides = array<i32>} : memref<512xf32, #tpu.memory_space<vmem>>, vector<16xf32>,
    tpu.vector_store %arg14[%swap3A_715], %add3A_714 {strides = array<i32>} : memref<512xf32, #tpu.memory_space<vmem>>, vector<16xf32>,
    %get3A_717 = arith.constant 352 : index
    %get3A_718 = tpu.vector_load %arg14[%get3A_717] {strides = array<i32>} : memref<512xf32, #tpu.memory_space<vmem>>, vector<16xf32>,
    %get3A_719 = arith.constant 352 : index
    %get3A_720 = tpu.vector_load %arg13[%get3A_719] {strides = array<i32>} : memref<512xf32, #tpu.memory_space<vmem>>, vector<16xf32>,
    %add3A_721 = arith.addf %get3A_718, %get3A_720 : vector<16xf32>
    %swap3A_722 = arith.constant 352 : index
    %swap3A_723 = tpu.vector_load %arg14[%swap3A_722] {strides = array<i32>} : memref<512xf32, #tpu.memory_space<vmem>>, vector<16xf32>,
    tpu.vector_store %arg14[%swap3A_722], %add3A_721 {strides = array<i32>} : memref<512xf32, #tpu.memory_space<vmem>>, vector<16xf32>,
    %get3A_724 = arith.constant 368 : index
    %get3A_725 = tpu.vector_load %arg14[%get3A_724] {strides = array<i32>} : memref<512xf32, #tpu.memory_space<vmem>>, vector<16xf32>,
    %get3A_726 = arith.constant 368 : index
    %get3A_727 = tpu.vector_load %arg13[%get3A_726] {strides = array<i32>} : memref<512xf32, #tpu.memory_space<vmem>>, vector<16xf32>,
    %add3A_728 = arith.addf %get3A_725, %get3A_727 : vector<16xf32>
    %swap3A_729 = arith.constant 368 : index
    %swap3A_730 = tpu.vector_load %arg14[%swap3A_729] {strides = array<i32>} : memref<512xf32, #tpu.memory_space<vmem>>, vector<16xf32>,
    tpu.vector_store %arg14[%swap3A_729], %add3A_728 {strides = array<i32>} : memref<512xf32, #tpu.memory_space<vmem>>, vector<16xf32>,
    %get3A_731 = arith.constant 384 : index
    %get3A_732 = tpu.vector_load %arg14[%get3A_731] {strides = array<i32>} : memref<512xf32, #tpu.memory_space<vmem>>, vector<16xf32>,
    %get3A_733 = arith.constant 384 : index
    %get3A_734 = tpu.vector_load %arg13[%get3A_733] {strides = array<i32>} : memref<512xf32, #tpu.memory_space<vmem>>, vector<16xf32>,
    %add3A_735 = arith.addf %get3A_732, %get3A_734 : vector<16xf32>
    %swap3A_736 = arith.constant 384 : index
    %swap3A_737 = tpu.vector_load %arg14[%swap3A_736] {strides = array<i32>} : memref<512xf32, #tpu.memory_space<vmem>>, vector<16xf32>,
    tpu.vector_store %arg14[%swap3A_736], %add3A_735 {strides = array<i32>} : memref<512xf32, #tpu.memory_space<vmem>>, vector<16xf32>,
    %get3A_738 = arith.constant 400 : index
    %get3A_739 = tpu.vector_load %arg14[%get3A_738] {strides = array<i32>} : memref<512xf32, #tpu.memory_space<vmem>>, vector<16xf32>,
    %get3A_740 = arith.constant 400 : index
    %get3A_741 = tpu.vector_load %arg13[%get3A_740] {strides = array<i32>} : memref<512xf32, #tpu.memory_space<vmem>>, vector<16xf32>,
    %add3A_742 = arith.addf %get3A_739, %get3A_741 : vector<16xf32>
    %swap3A_743 = arith.constant 400 : index
    %swap3A_744 = tpu.vector_load %arg14[%swap3A_743] {strides = array<i32>} : memref<512xf32, #tpu.memory_space<vmem>>, vector<16xf32>,
    tpu.vector_store %arg14[%swap3A_743], %add3A_742 {strides = array<i32>} : memref<512xf32, #tpu.memory_space<vmem>>, vector<16xf32>,
    %get3A_745 = arith.constant 416 : index
    %get3A_746 = tpu.vector_load %arg14[%get3A_745] {strides = array<i32>} : memref<512xf32, #tpu.memory_space<vmem>>, vector<16xf32>,
    %get3A_747 = arith.constant 416 : index
    %get3A_748 = tpu.vector_load %arg13[%get3A_747] {strides = array<i32>} : memref<512xf32, #tpu.memory_space<vmem>>, vector<16xf32>,
    %add3A_749 = arith.addf %get3A_746, %get3A_748 : vector<16xf32>
    %swap3A_750 = arith.constant 416 : index
    %swap3A_751 = tpu.vector_load %arg14[%swap3A_750] {strides = array<i32>} : memref<512xf32, #tpu.memory_space<vmem>>, vector<16xf32>,
    tpu.vector_store %arg14[%swap3A_750], %add3A_749 {strides = array<i32>} : memref<512xf32, #tpu.memory_space<vmem>>, vector<16xf32>,
    %get3A_752 = arith.constant 432 : index
    %get3A_753 = tpu.vector_load %arg14[%get3A_752] {strides = array<i32>} : memref<512xf32, #tpu.memory_space<vmem>>, vector<16xf32>,
    %get3A_754 = arith.constant 432 : index
    %get3A_755 = tpu.vector_load %arg13[%get3A_754] {strides = array<i32>} : memref<512xf32, #tpu.memory_space<vmem>>, vector<16xf32>,
    %add3A_756 = arith.addf %get3A_753, %get3A_755 : vector<16xf32>
    %swap3A_757 = arith.constant 432 : index
    %swap3A_758 = tpu.vector_load %arg14[%swap3A_757] {strides = array<i32>} : memref<512xf32, #tpu.memory_space<vmem>>, vector<16xf32>,
    tpu.vector_store %arg14[%swap3A_757], %add3A_756 {strides = array<i32>} : memref<512xf32, #tpu.memory_space<vmem>>, vector<16xf32>,
    %get3A_759 = arith.constant 448 : index
    %get3A_760 = tpu.vector_load %arg14[%get3A_759] {strides = array<i32>} : memref<512xf32, #tpu.memory_space<vmem>>, vector<16xf32>,
    %get3A_761 = arith.constant 448 : index
    %get3A_762 = tpu.vector_load %arg13[%get3A_761] {strides = array<i32>} : memref<512xf32, #tpu.memory_space<vmem>>, vector<16xf32>,
    %add3A_763 = arith.addf %get3A_760, %get3A_762 : vector<16xf32>
    %swap3A_764 = arith.constant 448 : index
    %swap3A_765 = tpu.vector_load %arg14[%swap3A_764] {strides = array<i32>} : memref<512xf32, #tpu.memory_space<vmem>>, vector<16xf32>,
    tpu.vector_store %arg14[%swap3A_764], %add3A_763 {strides = array<i32>} : memref<512xf32, #tpu.memory_space<vmem>>, vector<16xf32>,
    %get3A_766 = arith.constant 464 : index
    %get3A_767 = tpu.vector_load %arg14[%get3A_766] {strides = array<i32>} : memref<512xf32, #tpu.memory_space<vmem>>, vector<16xf32>,
    %get3A_768 = arith.constant 464 : index
    %get3A_769 = tpu.vector_load %arg13[%get3A_768] {strides = array<i32>} : memref<512xf32, #tpu.memory_space<vmem>>, vector<16xf32>,
    %add3A_770 = arith.addf %get3A_767, %get3A_769 : vector<16xf32>
    %swap3A_771 = arith.constant 464 : index
    %swap3A_772 = tpu.vector_load %arg14[%swap3A_771] {strides = array<i32>} : memref<512xf32, #tpu.memory_space<vmem>>, vector<16xf32>,
    tpu.vector_store %arg14[%swap3A_771], %add3A_770 {strides = array<i32>} : memref<512xf32, #tpu.memory_space<vmem>>, vector<16xf32>,
    %get3A_773 = arith.constant 480 : index
    %get3A_774 = tpu.vector_load %arg14[%get3A_773] {strides = array<i32>} : memref<512xf32, #tpu.memory_space<vmem>>, vector<16xf32>,
    %get3A_775 = arith.constant 480 : index
    %get3A_776 = tpu.vector_load %arg13[%get3A_775] {strides = array<i32>} : memref<512xf32, #tpu.memory_space<vmem>>, vector<16xf32>,
    %add3A_777 = arith.addf %get3A_774, %get3A_776 : vector<16xf32>
    %swap3A_778 = arith.constant 480 : index
    %swap3A_779 = tpu.vector_load %arg14[%swap3A_778] {strides = array<i32>} : memref<512xf32, #tpu.memory_space<vmem>>, vector<16xf32>,
    tpu.vector_store %arg14[%swap3A_778], %add3A_777 {strides = array<i32>} : memref<512xf32, #tpu.memory_space<vmem>>, vector<16xf32>,
    %get3A_780 = arith.constant 496 : index
    %get3A_781 = tpu.vector_load %arg14[%get3A_780] {strides = array<i32>} : memref<512xf32, #tpu.memory_space<vmem>>, vector<16xf32>,
    %get3A_782 = arith.constant 496 : index
    %get3A_783 = tpu.vector_load %arg13[%get3A_782] {strides = array<i32>} : memref<512xf32, #tpu.memory_space<vmem>>, vector<16xf32>,
    %add3A_784 = arith.addf %get3A_781, %get3A_783 : vector<16xf32>
    %swap3A_785 = arith.constant 496 : index
    %swap3A_786 = tpu.vector_load %arg14[%swap3A_785] {strides = array<i32>} : memref<512xf32, #tpu.memory_space<vmem>>, vector<16xf32>,
    tpu.vector_store %arg14[%swap3A_785], %add3A_784 {strides = array<i32>} : memref<512xf32, #tpu.memory_space<vmem>>, vector<16xf32>,
    "tpu.region"() ({
      %run_scoped3A = tpu.sem_alloc : memref<!tpu.dma_semaphore, #tpu.memory_space<semaphore_mem>>
      %dma_start3A_787 = tpu.memref_slice %arg6[%mul3A_2] : memref<16384xf32, #tpu.memory_space<hbm>> -> memref<512xf32, #tpu.memory_space<hbm>>
      %dma_start3A_788 = tpu.memref_slice %arg6[%mul3A_2] : memref<16384xf32, #tpu.memory_space<hbm>> -> memref<512xf32, #tpu.memory_space<hbm>>
      tpu.enqueue_dma source(%arg14 : memref<512xf32, #tpu.memory_space<vmem>>) target(%dma_start3A_788 : memref<512xf32, #tpu.memory_space<hbm>>) target_semaphore(%run_scoped3A : memref<!tpu.dma_semaphore, #tpu.memory_space<semaphore_mem>>)
      %dma_wait3A_789 = tpu.memref_slice %arg6[%mul3A_2] : memref<16384xf32, #tpu.memory_space<hbm>> -> memref<512xf32, #tpu.memory_space<hbm>>
      %dma_wait3A_790 = tpu.memref_slice %arg6[%mul3A_2] : memref<16384xf32, #tpu.memory_space<hbm>> -> memref<512xf32, #tpu.memory_space<hbm>>
      tpu.wait_dma2 semaphore(%run_scoped3A : memref<!tpu.dma_semaphore, #tpu.memory_space<semaphore_mem>>) src(%arg14 : memref<512xf32, #tpu.memory_space<vmem>>) dst(%dma_wait3A_790 : memref<512xf32, #tpu.memory_space<hbm>>)
      tpu.yield
    }) : () -> ()
    return
  }
}

module attributes {stable_mosaic.version = 14 : i64} {
  func.func @body(%arg0: i32, %arg1: memref<32x16384xf32, #tpu.memory_space<vmem>>, %arg2: memref<2x32xf32, #tpu.memory_space<vmem>>, %arg3: memref<1x1xf32, #tpu.memory_space<vmem>>, %arg4: memref<16384xf32, #tpu.memory_space<vmem>>, %arg5: memref<16384xf32, #tpu.memory_space<vmem>>) attributes {dimension_semantics = [#tpu.dimension_semantics<arbitrary>], iteration_bounds = array<i64: 62>, scalar_prefetch = 0 : i64, scratch_operands = 0 : i64, tpu.core_type = #tpu.core_type<tc>, window_params = [{transform_indices = @transform_0, window_bounds = array<i64: 32, 16384>}, {pipeline_mode = #tpu.pipeline_mode<synchronous>, transform_indices = @transform_1, window_bounds = array<i64: 2, 32>}, {pipeline_mode = #tpu.pipeline_mode<synchronous>, transform_indices = @transform_2, window_bounds = array<i64: 1, 1>}, {transform_indices = @transform_3, window_bounds = array<i64: 16384>}, {transform_indices = @transform_4, window_bounds = array<i64: 16384>}]} {
    %get3A = arith.constant 0 : index
    %get3A_0 = arith.constant 0 : index
    %get3A_1 = vector.load %arg2[%get3A, %get3A_0] : memref<2x32xf32, #tpu.memory_space<vmem>>, vector<2x32xf32>
    %get3A_2 = arith.constant 0 : index
    %get3A_3 = arith.constant 0 : index
    %get3A_4 = vector.load %arg1[%get3A_2, %get3A_3] : memref<32x16384xf32, #tpu.memory_space<vmem>>, vector<32x16384xf32>
    %dot_general3A = arith.constant dense<0.000000e+00> : vector<2x16384xf32>
    %dot_general3A_5 = tpu.matmul %get3A_1, %get3A_4, %dot_general3A {dimension_numbers = #tpu.dot_dimension_numbers<[1], [0], [0], [1], [0, 0, 1, 1], [], []>, transpose_lhs_hint = false} : vector<2x32xf32>, vector<32x16384xf32>, vector<2x16384xf32> -> vector<2x16384xf32>
    %slice3A = vector.extract_strided_slice %dot_general3A_5 {offsets = [0, 0], sizes = [1, 16384], strides = [1, 1]} : vector<2x16384xf32> to vector<1x16384xf32>
    %squeeze3A = vector.shape_cast %slice3A : vector<1x16384xf32> to vector<16384xf32>
    %mul3A = arith.constant 5.000000e-03 : f32
    %mul3A_6 = vector.broadcast %mul3A : f32 to vector<16384xf32>
    %mul3A_7 = arith.mulf %squeeze3A, %mul3A_6 : vector<16384xf32>
    %swap3A = arith.constant 0 : index
    %swap3A_8 = vector.load %arg4[%swap3A] : memref<16384xf32, #tpu.memory_space<vmem>>, vector<16384xf32>
    tpu.vector_store %arg4[%swap3A], %mul3A_7 {strides = array<i32>} : memref<16384xf32, #tpu.memory_space<vmem>>, vector<16384xf32>,
    %slice3A_9 = vector.extract_strided_slice %dot_general3A_5 {offsets = [1, 0], sizes = [1, 16384], strides = [1, 1]} : vector<2x16384xf32> to vector<1x16384xf32>
    %squeeze3A_10 = vector.shape_cast %slice3A_9 : vector<1x16384xf32> to vector<16384xf32>
    %get3A_11 = arith.constant 0 : index
    %get3A_12 = arith.constant 0 : index
    %get3A_13 = vector.load %arg3[%get3A_11, %get3A_12] : memref<1x1xf32, #tpu.memory_space<vmem>>, vector<1x1xf32>
    %squeeze3A_14 = vector.extract %get3A_13[0, 0] : f32 from vector<1x1xf32>
    %add3A = vector.broadcast %squeeze3A_14 : f32 to vector<16384xf32>
    %add3A_15 = arith.addf %squeeze3A_10, %add3A : vector<16384xf32>
    %swap3A_16 = arith.constant 0 : index
    %swap3A_17 = vector.load %arg5[%swap3A_16] : memref<16384xf32, #tpu.memory_space<vmem>>, vector<16384xf32>
    tpu.vector_store %arg5[%swap3A_16], %add3A_15 {strides = array<i32>} : memref<16384xf32, #tpu.memory_space<vmem>>, vector<16384xf32>,
    return
  }
  func.func @transform_0(%arg0: i32) -> (i32, i32) {
    %c0_i32 = arith.constant 0 : i32
    %c0_i32_0 = arith.constant 0 : i32
    return %c0_i32, %arg0 : i32, i32
  }
  func.func @transform_1(%arg0: i32) -> (i32, i32) {
    %c0_i32 = arith.constant 0 : i32
    %c0_i32_0 = arith.constant 0 : i32
    %c0_i32_1 = arith.constant 0 : i32
    return %c0_i32, %c0_i32_0 : i32, i32
  }
  func.func @transform_2(%arg0: i32) -> (i32, i32) {
    %c0_i32 = arith.constant 0 : i32
    %c0_i32_0 = arith.constant 0 : i32
    %c0_i32_1 = arith.constant 0 : i32
    return %c0_i32, %c0_i32_0 : i32, i32
  }
  func.func @transform_3(%arg0: i32) -> i32 {
    %c0_i32 = arith.constant 0 : i32
    return %arg0 : i32
  }
  func.func @transform_4(%arg0: i32) -> i32 {
    %c0_i32 = arith.constant 0 : i32
    return %arg0 : i32
  }
}

</mosaic_0001>

<sc_bundles>
// kernel: kernel.4.cloned.1.call-start
scs
__scs_entry_jumppad:
0x0: {  	(pc) =	sbr.rel $0x88, $3  }
0x1: {  	(tag) =	ssettag $0x0;
	lr =	simm.s32 $0x1  }
0x2: {  	[smem:$0x3F9C] =	sst lr;
	_ =	strace $0xD0000000  }
0x3: {  	_ = 	snop  }
0x4: {  	_ = 	snop  }
0x5: {  	_ = 	snop  }
0x6: {  	_ = 	snop  }
0x7: {  	_ = 	snop  }
__scs_overlays_trampoline_lowered:
0x8: {  	[smem:$0x3FAB] =	sst s0  }
0x9: {  	[smem:$0x3FAC] =	sst s1  }
0xa: {  	[smem:$0x3FAD] =	sst s2  }
0xb: {  	[smem:$0x3FAE] =	sst s3  }
0xc: {  	[smem:$0x3FAF] =	sst s4  }
0xd: {  	[smem:$0x3FB0] =	sst s5  }
0xe: {  	[smem:$0x3FB1] =	sst s6  }
0xf: {  	[smem:$0x3FB2] =	sst s7  }
0x10: {  	[smem:$0x3FB3] =	sst s8  }
0x11: {  	[smem:$0x3FB4] =	sst s9;
	s0 =	simm.s32 @!p0 $0x0  }
0x12: {  	s1 =	sld [smem:$0x3F9A];
	s0 =	simm.s32 @p0 $0x1  }
0x13: {  	[smem:$0x3FB5] =	sst s0;
	s0 =	simm.s32 @!p1 $0x0  }
0x14: {  	s2 =	sld [smem:$0x3F99];
	s0 =	simm.s32 @p1 $0x1  }
0x15: {  	[smem:$0x3FB6] =	sst s0;
	s0 =	simm.s32 @!p2 $0x0  }
0x16: {  	s3 =	sld [smem:$0x3FDB];
	s0 =	simm.s32 @p2 $0x1  }
0x17: {  	s4 =	simm.s32 $0x1BF5;
	[smem:$0x3FB8] =	sst s0  }
0x18: {  	s0 =	sld [smem:$0x3F9B];
	_ =	swait.ge [sflag:s4], $0x0  }
0x19: {  	s7 =	sld [smem:$0x3F9C]  }
0x1a: {  	s8 =	sadd.s32 $0xFFFFE003, lr  }
0x1b: {  	s9 =	sadd.s32 $0xFFFFFEF7, lr;
	s5 =	simm.s32 $0xFFFFFFFF;
	p2 =	slt.u32 s8, $0xFFFFF086  }
0x1c: {  	p1 =	slt.u32 s9, $0xF7A;
	s5 =	simm.s32 @!p2 $0x0  }
0x1d: {  	s5 =	simm.s32 @p1 $0x1;
	p0 =	seq.s32 s7, s2  }
0x1e: {  	s7 =	smul.u32 @!p0 $0xF7A, s2;
	p2 =	seq.s32 @!p0 s5, $0x0  }
0x1f: {  	s9 =	smul.u32 $0xF7A, s1;
	s8 =	simm.s32 @!p0 $0x1BF5;
	p2 =	por !p2, p0  }
0x20: {  	[sflag:s8] =	ssyncset.s32 @!p0 $0xFFFFF086;
	s6 =	sadd.s32 @!p0 s3, s7;
	s7 =	simm.s32 @!p0 $0x108  }
0x21: {  	s3 =	sadd.s32 s3, s9;
	s6 =	sadd.s32 @!p0 $0x88, s6;
	s7 =	simm.s32 @p2 $0x1082  }
0x22: {  	[simem:s7], [sflag:s8] =	dma.local @!p0 [hbm:s6], $0xF7A  }
0x23: {  	s9 =	sor.u32 $0xD0000000, s2;
	s6 =	simm.s32 $0x108;
	_ =	swait.ge @!p0 [sflag:s8], $0x0  }
0x24: {  	s3 =	sadd.s32 $0x88, s3;
	s6 =	simm.s32 @!p1 $0x1082;
	[sflag:s4] =	ssyncset.s32 $0xFFFFF086  }
0x25: {  	[simem:s6], [sflag:s4] =	dma.local [hbm:s3], $0xF7A  }
0x26: {  	[smem:$0x3F9C] =	sst s1;
	(tag) =	ssettag s2;
	_ =	strace s9  }
0x27: {  	s1 =	sld [smem:$0x3FAC]  }
0x28: {  	s2 =	sld [smem:$0x3FAD]  }
0x29: {  	s4 =	sld [smem:$0x3FAF]  }
0x2a: {  	p0 =	seq.s32 s5, $0x0;
	s5 =	sld [smem:$0x3FB0]  }
0x2b: {  	s6 =	sld [smem:$0x3FB1]  }
0x2c: {  	s7 =	sld [smem:$0x3FB2]  }
0x2d: {  	s3 =	simm.s32 $0x108;
	s8 =	sld [smem:$0x3FB3]  }
0x2e: {  	s3 =	simm.s32 @!p0 $0x1082;
	s9 =	sld [smem:$0x3FB4]  }
0x2f: {  	lr =	sadd.s32 s0, s3;
	s0 =	sld [smem:$0x3FAB]  }
0x30: {  	s3 =	sld [smem:$0x3FAE]  }
0x31: {  	[smem:$0x3FB7] =	sst s10  }
0x32: {  	s10 =	sld [smem:$0x3FB5];
	_ =	sdelay $0x3  }
0x33: {  	p0 =	seq.s32 s10, $0x1;
	s10 =	sld [smem:$0x3FB7];
	_ =	sdelay $0x3  }
0x34: {  	[smem:$0x3FB7] =	sst s10  }
0x35: {  	s10 =	sld [smem:$0x3FB6];
	_ =	sdelay $0x3  }
0x36: {  	p1 =	seq.s32 s10, $0x1;
	s10 =	sld [smem:$0x3FB7];
	_ =	sdelay $0x3  }
0x37: {  	[smem:$0x3FB7] =	sst s10  }
0x38: {  	s10 =	sld [smem:$0x3FB8]  }
0x39: {  	_ = 	snop;
	(pc) =	sbr.ind lr, $3  }
0x3a: {  	_ = 	snop  }
0x3b: {  	_ = 	snop  }
0x3c: {  	p2 =	seq.s32 s10, $0x1;
	s10 =	sld [smem:$0x3FB7]  }
0x3d: {  	_ =	shalt  }
0x3e: {  	_ =	shalt  }
0x3f: {  	_ =	shalt  }
0x40: {  	_ =	shalt  }
0x41: {  	_ =	shalt  }
0x42: {  	_ =	shalt  }
0x43: {  	_ =	shalt  }
0x44: {  	_ =	shalt  }
0x45: {  	_ =	shalt  }
0x46: {  	_ =	shalt  }
0x47: {  	_ =	shalt  }
0x48: {  	_ =	shalt  }
0x49: {  	_ =	shalt  }
0x4a: {  	_ =	shalt  }
0x4b: {  	_ =	shalt  }
0x4c: {  	_ =	shalt  }
0x4d: {  	_ =	shalt  }
0x4e: {  	_ =	shalt  }
0x4f: {  	_ =	shalt  }
0x50: {  	_ =	shalt  }
0x51: {  	_ =	shalt  }
0x52: {  	_ =	shalt  }
0x53: {  	_ =	shalt  }
0x54: {  	_ =	shalt  }
0x55: {  	_ =	shalt  }
0x56: {  	_ =	shalt  }
0x57: {  	_ =	shalt  }
0x58: {  	_ =	shalt  }
0x59: {  	_ =	shalt  }
0x5a: {  	_ =	shalt  }
0x5b: {  	_ =	shalt  }
0x5c: {  	_ =	shalt  }
0x5d: {  	_ =	shalt  }
0x5e: {  	_ =	shalt  }
0x5f: {  	_ =	shalt  }
0x60: {  	_ =	shalt  }
0x61: {  	_ =	shalt  }
0x62: {  	_ =	shalt  }
0x63: {  	_ =	shalt  }
0x64: {  	_ =	shalt  }
0x65: {  	_ =	shalt  }
0x66: {  	_ =	shalt  }
0x67: {  	_ =	shalt  }
0x68: {  	_ =	shalt  }
0x69: {  	_ =	shalt  }
0x6a: {  	_ =	shalt  }
0x6b: {  	_ =	shalt  }
0x6c: {  	_ =	shalt  }
0x6d: {  	_ =	shalt  }
0x6e: {  	_ =	shalt  }
0x6f: {  	_ =	shalt  }
0x70: {  	_ =	shalt  }
0x71: {  	_ =	shalt  }
0x72: {  	_ =	shalt  }
0x73: {  	_ =	shalt  }
0x74: {  	_ =	shalt  }
0x75: {  	_ =	shalt  }
0x76: {  	_ =	shalt  }
0x77: {  	_ =	shalt  }
0x78: {  	_ =	shalt  }
0x79: {  	_ =	shalt  }
0x7a: {  	_ =	shalt  }
0x7b: {  	_ =	shalt  }
0x7c: {  	_ =	shalt  }
0x7d: {  	_ =	shalt  }
0x7e: {  	_ =	shalt  }
0x7f: {  	_ =	shalt  }
0x80: {  	_ =	shalt  }
0x81: {  	_ =	shalt  }
0x82: {  	_ =	shalt  }
0x83: {  	_ =	shalt  }
0x84: {  	_ =	shalt  }
0x85: {  	_ =	shalt  }
0x86: {  	_ =	shalt  }
0x87: {  	_ =	shalt  }
.Lfunc_end0:
.L_simem_size_0:
called_computation_lowered:
.L_overlay_start_0:
0x88: {  	s2 =	sld [smem:$0x3FD9]  }
0x89: {  	s3 =	sld [smem:$0x3FFE];
	_ =	sdelay $0x1  }
0x8a: {  	s1 =	srdreg.scid  }
0x8b: {  	s0 =	sand.u32 $0x1, s1  }
0x8c: {  	s17 =	sshll.u32 s0, $0xA;
	s2 =	sadd.s32 s3, s2  }
0x8d: {  	s2 =	sadd.s32 s2, s17  }
0x8e: {  	[smem:$0x3FC3] =	sst s2  }
0x8f: {  	_ = 	snop  }
0x90: {  	s2 =	sld [smem:$0x3FC8]  }
0x91: {  	s18 =	sld [smem:$0x3FD0];
	(tm) =	ssettm $0x1  }
0x92: {  	s4 =	sld [smem:$0x3FFB];
	_ =	sdelay $0x3  }
0x93: {  	_ =	strace s4  }
0x94: {  	s4 =	sld [smem:$0x3FFC];
	_ =	sdelay $0x3  }
0x95: {  	_ =	strace s4  }
0x96: {  	s4 =	sld [smem:$0x3FFD];
	_ =	sdelay $0x3  }
0x97: {  	_ =	strace s4  }
0x98: {  	_ =	strace $0x8FFFFFFF  }
0x99: {  	s19 =	sld [smem:$0x3FDB];
	_ =	sdelay $0x1  }
0x9a: {  	s5 =	simm.s32 $_scs_section_size  }
0x9b: {  	s6 =	simm.s32 $_size__tile_overlayer_lowered;
	s7 =	simm.s32 $_tile_overlayer_lowered  }
0x9c: {  	s22 =	simm.s32 $0x1BFF;
	s21 =	sshll.u32 s7, $0x1;
	s4 =	sadd.s32 s5, s19  }
0x9d: {  	s8 =	simm.s32 $0x0;
	s20 =	sshll.u32 s6, $0x1;
	s6 =	sadd.s32 s21, s4  }
0x9e: {  	[timem:s8], [sflag:s22] =	dma.local [hbm:s6], s20  }
0x9f: {  	_ =	swait.ge [sflag:s22], s20  }
0xa0: {  	s5 =	ssub.s32 $0x0, s20;
	[sflag:s22] =	ssyncset.done $0x0  }
0xa1: {  	[sflag:s22] =	ssyncadd.s32 s5;
	_ =	sdelay $0x1  }
0xa2: {  	s23 =	simm.s32 $0x1B8B  }
0xa3: {  	_ =	swait.ge [sflag:s23], $0x1  }
0xa4: {  	[sflag:s23] =	ssyncset.done $0x0  }
0xa5: {  	s25 =	simm.s32 $0x1B8E;
	s24 =	sld [smem:$0x3FFE];
	[sflag:s23] =	ssyncadd.s32 $0xFFFFFFFF  }
0xa6: {  	s26 =	simm.s32 $execute0_lowered;
	[smem:$0x3FD2] =	sst s25  }
0xa7: {  	s6 =	sshll.u32 s26, $0x1;
	_ =	strace $0x80000046;
	[dreg:$0x1] =	wrdreg $0xFFFFFFFF  }
0xa8: {  	s28 =	simm.s32 $_size_execute0_lowered;
	s4 =	sadd.s32 s4, s6;
	[dreg:$0x0] =	wrdreg $0x0  }
0xa9: {  	s6 =	sshll.u32 s28, $0x1;
	[dreg:$0x2] =	wrdreg s4  }
0xaa: {  	[dreg:$0x3] =	wrdreg s6  }
0xab: {  	[dreg:$0x4] =	wrdreg $0xC0  }
0xac: {  	_ =	task [dreg:s8], $0x5FFFF  }
0xad: {  	[dreg:$0x1] =	wrdreg $0xFFFFFFFF  }
0xae: {  	[dreg:$0x0] =	wrdreg $0x60  }
0xaf: {  	[dreg:$0x2] =	wrdreg s24  }
0xb0: {  	[dreg:$0x3] =	wrdreg s2  }
0xb1: {  	[dreg:$0x4] =	wrdreg s18  }
0xb2: {  	[dreg:$0x5] =	wrdreg $0x0  }
0xb3: {  	[dreg:$0x6] =	wrdreg $0x9  }
0xb4: {  	_ =	task.clear_ibuf [dreg:s8], $0x7FFFF;
	_ =	strace $0x90000046  }
0xb5: {  	s29 =	simm.s32 $0x9;
	_ =	strace $0x80000048  }
0xb6: {  	_ =	swait.ge [sflag:s29], $0x1  }
0xb7: {  	[sflag:s29] =	ssyncadd.s32 $0xFFFFFFFF  }
0xb8: {  	_ =	strace $0x90000048  }
0xb9: {  	_ =	sfence  }
0xba: {  	s30 =	sld [smem:$0x0];
	_ =	sdelay $0x2  }
0xbb: {  	s31 =	sshll.u32 s1, $0xD;
	s1 =	sshrl.u32 s1, $0x2  }
0xbc: {  	s3 =	sand.u32 $0x4000, s31;
	s1 =	sadd.s32 s1, s30  }
0xbd: {  	s0 =	sor.u32 s3, s0;
	s1 =	sshll.u32 s1, $0x11  }
0xbe: {  	s0 =	sor.u32 s1, s0  }
0xbf: {  	s0 =	sadd.s32 $0x8F2B, s0  }
0xc0: {  	[sflag:s0] =	ssyncadd.remote.s32 $0x1  }
0xc1: {  	_ =	sfence.sel $0xFFFF  }
0xc2: {  	[dreg:$0x0] =	wrdreg $0xFFFFFFFF;
	(pc) =	sbr.abs _section_cstart, $3  }
0xc3: {  	[dreg:$0x1] =	wrdreg $0xFFFFFFFF  }
0xc4: {  	_ =	task.clear_ibuf [dreg:s8], $0x2FFFF;
	_ =	strace $0x9FFFFFFF  }
0xc5: {  	(tm) =	ssettm $0x7FFFFFFF  }
tec
execute0_lowered:
.L_overlay_start_1:
0x0: {  	(tag) =	ssettag $0x1  }
0x1: {  	s0 =	rddreg [dreg:$0x0]  }
0x2: {  	s5 =	rddreg [dreg:$0x1];
	s1 =	srdreg.scid  }
0x3: {  	s16 =	stileid.u32;
	s14 =	rddreg [dreg:$0x2];
	s17 =	simm.s32 $0x1BC28  }
0x4: {  	s18 =	simm.s32 $0x4;
	s19 =	simm.s32 $0x200;
	s20 =	simm.s32 $0x1BE28  }
0x5: {  	s21 =	simm.s32 $0xF428;
	s22 =	simm.s32 $0x3200;
	s23 =	simm.s32 $0x15828  }
0x6: {  	s24 =	simm.s32 $0x12628;
	s25 =	simm.s32 $0x18A28;
	s28 =	simm.s32 $0x2  }
0x7: {  	s29 =	simm.s32 $0x3;
	s30 =	simm.s32 $0x1C028;
	s31 =	simm.s32 $0x0  }
0x8: {  	s3 =	sand.u32 $0x1, s1;
	s2 =	sshll.u32 s16, $0x1;
	s1 =	rddreg [dreg:$0x3]  }
0x9: {  	p0 =	sne.s32 s16, $0x0;
	s6 =	sor.u32 s3, s2;
	s2 =	simm.s32 $0x0  }
0xa: {  	s7 =	ssub.s32 $0x2, s3;
	s3 =	sadd.s32 $0x64800, s0;
	s16 =	sshrl.u32 @!p0 s1, $0x3  }
0xb: {  	s4 =	smul.u32 $0x19000, s6;
	[smem:$0x7FF] =	sst s2;
	s8 =	sshrl.u32 s7, $0x1  }
0xc: {  	s15 =	sshll.u32 s6, $0x6;
	_ =	strace $0x80000047;
	s26 =	ssub.s32 s7, s8  }
0xd: {  	s5 =	sadd.s32 s5, s15;
	s14 =	sadd.s32 s14, s15;
	s4 =	sshrl.u32 s4, $0x3  }
0xe: {  	v0 =	vlaneseq.u32;
	s15 =	smax.u32 s26, $0x1;
	s26 =	simm.s32 $0x1;
	s13 =	sadd.s32 s4, s0  }
0xf: {  	v0 =	vmul.u32 $0xC8, v0;
	s4 =	sadd.s32 $0x83200, s0;
	s6 =	sadd.s32 $0x800, s13;
	s7 =	sadd.s32 $0xE40, s13  }
0x10: {  	s8 =	sadd.s32 $0x1480, s13;
	s9 =	sadd.s32 $0x1AC0, s13;
	s10 =	sadd.s32 $0x2100, s13  }
0x11: {  	v1 =	vadd.s32 $0xC80, v0;
	v2 =	vadd.s32 $0x1900, v0;
	v3 =	vadd.s32 $0x2580, v0;
	s11 =	sadd.s32 $0x2740, s13;
	s12 =	sadd.s32 $0x2D80, s13;
	s13 =	sadd.s32 $0x33C0, s13  }
.LBB2_1:
0x12: {  	s0 =	simm.s32 @!p0 $0x1C04  }
0x13: {  	[spmem:s16], [sflag:s0] =	dma.local @!p0 [hbm:s3], $0x1E850  }
0x14: {  	s0 =	simm.s32 @!p0 $0x4  }
0x15: {  	_ =	swait.ge @!p0 [sflag:s0], $0x1E850  }
0x16: {  	[sflag:s0] =	ssyncset.done @!p0 $0x0  }
0x17: {  	[sflag:s0] =	ssyncadd.s32 @!p0 $0xFFFE17B0  }
0x18: {  	[tilespmem:s17], [sflag:$0x4] =	stream.linear.gather [hbm4b:s5+s2], $0x200, $0x38;
	[tilespmem:$0x1C228] =	vst v63  }
0x19: {  	_ =	swait.ge [sflag:s18], $0x200  }
0x1a: {  	[sflag:s18] =	ssyncset.done $0x0  }
0x1b: {  	[sflag:s18] =	ssyncadd.s32 $0xFFFFFE00  }
0x1c: {  	[tilespmem:s20], [sflag:$0x3] =	stream.indirect.gather [hbm4b:s4+s19], $0x1, s17, s19, $0xb8;
	[tilespmem:$0x1C228] =	vst v63  }
0x1d: {  	_ = 	snop  }
0x1e: {  	[tilespmem:s21], [sflag:$0x4] =	stream.linear.gather [hbm4b:s6+s2], $0x3200, $0x38;
	[tilespmem:$0x1C228] =	vst v63  }
0x1f: {  	_ =	swait.ge [sflag:s18], $0x3200  }
0x20: {  	[sflag:s18] =	ssyncset.done $0x0  }
0x21: {  	[sflag:s18] =	ssyncadd.s32 $0xFFFFCE00  }
0x22: {  	[bflag:$0x0] =	sbarrier.arrive $0xFFFF  }
0x23: {  	[tilespmem:s23], [sflag:$0x1] =	stream.indirect.gather [spmem:s1], $0x1, s21, s22, $0xb8;
	[tilespmem:$0x1C228] =	vst v63  }
0x24: {  	_ = 	snop  }
0x25: {  	[tilespmem:s24], [sflag:$0x4] =	stream.linear.gather [hbm4b:s7+s2], $0x3200, $0x38;
	[tilespmem:$0x1C228] =	vst v63  }
0x26: {  	_ =	swait.ge [sflag:s18], $0x3200  }
0x27: {  	[sflag:s18] =	ssyncset.done $0x0  }
0x28: {  	[sflag:s18] =	ssyncadd.s32 $0xFFFFCE00  }
0x29: {  	[tilespmem:s25], [sflag:$0x2] =	stream.indirect.gather [spmem:s1], $0x1, s24, s22, $0xb8;
	[tilespmem:$0x1C228] =	vst v63  }
0x2a: {  	v4 =	vor.u32 $0x1, v0;
	_ =	swait.ge [sflag:s26], $0x3200  }
0x2b: {  	[sflag:s26] =	ssyncset.done $0x0  }
0x2c: {  	v5 =	vor.u32 $0x2, v0;
	[sflag:s26] =	ssyncadd.s32 $0xFFFFCE00  }
0x2d: {  	v7 =	vld.idx.msk [tilespmem:v0+s23+$0x0], $0xffff  }
0x2e: {  	v6 =	vor.u32 $0x3, v0  }
0x2f: {  	v10 =	vld.idx.msk [tilespmem:v4+s23+$0x0], $0xffff  }
0x30: {  	v8 =	vor.u32 $0x4, v0  }
0x31: {  	v11 =	vimm.f32 $0.0e+00;
	v12 =	vld.idx.msk [tilespmem:v5+s23+$0x0], $0xffff  }
0x32: {  	v9 =	vor.u32 $0x5, v0;
	v11 =	vadd.f32 v7, v11  }
0x33: {  	v14 =	vld.idx.msk [tilespmem:v6+s23+$0x0], $0xffff  }
0x34: {  	v7 =	vor.u32 $0x6, v0;
	v10 =	vadd.f32 v10, v11  }
0x35: {  	v15 =	vor.u32 $0x7, v0;
	v13 =	vld.idx.msk [tilespmem:v8+s23+$0x0], $0xffff  }
0x36: {  	v12 =	vadd.f32 v12, v10  }
0x37: {  	v11 =	vld.idx.msk [tilespmem:v9+s23+$0x0], $0xffff  }
0x38: {  	v10 =	vadd.s32 $0x8, v0;
	v16 =	vadd.f32 v14, v12  }
0x39: {  	s0 =	simm.s32 $0x17;
	v12 =	vld.idx.msk [tilespmem:v7+s23+$0x0], $0xffff;
	v14 =	vor.u32 $0x1, v10  }
.LBB2_2:
0x3a: {  	p1 =	sne.s32 s0, $0x1;
	v13 =	vadd.f32 v13, v16;
	v15 =	vld.idx.msk [tilespmem:v15+s23+$0x0], $0xffff  }
0x3b: {  	v16 =	vor.u32 $0x2, v10  }
0x3c: {  	v17 =	vld.idx.msk [tilespmem:v10+s23+$0x0], $0xffff;
	v11 =	vadd.f32 v11, v13  }
0x3d: {  	v13 =	vor.u32 $0x3, v10  }
0x3e: {  	v14 =	vld.idx.msk [tilespmem:v14+s23+$0x0], $0xffff;
	v11 =	vadd.f32 v12, v11  }
0x3f: {  	v12 =	vor.u32 $0x4, v10  }
0x40: {  	v16 =	vld.idx.msk [tilespmem:v16+s23+$0x0], $0xffff;
	v11 =	vadd.f32 v15, v11  }
0x41: {  	v18 =	vor.u32 $0x5, v10  }
0x42: {  	v11 =	vadd.f32 v17, v11;
	v17 =	vld.idx.msk [tilespmem:v13+s23+$0x0], $0xffff  }
0x43: {  	v19 =	vor.u32 $0x6, v10  }
0x44: {  	v11 =	vadd.f32 v14, v11;
	v13 =	vld.idx.msk [tilespmem:v12+s23+$0x0], $0xffff  }
.Ltmp0:
0x45: {  	v15 =	vor.u32 $0x7, v10;
	(pc) =	sbr.rel @p1 .LBB2_2-.Ltmp0, $4  }
0x46: {  	v12 =	vadd.f32 v16, v11;
	v11 =	vld.idx.msk [tilespmem:v18+s23+$0x0], $0xffff  }
0x47: {  	v10 =	vadd.s32 $0x8, v10  }
0x48: {  	v16 =	vadd.f32 v17, v12;
	v12 =	vld.idx.msk [tilespmem:v19+s23+$0x0], $0xffff  }
0x49: {  	s0 =	sadd.s32 $0xFFFFFFFF, s0;
	v14 =	vor.u32 $0x1, v10  }
0x4a: {  	_ =	sdelay $0x2  }
0x4b: {  	v13 =	vadd.f32 v13, v16  }
0x4c: {  	v15 =	vld.idx.msk [tilespmem:v15+s23+$0x0], $0xffff  }
0x4d: {  	v16 =	vor.u32 $0x2, v10;
	v11 =	vadd.f32 v11, v13  }
0x4e: {  	v13 =	vld.idx.msk [tilespmem:v10+s23+$0x0], $0xffff  }
0x4f: {  	v17 =	vor.u32 $0x3, v10;
	v11 =	vadd.f32 v12, v11  }
0x50: {  	v12 =	vld.idx.msk [tilespmem:v14+s23+$0x0], $0xffff  }
0x51: {  	v14 =	vor.u32 $0x4, v10;
	v11 =	vadd.f32 v15, v11  }
0x52: {  	v15 =	vld.idx.msk [tilespmem:v16+s23+$0x0], $0xffff  }
0x53: {  	v16 =	vor.u32 $0x5, v10;
	v11 =	vadd.f32 v13, v11  }
0x54: {  	v13 =	vld.idx.msk [tilespmem:v17+s23+$0x0], $0xffff  }
0x55: {  	v17 =	vor.u32 $0x6, v10;
	v11 =	vadd.f32 v12, v11  }
0x56: {  	v12 =	vld.idx.msk [tilespmem:v14+s23+$0x0], $0xffff  }
0x57: {  	v10 =	vor.u32 $0x7, v10;
	v11 =	vadd.f32 v15, v11  }
0x58: {  	v14 =	vld.idx.msk [tilespmem:v16+s23+$0x0], $0xffff  }
0x59: {  	v11 =	vadd.f32 v13, v11  }
0x5a: {  	v13 =	vld.idx.msk [tilespmem:v17+s23+$0x0], $0xffff  }
0x5b: {  	v11 =	vadd.f32 v12, v11  }
0x5c: {  	v10 =	vld.idx.msk [tilespmem:v10+s23+$0x0], $0xffff  }
0x5d: {  	v11 =	vadd.f32 v14, v11;
	_ =	sdelay $0x1  }
0x5e: {  	v11 =	vadd.f32 v13, v11;
	_ =	sdelay $0x1  }
0x5f: {  	v11 =	vadd.f32 v10, v11;
	v10 =	vor.u32 $0x1, v1;
	_ =	sdelay $0x1  }
0x60: {  	[tilespmem:$0x1C028] =	vst v11;
	v11 =	vor.u32 $0x2, v1  }
0x61: {  	v13 =	vld.idx.msk [tilespmem:v1+s23+$0x0], $0xffff  }
0x62: {  	v12 =	vor.u32 $0x3, v1  }
0x63: {  	v16 =	vld.idx.msk [tilespmem:v10+s23+$0x0], $0xffff  }
0x64: {  	v14 =	vor.u32 $0x4, v1  }
0x65: {  	v17 =	vimm.f32 $0.0e+00;
	v18 =	vld.idx.msk [tilespmem:v11+s23+$0x0], $0xffff  }
0x66: {  	v15 =	vor.u32 $0x5, v1;
	v17 =	vadd.f32 v13, v17  }
0x67: {  	v20 =	vld.idx.msk [tilespmem:v12+s23+$0x0], $0xffff  }
0x68: {  	v13 =	vor.u32 $0x6, v1;
	v16 =	vadd.f32 v16, v17  }
0x69: {  	v21 =	vor.u32 $0x7, v1;
	v19 =	vld.idx.msk [tilespmem:v14+s23+$0x0], $0xffff  }
0x6a: {  	v18 =	vadd.f32 v18, v16  }
0x6b: {  	v17 =	vld.idx.msk [tilespmem:v15+s23+$0x0], $0xffff  }
0x6c: {  	v16 =	vadd.s32 $0x8, v1;
	v22 =	vadd.f32 v20, v18  }
0x6d: {  	s0 =	simm.s32 $0x17;
	v18 =	vld.idx.msk [tilespmem:v13+s23+$0x0], $0xffff;
	v20 =	vor.u32 $0x1, v16  }
.LBB2_4:
0x6e: {  	p1 =	sne.s32 s0, $0x1;
	v19 =	vadd.f32 v19, v22;
	v21 =	vld.idx.msk [tilespmem:v21+s23+$0x0], $0xffff  }
0x6f: {  	v22 =	vor.u32 $0x2, v16  }
0x70: {  	v23 =	vld.idx.msk [tilespmem:v16+s23+$0x0], $0xffff;
	v17 =	vadd.f32 v17, v19  }
0x71: {  	v19 =	vor.u32 $0x3, v16  }
0x72: {  	v20 =	vld.idx.msk [tilespmem:v20+s23+$0x0], $0xffff;
	v17 =	vadd.f32 v18, v17  }
0x73: {  	v18 =	vor.u32 $0x4, v16  }
0x74: {  	v22 =	vld.idx.msk [tilespmem:v22+s23+$0x0], $0xffff;
	v17 =	vadd.f32 v21, v17  }
0x75: {  	v24 =	vor.u32 $0x5, v16  }
0x76: {  	v17 =	vadd.f32 v23, v17;
	v23 =	vld.idx.msk [tilespmem:v19+s23+$0x0], $0xffff  }
0x77: {  	v25 =	vor.u32 $0x6, v16  }
0x78: {  	v17 =	vadd.f32 v20, v17;
	v19 =	vld.idx.msk [tilespmem:v18+s23+$0x0], $0xffff  }
.Ltmp1:
0x79: {  	v21 =	vor.u32 $0x7, v16;
	(pc) =	sbr.rel @p1 .LBB2_4-.Ltmp1, $4  }
0x7a: {  	v18 =	vadd.f32 v22, v17;
	v17 =	vld.idx.msk [tilespmem:v24+s23+$0x0], $0xffff  }
0x7b: {  	v16 =	vadd.s32 $0x8, v16  }
0x7c: {  	v22 =	vadd.f32 v23, v18;
	v18 =	vld.idx.msk [tilespmem:v25+s23+$0x0], $0xffff  }
0x7d: {  	s0 =	sadd.s32 $0xFFFFFFFF, s0;
	v20 =	vor.u32 $0x1, v16  }
0x7e: {  	_ =	sdelay $0x2  }
0x7f: {  	v19 =	vadd.f32 v19, v22  }
0x80: {  	v21 =	vld.idx.msk [tilespmem:v21+s23+$0x0], $0xffff  }
0x81: {  	v22 =	vor.u32 $0x2, v16;
	v17 =	vadd.f32 v17, v19  }
0x82: {  	v19 =	vld.idx.msk [tilespmem:v16+s23+$0x0], $0xffff  }
0x83: {  	v23 =	vor.u32 $0x3, v16;
	v17 =	vadd.f32 v18, v17  }
0x84: {  	v18 =	vld.idx.msk [tilespmem:v20+s23+$0x0], $0xffff  }
0x85: {  	v20 =	vor.u32 $0x4, v16;
	v17 =	vadd.f32 v21, v17  }
0x86: {  	v21 =	vld.idx.msk [tilespmem:v22+s23+$0x0], $0xffff  }
0x87: {  	v22 =	vor.u32 $0x5, v16;
	v17 =	vadd.f32 v19, v17  }
0x88: {  	v19 =	vld.idx.msk [tilespmem:v23+s23+$0x0], $0xffff  }
0x89: {  	v23 =	vor.u32 $0x6, v16;
	v17 =	vadd.f32 v18, v17  }
0x8a: {  	v18 =	vld.idx.msk [tilespmem:v20+s23+$0x0], $0xffff  }
0x8b: {  	v16 =	vor.u32 $0x7, v16;
	v17 =	vadd.f32 v21, v17  }
0x8c: {  	v20 =	vld.idx.msk [tilespmem:v22+s23+$0x0], $0xffff  }
0x8d: {  	v17 =	vadd.f32 v19, v17  }
0x8e: {  	v19 =	vld.idx.msk [tilespmem:v23+s23+$0x0], $0xffff  }
0x8f: {  	v17 =	vadd.f32 v18, v17  }
0x90: {  	v16 =	vld.idx.msk [tilespmem:v16+s23+$0x0], $0xffff  }
0x91: {  	v17 =	vadd.f32 v20, v17;
	_ =	sdelay $0x1  }
0x92: {  	v17 =	vadd.f32 v19, v17;
	_ =	sdelay $0x1  }
0x93: {  	v17 =	vadd.f32 v16, v17;
	v16 =	vor.u32 $0x1, v2;
	_ =	sdelay $0x1  }
0x94: {  	[tilespmem:$0x1C038] =	vst v17;
	v17 =	vor.u32 $0x2, v2  }
0x95: {  	v19 =	vld.idx.msk [tilespmem:v2+s23+$0x0], $0xffff  }
0x96: {  	v18 =	vor.u32 $0x3, v2  }
0x97: {  	v22 =	vld.idx.msk [tilespmem:v16+s23+$0x0], $0xffff  }
0x98: {  	v20 =	vor.u32 $0x4, v2  }
0x99: {  	v23 =	vimm.f32 $0.0e+00;
	v24 =	vld.idx.msk [tilespmem:v17+s23+$0x0], $0xffff  }
0x9a: {  	v21 =	vor.u32 $0x5, v2;
	v23 =	vadd.f32 v19, v23  }
0x9b: {  	v26 =	vld.idx.msk [tilespmem:v18+s23+$0x0], $0xffff  }
0x9c: {  	v19 =	vor.u32 $0x6, v2;
	v22 =	vadd.f32 v22, v23  }
0x9d: {  	v27 =	vor.u32 $0x7, v2;
	v25 =	vld.idx.msk [tilespmem:v20+s23+$0x0], $0xffff  }
0x9e: {  	v24 =	vadd.f32 v24, v22  }
0x9f: {  	v23 =	vld.idx.msk [tilespmem:v21+s23+$0x0], $0xffff  }
0xa0: {  	v22 =	vadd.s32 $0x8, v2;
	v28 =	vadd.f32 v26, v24  }
0xa1: {  	s0 =	simm.s32 $0x17;
	v24 =	vld.idx.msk [tilespmem:v19+s23+$0x0], $0xffff;
	v26 =	vor.u32 $0x1, v22  }
.LBB2_6:
0xa2: {  	p1 =	sne.s32 s0, $0x1;
	v25 =	vadd.f32 v25, v28;
	v27 =	vld.idx.msk [tilespmem:v27+s23+$0x0], $0xffff  }
0xa3: {  	v28 =	vor.u32 $0x2, v22  }
0xa4: {  	v29 =	vld.idx.msk [tilespmem:v22+s23+$0x0], $0xffff;
	v23 =	vadd.f32 v23, v25  }
0xa5: {  	v25 =	vor.u32 $0x3, v22  }
0xa6: {  	v26 =	vld.idx.msk [tilespmem:v26+s23+$0x0], $0xffff;
	v23 =	vadd.f32 v24, v23  }
0xa7: {  	v24 =	vor.u32 $0x4, v22  }
0xa8: {  	v28 =	vld.idx.msk [tilespmem:v28+s23+$0x0], $0xffff;
	v23 =	vadd.f32 v27, v23  }
0xa9: {  	v30 =	vor.u32 $0x5, v22  }
0xaa: {  	v23 =	vadd.f32 v29, v23;
	v29 =	vld.idx.msk [tilespmem:v25+s23+$0x0], $0xffff  }
0xab: {  	v31 =	vor.u32 $0x6, v22  }
0xac: {  	v23 =	vadd.f32 v26, v23;
	v25 =	vld.idx.msk [tilespmem:v24+s23+$0x0], $0xffff  }
.Ltmp2:
0xad: {  	v27 =	vor.u32 $0x7, v22;
	(pc) =	sbr.rel @p1 .LBB2_6-.Ltmp2, $4  }
0xae: {  	v24 =	vadd.f32 v28, v23;
	v23 =	vld.idx.msk [tilespmem:v30+s23+$0x0], $0xffff  }
0xaf: {  	v22 =	vadd.s32 $0x8, v22  }
0xb0: {  	v28 =	vadd.f32 v29, v24;
	v24 =	vld.idx.msk [tilespmem:v31+s23+$0x0], $0xffff  }
0xb1: {  	s0 =	sadd.s32 $0xFFFFFFFF, s0;
	v26 =	vor.u32 $0x1, v22  }
0xb2: {  	_ =	sdelay $0x2  }
0xb3: {  	v25 =	vadd.f32 v25, v28  }
0xb4: {  	v27 =	vld.idx.msk [tilespmem:v27+s23+$0x0], $0xffff  }
0xb5: {  	v28 =	vor.u32 $0x2, v22;
	v23 =	vadd.f32 v23, v25  }
0xb6: {  	v25 =	vld.idx.msk [tilespmem:v22+s23+$0x0], $0xffff  }
0xb7: {  	v29 =	vor.u32 $0x3, v22;
	v23 =	vadd.f32 v24, v23  }
0xb8: {  	v24 =	vld.idx.msk [tilespmem:v26+s23+$0x0], $0xffff  }
0xb9: {  	v26 =	vor.u32 $0x4, v22;
	v23 =	vadd.f32 v27, v23  }
0xba: {  	v27 =	vld.idx.msk [tilespmem:v28+s23+$0x0], $0xffff  }
0xbb: {  	v28 =	vor.u32 $0x5, v22;
	v23 =	vadd.f32 v25, v23  }
0xbc: {  	v25 =	vld.idx.msk [tilespmem:v29+s23+$0x0], $0xffff  }
0xbd: {  	v29 =	vor.u32 $0x6, v22;
	v23 =	vadd.f32 v24, v23  }
0xbe: {  	v24 =	vld.idx.msk [tilespmem:v26+s23+$0x0], $0xffff  }
0xbf: {  	v22 =	vor.u32 $0x7, v22;
	v23 =	vadd.f32 v27, v23  }
0xc0: {  	v26 =	vld.idx.msk [tilespmem:v28+s23+$0x0], $0xffff  }
0xc1: {  	v23 =	vadd.f32 v25, v23  }
0xc2: {  	v25 =	vld.idx.msk [tilespmem:v29+s23+$0x0], $0xffff  }
0xc3: {  	v23 =	vadd.f32 v24, v23  }
0xc4: {  	v22 =	vld.idx.msk [tilespmem:v22+s23+$0x0], $0xffff  }
0xc5: {  	v23 =	vadd.f32 v26, v23;
	_ =	sdelay $0x1  }
0xc6: {  	v23 =	vadd.f32 v25, v23;
	_ =	sdelay $0x1  }
0xc7: {  	v23 =	vadd.f32 v22, v23;
	v22 =	vor.u32 $0x1, v3;
	_ =	sdelay $0x1  }
0xc8: {  	[tilespmem:$0x1C048] =	vst v23;
	v23 =	vor.u32 $0x2, v3  }
0xc9: {  	v25 =	vld.idx.msk [tilespmem:v3+s23+$0x0], $0xffff  }
0xca: {  	v24 =	vor.u32 $0x3, v3  }
0xcb: {  	v28 =	vld.idx.msk [tilespmem:v22+s23+$0x0], $0xffff  }
0xcc: {  	v26 =	vor.u32 $0x4, v3  }
0xcd: {  	v29 =	vimm.f32 $0.0e+00;
	v30 =	vld.idx.msk [tilespmem:v23+s23+$0x0], $0xffff  }
0xce: {  	v27 =	vor.u32 $0x5, v3;
	v29 =	vadd.f32 v25, v29  }
0xcf: {  	v32 =	vld.idx.msk [tilespmem:v24+s23+$0x0], $0xffff  }
0xd0: {  	v25 =	vor.u32 $0x6, v3;
	v28 =	vadd.f32 v28, v29  }
0xd1: {  	v33 =	vor.u32 $0x7, v3;
	v31 =	vld.idx.msk [tilespmem:v26+s23+$0x0], $0xffff  }
0xd2: {  	v30 =	vadd.f32 v30, v28  }
0xd3: {  	v29 =	vld.idx.msk [tilespmem:v27+s23+$0x0], $0xffff  }
0xd4: {  	v28 =	vadd.s32 $0x8, v3;
	v34 =	vadd.f32 v32, v30  }
0xd5: {  	s0 =	simm.s32 $0x17;
	v30 =	vld.idx.msk [tilespmem:v25+s23+$0x0], $0xffff;
	v32 =	vor.u32 $0x1, v28  }
.LBB2_8:
0xd6: {  	p1 =	sne.s32 s0, $0x1;
	v31 =	vadd.f32 v31, v34;
	v33 =	vld.idx.msk [tilespmem:v33+s23+$0x0], $0xffff  }
0xd7: {  	v34 =	vor.u32 $0x2, v28  }
0xd8: {  	v35 =	vld.idx.msk [tilespmem:v28+s23+$0x0], $0xffff;
	v29 =	vadd.f32 v29, v31  }
0xd9: {  	v31 =	vor.u32 $0x3, v28  }
0xda: {  	v32 =	vld.idx.msk [tilespmem:v32+s23+$0x0], $0xffff;
	v29 =	vadd.f32 v30, v29  }
0xdb: {  	v30 =	vor.u32 $0x4, v28  }
0xdc: {  	v34 =	vld.idx.msk [tilespmem:v34+s23+$0x0], $0xffff;
	v29 =	vadd.f32 v33, v29  }
0xdd: {  	v36 =	vor.u32 $0x5, v28  }
0xde: {  	v29 =	vadd.f32 v35, v29;
	v35 =	vld.idx.msk [tilespmem:v31+s23+$0x0], $0xffff  }
0xdf: {  	v37 =	vor.u32 $0x6, v28  }
0xe0: {  	v29 =	vadd.f32 v32, v29;
	v31 =	vld.idx.msk [tilespmem:v30+s23+$0x0], $0xffff  }
.Ltmp3:
0xe1: {  	v33 =	vor.u32 $0x7, v28;
	(pc) =	sbr.rel @p1 .LBB2_8-.Ltmp3, $4  }
0xe2: {  	v30 =	vadd.f32 v34, v29;
	v29 =	vld.idx.msk [tilespmem:v36+s23+$0x0], $0xffff  }
0xe3: {  	v28 =	vadd.s32 $0x8, v28  }
0xe4: {  	v34 =	vadd.f32 v35, v30;
	v30 =	vld.idx.msk [tilespmem:v37+s23+$0x0], $0xffff  }
0xe5: {  	s0 =	sadd.s32 $0xFFFFFFFF, s0;
	v32 =	vor.u32 $0x1, v28  }
0xe6: {  	_ =	sdelay $0x2  }
0xe7: {  	v31 =	vadd.f32 v31, v34  }
0xe8: {  	v33 =	vld.idx.msk [tilespmem:v33+s23+$0x0], $0xffff  }
0xe9: {  	v57 =	vor.u32 $0x2, v28;
	v29 =	vadd.f32 v29, v31  }
0xea: {  	v31 =	vld.idx.msk [tilespmem:v28+s23+$0x0], $0xffff  }
0xeb: {  	v35 =	vor.u32 $0x3, v28;
	v29 =	vadd.f32 v30, v29  }
0xec: {  	v30 =	vld.idx.msk [tilespmem:v32+s23+$0x0], $0xffff  }
0xed: {  	v58 =	vor.u32 $0x4, v28;
	v29 =	vadd.f32 v33, v29  }
0xee: {  	v59 =	vld.idx.msk [tilespmem:v57+s23+$0x0], $0xffff  }
0xef: {  	v60 =	vor.u32 $0x5, v28;
	v29 =	vadd.f32 v31, v29  }
0xf0: {  	v31 =	vld.idx.msk [tilespmem:v35+s23+$0x0], $0xffff  }
0xf1: {  	v61 =	vor.u32 $0x6, v28;
	v29 =	vadd.f32 v30, v29  }
0xf2: {  	v30 =	vld.idx.msk [tilespmem:v58+s23+$0x0], $0xffff  }
0xf3: {  	v28 =	vor.u32 $0x7, v28;
	v29 =	vadd.f32 v59, v29  }
0xf4: {  	v62 =	vld.idx.msk [tilespmem:v60+s23+$0x0], $0xffff  }
0xf5: {  	v29 =	vadd.f32 v31, v29  }
0xf6: {  	v31 =	vld.idx.msk [tilespmem:v61+s23+$0x0], $0xffff  }
0xf7: {  	v29 =	vadd.f32 v30, v29  }
0xf8: {  	v28 =	vld.idx.msk [tilespmem:v28+s23+$0x0], $0xffff  }
0xf9: {  	v29 =	vadd.f32 v62, v29;
	_ =	sdelay $0x1  }
0xfa: {  	v29 =	vadd.f32 v31, v29;
	_ =	sdelay $0x1  }
0xfb: {  	v28 =	vadd.f32 v28, v29;
	_ =	sdelay $0x1  }
0xfc: {  	[tilespmem:$0x1C058] =	vst v28  }
0xfd: {  	[tilespmem:s21], [sflag:$0x4] =	stream.linear.gather [hbm4b:s8+s2], $0x3200, $0x38;
	[tilespmem:$0x1C228] =	vst v63  }
0xfe: {  	_ =	swait.ge [sflag:s18], $0x3200  }
0xff: {  	[sflag:s18] =	ssyncset.done $0x0  }
0x100: {  	[sflag:s18] =	ssyncadd.s32 $0xFFFFCE00  }
0x101: {  	[tilespmem:s23], [sflag:$0x1] =	stream.indirect.gather [spmem:s1], $0x1, s21, s22, $0xb8;
	[tilespmem:$0x1C228] =	vst v63  }
0x102: {  	_ =	swait.ge [sflag:s28], $0x3200  }
0x103: {  	[sflag:s28] =	ssyncset.done $0x0  }
0x104: {  	[sflag:s28] =	ssyncadd.s32 $0xFFFFCE00  }
0x105: {  	v28 =	vld.idx.msk [tilespmem:v0+s25+$0x0], $0xffff;
	_ =	sdelay $0x1  }
0x106: {  	v29 =	vld.idx.msk [tilespmem:v4+s25+$0x0], $0xffff;
	_ =	sdelay $0x1  }
0x107: {  	v30 =	vimm.f32 $0.0e+00;
	v63 =	vld.idx.msk [tilespmem:v5+s25+$0x0], $0xffff  }
0x108: {  	v28 =	vadd.f32 v28, v30  }
0x109: {  	v30 =	vld.idx.msk [tilespmem:v6+s25+$0x0], $0xffff  }
0x10a: {  	v28 =	vadd.f32 v29, v28  }
0x10b: {  	v33 =	vor.u32 $0x7, v0;
	v31 =	vld.idx.msk [tilespmem:v8+s25+$0x0], $0xffff  }
0x10c: {  	v32 =	vadd.f32 v63, v28  }
0x10d: {  	v29 =	vld.idx.msk [tilespmem:v9+s25+$0x0], $0xffff  }
0x10e: {  	v28 =	vadd.s32 $0x8, v0;
	v34 =	vadd.f32 v30, v32  }
0x10f: {  	s0 =	simm.s32 $0x17;
	v30 =	vld.idx.msk [tilespmem:v7+s25+$0x0], $0xffff;
	v32 =	vor.u32 $0x1, v28  }
.LBB2_10:
0x110: {  	p1 =	sne.s32 s0, $0x1;
	v31 =	vadd.f32 v31, v34;
	v33 =	vld.idx.msk [tilespmem:v33+s25+$0x0], $0xffff  }
0x111: {  	v34 =	vor.u32 $0x2, v28  }
0x112: {  	v35 =	vld.idx.msk [tilespmem:v28+s25+$0x0], $0xffff;
	v29 =	vadd.f32 v29, v31  }
0x113: {  	v31 =	vor.u32 $0x3, v28  }
0x114: {  	v32 =	vld.idx.msk [tilespmem:v32+s25+$0x0], $0xffff;
	v29 =	vadd.f32 v30, v29  }
0x115: {  	v30 =	vor.u32 $0x4, v28  }
0x116: {  	v34 =	vld.idx.msk [tilespmem:v34+s25+$0x0], $0xffff;
	v29 =	vadd.f32 v33, v29  }
0x117: {  	v36 =	vor.u32 $0x5, v28  }
0x118: {  	v29 =	vadd.f32 v35, v29;
	v35 =	vld.idx.msk [tilespmem:v31+s25+$0x0], $0xffff  }
0x119: {  	v37 =	vor.u32 $0x6, v28  }
0x11a: {  	v29 =	vadd.f32 v32, v29;
	v31 =	vld.idx.msk [tilespmem:v30+s25+$0x0], $0xffff  }
.Ltmp4:
0x11b: {  	v33 =	vor.u32 $0x7, v28;
	(pc) =	sbr.rel @p1 .LBB2_10-.Ltmp4, $4  }
0x11c: {  	v30 =	vadd.f32 v34, v29;
	v29 =	vld.idx.msk [tilespmem:v36+s25+$0x0], $0xffff  }
0x11d: {  	v28 =	vadd.s32 $0x8, v28  }
0x11e: {  	v34 =	vadd.f32 v35, v30;
	v30 =	vld.idx.msk [tilespmem:v37+s25+$0x0], $0xffff  }
0x11f: {  	s0 =	sadd.s32 $0xFFFFFFFF, s0;
	v32 =	vor.u32 $0x1, v28  }
0x120: {  	_ =	sdelay $0x2  }
0x121: {  	v31 =	vadd.f32 v31, v34  }
0x122: {  	v33 =	vld.idx.msk [tilespmem:v33+s25+$0x0], $0xffff  }
0x123: {  	v57 =	vor.u32 $0x2, v28;
	v29 =	vadd.f32 v29, v31  }
0x124: {  	v31 =	vld.idx.msk [tilespmem:v28+s25+$0x0], $0xffff  }
0x125: {  	v35 =	vor.u32 $0x3, v28;
	v29 =	vadd.f32 v30, v29  }
0x126: {  	v30 =	vld.idx.msk [tilespmem:v32+s25+$0x0], $0xffff  }
0x127: {  	v58 =	vor.u32 $0x4, v28;
	v29 =	vadd.f32 v33, v29  }
0x128: {  	v59 =	vld.idx.msk [tilespmem:v57+s25+$0x0], $0xffff  }
0x129: {  	v60 =	vor.u32 $0x5, v28;
	v29 =	vadd.f32 v31, v29  }
0x12a: {  	v31 =	vld.idx.msk [tilespmem:v35+s25+$0x0], $0xffff  }
0x12b: {  	v61 =	vor.u32 $0x6, v28;
	v29 =	vadd.f32 v30, v29  }
0x12c: {  	v30 =	vld.idx.msk [tilespmem:v58+s25+$0x0], $0xffff  }
0x12d: {  	v28 =	vor.u32 $0x7, v28;
	v29 =	vadd.f32 v59, v29  }
0x12e: {  	v62 =	vld.idx.msk [tilespmem:v60+s25+$0x0], $0xffff  }
0x12f: {  	v29 =	vadd.f32 v31, v29  }
0x130: {  	v31 =	vld.idx.msk [tilespmem:v61+s25+$0x0], $0xffff  }
0x131: {  	v29 =	vadd.f32 v30, v29  }
0x132: {  	v28 =	vld.idx.msk [tilespmem:v28+s25+$0x0], $0xffff  }
0x133: {  	v29 =	vadd.f32 v62, v29;
	_ =	sdelay $0x1  }
0x134: {  	v29 =	vadd.f32 v31, v29;
	_ =	sdelay $0x1  }
0x135: {  	v28 =	vadd.f32 v28, v29;
	_ =	sdelay $0x1  }
0x136: {  	[tilespmem:$0x1C068] =	vst v28  }
0x137: {  	v28 =	vld.idx.msk [tilespmem:v1+s25+$0x0], $0xffff;
	_ =	sdelay $0x1  }
0x138: {  	v29 =	vld.idx.msk [tilespmem:v10+s25+$0x0], $0xffff;
	_ =	sdelay $0x1  }
0x139: {  	v30 =	vimm.f32 $0.0e+00;
	v63 =	vld.idx.msk [tilespmem:v11+s25+$0x0], $0xffff  }
0x13a: {  	v28 =	vadd.f32 v28, v30  }
0x13b: {  	v30 =	vld.idx.msk [tilespmem:v12+s25+$0x0], $0xffff  }
0x13c: {  	v28 =	vadd.f32 v29, v28  }
0x13d: {  	v33 =	vor.u32 $0x7, v1;
	v31 =	vld.idx.msk [tilespmem:v14+s25+$0x0], $0xffff  }
0x13e: {  	v32 =	vadd.f32 v63, v28  }
0x13f: {  	v29 =	vld.idx.msk [tilespmem:v15+s25+$0x0], $0xffff  }
0x140: {  	v28 =	vadd.s32 $0x8, v1;
	v34 =	vadd.f32 v30, v32  }
0x141: {  	s0 =	simm.s32 $0x17;
	v30 =	vld.idx.msk [tilespmem:v13+s25+$0x0], $0xffff;
	v32 =	vor.u32 $0x1, v28  }
.LBB2_12:
0x142: {  	p1 =	sne.s32 s0, $0x1;
	v31 =	vadd.f32 v31, v34;
	v33 =	vld.idx.msk [tilespmem:v33+s25+$0x0], $0xffff  }
0x143: {  	v34 =	vor.u32 $0x2, v28  }
0x144: {  	v35 =	vld.idx.msk [tilespmem:v28+s25+$0x0], $0xffff;
	v29 =	vadd.f32 v29, v31  }
0x145: {  	v31 =	vor.u32 $0x3, v28  }
0x146: {  	v32 =	vld.idx.msk [tilespmem:v32+s25+$0x0], $0xffff;
	v29 =	vadd.f32 v30, v29  }
0x147: {  	v30 =	vor.u32 $0x4, v28  }
0x148: {  	v34 =	vld.idx.msk [tilespmem:v34+s25+$0x0], $0xffff;
	v29 =	vadd.f32 v33, v29  }
0x149: {  	v36 =	vor.u32 $0x5, v28  }
0x14a: {  	v29 =	vadd.f32 v35, v29;
	v35 =	vld.idx.msk [tilespmem:v31+s25+$0x0], $0xffff  }
0x14b: {  	v37 =	vor.u32 $0x6, v28  }
0x14c: {  	v29 =	vadd.f32 v32, v29;
	v31 =	vld.idx.msk [tilespmem:v30+s25+$0x0], $0xffff  }
.Ltmp5:
0x14d: {  	v33 =	vor.u32 $0x7, v28;
	(pc) =	sbr.rel @p1 .LBB2_12-.Ltmp5, $4  }
0x14e: {  	v30 =	vadd.f32 v34, v29;
	v29 =	vld.idx.msk [tilespmem:v36+s25+$0x0], $0xffff  }
0x14f: {  	v28 =	vadd.s32 $0x8, v28  }
0x150: {  	v34 =	vadd.f32 v35, v30;
	v30 =	vld.idx.msk [tilespmem:v37+s25+$0x0], $0xffff  }
0x151: {  	s0 =	sadd.s32 $0xFFFFFFFF, s0;
	v32 =	vor.u32 $0x1, v28  }
0x152: {  	_ =	sdelay $0x2  }
0x153: {  	v31 =	vadd.f32 v31, v34  }
0x154: {  	v33 =	vld.idx.msk [tilespmem:v33+s25+$0x0], $0xffff  }
0x155: {  	v57 =	vor.u32 $0x2, v28;
	v29 =	vadd.f32 v29, v31  }
0x156: {  	v31 =	vld.idx.msk [tilespmem:v28+s25+$0x0], $0xffff  }
0x157: {  	v35 =	vor.u32 $0x3, v28;
	v29 =	vadd.f32 v30, v29  }
0x158: {  	v30 =	vld.idx.msk [tilespmem:v32+s25+$0x0], $0xffff  }
0x159: {  	v58 =	vor.u32 $0x4, v28;
	v29 =	vadd.f32 v33, v29  }
0x15a: {  	v59 =	vld.idx.msk [tilespmem:v57+s25+$0x0], $0xffff  }
0x15b: {  	v60 =	vor.u32 $0x5, v28;
	v29 =	vadd.f32 v31, v29  }
0x15c: {  	v31 =	vld.idx.msk [tilespmem:v35+s25+$0x0], $0xffff  }
0x15d: {  	v61 =	vor.u32 $0x6, v28;
	v29 =	vadd.f32 v30, v29  }
0x15e: {  	v30 =	vld.idx.msk [tilespmem:v58+s25+$0x0], $0xffff  }
0x15f: {  	v28 =	vor.u32 $0x7, v28;
	v29 =	vadd.f32 v59, v29  }
0x160: {  	v62 =	vld.idx.msk [tilespmem:v60+s25+$0x0], $0xffff  }
0x161: {  	v29 =	vadd.f32 v31, v29  }
0x162: {  	v31 =	vld.idx.msk [tilespmem:v61+s25+$0x0], $0xffff  }
0x163: {  	v29 =	vadd.f32 v30, v29  }
0x164: {  	v28 =	vld.idx.msk [tilespmem:v28+s25+$0x0], $0xffff  }
0x165: {  	v29 =	vadd.f32 v62, v29;
	_ =	sdelay $0x1  }
0x166: {  	v29 =	vadd.f32 v31, v29;
	_ =	sdelay $0x1  }
0x167: {  	v28 =	vadd.f32 v28, v29;
	_ =	sdelay $0x1  }
0x168: {  	[tilespmem:$0x1C078] =	vst v28  }
0x169: {  	v28 =	vld.idx.msk [tilespmem:v2+s25+$0x0], $0xffff;
	_ =	sdelay $0x1  }
0x16a: {  	v29 =	vld.idx.msk [tilespmem:v16+s25+$0x0], $0xffff;
	_ =	sdelay $0x1  }
0x16b: {  	v30 =	vimm.f32 $0.0e+00;
	v63 =	vld.idx.msk [tilespmem:v17+s25+$0x0], $0xffff  }
0x16c: {  	v28 =	vadd.f32 v28, v30  }
0x16d: {  	v30 =	vld.idx.msk [tilespmem:v18+s25+$0x0], $0xffff  }
0x16e: {  	v28 =	vadd.f32 v29, v28  }
0x16f: {  	v33 =	vor.u32 $0x7, v2;
	v31 =	vld.idx.msk [tilespmem:v20+s25+$0x0], $0xffff  }
0x170: {  	v32 =	vadd.f32 v63, v28  }
0x171: {  	v29 =	vld.idx.msk [tilespmem:v21+s25+$0x0], $0xffff  }
0x172: {  	v28 =	vadd.s32 $0x8, v2;
	v34 =	vadd.f32 v30, v32  }
0x173: {  	s0 =	simm.s32 $0x17;
	v30 =	vld.idx.msk [tilespmem:v19+s25+$0x0], $0xffff;
	v32 =	vor.u32 $0x1, v28  }
.LBB2_14:
0x174: {  	p1 =	sne.s32 s0, $0x1;
	v31 =	vadd.f32 v31, v34;
	v33 =	vld.idx.msk [tilespmem:v33+s25+$0x0], $0xffff  }
0x175: {  	v34 =	vor.u32 $0x2, v28  }
0x176: {  	v35 =	vld.idx.msk [tilespmem:v28+s25+$0x0], $0xffff;
	v29 =	vadd.f32 v29, v31  }
0x177: {  	v31 =	vor.u32 $0x3, v28  }
0x178: {  	v32 =	vld.idx.msk [tilespmem:v32+s25+$0x0], $0xffff;
	v29 =	vadd.f32 v30, v29  }
0x179: {  	v30 =	vor.u32 $0x4, v28  }
0x17a: {  	v34 =	vld.idx.msk [tilespmem:v34+s25+$0x0], $0xffff;
	v29 =	vadd.f32 v33, v29  }
0x17b: {  	v36 =	vor.u32 $0x5, v28  }
0x17c: {  	v29 =	vadd.f32 v35, v29;
	v35 =	vld.idx.msk [tilespmem:v31+s25+$0x0], $0xffff  }
0x17d: {  	v37 =	vor.u32 $0x6, v28  }
0x17e: {  	v29 =	vadd.f32 v32, v29;
	v31 =	vld.idx.msk [tilespmem:v30+s25+$0x0], $0xffff  }
.Ltmp6:
0x17f: {  	v33 =	vor.u32 $0x7, v28;
	(pc) =	sbr.rel @p1 .LBB2_14-.Ltmp6, $4  }
0x180: {  	v30 =	vadd.f32 v34, v29;
	v29 =	vld.idx.msk [tilespmem:v36+s25+$0x0], $0xffff  }
0x181: {  	v28 =	vadd.s32 $0x8, v28  }
0x182: {  	v34 =	vadd.f32 v35, v30;
	v30 =	vld.idx.msk [tilespmem:v37+s25+$0x0], $0xffff  }
0x183: {  	s0 =	sadd.s32 $0xFFFFFFFF, s0;
	v32 =	vor.u32 $0x1, v28  }
0x184: {  	_ =	sdelay $0x2  }
0x185: {  	v31 =	vadd.f32 v31, v34  }
0x186: {  	v33 =	vld.idx.msk [tilespmem:v33+s25+$0x0], $0xffff  }
0x187: {  	v57 =	vor.u32 $0x2, v28;
	v29 =	vadd.f32 v29, v31  }
0x188: {  	v31 =	vld.idx.msk [tilespmem:v28+s25+$0x0], $0xffff  }
0x189: {  	v35 =	vor.u32 $0x3, v28;
	v29 =	vadd.f32 v30, v29  }
0x18a: {  	v30 =	vld.idx.msk [tilespmem:v32+s25+$0x0], $0xffff  }
0x18b: {  	v58 =	vor.u32 $0x4, v28;
	v29 =	vadd.f32 v33, v29  }
0x18c: {  	v59 =	vld.idx.msk [tilespmem:v57+s25+$0x0], $0xffff  }
0x18d: {  	v60 =	vor.u32 $0x5, v28;
	v29 =	vadd.f32 v31, v29  }
0x18e: {  	v31 =	vld.idx.msk [tilespmem:v35+s25+$0x0], $0xffff  }
0x18f: {  	v61 =	vor.u32 $0x6, v28;
	v29 =	vadd.f32 v30, v29  }
0x190: {  	v30 =	vld.idx.msk [tilespmem:v58+s25+$0x0], $0xffff  }
0x191: {  	v28 =	vor.u32 $0x7, v28;
	v29 =	vadd.f32 v59, v29  }
0x192: {  	v62 =	vld.idx.msk [tilespmem:v60+s25+$0x0], $0xffff  }
0x193: {  	v29 =	vadd.f32 v31, v29  }
0x194: {  	v31 =	vld.idx.msk [tilespmem:v61+s25+$0x0], $0xffff  }
0x195: {  	v29 =	vadd.f32 v30, v29  }
0x196: {  	v28 =	vld.idx.msk [tilespmem:v28+s25+$0x0], $0xffff  }
0x197: {  	v29 =	vadd.f32 v62, v29;
	_ =	sdelay $0x1  }
0x198: {  	v29 =	vadd.f32 v31, v29;
	_ =	sdelay $0x1  }
0x199: {  	v28 =	vadd.f32 v28, v29;
	_ =	sdelay $0x1  }
0x19a: {  	[tilespmem:$0x1C088] =	vst v28  }
0x19b: {  	v28 =	vld.idx.msk [tilespmem:v3+s25+$0x0], $0xffff;
	_ =	sdelay $0x1  }
0x19c: {  	v29 =	vld.idx.msk [tilespmem:v22+s25+$0x0], $0xffff;
	_ =	sdelay $0x1  }
0x19d: {  	v30 =	vimm.f32 $0.0e+00;
	v63 =	vld.idx.msk [tilespmem:v23+s25+$0x0], $0xffff  }
0x19e: {  	v28 =	vadd.f32 v28, v30  }
0x19f: {  	v30 =	vld.idx.msk [tilespmem:v24+s25+$0x0], $0xffff  }
0x1a0: {  	v28 =	vadd.f32 v29, v28  }
0x1a1: {  	v33 =	vor.u32 $0x7, v3;
	v31 =	vld.idx.msk [tilespmem:v26+s25+$0x0], $0xffff  }
0x1a2: {  	v32 =	vadd.f32 v63, v28  }
0x1a3: {  	v29 =	vld.idx.msk [tilespmem:v27+s25+$0x0], $0xffff  }
0x1a4: {  	v28 =	vadd.s32 $0x8, v3;
	v34 =	vadd.f32 v30, v32  }
0x1a5: {  	s0 =	simm.s32 $0x17;
	v30 =	vld.idx.msk [tilespmem:v25+s25+$0x0], $0xffff;
	v32 =	vor.u32 $0x1, v28  }
.LBB2_16:
0x1a6: {  	p1 =	sne.s32 s0, $0x1;
	v31 =	vadd.f32 v31, v34;
	v33 =	vld.idx.msk [tilespmem:v33+s25+$0x0], $0xffff  }
0x1a7: {  	v34 =	vor.u32 $0x2, v28  }
0x1a8: {  	v35 =	vld.idx.msk [tilespmem:v28+s25+$0x0], $0xffff;
	v29 =	vadd.f32 v29, v31  }
0x1a9: {  	v31 =	vor.u32 $0x3, v28  }
0x1aa: {  	v32 =	vld.idx.msk [tilespmem:v32+s25+$0x0], $0xffff;
	v29 =	vadd.f32 v30, v29  }
0x1ab: {  	v30 =	vor.u32 $0x4, v28  }
0x1ac: {  	v34 =	vld.idx.msk [tilespmem:v34+s25+$0x0], $0xffff;
	v29 =	vadd.f32 v33, v29  }
0x1ad: {  	v36 =	vor.u32 $0x5, v28  }
0x1ae: {  	v29 =	vadd.f32 v35, v29;
	v35 =	vld.idx.msk [tilespmem:v31+s25+$0x0], $0xffff  }
0x1af: {  	v37 =	vor.u32 $0x6, v28  }
0x1b0: {  	v29 =	vadd.f32 v32, v29;
	v31 =	vld.idx.msk [tilespmem:v30+s25+$0x0], $0xffff  }
.Ltmp7:
0x1b1: {  	v33 =	vor.u32 $0x7, v28;
	(pc) =	sbr.rel @p1 .LBB2_16-.Ltmp7, $4  }
0x1b2: {  	v30 =	vadd.f32 v34, v29;
	v29 =	vld.idx.msk [tilespmem:v36+s25+$0x0], $0xffff  }
0x1b3: {  	v28 =	vadd.s32 $0x8, v28  }
0x1b4: {  	v34 =	vadd.f32 v35, v30;
	v30 =	vld.idx.msk [tilespmem:v37+s25+$0x0], $0xffff  }
0x1b5: {  	s0 =	sadd.s32 $0xFFFFFFFF, s0;
	v32 =	vor.u32 $0x1, v28  }
0x1b6: {  	_ =	sdelay $0x2  }
0x1b7: {  	v31 =	vadd.f32 v31, v34  }
0x1b8: {  	v33 =	vld.idx.msk [tilespmem:v33+s25+$0x0], $0xffff  }
0x1b9: {  	v57 =	vor.u32 $0x2, v28;
	v29 =	vadd.f32 v29, v31  }
0x1ba: {  	v31 =	vld.idx.msk [tilespmem:v28+s25+$0x0], $0xffff  }
0x1bb: {  	v35 =	vor.u32 $0x3, v28;
	v29 =	vadd.f32 v30, v29  }
0x1bc: {  	v30 =	vld.idx.msk [tilespmem:v32+s25+$0x0], $0xffff  }
0x1bd: {  	v58 =	vor.u32 $0x4, v28;
	v29 =	vadd.f32 v33, v29  }
0x1be: {  	v59 =	vld.idx.msk [tilespmem:v57+s25+$0x0], $0xffff  }
0x1bf: {  	v60 =	vor.u32 $0x5, v28;
	v29 =	vadd.f32 v31, v29  }
0x1c0: {  	v31 =	vld.idx.msk [tilespmem:v35+s25+$0x0], $0xffff  }
0x1c1: {  	v61 =	vor.u32 $0x6, v28;
	v29 =	vadd.f32 v30, v29  }
0x1c2: {  	v30 =	vld.idx.msk [tilespmem:v58+s25+$0x0], $0xffff  }
0x1c3: {  	v28 =	vor.u32 $0x7, v28;
	v29 =	vadd.f32 v59, v29  }
0x1c4: {  	v62 =	vld.idx.msk [tilespmem:v60+s25+$0x0], $0xffff  }
0x1c5: {  	v29 =	vadd.f32 v31, v29  }
0x1c6: {  	v31 =	vld.idx.msk [tilespmem:v61+s25+$0x0], $0xffff  }
0x1c7: {  	v29 =	vadd.f32 v30, v29  }
0x1c8: {  	v28 =	vld.idx.msk [tilespmem:v28+s25+$0x0], $0xffff  }
0x1c9: {  	v29 =	vadd.f32 v62, v29;
	_ =	sdelay $0x1  }
0x1ca: {  	v29 =	vadd.f32 v31, v29;
	_ =	sdelay $0x1  }
0x1cb: {  	v28 =	vadd.f32 v28, v29;
	_ =	sdelay $0x1  }
0x1cc: {  	[tilespmem:$0x1C098] =	vst v28  }
0x1cd: {  	[tilespmem:s24], [sflag:$0x4] =	stream.linear.gather [hbm4b:s9+s2], $0x3200, $0x38;
	[tilespmem:$0x1C228] =	vst v63  }
0x1ce: {  	_ =	swait.ge [sflag:s18], $0x3200  }
0x1cf: {  	[sflag:s18] =	ssyncset.done $0x0  }
0x1d0: {  	[sflag:s18] =	ssyncadd.s32 $0xFFFFCE00  }
0x1d1: {  	[tilespmem:s25], [sflag:$0x2] =	stream.indirect.gather [spmem:s1], $0x1, s24, s22, $0xb8;
	[tilespmem:$0x1C228] =	vst v63  }
0x1d2: {  	_ =	swait.ge [sflag:s26], $0x3200  }
0x1d3: {  	[sflag:s26] =	ssyncset.done $0x0  }
0x1d4: {  	[sflag:s26] =	ssyncadd.s32 $0xFFFFCE00  }
0x1d5: {  	v28 =	vld.idx.msk [tilespmem:v0+s23+$0x0], $0xffff;
	_ =	sdelay $0x1  }
0x1d6: {  	v29 =	vld.idx.msk [tilespmem:v4+s23+$0x0], $0xffff;
	_ =	sdelay $0x1  }
0x1d7: {  	v30 =	vimm.f32 $0.0e+00;
	v63 =	vld.idx.msk [tilespmem:v5+s23+$0x0], $0xffff  }
0x1d8: {  	v28 =	vadd.f32 v28, v30  }
0x1d9: {  	v30 =	vld.idx.msk [tilespmem:v6+s23+$0x0], $0xffff  }
0x1da: {  	v28 =	vadd.f32 v29, v28  }
0x1db: {  	v33 =	vor.u32 $0x7, v0;
	v31 =	vld.idx.msk [tilespmem:v8+s23+$0x0], $0xffff  }
0x1dc: {  	v32 =	vadd.f32 v63, v28  }
0x1dd: {  	v29 =	vld.idx.msk [tilespmem:v9+s23+$0x0], $0xffff  }
0x1de: {  	v28 =	vadd.s32 $0x8, v0;
	v34 =	vadd.f32 v30, v32  }
0x1df: {  	s0 =	simm.s32 $0x17;
	v30 =	vld.idx.msk [tilespmem:v7+s23+$0x0], $0xffff;
	v32 =	vor.u32 $0x1, v28  }
.LBB2_18:
0x1e0: {  	p1 =	sne.s32 s0, $0x1;
	v31 =	vadd.f32 v31, v34;
	v33 =	vld.idx.msk [tilespmem:v33+s23+$0x0], $0xffff  }
0x1e1: {  	v34 =	vor.u32 $0x2, v28  }
0x1e2: {  	v35 =	vld.idx.msk [tilespmem:v28+s23+$0x0], $0xffff;
	v29 =	vadd.f32 v29, v31  }
0x1e3: {  	v31 =	vor.u32 $0x3, v28  }
0x1e4: {  	v32 =	vld.idx.msk [tilespmem:v32+s23+$0x0], $0xffff;
	v29 =	vadd.f32 v30, v29  }
0x1e5: {  	v30 =	vor.u32 $0x4, v28  }
0x1e6: {  	v34 =	vld.idx.msk [tilespmem:v34+s23+$0x0], $0xffff;
	v29 =	vadd.f32 v33, v29  }
0x1e7: {  	v36 =	vor.u32 $0x5, v28  }
0x1e8: {  	v29 =	vadd.f32 v35, v29;
	v35 =	vld.idx.msk [tilespmem:v31+s23+$0x0], $0xffff  }
0x1e9: {  	v37 =	vor.u32 $0x6, v28  }
0x1ea: {  	v29 =	vadd.f32 v32, v29;
	v31 =	vld.idx.msk [tilespmem:v30+s23+$0x0], $0xffff  }
.Ltmp8:
0x1eb: {  	v33 =	vor.u32 $0x7, v28;
	(pc) =	sbr.rel @p1 .LBB2_18-.Ltmp8, $4  }
0x1ec: {  	v30 =	vadd.f32 v34, v29;
	v29 =	vld.idx.msk [tilespmem:v36+s23+$0x0], $0xffff  }
0x1ed: {  	v28 =	vadd.s32 $0x8, v28  }
0x1ee: {  	v34 =	vadd.f32 v35, v30;
	v30 =	vld.idx.msk [tilespmem:v37+s23+$0x0], $0xffff  }
0x1ef: {  	s0 =	sadd.s32 $0xFFFFFFFF, s0;
	v32 =	vor.u32 $0x1, v28  }
0x1f0: {  	_ =	sdelay $0x2  }
0x1f1: {  	v31 =	vadd.f32 v31, v34  }
0x1f2: {  	v33 =	vld.idx.msk [tilespmem:v33+s23+$0x0], $0xffff  }
0x1f3: {  	v57 =	vor.u32 $0x2, v28;
	v29 =	vadd.f32 v29, v31  }
0x1f4: {  	v31 =	vld.idx.msk [tilespmem:v28+s23+$0x0], $0xffff  }
0x1f5: {  	v35 =	vor.u32 $0x3, v28;
	v29 =	vadd.f32 v30, v29  }
0x1f6: {  	v30 =	vld.idx.msk [tilespmem:v32+s23+$0x0], $0xffff  }
0x1f7: {  	v58 =	vor.u32 $0x4, v28;
	v29 =	vadd.f32 v33, v29  }
0x1f8: {  	v59 =	vld.idx.msk [tilespmem:v57+s23+$0x0], $0xffff  }
0x1f9: {  	v60 =	vor.u32 $0x5, v28;
	v29 =	vadd.f32 v31, v29  }
0x1fa: {  	v31 =	vld.idx.msk [tilespmem:v35+s23+$0x0], $0xffff  }
0x1fb: {  	v61 =	vor.u32 $0x6, v28;
	v29 =	vadd.f32 v30, v29  }
0x1fc: {  	v30 =	vld.idx.msk [tilespmem:v58+s23+$0x0], $0xffff  }
0x1fd: {  	v28 =	vor.u32 $0x7, v28;
	v29 =	vadd.f32 v59, v29  }
0x1fe: {  	v62 =	vld.idx.msk [tilespmem:v60+s23+$0x0], $0xffff  }
0x1ff: {  	v29 =	vadd.f32 v31, v29  }
0x200: {  	v31 =	vld.idx.msk [tilespmem:v61+s23+$0x0], $0xffff  }
0x201: {  	v29 =	vadd.f32 v30, v29  }
0x202: {  	v28 =	vld.idx.msk [tilespmem:v28+s23+$0x0], $0xffff  }
0x203: {  	v29 =	vadd.f32 v62, v29;
	_ =	sdelay $0x1  }
0x204: {  	v29 =	vadd.f32 v31, v29;
	_ =	sdelay $0x1  }
0x205: {  	v28 =	vadd.f32 v28, v29;
	_ =	sdelay $0x1  }
0x206: {  	[tilespmem:$0x1C0A8] =	vst v28  }
0x207: {  	v28 =	vld.idx.msk [tilespmem:v1+s23+$0x0], $0xffff;
	_ =	sdelay $0x1  }
0x208: {  	v29 =	vld.idx.msk [tilespmem:v10+s23+$0x0], $0xffff;
	_ =	sdelay $0x1  }
0x209: {  	v30 =	vimm.f32 $0.0e+00;
	v63 =	vld.idx.msk [tilespmem:v11+s23+$0x0], $0xffff  }
0x20a: {  	v28 =	vadd.f32 v28, v30  }
0x20b: {  	v30 =	vld.idx.msk [tilespmem:v12+s23+$0x0], $0xffff  }
0x20c: {  	v28 =	vadd.f32 v29, v28  }
0x20d: {  	v33 =	vor.u32 $0x7, v1;
	v31 =	vld.idx.msk [tilespmem:v14+s23+$0x0], $0xffff  }
0x20e: {  	v32 =	vadd.f32 v63, v28  }
0x20f: {  	v29 =	vld.idx.msk [tilespmem:v15+s23+$0x0], $0xffff  }
0x210: {  	v28 =	vadd.s32 $0x8, v1;
	v34 =	vadd.f32 v30, v32  }
0x211: {  	s0 =	simm.s32 $0x17;
	v30 =	vld.idx.msk [tilespmem:v13+s23+$0x0], $0xffff;
	v32 =	vor.u32 $0x1, v28  }
.LBB2_20:
0x212: {  	p1 =	sne.s32 s0, $0x1;
	v31 =	vadd.f32 v31, v34;
	v33 =	vld.idx.msk [tilespmem:v33+s23+$0x0], $0xffff  }
0x213: {  	v34 =	vor.u32 $0x2, v28  }
0x214: {  	v35 =	vld.idx.msk [tilespmem:v28+s23+$0x0], $0xffff;
	v29 =	vadd.f32 v29, v31  }
0x215: {  	v31 =	vor.u32 $0x3, v28  }
0x216: {  	v32 =	vld.idx.msk [tilespmem:v32+s23+$0x0], $0xffff;
	v29 =	vadd.f32 v30, v29  }
0x217: {  	v30 =	vor.u32 $0x4, v28  }
0x218: {  	v34 =	vld.idx.msk [tilespmem:v34+s23+$0x0], $0xffff;
	v29 =	vadd.f32 v33, v29  }
0x219: {  	v36 =	vor.u32 $0x5, v28  }
0x21a: {  	v29 =	vadd.f32 v35, v29;
	v35 =	vld.idx.msk [tilespmem:v31+s23+$0x0], $0xffff  }
0x21b: {  	v37 =	vor.u32 $0x6, v28  }
0x21c: {  	v29 =	vadd.f32 v32, v29;
	v31 =	vld.idx.msk [tilespmem:v30+s23+$0x0], $0xffff  }
.Ltmp9:
0x21d: {  	v33 =	vor.u32 $0x7, v28;
	(pc) =	sbr.rel @p1 .LBB2_20-.Ltmp9, $4  }
0x21e: {  	v30 =	vadd.f32 v34, v29;
	v29 =	vld.idx.msk [tilespmem:v36+s23+$0x0], $0xffff  }
0x21f: {  	v28 =	vadd.s32 $0x8, v28  }
0x220: {  	v34 =	vadd.f32 v35, v30;
	v30 =	vld.idx.msk [tilespmem:v37+s23+$0x0], $0xffff  }
0x221: {  	s0 =	sadd.s32 $0xFFFFFFFF, s0;
	v32 =	vor.u32 $0x1, v28  }
0x222: {  	_ =	sdelay $0x2  }
0x223: {  	v31 =	vadd.f32 v31, v34  }
0x224: {  	v33 =	vld.idx.msk [tilespmem:v33+s23+$0x0], $0xffff  }
0x225: {  	v57 =	vor.u32 $0x2, v28;
	v29 =	vadd.f32 v29, v31  }
0x226: {  	v31 =	vld.idx.msk [tilespmem:v28+s23+$0x0], $0xffff  }
0x227: {  	v35 =	vor.u32 $0x3, v28;
	v29 =	vadd.f32 v30, v29  }
0x228: {  	v30 =	vld.idx.msk [tilespmem:v32+s23+$0x0], $0xffff  }
0x229: {  	v58 =	vor.u32 $0x4, v28;
	v29 =	vadd.f32 v33, v29  }
0x22a: {  	v59 =	vld.idx.msk [tilespmem:v57+s23+$0x0], $0xffff  }
0x22b: {  	v60 =	vor.u32 $0x5, v28;
	v29 =	vadd.f32 v31, v29  }
0x22c: {  	v31 =	vld.idx.msk [tilespmem:v35+s23+$0x0], $0xffff  }
0x22d: {  	v61 =	vor.u32 $0x6, v28;
	v29 =	vadd.f32 v30, v29  }
0x22e: {  	v30 =	vld.idx.msk [tilespmem:v58+s23+$0x0], $0xffff  }
0x22f: {  	v28 =	vor.u32 $0x7, v28;
	v29 =	vadd.f32 v59, v29  }
0x230: {  	v62 =	vld.idx.msk [tilespmem:v60+s23+$0x0], $0xffff  }
0x231: {  	v29 =	vadd.f32 v31, v29  }
0x232: {  	v31 =	vld.idx.msk [tilespmem:v61+s23+$0x0], $0xffff  }
0x233: {  	v29 =	vadd.f32 v30, v29  }
0x234: {  	v28 =	vld.idx.msk [tilespmem:v28+s23+$0x0], $0xffff  }
0x235: {  	v29 =	vadd.f32 v62, v29;
	_ =	sdelay $0x1  }
0x236: {  	v29 =	vadd.f32 v31, v29;
	_ =	sdelay $0x1  }
0x237: {  	v28 =	vadd.f32 v28, v29;
	_ =	sdelay $0x1  }
0x238: {  	[tilespmem:$0x1C0B8] =	vst v28  }
0x239: {  	v28 =	vld.idx.msk [tilespmem:v2+s23+$0x0], $0xffff;
	_ =	sdelay $0x1  }
0x23a: {  	v29 =	vld.idx.msk [tilespmem:v16+s23+$0x0], $0xffff;
	_ =	sdelay $0x1  }
0x23b: {  	v30 =	vimm.f32 $0.0e+00;
	v63 =	vld.idx.msk [tilespmem:v17+s23+$0x0], $0xffff  }
0x23c: {  	v28 =	vadd.f32 v28, v30  }
0x23d: {  	v30 =	vld.idx.msk [tilespmem:v18+s23+$0x0], $0xffff  }
0x23e: {  	v28 =	vadd.f32 v29, v28  }
0x23f: {  	v33 =	vor.u32 $0x7, v2;
	v31 =	vld.idx.msk [tilespmem:v20+s23+$0x0], $0xffff  }
0x240: {  	v32 =	vadd.f32 v63, v28  }
0x241: {  	v29 =	vld.idx.msk [tilespmem:v21+s23+$0x0], $0xffff  }
0x242: {  	v28 =	vadd.s32 $0x8, v2;
	v34 =	vadd.f32 v30, v32  }
0x243: {  	s0 =	simm.s32 $0x17;
	v30 =	vld.idx.msk [tilespmem:v19+s23+$0x0], $0xffff;
	v32 =	vor.u32 $0x1, v28  }
.LBB2_22:
0x244: {  	p1 =	sne.s32 s0, $0x1;
	v31 =	vadd.f32 v31, v34;
	v33 =	vld.idx.msk [tilespmem:v33+s23+$0x0], $0xffff  }
0x245: {  	v34 =	vor.u32 $0x2, v28  }
0x246: {  	v35 =	vld.idx.msk [tilespmem:v28+s23+$0x0], $0xffff;
	v29 =	vadd.f32 v29, v31  }
0x247: {  	v31 =	vor.u32 $0x3, v28  }
0x248: {  	v32 =	vld.idx.msk [tilespmem:v32+s23+$0x0], $0xffff;
	v29 =	vadd.f32 v30, v29  }
0x249: {  	v30 =	vor.u32 $0x4, v28  }
0x24a: {  	v34 =	vld.idx.msk [tilespmem:v34+s23+$0x0], $0xffff;
	v29 =	vadd.f32 v33, v29  }
0x24b: {  	v36 =	vor.u32 $0x5, v28  }
0x24c: {  	v29 =	vadd.f32 v35, v29;
	v35 =	vld.idx.msk [tilespmem:v31+s23+$0x0], $0xffff  }
0x24d: {  	v37 =	vor.u32 $0x6, v28  }
0x24e: {  	v29 =	vadd.f32 v32, v29;
	v31 =	vld.idx.msk [tilespmem:v30+s23+$0x0], $0xffff  }
.Ltmp10:
0x24f: {  	v33 =	vor.u32 $0x7, v28;
	(pc) =	sbr.rel @p1 .LBB2_22-.Ltmp10, $4  }
0x250: {  	v30 =	vadd.f32 v34, v29;
	v29 =	vld.idx.msk [tilespmem:v36+s23+$0x0], $0xffff  }
0x251: {  	v28 =	vadd.s32 $0x8, v28  }
0x252: {  	v34 =	vadd.f32 v35, v30;
	v30 =	vld.idx.msk [tilespmem:v37+s23+$0x0], $0xffff  }
0x253: {  	s0 =	sadd.s32 $0xFFFFFFFF, s0;
	v32 =	vor.u32 $0x1, v28  }
0x254: {  	_ =	sdelay $0x2  }
0x255: {  	v31 =	vadd.f32 v31, v34  }
0x256: {  	v33 =	vld.idx.msk [tilespmem:v33+s23+$0x0], $0xffff  }
0x257: {  	v57 =	vor.u32 $0x2, v28;
	v29 =	vadd.f32 v29, v31  }
0x258: {  	v31 =	vld.idx.msk [tilespmem:v28+s23+$0x0], $0xffff  }
0x259: {  	v35 =	vor.u32 $0x3, v28;
	v29 =	vadd.f32 v30, v29  }
0x25a: {  	v30 =	vld.idx.msk [tilespmem:v32+s23+$0x0], $0xffff  }
0x25b: {  	v58 =	vor.u32 $0x4, v28;
	v29 =	vadd.f32 v33, v29  }
0x25c: {  	v59 =	vld.idx.msk [tilespmem:v57+s23+$0x0], $0xffff  }
0x25d: {  	v60 =	vor.u32 $0x5, v28;
	v29 =	vadd.f32 v31, v29  }
0x25e: {  	v31 =	vld.idx.msk [tilespmem:v35+s23+$0x0], $0xffff  }
0x25f: {  	v61 =	vor.u32 $0x6, v28;
	v29 =	vadd.f32 v30, v29  }
0x260: {  	v30 =	vld.idx.msk [tilespmem:v58+s23+$0x0], $0xffff  }
0x261: {  	v28 =	vor.u32 $0x7, v28;
	v29 =	vadd.f32 v59, v29  }
0x262: {  	v62 =	vld.idx.msk [tilespmem:v60+s23+$0x0], $0xffff  }
0x263: {  	v29 =	vadd.f32 v31, v29  }
0x264: {  	v31 =	vld.idx.msk [tilespmem:v61+s23+$0x0], $0xffff  }
0x265: {  	v29 =	vadd.f32 v30, v29  }
0x266: {  	v28 =	vld.idx.msk [tilespmem:v28+s23+$0x0], $0xffff  }
0x267: {  	v29 =	vadd.f32 v62, v29;
	_ =	sdelay $0x1  }
0x268: {  	v29 =	vadd.f32 v31, v29;
	_ =	sdelay $0x1  }
0x269: {  	v28 =	vadd.f32 v28, v29;
	_ =	sdelay $0x1  }
0x26a: {  	[tilespmem:$0x1C0C8] =	vst v28  }
0x26b: {  	v28 =	vld.idx.msk [tilespmem:v3+s23+$0x0], $0xffff;
	_ =	sdelay $0x1  }
0x26c: {  	v29 =	vld.idx.msk [tilespmem:v22+s23+$0x0], $0xffff;
	_ =	sdelay $0x1  }
0x26d: {  	v30 =	vimm.f32 $0.0e+00;
	v63 =	vld.idx.msk [tilespmem:v23+s23+$0x0], $0xffff  }
0x26e: {  	v28 =	vadd.f32 v28, v30  }
0x26f: {  	v30 =	vld.idx.msk [tilespmem:v24+s23+$0x0], $0xffff  }
0x270: {  	v28 =	vadd.f32 v29, v28  }
0x271: {  	v33 =	vor.u32 $0x7, v3;
	v31 =	vld.idx.msk [tilespmem:v26+s23+$0x0], $0xffff  }
0x272: {  	v32 =	vadd.f32 v63, v28  }
0x273: {  	v29 =	vld.idx.msk [tilespmem:v27+s23+$0x0], $0xffff  }
0x274: {  	v28 =	vadd.s32 $0x8, v3;
	v34 =	vadd.f32 v30, v32  }
0x275: {  	s0 =	simm.s32 $0x17;
	v30 =	vld.idx.msk [tilespmem:v25+s23+$0x0], $0xffff;
	v32 =	vor.u32 $0x1, v28  }
.LBB2_24:
0x276: {  	p1 =	sne.s32 s0, $0x1;
	v31 =	vadd.f32 v31, v34;
	v33 =	vld.idx.msk [tilespmem:v33+s23+$0x0], $0xffff  }
0x277: {  	v34 =	vor.u32 $0x2, v28  }
0x278: {  	v35 =	vld.idx.msk [tilespmem:v28+s23+$0x0], $0xffff;
	v29 =	vadd.f32 v29, v31  }
0x279: {  	v31 =	vor.u32 $0x3, v28  }
0x27a: {  	v32 =	vld.idx.msk [tilespmem:v32+s23+$0x0], $0xffff;
	v29 =	vadd.f32 v30, v29  }
0x27b: {  	v30 =	vor.u32 $0x4, v28  }
0x27c: {  	v34 =	vld.idx.msk [tilespmem:v34+s23+$0x0], $0xffff;
	v29 =	vadd.f32 v33, v29  }
0x27d: {  	v36 =	vor.u32 $0x5, v28  }
0x27e: {  	v29 =	vadd.f32 v35, v29;
	v35 =	vld.idx.msk [tilespmem:v31+s23+$0x0], $0xffff  }
0x27f: {  	v37 =	vor.u32 $0x6, v28  }
0x280: {  	v29 =	vadd.f32 v32, v29;
	v31 =	vld.idx.msk [tilespmem:v30+s23+$0x0], $0xffff  }
.Ltmp11:
0x281: {  	v33 =	vor.u32 $0x7, v28;
	(pc) =	sbr.rel @p1 .LBB2_24-.Ltmp11, $4  }
0x282: {  	v30 =	vadd.f32 v34, v29;
	v29 =	vld.idx.msk [tilespmem:v36+s23+$0x0], $0xffff  }
0x283: {  	v28 =	vadd.s32 $0x8, v28  }
0x284: {  	v34 =	vadd.f32 v35, v30;
	v30 =	vld.idx.msk [tilespmem:v37+s23+$0x0], $0xffff  }
0x285: {  	s0 =	sadd.s32 $0xFFFFFFFF, s0;
	v32 =	vor.u32 $0x1, v28  }
0x286: {  	_ =	sdelay $0x2  }
0x287: {  	v31 =	vadd.f32 v31, v34  }
0x288: {  	v33 =	vld.idx.msk [tilespmem:v33+s23+$0x0], $0xffff  }
0x289: {  	v57 =	vor.u32 $0x2, v28;
	v29 =	vadd.f32 v29, v31  }
0x28a: {  	v31 =	vld.idx.msk [tilespmem:v28+s23+$0x0], $0xffff  }
0x28b: {  	v35 =	vor.u32 $0x3, v28;
	v29 =	vadd.f32 v30, v29  }
0x28c: {  	v30 =	vld.idx.msk [tilespmem:v32+s23+$0x0], $0xffff  }
0x28d: {  	v58 =	vor.u32 $0x4, v28;
	v29 =	vadd.f32 v33, v29  }
0x28e: {  	v59 =	vld.idx.msk [tilespmem:v57+s23+$0x0], $0xffff  }
0x28f: {  	v60 =	vor.u32 $0x5, v28;
	v29 =	vadd.f32 v31, v29  }
0x290: {  	v31 =	vld.idx.msk [tilespmem:v35+s23+$0x0], $0xffff  }
0x291: {  	v61 =	vor.u32 $0x6, v28;
	v29 =	vadd.f32 v30, v29  }
0x292: {  	v30 =	vld.idx.msk [tilespmem:v58+s23+$0x0], $0xffff  }
0x293: {  	v28 =	vor.u32 $0x7, v28;
	v29 =	vadd.f32 v59, v29  }
0x294: {  	v62 =	vld.idx.msk [tilespmem:v60+s23+$0x0], $0xffff  }
0x295: {  	v29 =	vadd.f32 v31, v29  }
0x296: {  	v31 =	vld.idx.msk [tilespmem:v61+s23+$0x0], $0xffff  }
0x297: {  	v29 =	vadd.f32 v30, v29  }
0x298: {  	v28 =	vld.idx.msk [tilespmem:v28+s23+$0x0], $0xffff  }
0x299: {  	v29 =	vadd.f32 v62, v29;
	_ =	sdelay $0x1  }
0x29a: {  	v29 =	vadd.f32 v31, v29;
	_ =	sdelay $0x1  }
0x29b: {  	v28 =	vadd.f32 v28, v29;
	_ =	sdelay $0x1  }
0x29c: {  	[tilespmem:$0x1C0D8] =	vst v28  }
0x29d: {  	[tilespmem:s21], [sflag:$0x4] =	stream.linear.gather [hbm4b:s10+s2], $0x3200, $0x38;
	[tilespmem:$0x1C228] =	vst v63  }
0x29e: {  	_ =	swait.ge [sflag:s18], $0x3200  }
0x29f: {  	[sflag:s18] =	ssyncset.done $0x0  }
0x2a0: {  	[sflag:s18] =	ssyncadd.s32 $0xFFFFCE00  }
0x2a1: {  	[tilespmem:s23], [sflag:$0x1] =	stream.indirect.gather [spmem:s1], $0x1, s21, s22, $0xb8;
	[tilespmem:$0x1C228] =	vst v63  }
0x2a2: {  	_ =	swait.ge [sflag:s28], $0x3200  }
0x2a3: {  	[sflag:s28] =	ssyncset.done $0x0  }
0x2a4: {  	[sflag:s28] =	ssyncadd.s32 $0xFFFFCE00  }
0x2a5: {  	v28 =	vld.idx.msk [tilespmem:v0+s25+$0x0], $0xffff;
	_ =	sdelay $0x1  }
0x2a6: {  	v29 =	vld.idx.msk [tilespmem:v4+s25+$0x0], $0xffff;
	_ =	sdelay $0x1  }
0x2a7: {  	v30 =	vimm.f32 $0.0e+00;
	v63 =	vld.idx.msk [tilespmem:v5+s25+$0x0], $0xffff  }
0x2a8: {  	v28 =	vadd.f32 v28, v30  }
0x2a9: {  	v30 =	vld.idx.msk [tilespmem:v6+s25+$0x0], $0xffff  }
0x2aa: {  	v28 =	vadd.f32 v29, v28  }
0x2ab: {  	v33 =	vor.u32 $0x7, v0;
	v31 =	vld.idx.msk [tilespmem:v8+s25+$0x0], $0xffff  }
0x2ac: {  	v32 =	vadd.f32 v63, v28  }
0x2ad: {  	v29 =	vld.idx.msk [tilespmem:v9+s25+$0x0], $0xffff  }
0x2ae: {  	v28 =	vadd.s32 $0x8, v0;
	v34 =	vadd.f32 v30, v32  }
0x2af: {  	s0 =	simm.s32 $0x17;
	v30 =	vld.idx.msk [tilespmem:v7+s25+$0x0], $0xffff;
	v32 =	vor.u32 $0x1, v28  }
.LBB2_26:
0x2b0: {  	p1 =	sne.s32 s0, $0x1;
	v31 =	vadd.f32 v31, v34;
	v33 =	vld.idx.msk [tilespmem:v33+s25+$0x0], $0xffff  }
0x2b1: {  	v34 =	vor.u32 $0x2, v28  }
0x2b2: {  	v35 =	vld.idx.msk [tilespmem:v28+s25+$0x0], $0xffff;
	v29 =	vadd.f32 v29, v31  }
0x2b3: {  	v31 =	vor.u32 $0x3, v28  }
0x2b4: {  	v32 =	vld.idx.msk [tilespmem:v32+s25+$0x0], $0xffff;
	v29 =	vadd.f32 v30, v29  }
0x2b5: {  	v30 =	vor.u32 $0x4, v28  }
0x2b6: {  	v34 =	vld.idx.msk [tilespmem:v34+s25+$0x0], $0xffff;
	v29 =	vadd.f32 v33, v29  }
0x2b7: {  	v36 =	vor.u32 $0x5, v28  }
0x2b8: {  	v29 =	vadd.f32 v35, v29;
	v35 =	vld.idx.msk [tilespmem:v31+s25+$0x0], $0xffff  }
0x2b9: {  	v37 =	vor.u32 $0x6, v28  }
0x2ba: {  	v29 =	vadd.f32 v32, v29;
	v31 =	vld.idx.msk [tilespmem:v30+s25+$0x0], $0xffff  }
.Ltmp12:
0x2bb: {  	v33 =	vor.u32 $0x7, v28;
	(pc) =	sbr.rel @p1 .LBB2_26-.Ltmp12, $4  }
0x2bc: {  	v30 =	vadd.f32 v34, v29;
	v29 =	vld.idx.msk [tilespmem:v36+s25+$0x0], $0xffff  }
0x2bd: {  	v28 =	vadd.s32 $0x8, v28  }
0x2be: {  	v34 =	vadd.f32 v35, v30;
	v30 =	vld.idx.msk [tilespmem:v37+s25+$0x0], $0xffff  }
0x2bf: {  	s0 =	sadd.s32 $0xFFFFFFFF, s0;
	v32 =	vor.u32 $0x1, v28  }
0x2c0: {  	_ =	sdelay $0x2  }
0x2c1: {  	v31 =	vadd.f32 v31, v34  }
0x2c2: {  	v33 =	vld.idx.msk [tilespmem:v33+s25+$0x0], $0xffff  }
0x2c3: {  	v57 =	vor.u32 $0x2, v28;
	v29 =	vadd.f32 v29, v31  }
0x2c4: {  	v31 =	vld.idx.msk [tilespmem:v28+s25+$0x0], $0xffff  }
0x2c5: {  	v35 =	vor.u32 $0x3, v28;
	v29 =	vadd.f32 v30, v29  }
0x2c6: {  	v30 =	vld.idx.msk [tilespmem:v32+s25+$0x0], $0xffff  }
0x2c7: {  	v58 =	vor.u32 $0x4, v28;
	v29 =	vadd.f32 v33, v29  }
0x2c8: {  	v59 =	vld.idx.msk [tilespmem:v57+s25+$0x0], $0xffff  }
0x2c9: {  	v60 =	vor.u32 $0x5, v28;
	v29 =	vadd.f32 v31, v29  }
0x2ca: {  	v31 =	vld.idx.msk [tilespmem:v35+s25+$0x0], $0xffff  }
0x2cb: {  	v61 =	vor.u32 $0x6, v28;
	v29 =	vadd.f32 v30, v29  }
0x2cc: {  	v30 =	vld.idx.msk [tilespmem:v58+s25+$0x0], $0xffff  }
0x2cd: {  	v28 =	vor.u32 $0x7, v28;
	v29 =	vadd.f32 v59, v29  }
0x2ce: {  	v62 =	vld.idx.msk [tilespmem:v60+s25+$0x0], $0xffff  }
0x2cf: {  	v29 =	vadd.f32 v31, v29  }
0x2d0: {  	v31 =	vld.idx.msk [tilespmem:v61+s25+$0x0], $0xffff  }
0x2d1: {  	v29 =	vadd.f32 v30, v29  }
0x2d2: {  	v28 =	vld.idx.msk [tilespmem:v28+s25+$0x0], $0xffff  }
0x2d3: {  	v29 =	vadd.f32 v62, v29;
	_ =	sdelay $0x1  }
0x2d4: {  	v29 =	vadd.f32 v31, v29;
	_ =	sdelay $0x1  }
0x2d5: {  	v28 =	vadd.f32 v28, v29;
	_ =	sdelay $0x1  }
0x2d6: {  	[tilespmem:$0x1C0E8] =	vst v28  }
0x2d7: {  	v28 =	vld.idx.msk [tilespmem:v1+s25+$0x0], $0xffff;
	_ =	sdelay $0x1  }
0x2d8: {  	v29 =	vld.idx.msk [tilespmem:v10+s25+$0x0], $0xffff;
	_ =	sdelay $0x1  }
0x2d9: {  	v30 =	vimm.f32 $0.0e+00;
	v63 =	vld.idx.msk [tilespmem:v11+s25+$0x0], $0xffff  }
0x2da: {  	v28 =	vadd.f32 v28, v30  }
0x2db: {  	v30 =	vld.idx.msk [tilespmem:v12+s25+$0x0], $0xffff  }
0x2dc: {  	v28 =	vadd.f32 v29, v28  }
0x2dd: {  	v33 =	vor.u32 $0x7, v1;
	v31 =	vld.idx.msk [tilespmem:v14+s25+$0x0], $0xffff  }
0x2de: {  	v32 =	vadd.f32 v63, v28  }
0x2df: {  	v29 =	vld.idx.msk [tilespmem:v15+s25+$0x0], $0xffff  }
0x2e0: {  	v28 =	vadd.s32 $0x8, v1;
	v34 =	vadd.f32 v30, v32  }
0x2e1: {  	s0 =	simm.s32 $0x17;
	v30 =	vld.idx.msk [tilespmem:v13+s25+$0x0], $0xffff;
	v32 =	vor.u32 $0x1, v28  }
.LBB2_28:
0x2e2: {  	p1 =	sne.s32 s0, $0x1;
	v31 =	vadd.f32 v31, v34;
	v33 =	vld.idx.msk [tilespmem:v33+s25+$0x0], $0xffff  }
0x2e3: {  	v34 =	vor.u32 $0x2, v28  }
0x2e4: {  	v35 =	vld.idx.msk [tilespmem:v28+s25+$0x0], $0xffff;
	v29 =	vadd.f32 v29, v31  }
0x2e5: {  	v31 =	vor.u32 $0x3, v28  }
0x2e6: {  	v32 =	vld.idx.msk [tilespmem:v32+s25+$0x0], $0xffff;
	v29 =	vadd.f32 v30, v29  }
0x2e7: {  	v30 =	vor.u32 $0x4, v28  }
0x2e8: {  	v34 =	vld.idx.msk [tilespmem:v34+s25+$0x0], $0xffff;
	v29 =	vadd.f32 v33, v29  }
0x2e9: {  	v36 =	vor.u32 $0x5, v28  }
0x2ea: {  	v29 =	vadd.f32 v35, v29;
	v35 =	vld.idx.msk [tilespmem:v31+s25+$0x0], $0xffff  }
0x2eb: {  	v37 =	vor.u32 $0x6, v28  }
0x2ec: {  	v29 =	vadd.f32 v32, v29;
	v31 =	vld.idx.msk [tilespmem:v30+s25+$0x0], $0xffff  }
.Ltmp13:
0x2ed: {  	v33 =	vor.u32 $0x7, v28;
	(pc) =	sbr.rel @p1 .LBB2_28-.Ltmp13, $4  }
0x2ee: {  	v30 =	vadd.f32 v34, v29;
	v29 =	vld.idx.msk [tilespmem:v36+s25+$0x0], $0xffff  }
0x2ef: {  	v28 =	vadd.s32 $0x8, v28  }
0x2f0: {  	v34 =	vadd.f32 v35, v30;
	v30 =	vld.idx.msk [tilespmem:v37+s25+$0x0], $0xffff  }
0x2f1: {  	s0 =	sadd.s32 $0xFFFFFFFF, s0;
	v32 =	vor.u32 $0x1, v28  }
0x2f2: {  	_ =	sdelay $0x2  }
0x2f3: {  	v31 =	vadd.f32 v31, v34  }
0x2f4: {  	v33 =	vld.idx.msk [tilespmem:v33+s25+$0x0], $0xffff  }
0x2f5: {  	v57 =	vor.u32 $0x2, v28;
	v29 =	vadd.f32 v29, v31  }
0x2f6: {  	v31 =	vld.idx.msk [tilespmem:v28+s25+$0x0], $0xffff  }
0x2f7: {  	v35 =	vor.u32 $0x3, v28;
	v29 =	vadd.f32 v30, v29  }
0x2f8: {  	v30 =	vld.idx.msk [tilespmem:v32+s25+$0x0], $0xffff  }
0x2f9: {  	v58 =	vor.u32 $0x4, v28;
	v29 =	vadd.f32 v33, v29  }
0x2fa: {  	v59 =	vld.idx.msk [tilespmem:v57+s25+$0x0], $0xffff  }
0x2fb: {  	v60 =	vor.u32 $0x5, v28;
	v29 =	vadd.f32 v31, v29  }
0x2fc: {  	v31 =	vld.idx.msk [tilespmem:v35+s25+$0x0], $0xffff  }
0x2fd: {  	v61 =	vor.u32 $0x6, v28;
	v29 =	vadd.f32 v30, v29  }
0x2fe: {  	v30 =	vld.idx.msk [tilespmem:v58+s25+$0x0], $0xffff  }
0x2ff: {  	v28 =	vor.u32 $0x7, v28;
	v29 =	vadd.f32 v59, v29  }
0x300: {  	v62 =	vld.idx.msk [tilespmem:v60+s25+$0x0], $0xffff  }
0x301: {  	v29 =	vadd.f32 v31, v29  }
0x302: {  	v31 =	vld.idx.msk [tilespmem:v61+s25+$0x0], $0xffff  }
0x303: {  	v29 =	vadd.f32 v30, v29  }
0x304: {  	v28 =	vld.idx.msk [tilespmem:v28+s25+$0x0], $0xffff  }
0x305: {  	v29 =	vadd.f32 v62, v29;
	_ =	sdelay $0x1  }
0x306: {  	v29 =	vadd.f32 v31, v29;
	_ =	sdelay $0x1  }
0x307: {  	v28 =	vadd.f32 v28, v29;
	_ =	sdelay $0x1  }
0x308: {  	[tilespmem:$0x1C0F8] =	vst v28  }
0x309: {  	v28 =	vld.idx.msk [tilespmem:v2+s25+$0x0], $0xffff;
	_ =	sdelay $0x1  }
0x30a: {  	v29 =	vld.idx.msk [tilespmem:v16+s25+$0x0], $0xffff;
	_ =	sdelay $0x1  }
0x30b: {  	v30 =	vimm.f32 $0.0e+00;
	v63 =	vld.idx.msk [tilespmem:v17+s25+$0x0], $0xffff  }
0x30c: {  	v28 =	vadd.f32 v28, v30  }
0x30d: {  	v30 =	vld.idx.msk [tilespmem:v18+s25+$0x0], $0xffff  }
0x30e: {  	v28 =	vadd.f32 v29, v28  }
0x30f: {  	v33 =	vor.u32 $0x7, v2;
	v31 =	vld.idx.msk [tilespmem:v20+s25+$0x0], $0xffff  }
0x310: {  	v32 =	vadd.f32 v63, v28  }
0x311: {  	v29 =	vld.idx.msk [tilespmem:v21+s25+$0x0], $0xffff  }
0x312: {  	v28 =	vadd.s32 $0x8, v2;
	v34 =	vadd.f32 v30, v32  }
0x313: {  	s0 =	simm.s32 $0x17;
	v30 =	vld.idx.msk [tilespmem:v19+s25+$0x0], $0xffff;
	v32 =	vor.u32 $0x1, v28  }
.LBB2_30:
0x314: {  	p1 =	sne.s32 s0, $0x1;
	v31 =	vadd.f32 v31, v34;
	v33 =	vld.idx.msk [tilespmem:v33+s25+$0x0], $0xffff  }
0x315: {  	v34 =	vor.u32 $0x2, v28  }
0x316: {  	v35 =	vld.idx.msk [tilespmem:v28+s25+$0x0], $0xffff;
	v29 =	vadd.f32 v29, v31  }
0x317: {  	v31 =	vor.u32 $0x3, v28  }
0x318: {  	v32 =	vld.idx.msk [tilespmem:v32+s25+$0x0], $0xffff;
	v29 =	vadd.f32 v30, v29  }
0x319: {  	v30 =	vor.u32 $0x4, v28  }
0x31a: {  	v34 =	vld.idx.msk [tilespmem:v34+s25+$0x0], $0xffff;
	v29 =	vadd.f32 v33, v29  }
0x31b: {  	v36 =	vor.u32 $0x5, v28  }
0x31c: {  	v29 =	vadd.f32 v35, v29;
	v35 =	vld.idx.msk [tilespmem:v31+s25+$0x0], $0xffff  }
0x31d: {  	v37 =	vor.u32 $0x6, v28  }
0x31e: {  	v29 =	vadd.f32 v32, v29;
	v31 =	vld.idx.msk [tilespmem:v30+s25+$0x0], $0xffff  }
.Ltmp14:
0x31f: {  	v33 =	vor.u32 $0x7, v28;
	(pc) =	sbr.rel @p1 .LBB2_30-.Ltmp14, $4  }
0x320: {  	v30 =	vadd.f32 v34, v29;
	v29 =	vld.idx.msk [tilespmem:v36+s25+$0x0], $0xffff  }
0x321: {  	v28 =	vadd.s32 $0x8, v28  }
0x322: {  	v34 =	vadd.f32 v35, v30;
	v30 =	vld.idx.msk [tilespmem:v37+s25+$0x0], $0xffff  }
0x323: {  	s0 =	sadd.s32 $0xFFFFFFFF, s0;
	v32 =	vor.u32 $0x1, v28  }
0x324: {  	_ =	sdelay $0x2  }
0x325: {  	v31 =	vadd.f32 v31, v34  }
0x326: {  	v33 =	vld.idx.msk [tilespmem:v33+s25+$0x0], $0xffff  }
0x327: {  	v57 =	vor.u32 $0x2, v28;
	v29 =	vadd.f32 v29, v31  }
0x328: {  	v31 =	vld.idx.msk [tilespmem:v28+s25+$0x0], $0xffff  }
0x329: {  	v35 =	vor.u32 $0x3, v28;
	v29 =	vadd.f32 v30, v29  }
0x32a: {  	v30 =	vld.idx.msk [tilespmem:v32+s25+$0x0], $0xffff  }
0x32b: {  	v58 =	vor.u32 $0x4, v28;
	v29 =	vadd.f32 v33, v29  }
0x32c: {  	v59 =	vld.idx.msk [tilespmem:v57+s25+$0x0], $0xffff  }
0x32d: {  	v60 =	vor.u32 $0x5, v28;
	v29 =	vadd.f32 v31, v29  }
0x32e: {  	v31 =	vld.idx.msk [tilespmem:v35+s25+$0x0], $0xffff  }
0x32f: {  	v61 =	vor.u32 $0x6, v28;
	v29 =	vadd.f32 v30, v29  }
0x330: {  	v30 =	vld.idx.msk [tilespmem:v58+s25+$0x0], $0xffff  }
0x331: {  	v28 =	vor.u32 $0x7, v28;
	v29 =	vadd.f32 v59, v29  }
0x332: {  	v62 =	vld.idx.msk [tilespmem:v60+s25+$0x0], $0xffff  }
0x333: {  	v29 =	vadd.f32 v31, v29  }
0x334: {  	v31 =	vld.idx.msk [tilespmem:v61+s25+$0x0], $0xffff  }
0x335: {  	v29 =	vadd.f32 v30, v29  }
0x336: {  	v28 =	vld.idx.msk [tilespmem:v28+s25+$0x0], $0xffff  }
0x337: {  	v29 =	vadd.f32 v62, v29;
	_ =	sdelay $0x1  }
0x338: {  	v29 =	vadd.f32 v31, v29;
	_ =	sdelay $0x1  }
0x339: {  	v28 =	vadd.f32 v28, v29;
	_ =	sdelay $0x1  }
0x33a: {  	[tilespmem:$0x1C108] =	vst v28  }
0x33b: {  	v28 =	vld.idx.msk [tilespmem:v3+s25+$0x0], $0xffff;
	_ =	sdelay $0x1  }
0x33c: {  	v29 =	vld.idx.msk [tilespmem:v22+s25+$0x0], $0xffff;
	_ =	sdelay $0x1  }
0x33d: {  	v30 =	vimm.f32 $0.0e+00;
	v63 =	vld.idx.msk [tilespmem:v23+s25+$0x0], $0xffff  }
0x33e: {  	v28 =	vadd.f32 v28, v30  }
0x33f: {  	v30 =	vld.idx.msk [tilespmem:v24+s25+$0x0], $0xffff  }
0x340: {  	v28 =	vadd.f32 v29, v28  }
0x341: {  	v33 =	vor.u32 $0x7, v3;
	v31 =	vld.idx.msk [tilespmem:v26+s25+$0x0], $0xffff  }
0x342: {  	v32 =	vadd.f32 v63, v28  }
0x343: {  	v29 =	vld.idx.msk [tilespmem:v27+s25+$0x0], $0xffff  }
0x344: {  	v28 =	vadd.s32 $0x8, v3;
	v34 =	vadd.f32 v30, v32  }
0x345: {  	s0 =	simm.s32 $0x17;
	v30 =	vld.idx.msk [tilespmem:v25+s25+$0x0], $0xffff;
	v32 =	vor.u32 $0x1, v28  }
.LBB2_32:
0x346: {  	p1 =	sne.s32 s0, $0x1;
	v31 =	vadd.f32 v31, v34;
	v33 =	vld.idx.msk [tilespmem:v33+s25+$0x0], $0xffff  }
0x347: {  	v34 =	vor.u32 $0x2, v28  }
0x348: {  	v35 =	vld.idx.msk [tilespmem:v28+s25+$0x0], $0xffff;
	v29 =	vadd.f32 v29, v31  }
0x349: {  	v31 =	vor.u32 $0x3, v28  }
0x34a: {  	v32 =	vld.idx.msk [tilespmem:v32+s25+$0x0], $0xffff;
	v29 =	vadd.f32 v30, v29  }
0x34b: {  	v30 =	vor.u32 $0x4, v28  }
0x34c: {  	v34 =	vld.idx.msk [tilespmem:v34+s25+$0x0], $0xffff;
	v29 =	vadd.f32 v33, v29  }
0x34d: {  	v36 =	vor.u32 $0x5, v28  }
0x34e: {  	v29 =	vadd.f32 v35, v29;
	v35 =	vld.idx.msk [tilespmem:v31+s25+$0x0], $0xffff  }
0x34f: {  	v37 =	vor.u32 $0x6, v28  }
0x350: {  	v29 =	vadd.f32 v32, v29;
	v31 =	vld.idx.msk [tilespmem:v30+s25+$0x0], $0xffff  }
.Ltmp15:
0x351: {  	v33 =	vor.u32 $0x7, v28;
	(pc) =	sbr.rel @p1 .LBB2_32-.Ltmp15, $4  }
0x352: {  	v30 =	vadd.f32 v34, v29;
	v29 =	vld.idx.msk [tilespmem:v36+s25+$0x0], $0xffff  }
0x353: {  	v28 =	vadd.s32 $0x8, v28  }
0x354: {  	v34 =	vadd.f32 v35, v30;
	v30 =	vld.idx.msk [tilespmem:v37+s25+$0x0], $0xffff  }
0x355: {  	s0 =	sadd.s32 $0xFFFFFFFF, s0;
	v32 =	vor.u32 $0x1, v28  }
0x356: {  	_ =	sdelay $0x2  }
0x357: {  	v31 =	vadd.f32 v31, v34  }
0x358: {  	v33 =	vld.idx.msk [tilespmem:v33+s25+$0x0], $0xffff  }
0x359: {  	v57 =	vor.u32 $0x2, v28;
	v29 =	vadd.f32 v29, v31  }
0x35a: {  	v31 =	vld.idx.msk [tilespmem:v28+s25+$0x0], $0xffff  }
0x35b: {  	v35 =	vor.u32 $0x3, v28;
	v29 =	vadd.f32 v30, v29  }
0x35c: {  	v30 =	vld.idx.msk [tilespmem:v32+s25+$0x0], $0xffff  }
0x35d: {  	v58 =	vor.u32 $0x4, v28;
	v29 =	vadd.f32 v33, v29  }
0x35e: {  	v59 =	vld.idx.msk [tilespmem:v57+s25+$0x0], $0xffff  }
0x35f: {  	v60 =	vor.u32 $0x5, v28;
	v29 =	vadd.f32 v31, v29  }
0x360: {  	v31 =	vld.idx.msk [tilespmem:v35+s25+$0x0], $0xffff  }
0x361: {  	v61 =	vor.u32 $0x6, v28;
	v29 =	vadd.f32 v30, v29  }
0x362: {  	v30 =	vld.idx.msk [tilespmem:v58+s25+$0x0], $0xffff  }
0x363: {  	v28 =	vor.u32 $0x7, v28;
	v29 =	vadd.f32 v59, v29  }
0x364: {  	v62 =	vld.idx.msk [tilespmem:v60+s25+$0x0], $0xffff  }
0x365: {  	v29 =	vadd.f32 v31, v29  }
0x366: {  	v31 =	vld.idx.msk [tilespmem:v61+s25+$0x0], $0xffff  }
0x367: {  	v29 =	vadd.f32 v30, v29  }
0x368: {  	v28 =	vld.idx.msk [tilespmem:v28+s25+$0x0], $0xffff  }
0x369: {  	v29 =	vadd.f32 v62, v29;
	_ =	sdelay $0x1  }
0x36a: {  	v29 =	vadd.f32 v31, v29;
	_ =	sdelay $0x1  }
0x36b: {  	v28 =	vadd.f32 v28, v29;
	_ =	sdelay $0x1  }
0x36c: {  	[tilespmem:$0x1C118] =	vst v28  }
0x36d: {  	[tilespmem:s24], [sflag:$0x4] =	stream.linear.gather [hbm4b:s11+s2], $0x3200, $0x38;
	[tilespmem:$0x1C228] =	vst v63  }
0x36e: {  	_ =	swait.ge [sflag:s18], $0x3200  }
0x36f: {  	[sflag:s18] =	ssyncset.done $0x0  }
0x370: {  	[sflag:s18] =	ssyncadd.s32 $0xFFFFCE00  }
0x371: {  	[tilespmem:s25], [sflag:$0x2] =	stream.indirect.gather [spmem:s1], $0x1, s24, s22, $0xb8;
	[tilespmem:$0x1C228] =	vst v63  }
0x372: {  	_ =	swait.ge [sflag:s26], $0x3200  }
0x373: {  	[sflag:s26] =	ssyncset.done $0x0  }
0x374: {  	[sflag:s26] =	ssyncadd.s32 $0xFFFFCE00  }
0x375: {  	v28 =	vld.idx.msk [tilespmem:v0+s23+$0x0], $0xffff;
	_ =	sdelay $0x1  }
0x376: {  	v29 =	vld.idx.msk [tilespmem:v4+s23+$0x0], $0xffff;
	_ =	sdelay $0x1  }
0x377: {  	v30 =	vimm.f32 $0.0e+00;
	v63 =	vld.idx.msk [tilespmem:v5+s23+$0x0], $0xffff  }
0x378: {  	v28 =	vadd.f32 v28, v30  }
0x379: {  	v30 =	vld.idx.msk [tilespmem:v6+s23+$0x0], $0xffff  }
0x37a: {  	v28 =	vadd.f32 v29, v28  }
0x37b: {  	v33 =	vor.u32 $0x7, v0;
	v31 =	vld.idx.msk [tilespmem:v8+s23+$0x0], $0xffff  }
0x37c: {  	v32 =	vadd.f32 v63, v28  }
0x37d: {  	v29 =	vld.idx.msk [tilespmem:v9+s23+$0x0], $0xffff  }
0x37e: {  	v28 =	vadd.s32 $0x8, v0;
	v34 =	vadd.f32 v30, v32  }
0x37f: {  	s0 =	simm.s32 $0x17;
	v30 =	vld.idx.msk [tilespmem:v7+s23+$0x0], $0xffff;
	v32 =	vor.u32 $0x1, v28  }
.LBB2_34:
0x380: {  	p1 =	sne.s32 s0, $0x1;
	v31 =	vadd.f32 v31, v34;
	v33 =	vld.idx.msk [tilespmem:v33+s23+$0x0], $0xffff  }
0x381: {  	v34 =	vor.u32 $0x2, v28  }
0x382: {  	v35 =	vld.idx.msk [tilespmem:v28+s23+$0x0], $0xffff;
	v29 =	vadd.f32 v29, v31  }
0x383: {  	v31 =	vor.u32 $0x3, v28  }
0x384: {  	v32 =	vld.idx.msk [tilespmem:v32+s23+$0x0], $0xffff;
	v29 =	vadd.f32 v30, v29  }
0x385: {  	v30 =	vor.u32 $0x4, v28  }
0x386: {  	v34 =	vld.idx.msk [tilespmem:v34+s23+$0x0], $0xffff;
	v29 =	vadd.f32 v33, v29  }
0x387: {  	v36 =	vor.u32 $0x5, v28  }
0x388: {  	v29 =	vadd.f32 v35, v29;
	v35 =	vld.idx.msk [tilespmem:v31+s23+$0x0], $0xffff  }
0x389: {  	v37 =	vor.u32 $0x6, v28  }
0x38a: {  	v29 =	vadd.f32 v32, v29;
	v31 =	vld.idx.msk [tilespmem:v30+s23+$0x0], $0xffff  }
.Ltmp16:
0x38b: {  	v33 =	vor.u32 $0x7, v28;
	(pc) =	sbr.rel @p1 .LBB2_34-.Ltmp16, $4  }
0x38c: {  	v30 =	vadd.f32 v34, v29;
	v29 =	vld.idx.msk [tilespmem:v36+s23+$0x0], $0xffff  }
0x38d: {  	v28 =	vadd.s32 $0x8, v28  }
0x38e: {  	v34 =	vadd.f32 v35, v30;
	v30 =	vld.idx.msk [tilespmem:v37+s23+$0x0], $0xffff  }
0x38f: {  	s0 =	sadd.s32 $0xFFFFFFFF, s0;
	v32 =	vor.u32 $0x1, v28  }
0x390: {  	_ =	sdelay $0x2  }
0x391: {  	v31 =	vadd.f32 v31, v34  }
0x392: {  	v33 =	vld.idx.msk [tilespmem:v33+s23+$0x0], $0xffff  }
0x393: {  	v57 =	vor.u32 $0x2, v28;
	v29 =	vadd.f32 v29, v31  }
0x394: {  	v31 =	vld.idx.msk [tilespmem:v28+s23+$0x0], $0xffff  }
0x395: {  	v35 =	vor.u32 $0x3, v28;
	v29 =	vadd.f32 v30, v29  }
0x396: {  	v30 =	vld.idx.msk [tilespmem:v32+s23+$0x0], $0xffff  }
0x397: {  	v58 =	vor.u32 $0x4, v28;
	v29 =	vadd.f32 v33, v29  }
0x398: {  	v59 =	vld.idx.msk [tilespmem:v57+s23+$0x0], $0xffff  }
0x399: {  	v60 =	vor.u32 $0x5, v28;
	v29 =	vadd.f32 v31, v29  }
0x39a: {  	v31 =	vld.idx.msk [tilespmem:v35+s23+$0x0], $0xffff  }
0x39b: {  	v61 =	vor.u32 $0x6, v28;
	v29 =	vadd.f32 v30, v29  }
0x39c: {  	v30 =	vld.idx.msk [tilespmem:v58+s23+$0x0], $0xffff  }
0x39d: {  	v28 =	vor.u32 $0x7, v28;
	v29 =	vadd.f32 v59, v29  }
0x39e: {  	v62 =	vld.idx.msk [tilespmem:v60+s23+$0x0], $0xffff  }
0x39f: {  	v29 =	vadd.f32 v31, v29  }
0x3a0: {  	v31 =	vld.idx.msk [tilespmem:v61+s23+$0x0], $0xffff  }
0x3a1: {  	v29 =	vadd.f32 v30, v29  }
0x3a2: {  	v28 =	vld.idx.msk [tilespmem:v28+s23+$0x0], $0xffff  }
0x3a3: {  	v29 =	vadd.f32 v62, v29;
	_ =	sdelay $0x1  }
0x3a4: {  	v29 =	vadd.f32 v31, v29;
	_ =	sdelay $0x1  }
0x3a5: {  	v28 =	vadd.f32 v28, v29;
	_ =	sdelay $0x1  }
0x3a6: {  	[tilespmem:$0x1C128] =	vst v28  }
0x3a7: {  	v28 =	vld.idx.msk [tilespmem:v1+s23+$0x0], $0xffff;
	_ =	sdelay $0x1  }
0x3a8: {  	v29 =	vld.idx.msk [tilespmem:v10+s23+$0x0], $0xffff;
	_ =	sdelay $0x1  }
0x3a9: {  	v30 =	vimm.f32 $0.0e+00;
	v63 =	vld.idx.msk [tilespmem:v11+s23+$0x0], $0xffff  }
0x3aa: {  	v28 =	vadd.f32 v28, v30  }
0x3ab: {  	v30 =	vld.idx.msk [tilespmem:v12+s23+$0x0], $0xffff  }
0x3ac: {  	v28 =	vadd.f32 v29, v28  }
0x3ad: {  	v33 =	vor.u32 $0x7, v1;
	v31 =	vld.idx.msk [tilespmem:v14+s23+$0x0], $0xffff  }
0x3ae: {  	v32 =	vadd.f32 v63, v28  }
0x3af: {  	v29 =	vld.idx.msk [tilespmem:v15+s23+$0x0], $0xffff  }
0x3b0: {  	v28 =	vadd.s32 $0x8, v1;
	v34 =	vadd.f32 v30, v32  }
0x3b1: {  	s0 =	simm.s32 $0x17;
	v30 =	vld.idx.msk [tilespmem:v13+s23+$0x0], $0xffff;
	v32 =	vor.u32 $0x1, v28  }
.LBB2_36:
0x3b2: {  	p1 =	sne.s32 s0, $0x1;
	v31 =	vadd.f32 v31, v34;
	v33 =	vld.idx.msk [tilespmem:v33+s23+$0x0], $0xffff  }
0x3b3: {  	v34 =	vor.u32 $0x2, v28  }
0x3b4: {  	v35 =	vld.idx.msk [tilespmem:v28+s23+$0x0], $0xffff;
	v29 =	vadd.f32 v29, v31  }
0x3b5: {  	v31 =	vor.u32 $0x3, v28  }
0x3b6: {  	v32 =	vld.idx.msk [tilespmem:v32+s23+$0x0], $0xffff;
	v29 =	vadd.f32 v30, v29  }
0x3b7: {  	v30 =	vor.u32 $0x4, v28  }
0x3b8: {  	v34 =	vld.idx.msk [tilespmem:v34+s23+$0x0], $0xffff;
	v29 =	vadd.f32 v33, v29  }
0x3b9: {  	v36 =	vor.u32 $0x5, v28  }
0x3ba: {  	v29 =	vadd.f32 v35, v29;
	v35 =	vld.idx.msk [tilespmem:v31+s23+$0x0], $0xffff  }
0x3bb: {  	v37 =	vor.u32 $0x6, v28  }
0x3bc: {  	v29 =	vadd.f32 v32, v29;
	v31 =	vld.idx.msk [tilespmem:v30+s23+$0x0], $0xffff  }
.Ltmp17:
0x3bd: {  	v33 =	vor.u32 $0x7, v28;
	(pc) =	sbr.rel @p1 .LBB2_36-.Ltmp17, $4  }
0x3be: {  	v30 =	vadd.f32 v34, v29;
	v29 =	vld.idx.msk [tilespmem:v36+s23+$0x0], $0xffff  }
0x3bf: {  	v28 =	vadd.s32 $0x8, v28  }
0x3c0: {  	v34 =	vadd.f32 v35, v30;
	v30 =	vld.idx.msk [tilespmem:v37+s23+$0x0], $0xffff  }
0x3c1: {  	s0 =	sadd.s32 $0xFFFFFFFF, s0;
	v32 =	vor.u32 $0x1, v28  }
0x3c2: {  	_ =	sdelay $0x2  }
0x3c3: {  	v31 =	vadd.f32 v31, v34  }
0x3c4: {  	v33 =	vld.idx.msk [tilespmem:v33+s23+$0x0], $0xffff  }
0x3c5: {  	v57 =	vor.u32 $0x2, v28;
	v29 =	vadd.f32 v29, v31  }
0x3c6: {  	v31 =	vld.idx.msk [tilespmem:v28+s23+$0x0], $0xffff  }
0x3c7: {  	v35 =	vor.u32 $0x3, v28;
	v29 =	vadd.f32 v30, v29  }
0x3c8: {  	v30 =	vld.idx.msk [tilespmem:v32+s23+$0x0], $0xffff  }
0x3c9: {  	v58 =	vor.u32 $0x4, v28;
	v29 =	vadd.f32 v33, v29  }
0x3ca: {  	v59 =	vld.idx.msk [tilespmem:v57+s23+$0x0], $0xffff  }
0x3cb: {  	v60 =	vor.u32 $0x5, v28;
	v29 =	vadd.f32 v31, v29  }
0x3cc: {  	v31 =	vld.idx.msk [tilespmem:v35+s23+$0x0], $0xffff  }
0x3cd: {  	v61 =	vor.u32 $0x6, v28;
	v29 =	vadd.f32 v30, v29  }
0x3ce: {  	v30 =	vld.idx.msk [tilespmem:v58+s23+$0x0], $0xffff  }
0x3cf: {  	v28 =	vor.u32 $0x7, v28;
	v29 =	vadd.f32 v59, v29  }
0x3d0: {  	v62 =	vld.idx.msk [tilespmem:v60+s23+$0x0], $0xffff  }
0x3d1: {  	v29 =	vadd.f32 v31, v29  }
0x3d2: {  	v31 =	vld.idx.msk [tilespmem:v61+s23+$0x0], $0xffff  }
0x3d3: {  	v29 =	vadd.f32 v30, v29  }
0x3d4: {  	v28 =	vld.idx.msk [tilespmem:v28+s23+$0x0], $0xffff  }
0x3d5: {  	v29 =	vadd.f32 v62, v29;
	_ =	sdelay $0x1  }
0x3d6: {  	v29 =	vadd.f32 v31, v29;
	_ =	sdelay $0x1  }
0x3d7: {  	v28 =	vadd.f32 v28, v29;
	_ =	sdelay $0x1  }
0x3d8: {  	[tilespmem:$0x1C138] =	vst v28  }
0x3d9: {  	v28 =	vld.idx.msk [tilespmem:v2+s23+$0x0], $0xffff;
	_ =	sdelay $0x1  }
0x3da: {  	v29 =	vld.idx.msk [tilespmem:v16+s23+$0x0], $0xffff;
	_ =	sdelay $0x1  }
0x3db: {  	v30 =	vimm.f32 $0.0e+00;
	v63 =	vld.idx.msk [tilespmem:v17+s23+$0x0], $0xffff  }
0x3dc: {  	v28 =	vadd.f32 v28, v30  }
0x3dd: {  	v30 =	vld.idx.msk [tilespmem:v18+s23+$0x0], $0xffff  }
0x3de: {  	v28 =	vadd.f32 v29, v28  }
0x3df: {  	v33 =	vor.u32 $0x7, v2;
	v31 =	vld.idx.msk [tilespmem:v20+s23+$0x0], $0xffff  }
0x3e0: {  	v32 =	vadd.f32 v63, v28  }
0x3e1: {  	v29 =	vld.idx.msk [tilespmem:v21+s23+$0x0], $0xffff  }
0x3e2: {  	v28 =	vadd.s32 $0x8, v2;
	v34 =	vadd.f32 v30, v32  }
0x3e3: {  	s0 =	simm.s32 $0x17;
	v30 =	vld.idx.msk [tilespmem:v19+s23+$0x0], $0xffff;
	v32 =	vor.u32 $0x1, v28  }
.LBB2_38:
0x3e4: {  	p1 =	sne.s32 s0, $0x1;
	v31 =	vadd.f32 v31, v34;
	v33 =	vld.idx.msk [tilespmem:v33+s23+$0x0], $0xffff  }
0x3e5: {  	v34 =	vor.u32 $0x2, v28  }
0x3e6: {  	v35 =	vld.idx.msk [tilespmem:v28+s23+$0x0], $0xffff;
	v29 =	vadd.f32 v29, v31  }
0x3e7: {  	v31 =	vor.u32 $0x3, v28  }
0x3e8: {  	v32 =	vld.idx.msk [tilespmem:v32+s23+$0x0], $0xffff;
	v29 =	vadd.f32 v30, v29  }
0x3e9: {  	v30 =	vor.u32 $0x4, v28  }
0x3ea: {  	v34 =	vld.idx.msk [tilespmem:v34+s23+$0x0], $0xffff;
	v29 =	vadd.f32 v33, v29  }
0x3eb: {  	v36 =	vor.u32 $0x5, v28  }
0x3ec: {  	v29 =	vadd.f32 v35, v29;
	v35 =	vld.idx.msk [tilespmem:v31+s23+$0x0], $0xffff  }
0x3ed: {  	v37 =	vor.u32 $0x6, v28  }
0x3ee: {  	v29 =	vadd.f32 v32, v29;
	v31 =	vld.idx.msk [tilespmem:v30+s23+$0x0], $0xffff  }
.Ltmp18:
0x3ef: {  	v33 =	vor.u32 $0x7, v28;
	(pc) =	sbr.rel @p1 .LBB2_38-.Ltmp18, $4  }
0x3f0: {  	v30 =	vadd.f32 v34, v29;
	v29 =	vld.idx.msk [tilespmem:v36+s23+$0x0], $0xffff  }
0x3f1: {  	v28 =	vadd.s32 $0x8, v28  }
0x3f2: {  	v34 =	vadd.f32 v35, v30;
	v30 =	vld.idx.msk [tilespmem:v37+s23+$0x0], $0xffff  }
0x3f3: {  	s0 =	sadd.s32 $0xFFFFFFFF, s0;
	v32 =	vor.u32 $0x1, v28  }
0x3f4: {  	_ =	sdelay $0x2  }
0x3f5: {  	v31 =	vadd.f32 v31, v34  }
0x3f6: {  	v33 =	vld.idx.msk [tilespmem:v33+s23+$0x0], $0xffff  }
0x3f7: {  	v57 =	vor.u32 $0x2, v28;
	v29 =	vadd.f32 v29, v31  }
0x3f8: {  	v31 =	vld.idx.msk [tilespmem:v28+s23+$0x0], $0xffff  }
0x3f9: {  	v35 =	vor.u32 $0x3, v28;
	v29 =	vadd.f32 v30, v29  }
0x3fa: {  	v30 =	vld.idx.msk [tilespmem:v32+s23+$0x0], $0xffff  }
0x3fb: {  	v58 =	vor.u32 $0x4, v28;
	v29 =	vadd.f32 v33, v29  }
0x3fc: {  	v59 =	vld.idx.msk [tilespmem:v57+s23+$0x0], $0xffff  }
0x3fd: {  	v60 =	vor.u32 $0x5, v28;
	v29 =	vadd.f32 v31, v29  }
0x3fe: {  	v31 =	vld.idx.msk [tilespmem:v35+s23+$0x0], $0xffff  }
0x3ff: {  	v61 =	vor.u32 $0x6, v28;
	v29 =	vadd.f32 v30, v29  }
0x400: {  	v30 =	vld.idx.msk [tilespmem:v58+s23+$0x0], $0xffff  }
0x401: {  	v28 =	vor.u32 $0x7, v28;
	v29 =	vadd.f32 v59, v29  }
0x402: {  	v62 =	vld.idx.msk [tilespmem:v60+s23+$0x0], $0xffff  }
0x403: {  	v29 =	vadd.f32 v31, v29  }
0x404: {  	v31 =	vld.idx.msk [tilespmem:v61+s23+$0x0], $0xffff  }
0x405: {  	v29 =	vadd.f32 v30, v29  }
0x406: {  	v28 =	vld.idx.msk [tilespmem:v28+s23+$0x0], $0xffff  }
0x407: {  	v29 =	vadd.f32 v62, v29;
	_ =	sdelay $0x1  }
0x408: {  	v29 =	vadd.f32 v31, v29;
	_ =	sdelay $0x1  }
0x409: {  	v28 =	vadd.f32 v28, v29;
	_ =	sdelay $0x1  }
0x40a: {  	[tilespmem:$0x1C148] =	vst v28  }
0x40b: {  	v28 =	vld.idx.msk [tilespmem:v3+s23+$0x0], $0xffff;
	_ =	sdelay $0x1  }
0x40c: {  	v29 =	vld.idx.msk [tilespmem:v22+s23+$0x0], $0xffff;
	_ =	sdelay $0x1  }
0x40d: {  	v30 =	vimm.f32 $0.0e+00;
	v63 =	vld.idx.msk [tilespmem:v23+s23+$0x0], $0xffff  }
0x40e: {  	v28 =	vadd.f32 v28, v30  }
0x40f: {  	v30 =	vld.idx.msk [tilespmem:v24+s23+$0x0], $0xffff  }
0x410: {  	v28 =	vadd.f32 v29, v28  }
0x411: {  	v33 =	vor.u32 $0x7, v3;
	v31 =	vld.idx.msk [tilespmem:v26+s23+$0x0], $0xffff  }
0x412: {  	v32 =	vadd.f32 v63, v28  }
0x413: {  	v29 =	vld.idx.msk [tilespmem:v27+s23+$0x0], $0xffff  }
0x414: {  	v28 =	vadd.s32 $0x8, v3;
	v34 =	vadd.f32 v30, v32  }
0x415: {  	s0 =	simm.s32 $0x17;
	v30 =	vld.idx.msk [tilespmem:v25+s23+$0x0], $0xffff;
	v32 =	vor.u32 $0x1, v28  }
.LBB2_40:
0x416: {  	p1 =	sne.s32 s0, $0x1;
	v31 =	vadd.f32 v31, v34;
	v33 =	vld.idx.msk [tilespmem:v33+s23+$0x0], $0xffff  }
0x417: {  	v34 =	vor.u32 $0x2, v28  }
0x418: {  	v35 =	vld.idx.msk [tilespmem:v28+s23+$0x0], $0xffff;
	v29 =	vadd.f32 v29, v31  }
0x419: {  	v31 =	vor.u32 $0x3, v28  }
0x41a: {  	v32 =	vld.idx.msk [tilespmem:v32+s23+$0x0], $0xffff;
	v29 =	vadd.f32 v30, v29  }
0x41b: {  	v30 =	vor.u32 $0x4, v28  }
0x41c: {  	v34 =	vld.idx.msk [tilespmem:v34+s23+$0x0], $0xffff;
	v29 =	vadd.f32 v33, v29  }
0x41d: {  	v36 =	vor.u32 $0x5, v28  }
0x41e: {  	v29 =	vadd.f32 v35, v29;
	v35 =	vld.idx.msk [tilespmem:v31+s23+$0x0], $0xffff  }
0x41f: {  	v37 =	vor.u32 $0x6, v28  }
0x420: {  	v29 =	vadd.f32 v32, v29;
	v31 =	vld.idx.msk [tilespmem:v30+s23+$0x0], $0xffff  }
.Ltmp19:
0x421: {  	v33 =	vor.u32 $0x7, v28;
	(pc) =	sbr.rel @p1 .LBB2_40-.Ltmp19, $4  }
0x422: {  	v30 =	vadd.f32 v34, v29;
	v29 =	vld.idx.msk [tilespmem:v36+s23+$0x0], $0xffff  }
0x423: {  	v28 =	vadd.s32 $0x8, v28  }
0x424: {  	v34 =	vadd.f32 v35, v30;
	v30 =	vld.idx.msk [tilespmem:v37+s23+$0x0], $0xffff  }
0x425: {  	s0 =	sadd.s32 $0xFFFFFFFF, s0;
	v32 =	vor.u32 $0x1, v28  }
0x426: {  	_ =	sdelay $0x2  }
0x427: {  	v31 =	vadd.f32 v31, v34  }
0x428: {  	v33 =	vld.idx.msk [tilespmem:v33+s23+$0x0], $0xffff  }
0x429: {  	v57 =	vor.u32 $0x2, v28;
	v29 =	vadd.f32 v29, v31  }
0x42a: {  	v31 =	vld.idx.msk [tilespmem:v28+s23+$0x0], $0xffff  }
0x42b: {  	v35 =	vor.u32 $0x3, v28;
	v29 =	vadd.f32 v30, v29  }
0x42c: {  	v30 =	vld.idx.msk [tilespmem:v32+s23+$0x0], $0xffff  }
0x42d: {  	v58 =	vor.u32 $0x4, v28;
	v29 =	vadd.f32 v33, v29  }
0x42e: {  	v59 =	vld.idx.msk [tilespmem:v57+s23+$0x0], $0xffff  }
0x42f: {  	v60 =	vor.u32 $0x5, v28;
	v29 =	vadd.f32 v31, v29  }
0x430: {  	v31 =	vld.idx.msk [tilespmem:v35+s23+$0x0], $0xffff  }
0x431: {  	v61 =	vor.u32 $0x6, v28;
	v29 =	vadd.f32 v30, v29  }
0x432: {  	v30 =	vld.idx.msk [tilespmem:v58+s23+$0x0], $0xffff  }
0x433: {  	v28 =	vor.u32 $0x7, v28;
	v29 =	vadd.f32 v59, v29  }
0x434: {  	v62 =	vld.idx.msk [tilespmem:v60+s23+$0x0], $0xffff  }
0x435: {  	v29 =	vadd.f32 v31, v29  }
0x436: {  	v31 =	vld.idx.msk [tilespmem:v61+s23+$0x0], $0xffff  }
0x437: {  	v29 =	vadd.f32 v30, v29  }
0x438: {  	v28 =	vld.idx.msk [tilespmem:v28+s23+$0x0], $0xffff  }
0x439: {  	v29 =	vadd.f32 v62, v29;
	_ =	sdelay $0x1  }
0x43a: {  	v29 =	vadd.f32 v31, v29;
	_ =	sdelay $0x1  }
0x43b: {  	v28 =	vadd.f32 v28, v29;
	_ =	sdelay $0x1  }
0x43c: {  	[tilespmem:$0x1C158] =	vst v28  }
0x43d: {  	[tilespmem:s21], [sflag:$0x4] =	stream.linear.gather [hbm4b:s12+s2], $0x3200, $0x38;
	[tilespmem:$0x1C228] =	vst v63  }
0x43e: {  	_ =	swait.ge [sflag:s18], $0x3200  }
0x43f: {  	[sflag:s18] =	ssyncset.done $0x0  }
0x440: {  	[sflag:s18] =	ssyncadd.s32 $0xFFFFCE00  }
0x441: {  	[tilespmem:s23], [sflag:$0x1] =	stream.indirect.gather [spmem:s1], $0x1, s21, s22, $0xb8;
	[tilespmem:$0x1C228] =	vst v63  }
0x442: {  	_ =	swait.ge [sflag:s28], $0x3200  }
0x443: {  	[sflag:s28] =	ssyncset.done $0x0  }
0x444: {  	[sflag:s28] =	ssyncadd.s32 $0xFFFFCE00  }
0x445: {  	v28 =	vld.idx.msk [tilespmem:v0+s25+$0x0], $0xffff;
	_ =	sdelay $0x1  }
0x446: {  	v29 =	vld.idx.msk [tilespmem:v4+s25+$0x0], $0xffff;
	_ =	sdelay $0x1  }
0x447: {  	v30 =	vimm.f32 $0.0e+00;
	v63 =	vld.idx.msk [tilespmem:v5+s25+$0x0], $0xffff  }
0x448: {  	v28 =	vadd.f32 v28, v30  }
0x449: {  	v30 =	vld.idx.msk [tilespmem:v6+s25+$0x0], $0xffff  }
0x44a: {  	v28 =	vadd.f32 v29, v28  }
0x44b: {  	v33 =	vor.u32 $0x7, v0;
	v31 =	vld.idx.msk [tilespmem:v8+s25+$0x0], $0xffff  }
0x44c: {  	v32 =	vadd.f32 v63, v28  }
0x44d: {  	v29 =	vld.idx.msk [tilespmem:v9+s25+$0x0], $0xffff  }
0x44e: {  	v28 =	vadd.s32 $0x8, v0;
	v34 =	vadd.f32 v30, v32  }
0x44f: {  	s0 =	simm.s32 $0x17;
	v30 =	vld.idx.msk [tilespmem:v7+s25+$0x0], $0xffff;
	v32 =	vor.u32 $0x1, v28  }
.LBB2_42:
0x450: {  	p1 =	sne.s32 s0, $0x1;
	v31 =	vadd.f32 v31, v34;
	v33 =	vld.idx.msk [tilespmem:v33+s25+$0x0], $0xffff  }
0x451: {  	v34 =	vor.u32 $0x2, v28  }
0x452: {  	v35 =	vld.idx.msk [tilespmem:v28+s25+$0x0], $0xffff;
	v29 =	vadd.f32 v29, v31  }
0x453: {  	v31 =	vor.u32 $0x3, v28  }
0x454: {  	v32 =	vld.idx.msk [tilespmem:v32+s25+$0x0], $0xffff;
	v29 =	vadd.f32 v30, v29  }
0x455: {  	v30 =	vor.u32 $0x4, v28  }
0x456: {  	v34 =	vld.idx.msk [tilespmem:v34+s25+$0x0], $0xffff;
	v29 =	vadd.f32 v33, v29  }
0x457: {  	v36 =	vor.u32 $0x5, v28  }
0x458: {  	v29 =	vadd.f32 v35, v29;
	v35 =	vld.idx.msk [tilespmem:v31+s25+$0x0], $0xffff  }
0x459: {  	v37 =	vor.u32 $0x6, v28  }
0x45a: {  	v29 =	vadd.f32 v32, v29;
	v31 =	vld.idx.msk [tilespmem:v30+s25+$0x0], $0xffff  }
.Ltmp20:
0x45b: {  	v33 =	vor.u32 $0x7, v28;
	(pc) =	sbr.rel @p1 .LBB2_42-.Ltmp20, $4  }
0x45c: {  	v30 =	vadd.f32 v34, v29;
	v29 =	vld.idx.msk [tilespmem:v36+s25+$0x0], $0xffff  }
0x45d: {  	v28 =	vadd.s32 $0x8, v28  }
0x45e: {  	v34 =	vadd.f32 v35, v30;
	v30 =	vld.idx.msk [tilespmem:v37+s25+$0x0], $0xffff  }
0x45f: {  	s0 =	sadd.s32 $0xFFFFFFFF, s0;
	v32 =	vor.u32 $0x1, v28  }
0x460: {  	_ =	sdelay $0x2  }
0x461: {  	v31 =	vadd.f32 v31, v34  }
0x462: {  	v33 =	vld.idx.msk [tilespmem:v33+s25+$0x0], $0xffff  }
0x463: {  	v57 =	vor.u32 $0x2, v28;
	v29 =	vadd.f32 v29, v31  }
0x464: {  	v31 =	vld.idx.msk [tilespmem:v28+s25+$0x0], $0xffff  }
0x465: {  	v35 =	vor.u32 $0x3, v28;
	v29 =	vadd.f32 v30, v29  }
0x466: {  	v30 =	vld.idx.msk [tilespmem:v32+s25+$0x0], $0xffff  }
0x467: {  	v58 =	vor.u32 $0x4, v28;
	v29 =	vadd.f32 v33, v29  }
0x468: {  	v59 =	vld.idx.msk [tilespmem:v57+s25+$0x0], $0xffff  }
0x469: {  	v60 =	vor.u32 $0x5, v28;
	v29 =	vadd.f32 v31, v29  }
0x46a: {  	v31 =	vld.idx.msk [tilespmem:v35+s25+$0x0], $0xffff  }
0x46b: {  	v61 =	vor.u32 $0x6, v28;
	v29 =	vadd.f32 v30, v29  }
0x46c: {  	v30 =	vld.idx.msk [tilespmem:v58+s25+$0x0], $0xffff  }
0x46d: {  	v28 =	vor.u32 $0x7, v28;
	v29 =	vadd.f32 v59, v29  }
0x46e: {  	v62 =	vld.idx.msk [tilespmem:v60+s25+$0x0], $0xffff  }
0x46f: {  	v29 =	vadd.f32 v31, v29  }
0x470: {  	v31 =	vld.idx.msk [tilespmem:v61+s25+$0x0], $0xffff  }
0x471: {  	v29 =	vadd.f32 v30, v29  }
0x472: {  	v28 =	vld.idx.msk [tilespmem:v28+s25+$0x0], $0xffff  }
0x473: {  	v29 =	vadd.f32 v62, v29;
	_ =	sdelay $0x1  }
0x474: {  	v29 =	vadd.f32 v31, v29;
	_ =	sdelay $0x1  }
0x475: {  	v28 =	vadd.f32 v28, v29;
	_ =	sdelay $0x1  }
0x476: {  	[tilespmem:$0x1C168] =	vst v28  }
0x477: {  	v28 =	vld.idx.msk [tilespmem:v1+s25+$0x0], $0xffff;
	_ =	sdelay $0x1  }
0x478: {  	v29 =	vld.idx.msk [tilespmem:v10+s25+$0x0], $0xffff;
	_ =	sdelay $0x1  }
0x479: {  	v30 =	vimm.f32 $0.0e+00;
	v63 =	vld.idx.msk [tilespmem:v11+s25+$0x0], $0xffff  }
0x47a: {  	v28 =	vadd.f32 v28, v30  }
0x47b: {  	v30 =	vld.idx.msk [tilespmem:v12+s25+$0x0], $0xffff  }
0x47c: {  	v28 =	vadd.f32 v29, v28  }
0x47d: {  	v33 =	vor.u32 $0x7, v1;
	v31 =	vld.idx.msk [tilespmem:v14+s25+$0x0], $0xffff  }
0x47e: {  	v32 =	vadd.f32 v63, v28  }
0x47f: {  	v29 =	vld.idx.msk [tilespmem:v15+s25+$0x0], $0xffff  }
0x480: {  	v28 =	vadd.s32 $0x8, v1;
	v34 =	vadd.f32 v30, v32  }
0x481: {  	s0 =	simm.s32 $0x17;
	v30 =	vld.idx.msk [tilespmem:v13+s25+$0x0], $0xffff;
	v32 =	vor.u32 $0x1, v28  }
.LBB2_44:
0x482: {  	p1 =	sne.s32 s0, $0x1;
	v31 =	vadd.f32 v31, v34;
	v33 =	vld.idx.msk [tilespmem:v33+s25+$0x0], $0xffff  }
0x483: {  	v34 =	vor.u32 $0x2, v28  }
0x484: {  	v35 =	vld.idx.msk [tilespmem:v28+s25+$0x0], $0xffff;
	v29 =	vadd.f32 v29, v31  }
0x485: {  	v31 =	vor.u32 $0x3, v28  }
0x486: {  	v32 =	vld.idx.msk [tilespmem:v32+s25+$0x0], $0xffff;
	v29 =	vadd.f32 v30, v29  }
0x487: {  	v30 =	vor.u32 $0x4, v28  }
0x488: {  	v34 =	vld.idx.msk [tilespmem:v34+s25+$0x0], $0xffff;
	v29 =	vadd.f32 v33, v29  }
0x489: {  	v36 =	vor.u32 $0x5, v28  }
0x48a: {  	v29 =	vadd.f32 v35, v29;
	v35 =	vld.idx.msk [tilespmem:v31+s25+$0x0], $0xffff  }
0x48b: {  	v37 =	vor.u32 $0x6, v28  }
0x48c: {  	v29 =	vadd.f32 v32, v29;
	v31 =	vld.idx.msk [tilespmem:v30+s25+$0x0], $0xffff  }
.Ltmp21:
0x48d: {  	v33 =	vor.u32 $0x7, v28;
	(pc) =	sbr.rel @p1 .LBB2_44-.Ltmp21, $4  }
0x48e: {  	v30 =	vadd.f32 v34, v29;
	v29 =	vld.idx.msk [tilespmem:v36+s25+$0x0], $0xffff  }
0x48f: {  	v28 =	vadd.s32 $0x8, v28  }
0x490: {  	v34 =	vadd.f32 v35, v30;
	v30 =	vld.idx.msk [tilespmem:v37+s25+$0x0], $0xffff  }
0x491: {  	s0 =	sadd.s32 $0xFFFFFFFF, s0;
	v32 =	vor.u32 $0x1, v28  }
0x492: {  	_ =	sdelay $0x2  }
0x493: {  	v31 =	vadd.f32 v31, v34  }
0x494: {  	v33 =	vld.idx.msk [tilespmem:v33+s25+$0x0], $0xffff  }
0x495: {  	v57 =	vor.u32 $0x2, v28;
	v29 =	vadd.f32 v29, v31  }
0x496: {  	v31 =	vld.idx.msk [tilespmem:v28+s25+$0x0], $0xffff  }
0x497: {  	v35 =	vor.u32 $0x3, v28;
	v29 =	vadd.f32 v30, v29  }
0x498: {  	v30 =	vld.idx.msk [tilespmem:v32+s25+$0x0], $0xffff  }
0x499: {  	v58 =	vor.u32 $0x4, v28;
	v29 =	vadd.f32 v33, v29  }
0x49a: {  	v59 =	vld.idx.msk [tilespmem:v57+s25+$0x0], $0xffff  }
0x49b: {  	v60 =	vor.u32 $0x5, v28;
	v29 =	vadd.f32 v31, v29  }
0x49c: {  	v31 =	vld.idx.msk [tilespmem:v35+s25+$0x0], $0xffff  }
0x49d: {  	v61 =	vor.u32 $0x6, v28;
	v29 =	vadd.f32 v30, v29  }
0x49e: {  	v30 =	vld.idx.msk [tilespmem:v58+s25+$0x0], $0xffff  }
0x49f: {  	v28 =	vor.u32 $0x7, v28;
	v29 =	vadd.f32 v59, v29  }
0x4a0: {  	v62 =	vld.idx.msk [tilespmem:v60+s25+$0x0], $0xffff  }
0x4a1: {  	v29 =	vadd.f32 v31, v29  }
0x4a2: {  	v31 =	vld.idx.msk [tilespmem:v61+s25+$0x0], $0xffff  }
0x4a3: {  	v29 =	vadd.f32 v30, v29  }
0x4a4: {  	v28 =	vld.idx.msk [tilespmem:v28+s25+$0x0], $0xffff  }
0x4a5: {  	v29 =	vadd.f32 v62, v29;
	_ =	sdelay $0x1  }
0x4a6: {  	v29 =	vadd.f32 v31, v29;
	_ =	sdelay $0x1  }
0x4a7: {  	v28 =	vadd.f32 v28, v29;
	_ =	sdelay $0x1  }
0x4a8: {  	[tilespmem:$0x1C178] =	vst v28  }
0x4a9: {  	v28 =	vld.idx.msk [tilespmem:v2+s25+$0x0], $0xffff;
	_ =	sdelay $0x1  }
0x4aa: {  	v29 =	vld.idx.msk [tilespmem:v16+s25+$0x0], $0xffff;
	_ =	sdelay $0x1  }
0x4ab: {  	v30 =	vimm.f32 $0.0e+00;
	v63 =	vld.idx.msk [tilespmem:v17+s25+$0x0], $0xffff  }
0x4ac: {  	v28 =	vadd.f32 v28, v30  }
0x4ad: {  	v30 =	vld.idx.msk [tilespmem:v18+s25+$0x0], $0xffff  }
0x4ae: {  	v28 =	vadd.f32 v29, v28  }
0x4af: {  	v33 =	vor.u32 $0x7, v2;
	v31 =	vld.idx.msk [tilespmem:v20+s25+$0x0], $0xffff  }
0x4b0: {  	v32 =	vadd.f32 v63, v28  }
0x4b1: {  	v29 =	vld.idx.msk [tilespmem:v21+s25+$0x0], $0xffff  }
0x4b2: {  	v28 =	vadd.s32 $0x8, v2;
	v34 =	vadd.f32 v30, v32  }
0x4b3: {  	s0 =	simm.s32 $0x17;
	v30 =	vld.idx.msk [tilespmem:v19+s25+$0x0], $0xffff;
	v32 =	vor.u32 $0x1, v28  }
.LBB2_46:
0x4b4: {  	p1 =	sne.s32 s0, $0x1;
	v31 =	vadd.f32 v31, v34;
	v33 =	vld.idx.msk [tilespmem:v33+s25+$0x0], $0xffff  }
0x4b5: {  	v34 =	vor.u32 $0x2, v28  }
0x4b6: {  	v35 =	vld.idx.msk [tilespmem:v28+s25+$0x0], $0xffff;
	v29 =	vadd.f32 v29, v31  }
0x4b7: {  	v31 =	vor.u32 $0x3, v28  }
0x4b8: {  	v32 =	vld.idx.msk [tilespmem:v32+s25+$0x0], $0xffff;
	v29 =	vadd.f32 v30, v29  }
0x4b9: {  	v30 =	vor.u32 $0x4, v28  }
0x4ba: {  	v34 =	vld.idx.msk [tilespmem:v34+s25+$0x0], $0xffff;
	v29 =	vadd.f32 v33, v29  }
0x4bb: {  	v36 =	vor.u32 $0x5, v28  }
0x4bc: {  	v29 =	vadd.f32 v35, v29;
	v35 =	vld.idx.msk [tilespmem:v31+s25+$0x0], $0xffff  }
0x4bd: {  	v37 =	vor.u32 $0x6, v28  }
0x4be: {  	v29 =	vadd.f32 v32, v29;
	v31 =	vld.idx.msk [tilespmem:v30+s25+$0x0], $0xffff  }
.Ltmp22:
0x4bf: {  	v33 =	vor.u32 $0x7, v28;
	(pc) =	sbr.rel @p1 .LBB2_46-.Ltmp22, $4  }
0x4c0: {  	v30 =	vadd.f32 v34, v29;
	v29 =	vld.idx.msk [tilespmem:v36+s25+$0x0], $0xffff  }
0x4c1: {  	v28 =	vadd.s32 $0x8, v28  }
0x4c2: {  	v34 =	vadd.f32 v35, v30;
	v30 =	vld.idx.msk [tilespmem:v37+s25+$0x0], $0xffff  }
0x4c3: {  	s0 =	sadd.s32 $0xFFFFFFFF, s0;
	v32 =	vor.u32 $0x1, v28  }
0x4c4: {  	_ =	sdelay $0x2  }
0x4c5: {  	v31 =	vadd.f32 v31, v34  }
0x4c6: {  	v33 =	vld.idx.msk [tilespmem:v33+s25+$0x0], $0xffff  }
0x4c7: {  	v57 =	vor.u32 $0x2, v28;
	v29 =	vadd.f32 v29, v31  }
0x4c8: {  	v31 =	vld.idx.msk [tilespmem:v28+s25+$0x0], $0xffff  }
0x4c9: {  	v35 =	vor.u32 $0x3, v28;
	v29 =	vadd.f32 v30, v29  }
0x4ca: {  	v30 =	vld.idx.msk [tilespmem:v32+s25+$0x0], $0xffff  }
0x4cb: {  	v58 =	vor.u32 $0x4, v28;
	v29 =	vadd.f32 v33, v29  }
0x4cc: {  	v59 =	vld.idx.msk [tilespmem:v57+s25+$0x0], $0xffff  }
0x4cd: {  	v60 =	vor.u32 $0x5, v28;
	v29 =	vadd.f32 v31, v29  }
0x4ce: {  	v31 =	vld.idx.msk [tilespmem:v35+s25+$0x0], $0xffff  }
0x4cf: {  	v61 =	vor.u32 $0x6, v28;
	v29 =	vadd.f32 v30, v29  }
0x4d0: {  	v30 =	vld.idx.msk [tilespmem:v58+s25+$0x0], $0xffff  }
0x4d1: {  	v28 =	vor.u32 $0x7, v28;
	v29 =	vadd.f32 v59, v29  }
0x4d2: {  	v62 =	vld.idx.msk [tilespmem:v60+s25+$0x0], $0xffff  }
0x4d3: {  	v29 =	vadd.f32 v31, v29  }
0x4d4: {  	v31 =	vld.idx.msk [tilespmem:v61+s25+$0x0], $0xffff  }
0x4d5: {  	v29 =	vadd.f32 v30, v29  }
0x4d6: {  	v28 =	vld.idx.msk [tilespmem:v28+s25+$0x0], $0xffff  }
0x4d7: {  	v29 =	vadd.f32 v62, v29;
	_ =	sdelay $0x1  }
0x4d8: {  	v29 =	vadd.f32 v31, v29;
	_ =	sdelay $0x1  }
0x4d9: {  	v28 =	vadd.f32 v28, v29;
	_ =	sdelay $0x1  }
0x4da: {  	[tilespmem:$0x1C188] =	vst v28  }
0x4db: {  	v28 =	vld.idx.msk [tilespmem:v3+s25+$0x0], $0xffff;
	_ =	sdelay $0x1  }
0x4dc: {  	v29 =	vld.idx.msk [tilespmem:v22+s25+$0x0], $0xffff;
	_ =	sdelay $0x1  }
0x4dd: {  	v30 =	vimm.f32 $0.0e+00;
	v63 =	vld.idx.msk [tilespmem:v23+s25+$0x0], $0xffff  }
0x4de: {  	v28 =	vadd.f32 v28, v30  }
0x4df: {  	v30 =	vld.idx.msk [tilespmem:v24+s25+$0x0], $0xffff  }
0x4e0: {  	v28 =	vadd.f32 v29, v28  }
0x4e1: {  	v33 =	vor.u32 $0x7, v3;
	v31 =	vld.idx.msk [tilespmem:v26+s25+$0x0], $0xffff  }
0x4e2: {  	v32 =	vadd.f32 v63, v28  }
0x4e3: {  	v29 =	vld.idx.msk [tilespmem:v27+s25+$0x0], $0xffff  }
0x4e4: {  	v28 =	vadd.s32 $0x8, v3;
	v34 =	vadd.f32 v30, v32  }
0x4e5: {  	s0 =	simm.s32 $0x17;
	v30 =	vld.idx.msk [tilespmem:v25+s25+$0x0], $0xffff;
	v32 =	vor.u32 $0x1, v28  }
.LBB2_48:
0x4e6: {  	p1 =	sne.s32 s0, $0x1;
	v31 =	vadd.f32 v31, v34;
	v33 =	vld.idx.msk [tilespmem:v33+s25+$0x0], $0xffff  }
0x4e7: {  	v34 =	vor.u32 $0x2, v28  }
0x4e8: {  	v35 =	vld.idx.msk [tilespmem:v28+s25+$0x0], $0xffff;
	v29 =	vadd.f32 v29, v31  }
0x4e9: {  	v31 =	vor.u32 $0x3, v28  }
0x4ea: {  	v32 =	vld.idx.msk [tilespmem:v32+s25+$0x0], $0xffff;
	v29 =	vadd.f32 v30, v29  }
0x4eb: {  	v30 =	vor.u32 $0x4, v28  }
0x4ec: {  	v34 =	vld.idx.msk [tilespmem:v34+s25+$0x0], $0xffff;
	v29 =	vadd.f32 v33, v29  }
0x4ed: {  	v36 =	vor.u32 $0x5, v28  }
0x4ee: {  	v29 =	vadd.f32 v35, v29;
	v35 =	vld.idx.msk [tilespmem:v31+s25+$0x0], $0xffff  }
0x4ef: {  	v37 =	vor.u32 $0x6, v28  }
0x4f0: {  	v29 =	vadd.f32 v32, v29;
	v31 =	vld.idx.msk [tilespmem:v30+s25+$0x0], $0xffff  }
.Ltmp23:
0x4f1: {  	v33 =	vor.u32 $0x7, v28;
	(pc) =	sbr.rel @p1 .LBB2_48-.Ltmp23, $4  }
0x4f2: {  	v30 =	vadd.f32 v34, v29;
	v29 =	vld.idx.msk [tilespmem:v36+s25+$0x0], $0xffff  }
0x4f3: {  	v28 =	vadd.s32 $0x8, v28  }
0x4f4: {  	v34 =	vadd.f32 v35, v30;
	v30 =	vld.idx.msk [tilespmem:v37+s25+$0x0], $0xffff  }
0x4f5: {  	s0 =	sadd.s32 $0xFFFFFFFF, s0;
	v32 =	vor.u32 $0x1, v28  }
0x4f6: {  	_ =	sdelay $0x2  }
0x4f7: {  	v31 =	vadd.f32 v31, v34  }
0x4f8: {  	v33 =	vld.idx.msk [tilespmem:v33+s25+$0x0], $0xffff  }
0x4f9: {  	v57 =	vor.u32 $0x2, v28;
	v29 =	vadd.f32 v29, v31  }
0x4fa: {  	v31 =	vld.idx.msk [tilespmem:v28+s25+$0x0], $0xffff  }
0x4fb: {  	v35 =	vor.u32 $0x3, v28;
	v29 =	vadd.f32 v30, v29  }
0x4fc: {  	v30 =	vld.idx.msk [tilespmem:v32+s25+$0x0], $0xffff  }
0x4fd: {  	v58 =	vor.u32 $0x4, v28;
	v29 =	vadd.f32 v33, v29  }
0x4fe: {  	v59 =	vld.idx.msk [tilespmem:v57+s25+$0x0], $0xffff  }
0x4ff: {  	v60 =	vor.u32 $0x5, v28;
	v29 =	vadd.f32 v31, v29  }
0x500: {  	v31 =	vld.idx.msk [tilespmem:v35+s25+$0x0], $0xffff  }
0x501: {  	v61 =	vor.u32 $0x6, v28;
	v29 =	vadd.f32 v30, v29  }
0x502: {  	v30 =	vld.idx.msk [tilespmem:v58+s25+$0x0], $0xffff  }
0x503: {  	v28 =	vor.u32 $0x7, v28;
	v29 =	vadd.f32 v59, v29  }
0x504: {  	v62 =	vld.idx.msk [tilespmem:v60+s25+$0x0], $0xffff  }
0x505: {  	v29 =	vadd.f32 v31, v29  }
0x506: {  	v31 =	vld.idx.msk [tilespmem:v61+s25+$0x0], $0xffff  }
0x507: {  	v29 =	vadd.f32 v30, v29  }
0x508: {  	v28 =	vld.idx.msk [tilespmem:v28+s25+$0x0], $0xffff  }
0x509: {  	v29 =	vadd.f32 v62, v29;
	_ =	sdelay $0x1  }
0x50a: {  	v29 =	vadd.f32 v31, v29;
	_ =	sdelay $0x1  }
0x50b: {  	v28 =	vadd.f32 v28, v29;
	_ =	sdelay $0x1  }
0x50c: {  	[tilespmem:$0x1C198] =	vst v28  }
0x50d: {  	[tilespmem:s24], [sflag:$0x4] =	stream.linear.gather [hbm4b:s13+s2], $0x3200, $0x38;
	[tilespmem:$0x1C228] =	vst v63  }
0x50e: {  	_ =	swait.ge [sflag:s18], $0x3200  }
0x50f: {  	[sflag:s18] =	ssyncset.done $0x0  }
0x510: {  	[sflag:s18] =	ssyncadd.s32 $0xFFFFCE00  }
0x511: {  	[tilespmem:s25], [sflag:$0x2] =	stream.indirect.gather [spmem:s1], $0x1, s24, s22, $0xb8;
	[tilespmem:$0x1C228] =	vst v63  }
0x512: {  	_ =	swait.ge [sflag:s26], $0x3200  }
0x513: {  	[sflag:s26] =	ssyncset.done $0x0  }
0x514: {  	[sflag:s26] =	ssyncadd.s32 $0xFFFFCE00  }
0x515: {  	v28 =	vld.idx.msk [tilespmem:v0+s23+$0x0], $0xffff;
	_ =	sdelay $0x1  }
0x516: {  	v29 =	vld.idx.msk [tilespmem:v4+s23+$0x0], $0xffff;
	_ =	sdelay $0x1  }
0x517: {  	v30 =	vimm.f32 $0.0e+00;
	v63 =	vld.idx.msk [tilespmem:v5+s23+$0x0], $0xffff  }
0x518: {  	v28 =	vadd.f32 v28, v30  }
0x519: {  	v30 =	vld.idx.msk [tilespmem:v6+s23+$0x0], $0xffff  }
0x51a: {  	v28 =	vadd.f32 v29, v28  }
0x51b: {  	v33 =	vor.u32 $0x7, v0;
	v31 =	vld.idx.msk [tilespmem:v8+s23+$0x0], $0xffff  }
0x51c: {  	v32 =	vadd.f32 v63, v28  }
0x51d: {  	v29 =	vld.idx.msk [tilespmem:v9+s23+$0x0], $0xffff  }
0x51e: {  	v28 =	vadd.s32 $0x8, v0;
	v34 =	vadd.f32 v30, v32  }
0x51f: {  	s0 =	simm.s32 $0x17;
	v30 =	vld.idx.msk [tilespmem:v7+s23+$0x0], $0xffff;
	v32 =	vor.u32 $0x1, v28  }
.LBB2_50:
0x520: {  	p1 =	sne.s32 s0, $0x1;
	v31 =	vadd.f32 v31, v34;
	v33 =	vld.idx.msk [tilespmem:v33+s23+$0x0], $0xffff  }
0x521: {  	v34 =	vor.u32 $0x2, v28  }
0x522: {  	v35 =	vld.idx.msk [tilespmem:v28+s23+$0x0], $0xffff;
	v29 =	vadd.f32 v29, v31  }
0x523: {  	v31 =	vor.u32 $0x3, v28  }
0x524: {  	v32 =	vld.idx.msk [tilespmem:v32+s23+$0x0], $0xffff;
	v29 =	vadd.f32 v30, v29  }
0x525: {  	v30 =	vor.u32 $0x4, v28  }
0x526: {  	v34 =	vld.idx.msk [tilespmem:v34+s23+$0x0], $0xffff;
	v29 =	vadd.f32 v33, v29  }
0x527: {  	v36 =	vor.u32 $0x5, v28  }
0x528: {  	v29 =	vadd.f32 v35, v29;
	v35 =	vld.idx.msk [tilespmem:v31+s23+$0x0], $0xffff  }
0x529: {  	v37 =	vor.u32 $0x6, v28  }
0x52a: {  	v29 =	vadd.f32 v32, v29;
	v31 =	vld.idx.msk [tilespmem:v30+s23+$0x0], $0xffff  }
.Ltmp24:
0x52b: {  	v33 =	vor.u32 $0x7, v28;
	(pc) =	sbr.rel @p1 .LBB2_50-.Ltmp24, $4  }
0x52c: {  	v30 =	vadd.f32 v34, v29;
	v29 =	vld.idx.msk [tilespmem:v36+s23+$0x0], $0xffff  }
0x52d: {  	v28 =	vadd.s32 $0x8, v28  }
0x52e: {  	v34 =	vadd.f32 v35, v30;
	v30 =	vld.idx.msk [tilespmem:v37+s23+$0x0], $0xffff  }
0x52f: {  	s0 =	sadd.s32 $0xFFFFFFFF, s0;
	v32 =	vor.u32 $0x1, v28  }
0x530: {  	_ =	sdelay $0x2  }
0x531: {  	v31 =	vadd.f32 v31, v34  }
0x532: {  	v33 =	vld.idx.msk [tilespmem:v33+s23+$0x0], $0xffff  }
0x533: {  	v57 =	vor.u32 $0x2, v28;
	v29 =	vadd.f32 v29, v31  }
0x534: {  	v31 =	vld.idx.msk [tilespmem:v28+s23+$0x0], $0xffff  }
0x535: {  	v35 =	vor.u32 $0x3, v28;
	v29 =	vadd.f32 v30, v29  }
0x536: {  	v30 =	vld.idx.msk [tilespmem:v32+s23+$0x0], $0xffff  }
0x537: {  	v58 =	vor.u32 $0x4, v28;
	v29 =	vadd.f32 v33, v29  }
0x538: {  	v59 =	vld.idx.msk [tilespmem:v57+s23+$0x0], $0xffff  }
0x539: {  	v60 =	vor.u32 $0x5, v28;
	v29 =	vadd.f32 v31, v29  }
0x53a: {  	v31 =	vld.idx.msk [tilespmem:v35+s23+$0x0], $0xffff  }
0x53b: {  	v61 =	vor.u32 $0x6, v28;
	v29 =	vadd.f32 v30, v29  }
0x53c: {  	v30 =	vld.idx.msk [tilespmem:v58+s23+$0x0], $0xffff  }
0x53d: {  	v28 =	vor.u32 $0x7, v28;
	v29 =	vadd.f32 v59, v29  }
0x53e: {  	v62 =	vld.idx.msk [tilespmem:v60+s23+$0x0], $0xffff  }
0x53f: {  	v29 =	vadd.f32 v31, v29  }
0x540: {  	v31 =	vld.idx.msk [tilespmem:v61+s23+$0x0], $0xffff  }
0x541: {  	v29 =	vadd.f32 v30, v29  }
0x542: {  	v28 =	vld.idx.msk [tilespmem:v28+s23+$0x0], $0xffff  }
0x543: {  	v29 =	vadd.f32 v62, v29;
	_ =	sdelay $0x1  }
0x544: {  	v29 =	vadd.f32 v31, v29;
	_ =	sdelay $0x1  }
0x545: {  	v28 =	vadd.f32 v28, v29;
	_ =	sdelay $0x1  }
0x546: {  	[tilespmem:$0x1C1A8] =	vst v28  }
0x547: {  	v29 =	vld.idx.msk [tilespmem:v1+s23+$0x0], $0xffff;
	_ =	sdelay $0x1  }
0x548: {  	v30 =	vld.idx.msk [tilespmem:v10+s23+$0x0], $0xffff;
	_ =	sdelay $0x1  }
0x549: {  	v31 =	vimm.f32 $0.0e+00;
	v63 =	vld.idx.msk [tilespmem:v11+s23+$0x0], $0xffff  }
0x54a: {  	v29 =	vadd.f32 v29, v31  }
0x54b: {  	v31 =	vld.idx.msk [tilespmem:v12+s23+$0x0], $0xffff  }
0x54c: {  	v29 =	vadd.f32 v30, v29  }
0x54d: {  	v34 =	vor.u32 $0x7, v1;
	v32 =	vld.idx.msk [tilespmem:v14+s23+$0x0], $0xffff  }
0x54e: {  	v33 =	vadd.f32 v63, v29  }
0x54f: {  	v30 =	vld.idx.msk [tilespmem:v15+s23+$0x0], $0xffff  }
0x550: {  	v29 =	vadd.s32 $0x8, v1;
	v35 =	vadd.f32 v31, v33  }
0x551: {  	s0 =	simm.s32 $0x17;
	v31 =	vld.idx.msk [tilespmem:v13+s23+$0x0], $0xffff;
	v33 =	vor.u32 $0x1, v29  }
.LBB2_52:
0x552: {  	p1 =	sne.s32 s0, $0x1;
	v32 =	vadd.f32 v32, v35;
	v34 =	vld.idx.msk [tilespmem:v34+s23+$0x0], $0xffff  }
0x553: {  	v35 =	vor.u32 $0x2, v29  }
0x554: {  	v36 =	vld.idx.msk [tilespmem:v29+s23+$0x0], $0xffff;
	v30 =	vadd.f32 v30, v32  }
0x555: {  	v32 =	vor.u32 $0x3, v29  }
0x556: {  	v33 =	vld.idx.msk [tilespmem:v33+s23+$0x0], $0xffff;
	v30 =	vadd.f32 v31, v30  }
0x557: {  	v31 =	vor.u32 $0x4, v29  }
0x558: {  	v35 =	vld.idx.msk [tilespmem:v35+s23+$0x0], $0xffff;
	v30 =	vadd.f32 v34, v30  }
0x559: {  	v37 =	vor.u32 $0x5, v29  }
0x55a: {  	v30 =	vadd.f32 v36, v30;
	v36 =	vld.idx.msk [tilespmem:v32+s23+$0x0], $0xffff  }
0x55b: {  	v38 =	vor.u32 $0x6, v29  }
0x55c: {  	v30 =	vadd.f32 v33, v30;
	v32 =	vld.idx.msk [tilespmem:v31+s23+$0x0], $0xffff  }
.Ltmp25:
0x55d: {  	v34 =	vor.u32 $0x7, v29;
	(pc) =	sbr.rel @p1 .LBB2_52-.Ltmp25, $4  }
0x55e: {  	v31 =	vadd.f32 v35, v30;
	v30 =	vld.idx.msk [tilespmem:v37+s23+$0x0], $0xffff  }
0x55f: {  	v29 =	vadd.s32 $0x8, v29  }
0x560: {  	v35 =	vadd.f32 v36, v31;
	v31 =	vld.idx.msk [tilespmem:v38+s23+$0x0], $0xffff  }
0x561: {  	s0 =	sadd.s32 $0xFFFFFFFF, s0;
	v33 =	vor.u32 $0x1, v29  }
0x562: {  	_ =	sdelay $0x2  }
0x563: {  	v32 =	vadd.f32 v32, v35  }
0x564: {  	v34 =	vld.idx.msk [tilespmem:v34+s23+$0x0], $0xffff  }
0x565: {  	v52 =	vor.u32 $0x2, v29;
	v30 =	vadd.f32 v30, v32  }
0x566: {  	v53 =	vld.idx.msk [tilespmem:v29+s23+$0x0], $0xffff  }
0x567: {  	v36 =	vor.u32 $0x3, v29;
	v30 =	vadd.f32 v31, v30  }
0x568: {  	v31 =	vld.idx.msk [tilespmem:v33+s23+$0x0], $0xffff  }
0x569: {  	v54 =	vor.u32 $0x4, v29;
	v30 =	vadd.f32 v34, v30  }
0x56a: {  	v55 =	vld.idx.msk [tilespmem:v52+s23+$0x0], $0xffff  }
0x56b: {  	v56 =	vor.u32 $0x5, v29;
	v30 =	vadd.f32 v53, v30  }
0x56c: {  	v57 =	vld.idx.msk [tilespmem:v36+s23+$0x0], $0xffff  }
0x56d: {  	v58 =	vor.u32 $0x6, v29;
	v30 =	vadd.f32 v31, v30  }
0x56e: {  	v31 =	vld.idx.msk [tilespmem:v54+s23+$0x0], $0xffff  }
0x56f: {  	v29 =	vor.u32 $0x7, v29;
	v30 =	vadd.f32 v55, v30  }
0x570: {  	v59 =	vld.idx.msk [tilespmem:v56+s23+$0x0], $0xffff  }
0x571: {  	v30 =	vadd.f32 v57, v30  }
0x572: {  	v60 =	vld.idx.msk [tilespmem:v58+s23+$0x0], $0xffff  }
0x573: {  	v30 =	vadd.f32 v31, v30  }
0x574: {  	v29 =	vld.idx.msk [tilespmem:v29+s23+$0x0], $0xffff  }
0x575: {  	v30 =	vadd.f32 v59, v30;
	_ =	sdelay $0x1  }
0x576: {  	v30 =	vadd.f32 v60, v30;
	_ =	sdelay $0x1  }
0x577: {  	v29 =	vadd.f32 v29, v30;
	_ =	sdelay $0x1  }
0x578: {  	[tilespmem:$0x1C1B8] =	vst v29  }
0x579: {  	v30 =	vld.idx.msk [tilespmem:v2+s23+$0x0], $0xffff;
	_ =	sdelay $0x1  }
0x57a: {  	v31 =	vld.idx.msk [tilespmem:v16+s23+$0x0], $0xffff;
	_ =	sdelay $0x1  }
0x57b: {  	v61 =	vimm.f32 $0.0e+00;
	v62 =	vld.idx.msk [tilespmem:v17+s23+$0x0], $0xffff  }
0x57c: {  	v30 =	vadd.f32 v30, v61  }
0x57d: {  	v63 =	vld.idx.msk [tilespmem:v18+s23+$0x0], $0xffff  }
0x57e: {  	v30 =	vadd.f32 v31, v30  }
0x57f: {  	v35 =	vor.u32 $0x7, v2;
	v33 =	vld.idx.msk [tilespmem:v20+s23+$0x0], $0xffff  }
0x580: {  	v34 =	vadd.f32 v62, v30  }
0x581: {  	v31 =	vld.idx.msk [tilespmem:v21+s23+$0x0], $0xffff  }
0x582: {  	v30 =	vadd.s32 $0x8, v2;
	v36 =	vadd.f32 v63, v34  }
0x583: {  	s0 =	simm.s32 $0x17;
	v32 =	vld.idx.msk [tilespmem:v19+s23+$0x0], $0xffff;
	v34 =	vor.u32 $0x1, v30  }
.LBB2_54:
0x584: {  	p1 =	sne.s32 s0, $0x1;
	v33 =	vadd.f32 v33, v36;
	v35 =	vld.idx.msk [tilespmem:v35+s23+$0x0], $0xffff  }
0x585: {  	v36 =	vor.u32 $0x2, v30  }
0x586: {  	v37 =	vld.idx.msk [tilespmem:v30+s23+$0x0], $0xffff;
	v31 =	vadd.f32 v31, v33  }
0x587: {  	v33 =	vor.u32 $0x3, v30  }
0x588: {  	v34 =	vld.idx.msk [tilespmem:v34+s23+$0x0], $0xffff;
	v31 =	vadd.f32 v32, v31  }
0x589: {  	v32 =	vor.u32 $0x4, v30  }
0x58a: {  	v36 =	vld.idx.msk [tilespmem:v36+s23+$0x0], $0xffff;
	v31 =	vadd.f32 v35, v31  }
0x58b: {  	v38 =	vor.u32 $0x5, v30  }
0x58c: {  	v31 =	vadd.f32 v37, v31;
	v37 =	vld.idx.msk [tilespmem:v33+s23+$0x0], $0xffff  }
0x58d: {  	v39 =	vor.u32 $0x6, v30  }
0x58e: {  	v31 =	vadd.f32 v34, v31;
	v33 =	vld.idx.msk [tilespmem:v32+s23+$0x0], $0xffff  }
.Ltmp26:
0x58f: {  	v35 =	vor.u32 $0x7, v30;
	(pc) =	sbr.rel @p1 .LBB2_54-.Ltmp26, $4  }
0x590: {  	v32 =	vadd.f32 v36, v31;
	v31 =	vld.idx.msk [tilespmem:v38+s23+$0x0], $0xffff  }
0x591: {  	v30 =	vadd.s32 $0x8, v30  }
0x592: {  	v36 =	vadd.f32 v37, v32;
	v32 =	vld.idx.msk [tilespmem:v39+s23+$0x0], $0xffff  }
0x593: {  	s0 =	sadd.s32 $0xFFFFFFFF, s0;
	v34 =	vor.u32 $0x1, v30  }
0x594: {  	_ =	sdelay $0x2  }
0x595: {  	v33 =	vadd.f32 v33, v36  }
0x596: {  	v35 =	vld.idx.msk [tilespmem:v35+s23+$0x0], $0xffff  }
0x597: {  	v49 =	vor.u32 $0x2, v30;
	v31 =	vadd.f32 v31, v33  }
0x598: {  	v50 =	vld.idx.msk [tilespmem:v30+s23+$0x0], $0xffff  }
0x599: {  	v37 =	vor.u32 $0x3, v30;
	v31 =	vadd.f32 v32, v31  }
0x59a: {  	v51 =	vld.idx.msk [tilespmem:v34+s23+$0x0], $0xffff  }
0x59b: {  	v52 =	vor.u32 $0x4, v30;
	v31 =	vadd.f32 v35, v31  }
0x59c: {  	v53 =	vld.idx.msk [tilespmem:v49+s23+$0x0], $0xffff  }
0x59d: {  	v54 =	vor.u32 $0x5, v30;
	v31 =	vadd.f32 v50, v31  }
0x59e: {  	v55 =	vld.idx.msk [tilespmem:v37+s23+$0x0], $0xffff  }
0x59f: {  	v56 =	vor.u32 $0x6, v30;
	v31 =	vadd.f32 v51, v31  }
0x5a0: {  	v57 =	vld.idx.msk [tilespmem:v52+s23+$0x0], $0xffff  }
0x5a1: {  	v30 =	vor.u32 $0x7, v30;
	v31 =	vadd.f32 v53, v31  }
0x5a2: {  	v58 =	vld.idx.msk [tilespmem:v54+s23+$0x0], $0xffff  }
0x5a3: {  	v31 =	vadd.f32 v55, v31  }
0x5a4: {  	v59 =	vld.idx.msk [tilespmem:v56+s23+$0x0], $0xffff  }
0x5a5: {  	v31 =	vadd.f32 v57, v31  }
0x5a6: {  	v30 =	vld.idx.msk [tilespmem:v30+s23+$0x0], $0xffff  }
0x5a7: {  	v31 =	vadd.f32 v58, v31;
	_ =	sdelay $0x1  }
0x5a8: {  	v31 =	vadd.f32 v59, v31;
	_ =	sdelay $0x1  }
0x5a9: {  	v30 =	vadd.f32 v30, v31;
	_ =	sdelay $0x1  }
0x5aa: {  	[tilespmem:$0x1C1C8] =	vst v30  }
0x5ab: {  	v31 =	vld.idx.msk [tilespmem:v3+s23+$0x0], $0xffff;
	_ =	sdelay $0x1  }
0x5ac: {  	v60 =	vld.idx.msk [tilespmem:v22+s23+$0x0], $0xffff;
	_ =	sdelay $0x1  }
0x5ad: {  	v61 =	vimm.f32 $0.0e+00;
	v62 =	vld.idx.msk [tilespmem:v23+s23+$0x0], $0xffff  }
0x5ae: {  	v31 =	vadd.f32 v31, v61  }
0x5af: {  	v63 =	vld.idx.msk [tilespmem:v24+s23+$0x0], $0xffff  }
0x5b0: {  	v31 =	vadd.f32 v60, v31  }
0x5b1: {  	v36 =	vor.u32 $0x7, v3;
	v34 =	vld.idx.msk [tilespmem:v26+s23+$0x0], $0xffff  }
0x5b2: {  	v35 =	vadd.f32 v62, v31  }
0x5b3: {  	v32 =	vld.idx.msk [tilespmem:v27+s23+$0x0], $0xffff  }
0x5b4: {  	v31 =	vadd.s32 $0x8, v3;
	v37 =	vadd.f32 v63, v35  }
0x5b5: {  	s0 =	simm.s32 $0x17;
	v33 =	vld.idx.msk [tilespmem:v25+s23+$0x0], $0xffff;
	v35 =	vor.u32 $0x1, v31  }
.LBB2_56:
0x5b6: {  	p1 =	sne.s32 s0, $0x1;
	v34 =	vadd.f32 v34, v37;
	v36 =	vld.idx.msk [tilespmem:v36+s23+$0x0], $0xffff  }
0x5b7: {  	v37 =	vor.u32 $0x2, v31  }
0x5b8: {  	v38 =	vld.idx.msk [tilespmem:v31+s23+$0x0], $0xffff;
	v32 =	vadd.f32 v32, v34  }
0x5b9: {  	v34 =	vor.u32 $0x3, v31  }
0x5ba: {  	v35 =	vld.idx.msk [tilespmem:v35+s23+$0x0], $0xffff;
	v32 =	vadd.f32 v33, v32  }
0x5bb: {  	v33 =	vor.u32 $0x4, v31  }
0x5bc: {  	v37 =	vld.idx.msk [tilespmem:v37+s23+$0x0], $0xffff;
	v32 =	vadd.f32 v36, v32  }
0x5bd: {  	v39 =	vor.u32 $0x5, v31  }
0x5be: {  	v32 =	vadd.f32 v38, v32;
	v38 =	vld.idx.msk [tilespmem:v34+s23+$0x0], $0xffff  }
0x5bf: {  	v40 =	vor.u32 $0x6, v31  }
0x5c0: {  	v32 =	vadd.f32 v35, v32;
	v34 =	vld.idx.msk [tilespmem:v33+s23+$0x0], $0xffff  }
.Ltmp27:
0x5c1: {  	v36 =	vor.u32 $0x7, v31;
	(pc) =	sbr.rel @p1 .LBB2_56-.Ltmp27, $4  }
0x5c2: {  	v33 =	vadd.f32 v37, v32;
	v32 =	vld.idx.msk [tilespmem:v39+s23+$0x0], $0xffff  }
0x5c3: {  	v31 =	vadd.s32 $0x8, v31  }
0x5c4: {  	v37 =	vadd.f32 v38, v33;
	v33 =	vld.idx.msk [tilespmem:v40+s23+$0x0], $0xffff  }
0x5c5: {  	s0 =	sadd.s32 $0xFFFFFFFF, s0;
	v35 =	vor.u32 $0x1, v31  }
0x5c6: {  	_ =	sdelay $0x2  }
0x5c7: {  	v34 =	vadd.f32 v34, v37  }
0x5c8: {  	v36 =	vld.idx.msk [tilespmem:v36+s23+$0x0], $0xffff  }
0x5c9: {  	v51 =	vor.u32 $0x2, v31;
	v32 =	vadd.f32 v32, v34  }
0x5ca: {  	v52 =	vld.idx.msk [tilespmem:v31+s23+$0x0], $0xffff  }
0x5cb: {  	v38 =	vor.u32 $0x3, v31;
	v32 =	vadd.f32 v33, v32  }
0x5cc: {  	v53 =	vld.idx.msk [tilespmem:v35+s23+$0x0], $0xffff  }
0x5cd: {  	v54 =	vor.u32 $0x4, v31;
	v32 =	vadd.f32 v36, v32  }
0x5ce: {  	v55 =	vld.idx.msk [tilespmem:v51+s23+$0x0], $0xffff  }
0x5cf: {  	v56 =	vor.u32 $0x5, v31;
	v32 =	vadd.f32 v52, v32  }
0x5d0: {  	v57 =	vld.idx.msk [tilespmem:v38+s23+$0x0], $0xffff  }
0x5d1: {  	v58 =	vor.u32 $0x6, v31;
	v32 =	vadd.f32 v53, v32  }
0x5d2: {  	v59 =	vld.idx.msk [tilespmem:v54+s23+$0x0], $0xffff  }
0x5d3: {  	v31 =	vor.u32 $0x7, v31;
	v32 =	vadd.f32 v55, v32  }
0x5d4: {  	v60 =	vld.idx.msk [tilespmem:v56+s23+$0x0], $0xffff  }
0x5d5: {  	v32 =	vadd.f32 v57, v32  }
0x5d6: {  	v61 =	vld.idx.msk [tilespmem:v58+s23+$0x0], $0xffff  }
0x5d7: {  	v32 =	vadd.f32 v59, v32  }
0x5d8: {  	v31 =	vld.idx.msk [tilespmem:v31+s23+$0x0], $0xffff  }
0x5d9: {  	v32 =	vadd.f32 v60, v32;
	_ =	sdelay $0x1  }
0x5da: {  	v32 =	vadd.f32 v61, v32;
	_ =	sdelay $0x1  }
0x5db: {  	v31 =	vadd.f32 v31, v32;
	_ =	sdelay $0x1  }
0x5dc: {  	[tilespmem:$0x1C1D8] =	vst v31  }
0x5dd: {  	_ =	swait.ge [sflag:s28], $0x3200  }
0x5de: {  	[sflag:s28] =	ssyncset.done $0x0  }
0x5df: {  	[sflag:s28] =	ssyncadd.s32 $0xFFFFCE00  }
0x5e0: {  	v62 =	vld.idx.msk [tilespmem:v0+s25+$0x0], $0xffff;
	_ =	sdelay $0x1  }
0x5e1: {  	v4 =	vld.idx.msk [tilespmem:v4+s25+$0x0], $0xffff;
	_ =	sdelay $0x1  }
0x5e2: {  	v63 =	vimm.f32 $0.0e+00;
	v5 =	vld.idx.msk [tilespmem:v5+s25+$0x0], $0xffff  }
0x5e3: {  	v32 =	vadd.f32 v62, v63;
	_ =	sdelay $0x1  }
0x5e4: {  	v6 =	vld.idx.msk [tilespmem:v6+s25+$0x0], $0xffff;
	v4 =	vadd.f32 v4, v32  }
0x5e5: {  	v8 =	vld.idx.msk [tilespmem:v8+s25+$0x0], $0xffff  }
0x5e6: {  	v32 =	vadd.f32 v5, v4;
	v5 =	vld.idx.msk [tilespmem:v9+s25+$0x0], $0xffff;
	v9 =	vor.u32 $0x7, v0;
	_ =	sdelay $0x2  }
0x5e7: {  	v4 =	vadd.s32 $0x8, v0;
	v32 =	vadd.f32 v6, v32  }
0x5e8: {  	s0 =	simm.s32 $0x17;
	v6 =	vld.idx.msk [tilespmem:v7+s25+$0x0], $0xffff;
	v7 =	vor.u32 $0x1, v4  }
.LBB2_58:
0x5e9: {  	p1 =	sne.s32 s0, $0x1;
	v8 =	vadd.f32 v8, v32;
	v9 =	vld.idx.msk [tilespmem:v9+s25+$0x0], $0xffff  }
0x5ea: {  	v32 =	vor.u32 $0x2, v4  }
0x5eb: {  	v33 =	vld.idx.msk [tilespmem:v4+s25+$0x0], $0xffff;
	v5 =	vadd.f32 v5, v8  }
0x5ec: {  	v8 =	vor.u32 $0x3, v4  }
0x5ed: {  	v7 =	vld.idx.msk [tilespmem:v7+s25+$0x0], $0xffff;
	v5 =	vadd.f32 v6, v5  }
0x5ee: {  	v6 =	vor.u32 $0x4, v4  }
0x5ef: {  	v32 =	vld.idx.msk [tilespmem:v32+s25+$0x0], $0xffff;
	v5 =	vadd.f32 v9, v5  }
0x5f0: {  	v34 =	vor.u32 $0x5, v4  }
0x5f1: {  	v5 =	vadd.f32 v33, v5;
	v33 =	vld.idx.msk [tilespmem:v8+s25+$0x0], $0xffff  }
0x5f2: {  	v35 =	vor.u32 $0x6, v4  }
0x5f3: {  	v5 =	vadd.f32 v7, v5;
	v8 =	vld.idx.msk [tilespmem:v6+s25+$0x0], $0xffff  }
.Ltmp28:
0x5f4: {  	v9 =	vor.u32 $0x7, v4;
	(pc) =	sbr.rel @p1 .LBB2_58-.Ltmp28, $4  }
0x5f5: {  	v6 =	vadd.f32 v32, v5;
	v5 =	vld.idx.msk [tilespmem:v34+s25+$0x0], $0xffff  }
0x5f6: {  	v4 =	vadd.s32 $0x8, v4  }
0x5f7: {  	v32 =	vadd.f32 v33, v6;
	v6 =	vld.idx.msk [tilespmem:v35+s25+$0x0], $0xffff  }
0x5f8: {  	s0 =	sadd.s32 $0xFFFFFFFF, s0;
	v7 =	vor.u32 $0x1, v4  }
0x5f9: {  	_ =	sdelay $0x2  }
0x5fa: {  	v8 =	vadd.f32 v8, v32  }
0x5fb: {  	v9 =	vld.idx.msk [tilespmem:v9+s25+$0x0], $0xffff  }
0x5fc: {  	v61 =	vor.u32 $0x2, v4;
	v5 =	vadd.f32 v5, v8  }
0x5fd: {  	v8 =	vld.idx.msk [tilespmem:v4+s25+$0x0], $0xffff  }
0x5fe: {  	v33 =	vor.u32 $0x3, v4;
	v5 =	vadd.f32 v6, v5  }
0x5ff: {  	v6 =	vld.idx.msk [tilespmem:v7+s25+$0x0], $0xffff  }
0x600: {  	v7 =	vor.u32 $0x4, v4;
	v5 =	vadd.f32 v9, v5  }
0x601: {  	v9 =	vld.idx.msk [tilespmem:v61+s25+$0x0], $0xffff  }
0x602: {  	v62 =	vor.u32 $0x5, v4;
	v5 =	vadd.f32 v8, v5  }
0x603: {  	v8 =	vld.idx.msk [tilespmem:v33+s25+$0x0], $0xffff  }
0x604: {  	v63 =	vor.u32 $0x6, v4;
	v5 =	vadd.f32 v6, v5  }
0x605: {  	v6 =	vld.idx.msk [tilespmem:v7+s25+$0x0], $0xffff  }
0x606: {  	v4 =	vor.u32 $0x7, v4;
	v5 =	vadd.f32 v9, v5  }
0x607: {  	v7 =	vld.idx.msk [tilespmem:v62+s25+$0x0], $0xffff  }
0x608: {  	v5 =	vadd.f32 v8, v5  }
0x609: {  	v8 =	vld.idx.msk [tilespmem:v63+s25+$0x0], $0xffff  }
0x60a: {  	v5 =	vadd.f32 v6, v5  }
0x60b: {  	v4 =	vld.idx.msk [tilespmem:v4+s25+$0x0], $0xffff  }
0x60c: {  	v5 =	vadd.f32 v7, v5;
	_ =	sdelay $0x1  }
0x60d: {  	v5 =	vadd.f32 v8, v5;
	_ =	sdelay $0x1  }
0x60e: {  	v4 =	vadd.f32 v4, v5;
	_ =	sdelay $0x1  }
0x60f: {  	[tilespmem:$0x1C1E8] =	vst v4  }
0x610: {  	v5 =	vld.idx.msk [tilespmem:v1+s25+$0x0], $0xffff;
	_ =	sdelay $0x1  }
0x611: {  	v6 =	vld.idx.msk [tilespmem:v10+s25+$0x0], $0xffff;
	_ =	sdelay $0x1  }
0x612: {  	v7 =	vimm.f32 $0.0e+00;
	v9 =	vld.idx.msk [tilespmem:v11+s25+$0x0], $0xffff  }
0x613: {  	v5 =	vadd.f32 v5, v7  }
0x614: {  	v7 =	vld.idx.msk [tilespmem:v12+s25+$0x0], $0xffff  }
0x615: {  	v5 =	vadd.f32 v6, v5  }
0x616: {  	v8 =	vld.idx.msk [tilespmem:v14+s25+$0x0], $0xffff;
	v10 =	vor.u32 $0x7, v1  }
0x617: {  	v9 =	vadd.f32 v9, v5  }
0x618: {  	v6 =	vld.idx.msk [tilespmem:v15+s25+$0x0], $0xffff  }
0x619: {  	v5 =	vadd.s32 $0x8, v1;
	v11 =	vadd.f32 v7, v9  }
0x61a: {  	s0 =	simm.s32 $0x17;
	v7 =	vld.idx.msk [tilespmem:v13+s25+$0x0], $0xffff;
	v9 =	vor.u32 $0x1, v5  }
.LBB2_60:
0x61b: {  	p1 =	sne.s32 s0, $0x1;
	v8 =	vadd.f32 v8, v11;
	v10 =	vld.idx.msk [tilespmem:v10+s25+$0x0], $0xffff  }
0x61c: {  	v11 =	vor.u32 $0x2, v5  }
0x61d: {  	v12 =	vld.idx.msk [tilespmem:v5+s25+$0x0], $0xffff;
	v6 =	vadd.f32 v6, v8  }
0x61e: {  	v8 =	vor.u32 $0x3, v5  }
0x61f: {  	v9 =	vld.idx.msk [tilespmem:v9+s25+$0x0], $0xffff;
	v6 =	vadd.f32 v7, v6  }
0x620: {  	v7 =	vor.u32 $0x4, v5  }
0x621: {  	v11 =	vld.idx.msk [tilespmem:v11+s25+$0x0], $0xffff;
	v6 =	vadd.f32 v10, v6  }
0x622: {  	v13 =	vor.u32 $0x5, v5  }
0x623: {  	v6 =	vadd.f32 v12, v6;
	v12 =	vld.idx.msk [tilespmem:v8+s25+$0x0], $0xffff  }
0x624: {  	v14 =	vor.u32 $0x6, v5  }
0x625: {  	v6 =	vadd.f32 v9, v6;
	v8 =	vld.idx.msk [tilespmem:v7+s25+$0x0], $0xffff  }
.Ltmp29:
0x626: {  	v10 =	vor.u32 $0x7, v5;
	(pc) =	sbr.rel @p1 .LBB2_60-.Ltmp29, $4  }
0x627: {  	v7 =	vadd.f32 v11, v6;
	v6 =	vld.idx.msk [tilespmem:v13+s25+$0x0], $0xffff  }
0x628: {  	v5 =	vadd.s32 $0x8, v5  }
0x629: {  	v11 =	vadd.f32 v12, v7;
	v7 =	vld.idx.msk [tilespmem:v14+s25+$0x0], $0xffff  }
0x62a: {  	s0 =	sadd.s32 $0xFFFFFFFF, s0;
	v9 =	vor.u32 $0x1, v5  }
0x62b: {  	_ =	sdelay $0x2  }
0x62c: {  	v8 =	vadd.f32 v8, v11  }
0x62d: {  	v10 =	vld.idx.msk [tilespmem:v10+s25+$0x0], $0xffff  }
0x62e: {  	v11 =	vor.u32 $0x2, v5;
	v6 =	vadd.f32 v6, v8  }
0x62f: {  	v8 =	vld.idx.msk [tilespmem:v5+s25+$0x0], $0xffff  }
0x630: {  	v12 =	vor.u32 $0x3, v5;
	v6 =	vadd.f32 v7, v6  }
0x631: {  	v7 =	vld.idx.msk [tilespmem:v9+s25+$0x0], $0xffff  }
0x632: {  	v9 =	vor.u32 $0x4, v5;
	v6 =	vadd.f32 v10, v6  }
0x633: {  	v10 =	vld.idx.msk [tilespmem:v11+s25+$0x0], $0xffff  }
0x634: {  	v11 =	vor.u32 $0x5, v5;
	v6 =	vadd.f32 v8, v6  }
0x635: {  	v8 =	vld.idx.msk [tilespmem:v12+s25+$0x0], $0xffff  }
0x636: {  	v12 =	vor.u32 $0x6, v5;
	v6 =	vadd.f32 v7, v6  }
0x637: {  	v7 =	vld.idx.msk [tilespmem:v9+s25+$0x0], $0xffff  }
0x638: {  	v5 =	vor.u32 $0x7, v5;
	v6 =	vadd.f32 v10, v6  }
0x639: {  	v9 =	vld.idx.msk [tilespmem:v11+s25+$0x0], $0xffff  }
0x63a: {  	v6 =	vadd.f32 v8, v6  }
0x63b: {  	v8 =	vld.idx.msk [tilespmem:v12+s25+$0x0], $0xffff  }
0x63c: {  	v6 =	vadd.f32 v7, v6  }
0x63d: {  	v5 =	vld.idx.msk [tilespmem:v5+s25+$0x0], $0xffff  }
0x63e: {  	v6 =	vadd.f32 v9, v6;
	_ =	sdelay $0x1  }
0x63f: {  	v6 =	vadd.f32 v8, v6;
	_ =	sdelay $0x1  }
0x640: {  	v5 =	vadd.f32 v5, v6;
	_ =	sdelay $0x1  }
0x641: {  	[tilespmem:$0x1C1F8] =	vst v5  }
0x642: {  	v6 =	vld.idx.msk [tilespmem:v2+s25+$0x0], $0xffff;
	_ =	sdelay $0x1  }
0x643: {  	v7 =	vld.idx.msk [tilespmem:v16+s25+$0x0], $0xffff;
	_ =	sdelay $0x1  }
0x644: {  	v8 =	vimm.f32 $0.0e+00;
	v10 =	vld.idx.msk [tilespmem:v17+s25+$0x0], $0xffff  }
0x645: {  	v6 =	vadd.f32 v6, v8  }
0x646: {  	v8 =	vld.idx.msk [tilespmem:v18+s25+$0x0], $0xffff  }
0x647: {  	v6 =	vadd.f32 v7, v6  }
0x648: {  	v11 =	vor.u32 $0x7, v2;
	v9 =	vld.idx.msk [tilespmem:v20+s25+$0x0], $0xffff  }
0x649: {  	v10 =	vadd.f32 v10, v6  }
0x64a: {  	v7 =	vld.idx.msk [tilespmem:v21+s25+$0x0], $0xffff  }
0x64b: {  	v6 =	vadd.s32 $0x8, v2;
	v12 =	vadd.f32 v8, v10  }
0x64c: {  	s0 =	simm.s32 $0x17;
	v8 =	vld.idx.msk [tilespmem:v19+s25+$0x0], $0xffff;
	v10 =	vor.u32 $0x1, v6  }
.LBB2_62:
0x64d: {  	p1 =	sne.s32 s0, $0x1;
	v9 =	vadd.f32 v9, v12;
	v11 =	vld.idx.msk [tilespmem:v11+s25+$0x0], $0xffff  }
0x64e: {  	v12 =	vor.u32 $0x2, v6  }
0x64f: {  	v13 =	vld.idx.msk [tilespmem:v6+s25+$0x0], $0xffff;
	v7 =	vadd.f32 v7, v9  }
0x650: {  	v9 =	vor.u32 $0x3, v6  }
0x651: {  	v10 =	vld.idx.msk [tilespmem:v10+s25+$0x0], $0xffff;
	v7 =	vadd.f32 v8, v7  }
0x652: {  	v8 =	vor.u32 $0x4, v6  }
0x653: {  	v12 =	vld.idx.msk [tilespmem:v12+s25+$0x0], $0xffff;
	v7 =	vadd.f32 v11, v7  }
0x654: {  	v14 =	vor.u32 $0x5, v6  }
0x655: {  	v7 =	vadd.f32 v13, v7;
	v13 =	vld.idx.msk [tilespmem:v9+s25+$0x0], $0xffff  }
0x656: {  	v15 =	vor.u32 $0x6, v6  }
0x657: {  	v7 =	vadd.f32 v10, v7;
	v9 =	vld.idx.msk [tilespmem:v8+s25+$0x0], $0xffff  }
.Ltmp30:
0x658: {  	v11 =	vor.u32 $0x7, v6;
	(pc) =	sbr.rel @p1 .LBB2_62-.Ltmp30, $4  }
0x659: {  	v8 =	vadd.f32 v12, v7;
	v7 =	vld.idx.msk [tilespmem:v14+s25+$0x0], $0xffff  }
0x65a: {  	v6 =	vadd.s32 $0x8, v6  }
0x65b: {  	v12 =	vadd.f32 v13, v8;
	v8 =	vld.idx.msk [tilespmem:v15+s25+$0x0], $0xffff  }
0x65c: {  	s0 =	sadd.s32 $0xFFFFFFFF, s0;
	v10 =	vor.u32 $0x1, v6  }
0x65d: {  	_ =	sdelay $0x2  }
0x65e: {  	v9 =	vadd.f32 v9, v12  }
0x65f: {  	v11 =	vld.idx.msk [tilespmem:v11+s25+$0x0], $0xffff  }
0x660: {  	v12 =	vor.u32 $0x2, v6;
	v7 =	vadd.f32 v7, v9  }
0x661: {  	v9 =	vld.idx.msk [tilespmem:v6+s25+$0x0], $0xffff  }
0x662: {  	v13 =	vor.u32 $0x3, v6;
	v7 =	vadd.f32 v8, v7  }
0x663: {  	v8 =	vld.idx.msk [tilespmem:v10+s25+$0x0], $0xffff  }
0x664: {  	v10 =	vor.u32 $0x4, v6;
	v7 =	vadd.f32 v11, v7  }
0x665: {  	v11 =	vld.idx.msk [tilespmem:v12+s25+$0x0], $0xffff  }
0x666: {  	v12 =	vor.u32 $0x5, v6;
	v7 =	vadd.f32 v9, v7  }
0x667: {  	v9 =	vld.idx.msk [tilespmem:v13+s25+$0x0], $0xffff  }
0x668: {  	v13 =	vor.u32 $0x6, v6;
	v7 =	vadd.f32 v8, v7  }
0x669: {  	v8 =	vld.idx.msk [tilespmem:v10+s25+$0x0], $0xffff  }
0x66a: {  	v6 =	vor.u32 $0x7, v6;
	v7 =	vadd.f32 v11, v7  }
0x66b: {  	v10 =	vld.idx.msk [tilespmem:v12+s25+$0x0], $0xffff  }
0x66c: {  	v7 =	vadd.f32 v9, v7  }
0x66d: {  	v9 =	vld.idx.msk [tilespmem:v13+s25+$0x0], $0xffff  }
0x66e: {  	v7 =	vadd.f32 v8, v7  }
0x66f: {  	v6 =	vld.idx.msk [tilespmem:v6+s25+$0x0], $0xffff  }
0x670: {  	v7 =	vadd.f32 v10, v7;
	_ =	sdelay $0x1  }
0x671: {  	v7 =	vadd.f32 v9, v7;
	_ =	sdelay $0x1  }
0x672: {  	v6 =	vadd.f32 v6, v7;
	_ =	sdelay $0x1  }
0x673: {  	[tilespmem:$0x1C208] =	vst v6  }
0x674: {  	v7 =	vld.idx.msk [tilespmem:v3+s25+$0x0], $0xffff;
	_ =	sdelay $0x1  }
0x675: {  	v8 =	vld.idx.msk [tilespmem:v22+s25+$0x0], $0xffff;
	_ =	sdelay $0x1  }
0x676: {  	v9 =	vimm.f32 $0.0e+00;
	v11 =	vld.idx.msk [tilespmem:v23+s25+$0x0], $0xffff  }
0x677: {  	v7 =	vadd.f32 v7, v9  }
0x678: {  	v9 =	vld.idx.msk [tilespmem:v24+s25+$0x0], $0xffff  }
0x679: {  	v7 =	vadd.f32 v8, v7  }
0x67a: {  	v12 =	vor.u32 $0x7, v3;
	v10 =	vld.idx.msk [tilespmem:v26+s25+$0x0], $0xffff  }
0x67b: {  	v11 =	vadd.f32 v11, v7  }
0x67c: {  	v8 =	vld.idx.msk [tilespmem:v27+s25+$0x0], $0xffff  }
0x67d: {  	v7 =	vadd.s32 $0x8, v3;
	v13 =	vadd.f32 v9, v11  }
0x67e: {  	s0 =	simm.s32 $0x17;
	v9 =	vld.idx.msk [tilespmem:v25+s25+$0x0], $0xffff;
	v11 =	vor.u32 $0x1, v7  }
.LBB2_64:
0x67f: {  	p1 =	sne.s32 s0, $0x1;
	v10 =	vadd.f32 v10, v13;
	v12 =	vld.idx.msk [tilespmem:v12+s25+$0x0], $0xffff  }
0x680: {  	v13 =	vor.u32 $0x2, v7  }
0x681: {  	v14 =	vld.idx.msk [tilespmem:v7+s25+$0x0], $0xffff;
	v8 =	vadd.f32 v8, v10  }
0x682: {  	v10 =	vor.u32 $0x3, v7  }
0x683: {  	v11 =	vld.idx.msk [tilespmem:v11+s25+$0x0], $0xffff;
	v8 =	vadd.f32 v9, v8  }
0x684: {  	v9 =	vor.u32 $0x4, v7  }
0x685: {  	v13 =	vld.idx.msk [tilespmem:v13+s25+$0x0], $0xffff;
	v8 =	vadd.f32 v12, v8  }
0x686: {  	v15 =	vor.u32 $0x5, v7  }
0x687: {  	v8 =	vadd.f32 v14, v8;
	v14 =	vld.idx.msk [tilespmem:v10+s25+$0x0], $0xffff  }
0x688: {  	v16 =	vor.u32 $0x6, v7  }
0x689: {  	v8 =	vadd.f32 v11, v8;
	v10 =	vld.idx.msk [tilespmem:v9+s25+$0x0], $0xffff  }
.Ltmp31:
0x68a: {  	v12 =	vor.u32 $0x7, v7;
	(pc) =	sbr.rel @p1 .LBB2_64-.Ltmp31, $4  }
0x68b: {  	v9 =	vadd.f32 v13, v8;
	v8 =	vld.idx.msk [tilespmem:v15+s25+$0x0], $0xffff  }
0x68c: {  	v7 =	vadd.s32 $0x8, v7  }
0x68d: {  	v13 =	vadd.f32 v14, v9;
	v9 =	vld.idx.msk [tilespmem:v16+s25+$0x0], $0xffff  }
0x68e: {  	s0 =	sadd.s32 $0xFFFFFFFF, s0;
	v11 =	vor.u32 $0x1, v7  }
0x68f: {  	_ =	sdelay $0x2  }
0x690: {  	v10 =	vadd.f32 v10, v13  }
0x691: {  	v12 =	vld.idx.msk [tilespmem:v12+s25+$0x0], $0xffff  }
0x692: {  	v49 =	vor.u32 $0x2, v7;
	v8 =	vadd.f32 v8, v10  }
0x693: {  	v50 =	vld.idx.msk [tilespmem:v7+s25+$0x0], $0xffff  }
0x694: {  	v14 =	vor.u32 $0x3, v7;
	v8 =	vadd.f32 v9, v8  }
0x695: {  	v51 =	vld.idx.msk [tilespmem:v11+s25+$0x0], $0xffff  }
0x696: {  	v52 =	vor.u32 $0x4, v7;
	v8 =	vadd.f32 v12, v8  }
0x697: {  	v53 =	vld.idx.msk [tilespmem:v49+s25+$0x0], $0xffff  }
0x698: {  	v54 =	vor.u32 $0x5, v7;
	v8 =	vadd.f32 v50, v8  }
0x699: {  	v55 =	vld.idx.msk [tilespmem:v14+s25+$0x0], $0xffff  }
0x69a: {  	v56 =	vor.u32 $0x6, v7;
	v8 =	vadd.f32 v51, v8  }
0x69b: {  	v57 =	vld.idx.msk [tilespmem:v52+s25+$0x0], $0xffff  }
0x69c: {  	v58 =	vor.u32 $0x7, v7;
	v8 =	vadd.f32 v53, v8  }
0x69d: {  	v59 =	vld.idx.msk [tilespmem:v54+s25+$0x0], $0xffff  }
0x69e: {  	v8 =	vadd.f32 v55, v8  }
0x69f: {  	v60 =	vld.idx.msk [tilespmem:v56+s25+$0x0], $0xffff  }
0x6a0: {  	v8 =	vadd.f32 v57, v8  }
0x6a1: {  	v7 =	vld.idx.msk [tilespmem:v58+s25+$0x0], $0xffff  }
0x6a2: {  	v8 =	vadd.f32 v59, v8;
	_ =	sdelay $0x1  }
0x6a3: {  	v8 =	vadd.f32 v60, v8;
	_ =	sdelay $0x1  }
0x6a4: {  	v7 =	vadd.f32 v7, v8;
	_ =	sdelay $0x1  }
0x6a5: {  	[tilespmem:$0x1C218] =	vst v7  }
0x6a6: {  	_ =	swait.ge [sflag:s29], $0x200  }
0x6a7: {  	[sflag:s29] =	ssyncset.done $0x0  }
0x6a8: {  	[sflag:s29] =	ssyncadd.s32 $0xFFFFFE00  }
0x6a9: {  	v61 =	vld [tilespmem:$0x1C028]  }
0x6aa: {  	v62 =	vld [tilespmem:$0x1BE28]  }
0x6ab: {  	v63 =	vld [tilespmem:$0x1C038]  }
0x6ac: {  	v44 =	vld [tilespmem:$0x1BE38]  }
0x6ad: {  	v45 =	vld [tilespmem:$0x1C048]  }
0x6ae: {  	v46 =	vld [tilespmem:$0x1BE48]  }
0x6af: {  	v47 =	vld [tilespmem:$0x1C058]  }
0x6b0: {  	v15 =	vld [tilespmem:$0x1BE58]  }
0x6b1: {  	v16 =	vld [tilespmem:$0x1C068]  }
0x6b2: {  	v17 =	vld [tilespmem:$0x1BE68]  }
0x6b3: {  	v18 =	vld [tilespmem:$0x1C078]  }
0x6b4: {  	v19 =	vld [tilespmem:$0x1BE78]  }
0x6b5: {  	v20 =	vld [tilespmem:$0x1C088]  }
0x6b6: {  	v21 =	vld [tilespmem:$0x1BE88]  }
0x6b7: {  	v22 =	vld [tilespmem:$0x1C098]  }
0x6b8: {  	v23 =	vld [tilespmem:$0x1BE98]  }
0x6b9: {  	v24 =	vld [tilespmem:$0x1C0A8]  }
0x6ba: {  	v25 =	vld [tilespmem:$0x1BEA8]  }
0x6bb: {  	v26 =	vld [tilespmem:$0x1C0B8]  }
0x6bc: {  	v27 =	vld [tilespmem:$0x1BEB8]  }
0x6bd: {  	v32 =	vld [tilespmem:$0x1C0C8]  }
0x6be: {  	v33 =	vld [tilespmem:$0x1BEC8]  }
0x6bf: {  	v34 =	vld [tilespmem:$0x1C0D8]  }
0x6c0: {  	v35 =	vld [tilespmem:$0x1BED8]  }
0x6c1: {  	v36 =	vld [tilespmem:$0x1C0E8]  }
0x6c2: {  	v37 =	vld [tilespmem:$0x1BEE8]  }
0x6c3: {  	v38 =	vld [tilespmem:$0x1C0F8]  }
0x6c4: {  	v39 =	vld [tilespmem:$0x1BEF8]  }
0x6c5: {  	v40 =	vld [tilespmem:$0x1C108]  }
0x6c6: {  	v48 =	vld [tilespmem:$0x1BF08];
	v8 =	vadd.f32 v62, v61  }
0x6c7: {  	v49 =	vld [tilespmem:$0x1C118];
	v10 =	vadd.f32 v44, v63  }
0x6c8: {  	v51 =	vld [tilespmem:$0x1BF18];
	v50 =	vadd.f32 v46, v45;
	[tilespmem:$0x1C028] =	vst v8  }
0x6c9: {  	v53 =	vld [tilespmem:$0x1C128];
	v52 =	vadd.f32 v15, v47;
	[tilespmem:$0x1C038] =	vst v10  }
0x6ca: {  	v55 =	vld [tilespmem:$0x1BF28];
	v54 =	vadd.f32 v17, v16;
	[tilespmem:$0x1C048] =	vst v50  }
0x6cb: {  	v57 =	vld [tilespmem:$0x1C138];
	v56 =	vadd.f32 v19, v18;
	[tilespmem:$0x1C058] =	vst v52  }
0x6cc: {  	v59 =	vld [tilespmem:$0x1BF38];
	v58 =	vadd.f32 v21, v20;
	[tilespmem:$0x1C068] =	vst v54  }
0x6cd: {  	v41 =	vld [tilespmem:$0x1C188];
	v60 =	vadd.f32 v23, v22;
	[tilespmem:$0x1C078] =	vst v56  }
0x6ce: {  	v43 =	vld [tilespmem:$0x1BF88];
	v62 =	vadd.f32 v25, v24;
	[tilespmem:$0x1C088] =	vst v58  }
0x6cf: {  	v61 =	vld [tilespmem:$0x1C148];
	v24 =	vadd.f32 v27, v26;
	[tilespmem:$0x1C098] =	vst v60  }
0x6d0: {  	v63 =	vld [tilespmem:$0x1BF48];
	v26 =	vadd.f32 v33, v32;
	[tilespmem:$0x1C0A8] =	vst v62  }
0x6d1: {  	v25 =	vld [tilespmem:$0x1C158];
	v32 =	vadd.f32 v35, v34;
	[tilespmem:$0x1C0B8] =	vst v24  }
0x6d2: {  	v27 =	vld [tilespmem:$0x1BF58];
	v34 =	vadd.f32 v37, v36;
	[tilespmem:$0x1C0C8] =	vst v26  }
0x6d3: {  	v33 =	vld [tilespmem:$0x1C168];
	v36 =	vadd.f32 v39, v38;
	[tilespmem:$0x1C0D8] =	vst v32  }
0x6d4: {  	v35 =	vld [tilespmem:$0x1BF68];
	v38 =	vadd.f32 v48, v40;
	[tilespmem:$0x1C0E8] =	vst v34  }
0x6d5: {  	v37 =	vld [tilespmem:$0x1C178];
	v40 =	vadd.f32 v51, v49;
	[tilespmem:$0x1C0F8] =	vst v36  }
0x6d6: {  	v39 =	vld [tilespmem:$0x1BF78];
	v42 =	vadd.f32 v55, v53;
	[tilespmem:$0x1C108] =	vst v38  }
0x6d7: {  	v44 =	vadd.f32 v59, v57;
	v45 =	vld [tilespmem:$0x1C198];
	[tilespmem:$0x1C118] =	vst v40  }
0x6d8: {  	v47 =	vld [tilespmem:$0x1BF98];
	v53 =	vadd.f32 v43, v41;
	[tilespmem:$0x1C128] =	vst v42  }
0x6d9: {  	v49 =	vld [tilespmem:$0x1BFA8];
	[tilespmem:$0x1C138] =	vst v44;
	v46 =	vadd.f32 v63, v61  }
0x6da: {  	v51 =	vld [tilespmem:$0x1BFB8];
	[tilespmem:$0x1C188] =	vst v53;
	v48 =	vadd.f32 v27, v25  }
0x6db: {  	v52 =	vld [tilespmem:$0x1BFC8];
	v50 =	vadd.f32 v35, v33;
	[tilespmem:$0x1C148] =	vst v46  }
0x6dc: {  	v54 =	vld [tilespmem:$0x1BFD8];
	v9 =	vadd.f32 v39, v37;
	[tilespmem:$0x1C158] =	vst v48  }
0x6dd: {  	v56 =	vld [tilespmem:$0x1BFE8];
	v55 =	vadd.f32 v47, v45;
	[tilespmem:$0x1C168] =	vst v50  }
0x6de: {  	v58 =	vld [tilespmem:$0x1BFF8];
	v57 =	vadd.f32 v49, v28;
	[tilespmem:$0x1C178] =	vst v9  }
0x6df: {  	v60 =	vld [tilespmem:$0x1C008];
	v59 =	vadd.f32 v51, v29;
	[tilespmem:$0x1C198] =	vst v55  }
0x6e0: {  	v62 =	vld [tilespmem:$0x1C018];
	[tilespmem:$0x1C1A8] =	vst v57;
	v61 =	vadd.f32 v52, v30  }
0x6e1: {  	[tilespmem:$0x1C1B8] =	vst v59;
	v63 =	vadd.f32 v54, v31  }
0x6e2: {  	v4 =	vadd.f32 v56, v4;
	[tilespmem:$0x1C1C8] =	vst v61  }
0x6e3: {  	v5 =	vadd.f32 v58, v5;
	[tilespmem:$0x1C1D8] =	vst v63  }
0x6e4: {  	[tilespmem:$0x1C1E8] =	vst v4;
	v4 =	vadd.f32 v60, v6  }
0x6e5: {  	s31 =	sadd.s32 $0x1, s31;
	[tilespmem:$0x1C1F8] =	vst v5;
	v5 =	vadd.f32 v62, v7  }
0x6e6: {  	p1 =	sne.s32 s31, s15;
	[tilespmem:$0x1C208] =	vst v4  }
.Ltmp32:
0x6e7: {  	[tilespmem:$0x1C218] =	vst v5;
	(pc) =	sbr.rel @p1 .LBB2_1-.Ltmp32, $4  }
0x6e8: {  	[hbm4b:s14+s2] =	stream.linear.scatter [tilespmem:s30], [sflag:$0x4], $0x200, $0x38;
	[tilespmem:$0x1C228] =	vst v63  }
0x6e9: {  	_ =	swait.ge [sflag:s18], $0x200  }
0x6ea: {  	[sflag:s18] =	ssyncset.done $0x0  }
0x6eb: {  	[sflag:s18] =	ssyncadd.s32 $0xFFFFFE00  }
0x6ec: {  	_ =	sfence.sel $0x180000  }
0x6ed: {  	[bflag:$0x0] =	sbarrier.arrive $0xFFFF  }
0x6ee: {  	_ =	strace $0x90000047  }
0x6ef: {  	[bflag:$0x2] =	sbarrier.arrive $0xFFFF  }
0x6f0: {  	s0 =	rddreg [dreg:$0x4]  }
0x6f1: {  	s0 =	sadd.s32 @!p0 $0x100000, s0  }
0x6f2: {  	[sflag:s0] =	ssyncadd.tile.s32 @!p0 $0x1;
	_ =	shalt  }
.Lfunc_end2:
_tile_overlayer_lowered:
.L_overlay_start_2:
0x6f3: {  	(tag) =	ssettag $0x2  }
0x6f4: {  	s0 =	rddreg [dreg:$0x0];
	s2 =	stileid.u32  }
0x6f5: {  	s1 =	rddreg [dreg:$0x1];
	p0 =	sne.s32 s2, $0x0  }
0x6f6: {  	s3 =	rddreg [dreg:$0x2];
	[bflag:$0x3] =	sbarrier.arrive $0xFFFF;
	s2 =	simm.s32 @!p0 $0x1C04  }
0x6f7: {  	[timem:s3], [sflag:s2] =	dma.local @!p0 [hbm:s0], s1  }
0x6f8: {  	s0 =	simm.s32 @!p0 $0x4  }
0x6f9: {  	_ =	swait.ge @!p0 [sflag:s0], s1  }
0x6fa: {  	s1 =	ssub.s32 @!p0 $0x0, s1;
	[sflag:s0] =	ssyncset.done @!p0 $0x0  }
0x6fb: {  	[sflag:s0] =	ssyncadd.s32 @!p0 s1  }
0x6fc: {  	[bflag:$0x3] =	sbarrier.arrive $0xFFFF  }
0x6fd: {  	_ =	shalt  }

</sc_bundles>
